<compile_context>
chip_gen: v7x
topology: tpu7x:2x2x1
jax: 0.10.2.dev20260603
libtpu: 0.0.44.dev20260713+nightly
codegen_flags: <defaults>
</compile_context>

<pallas_src>
import functools

import jax
import jax.numpy as jnp
from jax import lax
from jax.experimental import pallas as pl
from jax.experimental.pallas import tpu as pltpu
from jax.experimental.pallas import tpu_sc as plsc

NC = 2
NS = 16
NW = NC * NS
CHUNK = 125
NBUF = 10


@functools.cache
def _seg_sum_kernel(n_nodes, d, n_edges):
    epw = n_edges // NW
    nch = epw // CHUNK
    rpt = n_nodes // NS
    mesh = plsc.VectorSubcoreMesh(core_axis_name="c", subcore_axis_name="s")

    assert nch % NBUF == 0 and nch // NBUF >= 2

    @functools.partial(
        pl.kernel,
        out_type=jax.ShapeDtypeStruct((NC, n_nodes, d), jnp.float32),
        mesh=mesh,
        compiler_params=pltpu.CompilerParams(use_tc_tiling_on_sc=False),
        scratch_types=[
            pltpu.VMEM((nch, CHUNK), jnp.int32),
            pltpu.VMEM((nch, CHUNK), jnp.int32),
            pltpu.VMEM((NBUF, CHUNK, d), jnp.float32),
            pltpu.VMEM((rpt, d), jnp.float32),
            pltpu.VMEM_SHARED((n_nodes, d), jnp.float32),
        ] + [pltpu.SemaphoreType.DMA] * (2 * NBUF),
    )
    def seg(table_hbm, edge_hbm, out_hbm,
            src_v, dst_v, rows_v, zero_v, acc_sh, *sems):
        cid = lax.axis_index("c")
        sid = lax.axis_index("s")
        wid = sid * NC + cid

        pltpu.sync_copy(edge_hbm.at[0, wid], src_v)
        pltpu.sync_copy(edge_hbm.at[1, wid], dst_v)

        gsems = sems[:NBUF]
        ssems = sems[NBUF:]

        def gather(j, b):
            pltpu.async_copy(table_hbm.at[src_v.at[j]], rows_v.at[b], gsems[b])

        def gwait(b):
            pltpu.make_async_copy(table_hbm.at[src_v.at[0]],
                                  rows_v.at[b], gsems[b]).wait()

        def scatter(j, b):
            pltpu.async_copy(rows_v.at[b], acc_sh.at[dst_v.at[j]], ssems[b],
                             add=True)

        def swait(b):
            pltpu.make_async_copy(rows_v.at[b], acc_sh.at[dst_v.at[0]],
                                  ssems[b]).wait()

        for b in range(NBUF):
            gather(b, b)

        zrow = jnp.zeros((d,), jnp.float32)

        def zbody(i, carry):
            for u in range(8):
                zero_v[i * 8 + u] = zrow
            return carry

        lax.fori_loop(0, rpt // 8, zbody, 0)
        row0 = sid * rpt
        pltpu.sync_copy(zero_v, acc_sh.at[pl.ds(row0, rpt)])
        plsc.subcore_barrier()

        def body(g, carry):
            j0 = g * NBUF
            for b in range(NBUF):
                gwait(b)
                scatter(j0 + b, b)
            for b in range(NBUF):
                swait(b)
                gather(j0 + b + NBUF, b)
            return carry

        lax.fori_loop(0, nch // NBUF - 1, body, 0)
        j0 = nch - NBUF
        for b in range(NBUF):
            gwait(b)
            scatter(j0 + b, b)
        for b in range(NBUF):
            swait(b)
        plsc.subcore_barrier()

        pltpu.sync_copy(acc_sh.at[pl.ds(row0, rpt)],
                        out_hbm.at[cid, pl.ds(row0, rpt)])

    return seg


@functools.cache
def _relu_combine_sc_kernel(n_nodes, d):
    assert d == 16 and n_nodes % (8 * NW) == 0
    rpt = n_nodes // NW
    mesh = plsc.VectorSubcoreMesh(core_axis_name="c", subcore_axis_name="s")

    @functools.partial(
        pl.kernel,
        out_type=jax.ShapeDtypeStruct((n_nodes, d), jnp.float32),
        mesh=mesh,
        compiler_params=pltpu.CompilerParams(use_tc_tiling_on_sc=False),
        scratch_types=[
            pltpu.VMEM((rpt, d), jnp.float32),
            pltpu.VMEM((rpt, d), jnp.float32),
            pltpu.VMEM((d,), jnp.float32),
        ],
    )
    def relu_k(p_hbm, b_hbm, out_hbm, a_v, c_v, bias_v):
        cid = lax.axis_index("c")
        sid = lax.axis_index("s")
        wid = sid * NC + cid
        r0 = wid * rpt
        pltpu.sync_copy(p_hbm.at[0, pl.ds(r0, rpt)], a_v)
        pltpu.sync_copy(p_hbm.at[1, pl.ds(r0, rpt)], c_v)
        pltpu.sync_copy(b_hbm, bias_v)
        bias = bias_v[...]

        UNROLL = 8

        def body(i, carry):
            for u in range(UNROLL):
                r = i * UNROLL + u
                a_v[r] = jnp.maximum(a_v[r] + c_v[r] + bias, 0.0)
            return carry

        lax.fori_loop(0, rpt // UNROLL, body, 0)
        pltpu.sync_copy(a_v, out_hbm.at[pl.ds(r0, rpt)])

    return relu_k


def _mm(x, w):
    n, k = x.shape
    m = w.shape[1]

    def body(x_ref, w_ref, o_ref):
        o_ref[...] = jnp.dot(x_ref[...], w_ref[...],
                             preferred_element_type=jnp.float32)

    return pl.pallas_call(
        body,
        out_shape=jax.ShapeDtypeStruct((n, m), jnp.float32),
    )(x, w)


def _combine_mm_bias(p, w, b, n):
    npad, k = p.shape[1], p.shape[2]
    m = w.shape[1]

    def body(p_ref, w_ref, b_ref, o_ref):
        s = p_ref[0] + p_ref[1]
        o_ref[...] = jnp.dot(s, w_ref[...],
                             preferred_element_type=jnp.float32) + b_ref[...]

    return pl.pallas_call(
        body,
        grid=(1,),
        in_specs=[pl.BlockSpec((2, n, k), lambda i: (0, 0, 0)),
                  pl.BlockSpec((k, m), lambda i: (0, 0)),
                  pl.BlockSpec((1, m), lambda i: (0, 0))],
        out_specs=pl.BlockSpec((n, m), lambda i: (0, 0)),
        out_shape=jax.ShapeDtypeStruct((n, m), jnp.float32),
    )(p, w, b)


def kernel(x, edge_index, W1, b1, W2, b2):
    n_nodes, _ = x.shape
    n_edges = edge_index.shape[1]
    d_hid = W1.shape[1]

    align = 8 * NW
    n_pad = (n_nodes + align - 1) // align * align

    epw = n_edges // NW
    nch = epw // CHUNK
    edges = edge_index.astype(jnp.int32).reshape(2, NW, nch, CHUNK)

    seg = _seg_sum_kernel(n_pad, d_hid, n_edges)
    relu_k = _relu_combine_sc_kernel(n_pad, d_hid)

    h1 = _mm(x, W1)
    p1 = seg(h1, edges)
    h = relu_k(p1, b1)
    p2 = seg(h, edges)
    return _combine_mm_bias(p2, W2, b2.reshape(1, -1), n=n_nodes)

# --- scband reference (transcript-rebuilt; emitter-appended) ---
"""Pipeline reference for scband-drop-edge-43628277793359 (READ-ONLY COPY).

The authoritative reference and input builder live on the scoring server;
editing this copy changes nothing except your own understanding.
"""

import jax, jax.numpy as jnp
import numpy as np

N_NODES = 10000
N_EDGES = 320000
D_IN = 128
D_HID = 16
D_OUT = 128


def setup_inputs(seed: int = 0) -> dict:
    key = jax.random.key(seed)
    k1, k2, k3, k4, k5, k6 = jax.random.split(key, 6)
    x = jax.random.normal(k1, (N_NODES, D_IN), dtype=jnp.float32)
    edge_index = jax.random.randint(k2, (2, N_EDGES), 0, N_NODES, dtype=jnp.int64)
    # GCNConv layer 1 params (in=128, out=16)
    W1 = jax.random.normal(k3, (D_IN, D_HID), dtype=jnp.float32) * 0.05
    b1 = jnp.zeros((D_HID,), dtype=jnp.float32)
    # GCNConv layer 2 params (in=16, out=128)
    W2 = jax.random.normal(k4, (D_HID, D_OUT), dtype=jnp.float32) * 0.05
    b2 = jnp.zeros((D_OUT,), dtype=jnp.float32)
    return {"x": x, "edge_index": edge_index, "W1": W1, "b1": b1, "W2": W2, "b2": b2}


def _gcn_conv(x, edge_index, W, b):
    # GCNConv with normalize=False, edge_weight=None:
    #   h = x @ W; out[dst] += h[src]; out += bias
    h = x @ W
    src = edge_index[0]
    dst = edge_index[1]
    msg = jnp.take(h, src, axis=0)
    out = jax.ops.segment_sum(msg, dst, num_segments=x.shape[0])
    return out + b


def reference(x, edge_index, W1, b1, W2, b2):
    # Eval mode: Dropout and DropEdge (dropout_adj) are identity.
    h = _gcn_conv(x, edge_index, W1, b1)
    h = jax.nn.relu(h)
    out = _gcn_conv(h, edge_index, W2, b2)
    return out

if __name__ == "__main__":
    import jax
    _d = setup_inputs()
    print(jax.jit(kernel)(*tuple(_d.values())))

</pallas_src>

<mosaic_0001>
#map = affine_map<(d0, d1) -> (0, 0)>
#map1 = affine_map<(d0, d1) -> (0, 0, 0, 0)>
#map2 = affine_map<(d0, d1) -> (0, 0, 0)>
module attributes {stable_mosaic.version = 14 : i64} {
  func.func @seg(%arg0: i32, %arg1: i32, %arg2: memref<10000x16xf32, #tpu.memory_space<hbm>>, %arg3: memref<2x32x80x125xi32, #tpu.memory_space<hbm>>, %arg4: memref<2x10240x16xf32, #tpu.memory_space<hbm>>, %arg5: memref<80x125xi32, #tpu.memory_space<vmem>>, %arg6: memref<80x125xi32, #tpu.memory_space<vmem>>, %arg7: memref<10x125x16xf32, #tpu.memory_space<vmem>>, %arg8: memref<640x16xf32, #tpu.memory_space<vmem>>, %arg9: memref<10240x16xf32, #tpu.memory_space<vmem_shared>>, %arg10: memref<!tpu.dma_semaphore, #tpu.memory_space<semaphore_mem>>, %arg11: memref<!tpu.dma_semaphore, #tpu.memory_space<semaphore_mem>>, %arg12: memref<!tpu.dma_semaphore, #tpu.memory_space<semaphore_mem>>, %arg13: memref<!tpu.dma_semaphore, #tpu.memory_space<semaphore_mem>>, %arg14: memref<!tpu.dma_semaphore, #tpu.memory_space<semaphore_mem>>, %arg15: memref<!tpu.dma_semaphore, #tpu.memory_space<semaphore_mem>>, %arg16: memref<!tpu.dma_semaphore, #tpu.memory_space<semaphore_mem>>, %arg17: memref<!tpu.dma_semaphore, #tpu.memory_space<semaphore_mem>>, %arg18: memref<!tpu.dma_semaphore, #tpu.memory_space<semaphore_mem>>, %arg19: memref<!tpu.dma_semaphore, #tpu.memory_space<semaphore_mem>>, %arg20: memref<!tpu.dma_semaphore, #tpu.memory_space<semaphore_mem>>, %arg21: memref<!tpu.dma_semaphore, #tpu.memory_space<semaphore_mem>>, %arg22: memref<!tpu.dma_semaphore, #tpu.memory_space<semaphore_mem>>, %arg23: memref<!tpu.dma_semaphore, #tpu.memory_space<semaphore_mem>>, %arg24: memref<!tpu.dma_semaphore, #tpu.memory_space<semaphore_mem>>, %arg25: memref<!tpu.dma_semaphore, #tpu.memory_space<semaphore_mem>>, %arg26: memref<!tpu.dma_semaphore, #tpu.memory_space<semaphore_mem>>, %arg27: memref<!tpu.dma_semaphore, #tpu.memory_space<semaphore_mem>>, %arg28: memref<!tpu.dma_semaphore, #tpu.memory_space<semaphore_mem>>, %arg29: memref<!tpu.dma_semaphore, #tpu.memory_space<semaphore_mem>>) attributes {dimension_semantics = [#tpu.dimension_semantics<core_parallel>, #tpu.dimension_semantics<subcore_parallel>], iteration_bounds = array<i64: 2, 16>, scalar_prefetch = 0 : i64, scratch_operands = 25 : i64, tpu.core_type = #tpu.core_type<sc_vector_subcore>, window_params = [{transform_indices = #map}, {transform_indices = #map1}, {transform_indices = #map2}]} {
    %mul3A = arith.constant 2 : i32
    %mul3A_0 = arith.muli %arg1, %mul3A : i32
    %add3A = arith.addi %mul3A_0, %arg0 : i32
    %run_scoped3A = arith.constant 0 : i32
    "tpu.region"() ({
      %run_scoped3A_495 = tpu.sem_alloc : memref<!tpu.dma_semaphore, #tpu.memory_space<semaphore_mem>>
      %dma_start3A_496 = arith.constant 0 : i32
      %dma_start3A_497 = arith.constant 0 : i32
      %dma_start3A_498 = tpu.memref_slice %arg3[%run_scoped3A, %add3A, %dma_start3A_496, %dma_start3A_497] : memref<2x32x80x125xi32, #tpu.memory_space<hbm>> -> memref<1x1x80x125xi32, #tpu.memory_space<hbm>>
      %dma_start3A_499 = tpu.memref_squeeze %dma_start3A_498 : memref<1x1x80x125xi32, #tpu.memory_space<hbm>> -> memref<80x125xi32, #tpu.memory_space<hbm>>
      %dma_start3A_500 = arith.constant 0 : i32
      %dma_start3A_501 = arith.constant 0 : i32
      %dma_start3A_502 = tpu.memref_slice %arg3[%run_scoped3A, %add3A, %dma_start3A_500, %dma_start3A_501] : memref<2x32x80x125xi32, #tpu.memory_space<hbm>> -> memref<1x1x80x125xi32, #tpu.memory_space<hbm>>
      %dma_start3A_503 = tpu.memref_squeeze %dma_start3A_502 : memref<1x1x80x125xi32, #tpu.memory_space<hbm>> -> memref<80x125xi32, #tpu.memory_space<hbm>>
      tpu.enqueue_dma source(%dma_start3A_503 : memref<80x125xi32, #tpu.memory_space<hbm>>) target(%arg5 : memref<80x125xi32, #tpu.memory_space<vmem>>) target_semaphore(%run_scoped3A_495 : memref<!tpu.dma_semaphore, #tpu.memory_space<semaphore_mem>>)
      %dma_wait3A_504 = arith.constant 0 : i32
      %dma_wait3A_505 = arith.constant 0 : i32
      %dma_wait3A_506 = tpu.memref_slice %arg3[%run_scoped3A, %add3A, %dma_wait3A_504, %dma_wait3A_505] : memref<2x32x80x125xi32, #tpu.memory_space<hbm>> -> memref<1x1x80x125xi32, #tpu.memory_space<hbm>>
      %dma_wait3A_507 = tpu.memref_squeeze %dma_wait3A_506 : memref<1x1x80x125xi32, #tpu.memory_space<hbm>> -> memref<80x125xi32, #tpu.memory_space<hbm>>
      %dma_wait3A_508 = arith.constant 0 : i32
      %dma_wait3A_509 = arith.constant 0 : i32
      %dma_wait3A_510 = tpu.memref_slice %arg3[%run_scoped3A, %add3A, %dma_wait3A_508, %dma_wait3A_509] : memref<2x32x80x125xi32, #tpu.memory_space<hbm>> -> memref<1x1x80x125xi32, #tpu.memory_space<hbm>>
      %dma_wait3A_511 = tpu.memref_squeeze %dma_wait3A_510 : memref<1x1x80x125xi32, #tpu.memory_space<hbm>> -> memref<80x125xi32, #tpu.memory_space<hbm>>
      tpu.wait_dma2 semaphore(%run_scoped3A_495 : memref<!tpu.dma_semaphore, #tpu.memory_space<semaphore_mem>>) src(%dma_wait3A_511 : memref<80x125xi32, #tpu.memory_space<hbm>>) dst(%arg5 : memref<80x125xi32, #tpu.memory_space<vmem>>)
      tpu.yield
    }) : () -> ()
    %run_scoped3A_1 = arith.constant 1 : i32
    "tpu.region"() ({
      %run_scoped3A_495 = tpu.sem_alloc : memref<!tpu.dma_semaphore, #tpu.memory_space<semaphore_mem>>
      %dma_start3A_496 = arith.constant 0 : i32
      %dma_start3A_497 = arith.constant 0 : i32
      %dma_start3A_498 = tpu.memref_slice %arg3[%run_scoped3A_1, %add3A, %dma_start3A_496, %dma_start3A_497] : memref<2x32x80x125xi32, #tpu.memory_space<hbm>> -> memref<1x1x80x125xi32, #tpu.memory_space<hbm>>
      %dma_start3A_499 = tpu.memref_squeeze %dma_start3A_498 : memref<1x1x80x125xi32, #tpu.memory_space<hbm>> -> memref<80x125xi32, #tpu.memory_space<hbm>>
      %dma_start3A_500 = arith.constant 0 : i32
      %dma_start3A_501 = arith.constant 0 : i32
      %dma_start3A_502 = tpu.memref_slice %arg3[%run_scoped3A_1, %add3A, %dma_start3A_500, %dma_start3A_501] : memref<2x32x80x125xi32, #tpu.memory_space<hbm>> -> memref<1x1x80x125xi32, #tpu.memory_space<hbm>>
      %dma_start3A_503 = tpu.memref_squeeze %dma_start3A_502 : memref<1x1x80x125xi32, #tpu.memory_space<hbm>> -> memref<80x125xi32, #tpu.memory_space<hbm>>
      tpu.enqueue_dma source(%dma_start3A_503 : memref<80x125xi32, #tpu.memory_space<hbm>>) target(%arg6 : memref<80x125xi32, #tpu.memory_space<vmem>>) target_semaphore(%run_scoped3A_495 : memref<!tpu.dma_semaphore, #tpu.memory_space<semaphore_mem>>)
      %dma_wait3A_504 = arith.constant 0 : i32
      %dma_wait3A_505 = arith.constant 0 : i32
      %dma_wait3A_506 = tpu.memref_slice %arg3[%run_scoped3A_1, %add3A, %dma_wait3A_504, %dma_wait3A_505] : memref<2x32x80x125xi32, #tpu.memory_space<hbm>> -> memref<1x1x80x125xi32, #tpu.memory_space<hbm>>
      %dma_wait3A_507 = tpu.memref_squeeze %dma_wait3A_506 : memref<1x1x80x125xi32, #tpu.memory_space<hbm>> -> memref<80x125xi32, #tpu.memory_space<hbm>>
      %dma_wait3A_508 = arith.constant 0 : i32
      %dma_wait3A_509 = arith.constant 0 : i32
      %dma_wait3A_510 = tpu.memref_slice %arg3[%run_scoped3A_1, %add3A, %dma_wait3A_508, %dma_wait3A_509] : memref<2x32x80x125xi32, #tpu.memory_space<hbm>> -> memref<1x1x80x125xi32, #tpu.memory_space<hbm>>
      %dma_wait3A_511 = tpu.memref_squeeze %dma_wait3A_510 : memref<1x1x80x125xi32, #tpu.memory_space<hbm>> -> memref<80x125xi32, #tpu.memory_space<hbm>>
      tpu.wait_dma2 semaphore(%run_scoped3A_495 : memref<!tpu.dma_semaphore, #tpu.memory_space<semaphore_mem>>) src(%dma_wait3A_511 : memref<80x125xi32, #tpu.memory_space<hbm>>) dst(%arg6 : memref<80x125xi32, #tpu.memory_space<vmem>>)
      tpu.yield
    }) : () -> ()
    %dma_start3A = arith.constant 0 : i32
    %dma_start3A_2 = arith.constant 0 : i32
    %dma_start3A_3 = arith.constant 0 : i32
    %dma_start3A_4 = arith.constant 0 : i32
    %dma_start3A_5 = tpu.memref_slice %arg7[%dma_start3A_2, %dma_start3A_3, %dma_start3A_4] : memref<10x125x16xf32, #tpu.memory_space<vmem>> -> memref<1x125x16xf32, #tpu.memory_space<vmem>>
    %dma_start3A_6 = tpu.memref_squeeze %dma_start3A_5 : memref<1x125x16xf32, #tpu.memory_space<vmem>> -> memref<125x16xf32, #tpu.memory_space<vmem>>
    %dma_start3A_7 = arith.constant 0 : i32
    %dma_start3A_8 = tpu.memref_slice %arg5[%dma_start3A, %dma_start3A_7] : memref<80x125xi32, #tpu.memory_space<vmem>> -> memref<1x125xi32, #tpu.memory_space<vmem>>
    %dma_start3A_9 = tpu.memref_squeeze %dma_start3A_8 : memref<1x125xi32, #tpu.memory_space<vmem>> -> memref<125xi32, #tpu.memory_space<vmem>>
    %dma_start3A_10 = arith.constant 0 : i32
    %dma_start3A_11 = arith.constant 0 : i32
    %dma_start3A_12 = tpu.memref_slice %arg2[%dma_start3A_10, %dma_start3A_11] : memref<10000x16xf32, #tpu.memory_space<hbm>> -> memref<10000x16xf32, #tpu.memory_space<hbm>>
    tpu.enqueue_indirect_dma source(%dma_start3A_12 : memref<10000x16xf32, #tpu.memory_space<hbm>>) target(%dma_start3A_6 : memref<125x16xf32, #tpu.memory_space<vmem>>) offsets(%dma_start3A_9 : memref<125xi32, #tpu.memory_space<vmem>>) semaphore(%arg10 : memref<!tpu.dma_semaphore, #tpu.memory_space<semaphore_mem>>)
    %dma_start3A_13 = arith.constant 1 : i32
    %dma_start3A_14 = arith.constant 1 : i32
    %dma_start3A_15 = arith.constant 0 : i32
    %dma_start3A_16 = arith.constant 0 : i32
    %dma_start3A_17 = tpu.memref_slice %arg7[%dma_start3A_14, %dma_start3A_15, %dma_start3A_16] : memref<10x125x16xf32, #tpu.memory_space<vmem>> -> memref<1x125x16xf32, #tpu.memory_space<vmem>>
    %dma_start3A_18 = tpu.memref_squeeze %dma_start3A_17 : memref<1x125x16xf32, #tpu.memory_space<vmem>> -> memref<125x16xf32, #tpu.memory_space<vmem>>
    %dma_start3A_19 = arith.constant 0 : i32
    %dma_start3A_20 = tpu.memref_slice %arg5[%dma_start3A_13, %dma_start3A_19] : memref<80x125xi32, #tpu.memory_space<vmem>> -> memref<1x125xi32, #tpu.memory_space<vmem>>
    %dma_start3A_21 = tpu.memref_squeeze %dma_start3A_20 : memref<1x125xi32, #tpu.memory_space<vmem>> -> memref<125xi32, #tpu.memory_space<vmem>>
    %dma_start3A_22 = arith.constant 0 : i32
    %dma_start3A_23 = arith.constant 0 : i32
    %dma_start3A_24 = tpu.memref_slice %arg2[%dma_start3A_22, %dma_start3A_23] : memref<10000x16xf32, #tpu.memory_space<hbm>> -> memref<10000x16xf32, #tpu.memory_space<hbm>>
    tpu.enqueue_indirect_dma source(%dma_start3A_24 : memref<10000x16xf32, #tpu.memory_space<hbm>>) target(%dma_start3A_18 : memref<125x16xf32, #tpu.memory_space<vmem>>) offsets(%dma_start3A_21 : memref<125xi32, #tpu.memory_space<vmem>>) semaphore(%arg11 : memref<!tpu.dma_semaphore, #tpu.memory_space<semaphore_mem>>)
    %dma_start3A_25 = arith.constant 2 : i32
    %dma_start3A_26 = arith.constant 2 : i32
    %dma_start3A_27 = arith.constant 0 : i32
    %dma_start3A_28 = arith.constant 0 : i32
    %dma_start3A_29 = tpu.memref_slice %arg7[%dma_start3A_26, %dma_start3A_27, %dma_start3A_28] : memref<10x125x16xf32, #tpu.memory_space<vmem>> -> memref<1x125x16xf32, #tpu.memory_space<vmem>>
    %dma_start3A_30 = tpu.memref_squeeze %dma_start3A_29 : memref<1x125x16xf32, #tpu.memory_space<vmem>> -> memref<125x16xf32, #tpu.memory_space<vmem>>
    %dma_start3A_31 = arith.constant 0 : i32
    %dma_start3A_32 = tpu.memref_slice %arg5[%dma_start3A_25, %dma_start3A_31] : memref<80x125xi32, #tpu.memory_space<vmem>> -> memref<1x125xi32, #tpu.memory_space<vmem>>
    %dma_start3A_33 = tpu.memref_squeeze %dma_start3A_32 : memref<1x125xi32, #tpu.memory_space<vmem>> -> memref<125xi32, #tpu.memory_space<vmem>>
    %dma_start3A_34 = arith.constant 0 : i32
    %dma_start3A_35 = arith.constant 0 : i32
    %dma_start3A_36 = tpu.memref_slice %arg2[%dma_start3A_34, %dma_start3A_35] : memref<10000x16xf32, #tpu.memory_space<hbm>> -> memref<10000x16xf32, #tpu.memory_space<hbm>>
    tpu.enqueue_indirect_dma source(%dma_start3A_36 : memref<10000x16xf32, #tpu.memory_space<hbm>>) target(%dma_start3A_30 : memref<125x16xf32, #tpu.memory_space<vmem>>) offsets(%dma_start3A_33 : memref<125xi32, #tpu.memory_space<vmem>>) semaphore(%arg12 : memref<!tpu.dma_semaphore, #tpu.memory_space<semaphore_mem>>)
    %dma_start3A_37 = arith.constant 3 : i32
    %dma_start3A_38 = arith.constant 3 : i32
    %dma_start3A_39 = arith.constant 0 : i32
    %dma_start3A_40 = arith.constant 0 : i32
    %dma_start3A_41 = tpu.memref_slice %arg7[%dma_start3A_38, %dma_start3A_39, %dma_start3A_40] : memref<10x125x16xf32, #tpu.memory_space<vmem>> -> memref<1x125x16xf32, #tpu.memory_space<vmem>>
    %dma_start3A_42 = tpu.memref_squeeze %dma_start3A_41 : memref<1x125x16xf32, #tpu.memory_space<vmem>> -> memref<125x16xf32, #tpu.memory_space<vmem>>
    %dma_start3A_43 = arith.constant 0 : i32
    %dma_start3A_44 = tpu.memref_slice %arg5[%dma_start3A_37, %dma_start3A_43] : memref<80x125xi32, #tpu.memory_space<vmem>> -> memref<1x125xi32, #tpu.memory_space<vmem>>
    %dma_start3A_45 = tpu.memref_squeeze %dma_start3A_44 : memref<1x125xi32, #tpu.memory_space<vmem>> -> memref<125xi32, #tpu.memory_space<vmem>>
    %dma_start3A_46 = arith.constant 0 : i32
    %dma_start3A_47 = arith.constant 0 : i32
    %dma_start3A_48 = tpu.memref_slice %arg2[%dma_start3A_46, %dma_start3A_47] : memref<10000x16xf32, #tpu.memory_space<hbm>> -> memref<10000x16xf32, #tpu.memory_space<hbm>>
    tpu.enqueue_indirect_dma source(%dma_start3A_48 : memref<10000x16xf32, #tpu.memory_space<hbm>>) target(%dma_start3A_42 : memref<125x16xf32, #tpu.memory_space<vmem>>) offsets(%dma_start3A_45 : memref<125xi32, #tpu.memory_space<vmem>>) semaphore(%arg13 : memref<!tpu.dma_semaphore, #tpu.memory_space<semaphore_mem>>)
    %dma_start3A_49 = arith.constant 4 : i32
    %dma_start3A_50 = arith.constant 4 : i32
    %dma_start3A_51 = arith.constant 0 : i32
    %dma_start3A_52 = arith.constant 0 : i32
    %dma_start3A_53 = tpu.memref_slice %arg7[%dma_start3A_50, %dma_start3A_51, %dma_start3A_52] : memref<10x125x16xf32, #tpu.memory_space<vmem>> -> memref<1x125x16xf32, #tpu.memory_space<vmem>>
    %dma_start3A_54 = tpu.memref_squeeze %dma_start3A_53 : memref<1x125x16xf32, #tpu.memory_space<vmem>> -> memref<125x16xf32, #tpu.memory_space<vmem>>
    %dma_start3A_55 = arith.constant 0 : i32
    %dma_start3A_56 = tpu.memref_slice %arg5[%dma_start3A_49, %dma_start3A_55] : memref<80x125xi32, #tpu.memory_space<vmem>> -> memref<1x125xi32, #tpu.memory_space<vmem>>
    %dma_start3A_57 = tpu.memref_squeeze %dma_start3A_56 : memref<1x125xi32, #tpu.memory_space<vmem>> -> memref<125xi32, #tpu.memory_space<vmem>>
    %dma_start3A_58 = arith.constant 0 : i32
    %dma_start3A_59 = arith.constant 0 : i32
    %dma_start3A_60 = tpu.memref_slice %arg2[%dma_start3A_58, %dma_start3A_59] : memref<10000x16xf32, #tpu.memory_space<hbm>> -> memref<10000x16xf32, #tpu.memory_space<hbm>>
    tpu.enqueue_indirect_dma source(%dma_start3A_60 : memref<10000x16xf32, #tpu.memory_space<hbm>>) target(%dma_start3A_54 : memref<125x16xf32, #tpu.memory_space<vmem>>) offsets(%dma_start3A_57 : memref<125xi32, #tpu.memory_space<vmem>>) semaphore(%arg14 : memref<!tpu.dma_semaphore, #tpu.memory_space<semaphore_mem>>)
    %dma_start3A_61 = arith.constant 5 : i32
    %dma_start3A_62 = arith.constant 5 : i32
    %dma_start3A_63 = arith.constant 0 : i32
    %dma_start3A_64 = arith.constant 0 : i32
    %dma_start3A_65 = tpu.memref_slice %arg7[%dma_start3A_62, %dma_start3A_63, %dma_start3A_64] : memref<10x125x16xf32, #tpu.memory_space<vmem>> -> memref<1x125x16xf32, #tpu.memory_space<vmem>>
    %dma_start3A_66 = tpu.memref_squeeze %dma_start3A_65 : memref<1x125x16xf32, #tpu.memory_space<vmem>> -> memref<125x16xf32, #tpu.memory_space<vmem>>
    %dma_start3A_67 = arith.constant 0 : i32
    %dma_start3A_68 = tpu.memref_slice %arg5[%dma_start3A_61, %dma_start3A_67] : memref<80x125xi32, #tpu.memory_space<vmem>> -> memref<1x125xi32, #tpu.memory_space<vmem>>
    %dma_start3A_69 = tpu.memref_squeeze %dma_start3A_68 : memref<1x125xi32, #tpu.memory_space<vmem>> -> memref<125xi32, #tpu.memory_space<vmem>>
    %dma_start3A_70 = arith.constant 0 : i32
    %dma_start3A_71 = arith.constant 0 : i32
    %dma_start3A_72 = tpu.memref_slice %arg2[%dma_start3A_70, %dma_start3A_71] : memref<10000x16xf32, #tpu.memory_space<hbm>> -> memref<10000x16xf32, #tpu.memory_space<hbm>>
    tpu.enqueue_indirect_dma source(%dma_start3A_72 : memref<10000x16xf32, #tpu.memory_space<hbm>>) target(%dma_start3A_66 : memref<125x16xf32, #tpu.memory_space<vmem>>) offsets(%dma_start3A_69 : memref<125xi32, #tpu.memory_space<vmem>>) semaphore(%arg15 : memref<!tpu.dma_semaphore, #tpu.memory_space<semaphore_mem>>)
    %dma_start3A_73 = arith.constant 6 : i32
    %dma_start3A_74 = arith.constant 6 : i32
    %dma_start3A_75 = arith.constant 0 : i32
    %dma_start3A_76 = arith.constant 0 : i32
    %dma_start3A_77 = tpu.memref_slice %arg7[%dma_start3A_74, %dma_start3A_75, %dma_start3A_76] : memref<10x125x16xf32, #tpu.memory_space<vmem>> -> memref<1x125x16xf32, #tpu.memory_space<vmem>>
    %dma_start3A_78 = tpu.memref_squeeze %dma_start3A_77 : memref<1x125x16xf32, #tpu.memory_space<vmem>> -> memref<125x16xf32, #tpu.memory_space<vmem>>
    %dma_start3A_79 = arith.constant 0 : i32
    %dma_start3A_80 = tpu.memref_slice %arg5[%dma_start3A_73, %dma_start3A_79] : memref<80x125xi32, #tpu.memory_space<vmem>> -> memref<1x125xi32, #tpu.memory_space<vmem>>
    %dma_start3A_81 = tpu.memref_squeeze %dma_start3A_80 : memref<1x125xi32, #tpu.memory_space<vmem>> -> memref<125xi32, #tpu.memory_space<vmem>>
    %dma_start3A_82 = arith.constant 0 : i32
    %dma_start3A_83 = arith.constant 0 : i32
    %dma_start3A_84 = tpu.memref_slice %arg2[%dma_start3A_82, %dma_start3A_83] : memref<10000x16xf32, #tpu.memory_space<hbm>> -> memref<10000x16xf32, #tpu.memory_space<hbm>>
    tpu.enqueue_indirect_dma source(%dma_start3A_84 : memref<10000x16xf32, #tpu.memory_space<hbm>>) target(%dma_start3A_78 : memref<125x16xf32, #tpu.memory_space<vmem>>) offsets(%dma_start3A_81 : memref<125xi32, #tpu.memory_space<vmem>>) semaphore(%arg16 : memref<!tpu.dma_semaphore, #tpu.memory_space<semaphore_mem>>)
    %dma_start3A_85 = arith.constant 7 : i32
    %dma_start3A_86 = arith.constant 7 : i32
    %dma_start3A_87 = arith.constant 0 : i32
    %dma_start3A_88 = arith.constant 0 : i32
    %dma_start3A_89 = tpu.memref_slice %arg7[%dma_start3A_86, %dma_start3A_87, %dma_start3A_88] : memref<10x125x16xf32, #tpu.memory_space<vmem>> -> memref<1x125x16xf32, #tpu.memory_space<vmem>>
    %dma_start3A_90 = tpu.memref_squeeze %dma_start3A_89 : memref<1x125x16xf32, #tpu.memory_space<vmem>> -> memref<125x16xf32, #tpu.memory_space<vmem>>
    %dma_start3A_91 = arith.constant 0 : i32
    %dma_start3A_92 = tpu.memref_slice %arg5[%dma_start3A_85, %dma_start3A_91] : memref<80x125xi32, #tpu.memory_space<vmem>> -> memref<1x125xi32, #tpu.memory_space<vmem>>
    %dma_start3A_93 = tpu.memref_squeeze %dma_start3A_92 : memref<1x125xi32, #tpu.memory_space<vmem>> -> memref<125xi32, #tpu.memory_space<vmem>>
    %dma_start3A_94 = arith.constant 0 : i32
    %dma_start3A_95 = arith.constant 0 : i32
    %dma_start3A_96 = tpu.memref_slice %arg2[%dma_start3A_94, %dma_start3A_95] : memref<10000x16xf32, #tpu.memory_space<hbm>> -> memref<10000x16xf32, #tpu.memory_space<hbm>>
    tpu.enqueue_indirect_dma source(%dma_start3A_96 : memref<10000x16xf32, #tpu.memory_space<hbm>>) target(%dma_start3A_90 : memref<125x16xf32, #tpu.memory_space<vmem>>) offsets(%dma_start3A_93 : memref<125xi32, #tpu.memory_space<vmem>>) semaphore(%arg17 : memref<!tpu.dma_semaphore, #tpu.memory_space<semaphore_mem>>)
    %dma_start3A_97 = arith.constant 8 : i32
    %dma_start3A_98 = arith.constant 8 : i32
    %dma_start3A_99 = arith.constant 0 : i32
    %dma_start3A_100 = arith.constant 0 : i32
    %dma_start3A_101 = tpu.memref_slice %arg7[%dma_start3A_98, %dma_start3A_99, %dma_start3A_100] : memref<10x125x16xf32, #tpu.memory_space<vmem>> -> memref<1x125x16xf32, #tpu.memory_space<vmem>>
    %dma_start3A_102 = tpu.memref_squeeze %dma_start3A_101 : memref<1x125x16xf32, #tpu.memory_space<vmem>> -> memref<125x16xf32, #tpu.memory_space<vmem>>
    %dma_start3A_103 = arith.constant 0 : i32
    %dma_start3A_104 = tpu.memref_slice %arg5[%dma_start3A_97, %dma_start3A_103] : memref<80x125xi32, #tpu.memory_space<vmem>> -> memref<1x125xi32, #tpu.memory_space<vmem>>
    %dma_start3A_105 = tpu.memref_squeeze %dma_start3A_104 : memref<1x125xi32, #tpu.memory_space<vmem>> -> memref<125xi32, #tpu.memory_space<vmem>>
    %dma_start3A_106 = arith.constant 0 : i32
    %dma_start3A_107 = arith.constant 0 : i32
    %dma_start3A_108 = tpu.memref_slice %arg2[%dma_start3A_106, %dma_start3A_107] : memref<10000x16xf32, #tpu.memory_space<hbm>> -> memref<10000x16xf32, #tpu.memory_space<hbm>>
    tpu.enqueue_indirect_dma source(%dma_start3A_108 : memref<10000x16xf32, #tpu.memory_space<hbm>>) target(%dma_start3A_102 : memref<125x16xf32, #tpu.memory_space<vmem>>) offsets(%dma_start3A_105 : memref<125xi32, #tpu.memory_space<vmem>>) semaphore(%arg18 : memref<!tpu.dma_semaphore, #tpu.memory_space<semaphore_mem>>)
    %dma_start3A_109 = arith.constant 9 : i32
    %dma_start3A_110 = arith.constant 9 : i32
    %dma_start3A_111 = arith.constant 0 : i32
    %dma_start3A_112 = arith.constant 0 : i32
    %dma_start3A_113 = tpu.memref_slice %arg7[%dma_start3A_110, %dma_start3A_111, %dma_start3A_112] : memref<10x125x16xf32, #tpu.memory_space<vmem>> -> memref<1x125x16xf32, #tpu.memory_space<vmem>>
    %dma_start3A_114 = tpu.memref_squeeze %dma_start3A_113 : memref<1x125x16xf32, #tpu.memory_space<vmem>> -> memref<125x16xf32, #tpu.memory_space<vmem>>
    %dma_start3A_115 = arith.constant 0 : i32
    %dma_start3A_116 = tpu.memref_slice %arg5[%dma_start3A_109, %dma_start3A_115] : memref<80x125xi32, #tpu.memory_space<vmem>> -> memref<1x125xi32, #tpu.memory_space<vmem>>
    %dma_start3A_117 = tpu.memref_squeeze %dma_start3A_116 : memref<1x125xi32, #tpu.memory_space<vmem>> -> memref<125xi32, #tpu.memory_space<vmem>>
    %dma_start3A_118 = arith.constant 0 : i32
    %dma_start3A_119 = arith.constant 0 : i32
    %dma_start3A_120 = tpu.memref_slice %arg2[%dma_start3A_118, %dma_start3A_119] : memref<10000x16xf32, #tpu.memory_space<hbm>> -> memref<10000x16xf32, #tpu.memory_space<hbm>>
    tpu.enqueue_indirect_dma source(%dma_start3A_120 : memref<10000x16xf32, #tpu.memory_space<hbm>>) target(%dma_start3A_114 : memref<125x16xf32, #tpu.memory_space<vmem>>) offsets(%dma_start3A_117 : memref<125xi32, #tpu.memory_space<vmem>>) semaphore(%arg19 : memref<!tpu.dma_semaphore, #tpu.memory_space<semaphore_mem>>)
    %broadcast_in_dim3A = arith.constant 0.000000e+00 : f32
    %broadcast_in_dim3A_121 = vector.broadcast %broadcast_in_dim3A : f32 to vector<16xf32>
    %scan3A = arith.constant 0 : i32
    %scan3A_122 = arith.constant 0 : i32
    %scan3A_123 = arith.constant 80 : i32
    %scan3A_124 = arith.addi %scan3A_122, %scan3A_123 : i32
    %scan3A_125 = arith.constant 1 : i32
    scf.for %scan3A_495 = %scan3A_122 to %scan3A_124 step %scan3A_125  : i32 {
      %mul3A_496 = arith.constant 8 : i32
      %mul3A_497 = arith.muli %scan3A_495, %mul3A_496 : i32
      %add3A_498 = arith.constant 0 : i32
      %add3A_499 = arith.addi %mul3A_497, %add3A_498 : i32
      %swap3A = arith.index_cast %add3A_499 : i32 to index
      %swap3A_500 = arith.constant 0 : index
      %swap3A_501 = tpu.vector_load %arg8[%swap3A, %swap3A_500] {strides = array<i32>} : memref<640x16xf32, #tpu.memory_space<vmem>>, vector<1x16xf32>,
      %swap3A_502 = vector.shape_cast %swap3A_501 : vector<1x16xf32> to vector<16xf32>
      %swap3A_503 = vector.shape_cast %broadcast_in_dim3A_121 : vector<16xf32> to vector<1x16xf32>
      tpu.vector_store %arg8[%swap3A, %swap3A_500], %swap3A_503 {strides = array<i32>} : memref<640x16xf32, #tpu.memory_space<vmem>>, vector<1x16xf32>,
      %mul3A_504 = arith.constant 8 : i32
      %mul3A_505 = arith.muli %scan3A_495, %mul3A_504 : i32
      %add3A_506 = arith.constant 1 : i32
      %add3A_507 = arith.addi %mul3A_505, %add3A_506 : i32
      %swap3A_508 = arith.index_cast %add3A_507 : i32 to index
      %swap3A_509 = arith.constant 0 : index
      %swap3A_510 = tpu.vector_load %arg8[%swap3A_508, %swap3A_509] {strides = array<i32>} : memref<640x16xf32, #tpu.memory_space<vmem>>, vector<1x16xf32>,
      %swap3A_511 = vector.shape_cast %swap3A_510 : vector<1x16xf32> to vector<16xf32>
      %swap3A_512 = vector.shape_cast %broadcast_in_dim3A_121 : vector<16xf32> to vector<1x16xf32>
      tpu.vector_store %arg8[%swap3A_508, %swap3A_509], %swap3A_512 {strides = array<i32>} : memref<640x16xf32, #tpu.memory_space<vmem>>, vector<1x16xf32>,
      %mul3A_513 = arith.constant 8 : i32
      %mul3A_514 = arith.muli %scan3A_495, %mul3A_513 : i32
      %add3A_515 = arith.constant 2 : i32
      %add3A_516 = arith.addi %mul3A_514, %add3A_515 : i32
      %swap3A_517 = arith.index_cast %add3A_516 : i32 to index
      %swap3A_518 = arith.constant 0 : index
      %swap3A_519 = tpu.vector_load %arg8[%swap3A_517, %swap3A_518] {strides = array<i32>} : memref<640x16xf32, #tpu.memory_space<vmem>>, vector<1x16xf32>,
      %swap3A_520 = vector.shape_cast %swap3A_519 : vector<1x16xf32> to vector<16xf32>
      %swap3A_521 = vector.shape_cast %broadcast_in_dim3A_121 : vector<16xf32> to vector<1x16xf32>
      tpu.vector_store %arg8[%swap3A_517, %swap3A_518], %swap3A_521 {strides = array<i32>} : memref<640x16xf32, #tpu.memory_space<vmem>>, vector<1x16xf32>,
      %mul3A_522 = arith.constant 8 : i32
      %mul3A_523 = arith.muli %scan3A_495, %mul3A_522 : i32
      %add3A_524 = arith.constant 3 : i32
      %add3A_525 = arith.addi %mul3A_523, %add3A_524 : i32
      %swap3A_526 = arith.index_cast %add3A_525 : i32 to index
      %swap3A_527 = arith.constant 0 : index
      %swap3A_528 = tpu.vector_load %arg8[%swap3A_526, %swap3A_527] {strides = array<i32>} : memref<640x16xf32, #tpu.memory_space<vmem>>, vector<1x16xf32>,
      %swap3A_529 = vector.shape_cast %swap3A_528 : vector<1x16xf32> to vector<16xf32>
      %swap3A_530 = vector.shape_cast %broadcast_in_dim3A_121 : vector<16xf32> to vector<1x16xf32>
      tpu.vector_store %arg8[%swap3A_526, %swap3A_527], %swap3A_530 {strides = array<i32>} : memref<640x16xf32, #tpu.memory_space<vmem>>, vector<1x16xf32>,
      %mul3A_531 = arith.constant 8 : i32
      %mul3A_532 = arith.muli %scan3A_495, %mul3A_531 : i32
      %add3A_533 = arith.constant 4 : i32
      %add3A_534 = arith.addi %mul3A_532, %add3A_533 : i32
      %swap3A_535 = arith.index_cast %add3A_534 : i32 to index
      %swap3A_536 = arith.constant 0 : index
      %swap3A_537 = tpu.vector_load %arg8[%swap3A_535, %swap3A_536] {strides = array<i32>} : memref<640x16xf32, #tpu.memory_space<vmem>>, vector<1x16xf32>,
      %swap3A_538 = vector.shape_cast %swap3A_537 : vector<1x16xf32> to vector<16xf32>
      %swap3A_539 = vector.shape_cast %broadcast_in_dim3A_121 : vector<16xf32> to vector<1x16xf32>
      tpu.vector_store %arg8[%swap3A_535, %swap3A_536], %swap3A_539 {strides = array<i32>} : memref<640x16xf32, #tpu.memory_space<vmem>>, vector<1x16xf32>,
      %mul3A_540 = arith.constant 8 : i32
      %mul3A_541 = arith.muli %scan3A_495, %mul3A_540 : i32
      %add3A_542 = arith.constant 5 : i32
      %add3A_543 = arith.addi %mul3A_541, %add3A_542 : i32
      %swap3A_544 = arith.index_cast %add3A_543 : i32 to index
      %swap3A_545 = arith.constant 0 : index
      %swap3A_546 = tpu.vector_load %arg8[%swap3A_544, %swap3A_545] {strides = array<i32>} : memref<640x16xf32, #tpu.memory_space<vmem>>, vector<1x16xf32>,
      %swap3A_547 = vector.shape_cast %swap3A_546 : vector<1x16xf32> to vector<16xf32>
      %swap3A_548 = vector.shape_cast %broadcast_in_dim3A_121 : vector<16xf32> to vector<1x16xf32>
      tpu.vector_store %arg8[%swap3A_544, %swap3A_545], %swap3A_548 {strides = array<i32>} : memref<640x16xf32, #tpu.memory_space<vmem>>, vector<1x16xf32>,
      %mul3A_549 = arith.constant 8 : i32
      %mul3A_550 = arith.muli %scan3A_495, %mul3A_549 : i32
      %add3A_551 = arith.constant 6 : i32
      %add3A_552 = arith.addi %mul3A_550, %add3A_551 : i32
      %swap3A_553 = arith.index_cast %add3A_552 : i32 to index
      %swap3A_554 = arith.constant 0 : index
      %swap3A_555 = tpu.vector_load %arg8[%swap3A_553, %swap3A_554] {strides = array<i32>} : memref<640x16xf32, #tpu.memory_space<vmem>>, vector<1x16xf32>,
      %swap3A_556 = vector.shape_cast %swap3A_555 : vector<1x16xf32> to vector<16xf32>
      %swap3A_557 = vector.shape_cast %broadcast_in_dim3A_121 : vector<16xf32> to vector<1x16xf32>
      tpu.vector_store %arg8[%swap3A_553, %swap3A_554], %swap3A_557 {strides = array<i32>} : memref<640x16xf32, #tpu.memory_space<vmem>>, vector<1x16xf32>,
      %mul3A_558 = arith.constant 8 : i32
      %mul3A_559 = arith.muli %scan3A_495, %mul3A_558 : i32
      %add3A_560 = arith.constant 7 : i32
      %add3A_561 = arith.addi %mul3A_559, %add3A_560 : i32
      %swap3A_562 = arith.index_cast %add3A_561 : i32 to index
      %swap3A_563 = arith.constant 0 : index
      %swap3A_564 = tpu.vector_load %arg8[%swap3A_562, %swap3A_563] {strides = array<i32>} : memref<640x16xf32, #tpu.memory_space<vmem>>, vector<1x16xf32>,
      %swap3A_565 = vector.shape_cast %swap3A_564 : vector<1x16xf32> to vector<16xf32>
      %swap3A_566 = vector.shape_cast %broadcast_in_dim3A_121 : vector<16xf32> to vector<1x16xf32>
      tpu.vector_store %arg8[%swap3A_562, %swap3A_563], %swap3A_566 {strides = array<i32>} : memref<640x16xf32, #tpu.memory_space<vmem>>, vector<1x16xf32>,
    }
    %scan3A_126 = arith.constant 80 : i32
    %mul3A_127 = arith.constant 640 : i32
    %mul3A_128 = arith.muli %arg1, %mul3A_127 : i32
    "tpu.region"() ({
      %run_scoped3A_495 = tpu.sem_alloc : memref<!tpu.dma_semaphore, #tpu.memory_space<semaphore_mem>>
      %dma_start3A_496 = arith.constant 0 : i32
      %dma_start3A_497 = tpu.memref_slice %arg9[%mul3A_128, %dma_start3A_496] : memref<10240x16xf32, #tpu.memory_space<vmem_shared>> -> memref<640x16xf32, #tpu.memory_space<vmem_shared>>
      %dma_start3A_498 = arith.constant 0 : i32
      %dma_start3A_499 = tpu.memref_slice %arg9[%mul3A_128, %dma_start3A_498] : memref<10240x16xf32, #tpu.memory_space<vmem_shared>> -> memref<640x16xf32, #tpu.memory_space<vmem_shared>>
      tpu.enqueue_dma source(%arg8 : memref<640x16xf32, #tpu.memory_space<vmem>>) target(%dma_start3A_499 : memref<640x16xf32, #tpu.memory_space<vmem_shared>>) target_semaphore(%run_scoped3A_495 : memref<!tpu.dma_semaphore, #tpu.memory_space<semaphore_mem>>)
      %dma_wait3A_500 = arith.constant 0 : i32
      %dma_wait3A_501 = tpu.memref_slice %arg9[%mul3A_128, %dma_wait3A_500] : memref<10240x16xf32, #tpu.memory_space<vmem_shared>> -> memref<640x16xf32, #tpu.memory_space<vmem_shared>>
      %dma_wait3A_502 = arith.constant 0 : i32
      %dma_wait3A_503 = tpu.memref_slice %arg9[%mul3A_128, %dma_wait3A_502] : memref<10240x16xf32, #tpu.memory_space<vmem_shared>> -> memref<640x16xf32, #tpu.memory_space<vmem_shared>>
      tpu.wait_dma2 semaphore(%run_scoped3A_495 : memref<!tpu.dma_semaphore, #tpu.memory_space<semaphore_mem>>) src(%arg8 : memref<640x16xf32, #tpu.memory_space<vmem>>) dst(%dma_wait3A_503 : memref<640x16xf32, #tpu.memory_space<vmem_shared>>)
      tpu.yield
    }) : () -> ()
    %barrier3A = arith.constant 0 : index
    tpu.barrier barrier_id(%barrier3A)
    %scan3A_129 = arith.constant 0 : i32
    %scan3A_130 = arith.constant 0 : i32
    %scan3A_131 = arith.constant 7 : i32
    %scan3A_132 = arith.addi %scan3A_130, %scan3A_131 : i32
    %scan3A_133 = arith.constant 1 : i32
    scf.for %scan3A_495 = %scan3A_130 to %scan3A_132 step %scan3A_133  : i32 {
      %mul3A_496 = arith.constant 10 : i32
      %mul3A_497 = arith.muli %scan3A_495, %mul3A_496 : i32
      %dma_wait3A_498 = arith.constant 0 : i32
      %dma_wait3A_499 = arith.constant 0 : i32
      %dma_wait3A_500 = arith.constant 0 : i32
      %dma_wait3A_501 = arith.constant 0 : i32
      %dma_wait3A_502 = tpu.memref_slice %arg7[%dma_wait3A_499, %dma_wait3A_500, %dma_wait3A_501] : memref<10x125x16xf32, #tpu.memory_space<vmem>> -> memref<1x125x16xf32, #tpu.memory_space<vmem>>
      %dma_wait3A_503 = tpu.memref_squeeze %dma_wait3A_502 : memref<1x125x16xf32, #tpu.memory_space<vmem>> -> memref<125x16xf32, #tpu.memory_space<vmem>>
      %dma_wait3A_504 = arith.constant 0 : i32
      %dma_wait3A_505 = tpu.memref_slice %arg5[%dma_wait3A_498, %dma_wait3A_504] : memref<80x125xi32, #tpu.memory_space<vmem>> -> memref<1x125xi32, #tpu.memory_space<vmem>>
      %dma_wait3A_506 = tpu.memref_squeeze %dma_wait3A_505 : memref<1x125xi32, #tpu.memory_space<vmem>> -> memref<125xi32, #tpu.memory_space<vmem>>
      %dma_wait3A_507 = arith.constant 0 : i32
      %dma_wait3A_508 = arith.constant 0 : i32
      %dma_wait3A_509 = tpu.memref_slice %arg2[%dma_wait3A_507, %dma_wait3A_508] : memref<10000x16xf32, #tpu.memory_space<hbm>> -> memref<10000x16xf32, #tpu.memory_space<hbm>>
      tpu.wait_indirect_dma semaphore(%arg10 : memref<!tpu.dma_semaphore, #tpu.memory_space<semaphore_mem>>) src(%dma_wait3A_509 : memref<10000x16xf32, #tpu.memory_space<hbm>>) dst(%dma_wait3A_503 : memref<125x16xf32, #tpu.memory_space<vmem>>)
      %add3A_510 = arith.constant 0 : i32
      %add3A_511 = arith.addi %mul3A_497, %add3A_510 : i32
      %dma_start3A_512 = arith.constant 0 : i32
      %dma_start3A_513 = arith.constant 0 : i32
      %dma_start3A_514 = arith.constant 0 : i32
      %dma_start3A_515 = tpu.memref_slice %arg7[%dma_start3A_512, %dma_start3A_513, %dma_start3A_514] : memref<10x125x16xf32, #tpu.memory_space<vmem>> -> memref<1x125x16xf32, #tpu.memory_space<vmem>>
      %dma_start3A_516 = tpu.memref_squeeze %dma_start3A_515 : memref<1x125x16xf32, #tpu.memory_space<vmem>> -> memref<125x16xf32, #tpu.memory_space<vmem>>
      %dma_start3A_517 = arith.constant 0 : i32
      %dma_start3A_518 = tpu.memref_slice %arg6[%add3A_511, %dma_start3A_517] : memref<80x125xi32, #tpu.memory_space<vmem>> -> memref<1x125xi32, #tpu.memory_space<vmem>>
      %dma_start3A_519 = tpu.memref_squeeze %dma_start3A_518 : memref<1x125xi32, #tpu.memory_space<vmem>> -> memref<125xi32, #tpu.memory_space<vmem>>
      %dma_start3A_520 = arith.constant 0 : i32
      %dma_start3A_521 = arith.constant 0 : i32
      %dma_start3A_522 = tpu.memref_slice %arg9[%dma_start3A_520, %dma_start3A_521] : memref<10240x16xf32, #tpu.memory_space<vmem_shared>> -> memref<10240x16xf32, #tpu.memory_space<vmem_shared>>
      tpu.enqueue_indirect_dma source(%dma_start3A_516 : memref<125x16xf32, #tpu.memory_space<vmem>>) target(%dma_start3A_522 : memref<10240x16xf32, #tpu.memory_space<vmem_shared>>) offsets(%dma_start3A_519 : memref<125xi32, #tpu.memory_space<vmem>>) semaphore(%arg20 : memref<!tpu.dma_semaphore, #tpu.memory_space<semaphore_mem>>) {add = true}
      %dma_wait3A_523 = arith.constant 0 : i32
      %dma_wait3A_524 = arith.constant 1 : i32
      %dma_wait3A_525 = arith.constant 0 : i32
      %dma_wait3A_526 = arith.constant 0 : i32
      %dma_wait3A_527 = tpu.memref_slice %arg7[%dma_wait3A_524, %dma_wait3A_525, %dma_wait3A_526] : memref<10x125x16xf32, #tpu.memory_space<vmem>> -> memref<1x125x16xf32, #tpu.memory_space<vmem>>
      %dma_wait3A_528 = tpu.memref_squeeze %dma_wait3A_527 : memref<1x125x16xf32, #tpu.memory_space<vmem>> -> memref<125x16xf32, #tpu.memory_space<vmem>>
      %dma_wait3A_529 = arith.constant 0 : i32
      %dma_wait3A_530 = tpu.memref_slice %arg5[%dma_wait3A_523, %dma_wait3A_529] : memref<80x125xi32, #tpu.memory_space<vmem>> -> memref<1x125xi32, #tpu.memory_space<vmem>>
      %dma_wait3A_531 = tpu.memref_squeeze %dma_wait3A_530 : memref<1x125xi32, #tpu.memory_space<vmem>> -> memref<125xi32, #tpu.memory_space<vmem>>
      %dma_wait3A_532 = arith.constant 0 : i32
      %dma_wait3A_533 = arith.constant 0 : i32
      %dma_wait3A_534 = tpu.memref_slice %arg2[%dma_wait3A_532, %dma_wait3A_533] : memref<10000x16xf32, #tpu.memory_space<hbm>> -> memref<10000x16xf32, #tpu.memory_space<hbm>>
      tpu.wait_indirect_dma semaphore(%arg11 : memref<!tpu.dma_semaphore, #tpu.memory_space<semaphore_mem>>) src(%dma_wait3A_534 : memref<10000x16xf32, #tpu.memory_space<hbm>>) dst(%dma_wait3A_528 : memref<125x16xf32, #tpu.memory_space<vmem>>)
      %add3A_535 = arith.constant 1 : i32
      %add3A_536 = arith.addi %mul3A_497, %add3A_535 : i32
      %dma_start3A_537 = arith.constant 1 : i32
      %dma_start3A_538 = arith.constant 0 : i32
      %dma_start3A_539 = arith.constant 0 : i32
      %dma_start3A_540 = tpu.memref_slice %arg7[%dma_start3A_537, %dma_start3A_538, %dma_start3A_539] : memref<10x125x16xf32, #tpu.memory_space<vmem>> -> memref<1x125x16xf32, #tpu.memory_space<vmem>>
      %dma_start3A_541 = tpu.memref_squeeze %dma_start3A_540 : memref<1x125x16xf32, #tpu.memory_space<vmem>> -> memref<125x16xf32, #tpu.memory_space<vmem>>
      %dma_start3A_542 = arith.constant 0 : i32
      %dma_start3A_543 = tpu.memref_slice %arg6[%add3A_536, %dma_start3A_542] : memref<80x125xi32, #tpu.memory_space<vmem>> -> memref<1x125xi32, #tpu.memory_space<vmem>>
      %dma_start3A_544 = tpu.memref_squeeze %dma_start3A_543 : memref<1x125xi32, #tpu.memory_space<vmem>> -> memref<125xi32, #tpu.memory_space<vmem>>
      %dma_start3A_545 = arith.constant 0 : i32
      %dma_start3A_546 = arith.constant 0 : i32
      %dma_start3A_547 = tpu.memref_slice %arg9[%dma_start3A_545, %dma_start3A_546] : memref<10240x16xf32, #tpu.memory_space<vmem_shared>> -> memref<10240x16xf32, #tpu.memory_space<vmem_shared>>
      tpu.enqueue_indirect_dma source(%dma_start3A_541 : memref<125x16xf32, #tpu.memory_space<vmem>>) target(%dma_start3A_547 : memref<10240x16xf32, #tpu.memory_space<vmem_shared>>) offsets(%dma_start3A_544 : memref<125xi32, #tpu.memory_space<vmem>>) semaphore(%arg21 : memref<!tpu.dma_semaphore, #tpu.memory_space<semaphore_mem>>) {add = true}
      %dma_wait3A_548 = arith.constant 0 : i32
      %dma_wait3A_549 = arith.constant 2 : i32
      %dma_wait3A_550 = arith.constant 0 : i32
      %dma_wait3A_551 = arith.constant 0 : i32
      %dma_wait3A_552 = tpu.memref_slice %arg7[%dma_wait3A_549, %dma_wait3A_550, %dma_wait3A_551] : memref<10x125x16xf32, #tpu.memory_space<vmem>> -> memref<1x125x16xf32, #tpu.memory_space<vmem>>
      %dma_wait3A_553 = tpu.memref_squeeze %dma_wait3A_552 : memref<1x125x16xf32, #tpu.memory_space<vmem>> -> memref<125x16xf32, #tpu.memory_space<vmem>>
      %dma_wait3A_554 = arith.constant 0 : i32
      %dma_wait3A_555 = tpu.memref_slice %arg5[%dma_wait3A_548, %dma_wait3A_554] : memref<80x125xi32, #tpu.memory_space<vmem>> -> memref<1x125xi32, #tpu.memory_space<vmem>>
      %dma_wait3A_556 = tpu.memref_squeeze %dma_wait3A_555 : memref<1x125xi32, #tpu.memory_space<vmem>> -> memref<125xi32, #tpu.memory_space<vmem>>
      %dma_wait3A_557 = arith.constant 0 : i32
      %dma_wait3A_558 = arith.constant 0 : i32
      %dma_wait3A_559 = tpu.memref_slice %arg2[%dma_wait3A_557, %dma_wait3A_558] : memref<10000x16xf32, #tpu.memory_space<hbm>> -> memref<10000x16xf32, #tpu.memory_space<hbm>>
      tpu.wait_indirect_dma semaphore(%arg12 : memref<!tpu.dma_semaphore, #tpu.memory_space<semaphore_mem>>) src(%dma_wait3A_559 : memref<10000x16xf32, #tpu.memory_space<hbm>>) dst(%dma_wait3A_553 : memref<125x16xf32, #tpu.memory_space<vmem>>)
      %add3A_560 = arith.constant 2 : i32
      %add3A_561 = arith.addi %mul3A_497, %add3A_560 : i32
      %dma_start3A_562 = arith.constant 2 : i32
      %dma_start3A_563 = arith.constant 0 : i32
      %dma_start3A_564 = arith.constant 0 : i32
      %dma_start3A_565 = tpu.memref_slice %arg7[%dma_start3A_562, %dma_start3A_563, %dma_start3A_564] : memref<10x125x16xf32, #tpu.memory_space<vmem>> -> memref<1x125x16xf32, #tpu.memory_space<vmem>>
      %dma_start3A_566 = tpu.memref_squeeze %dma_start3A_565 : memref<1x125x16xf32, #tpu.memory_space<vmem>> -> memref<125x16xf32, #tpu.memory_space<vmem>>
      %dma_start3A_567 = arith.constant 0 : i32
      %dma_start3A_568 = tpu.memref_slice %arg6[%add3A_561, %dma_start3A_567] : memref<80x125xi32, #tpu.memory_space<vmem>> -> memref<1x125xi32, #tpu.memory_space<vmem>>
      %dma_start3A_569 = tpu.memref_squeeze %dma_start3A_568 : memref<1x125xi32, #tpu.memory_space<vmem>> -> memref<125xi32, #tpu.memory_space<vmem>>
      %dma_start3A_570 = arith.constant 0 : i32
      %dma_start3A_571 = arith.constant 0 : i32
      %dma_start3A_572 = tpu.memref_slice %arg9[%dma_start3A_570, %dma_start3A_571] : memref<10240x16xf32, #tpu.memory_space<vmem_shared>> -> memref<10240x16xf32, #tpu.memory_space<vmem_shared>>
      tpu.enqueue_indirect_dma source(%dma_start3A_566 : memref<125x16xf32, #tpu.memory_space<vmem>>) target(%dma_start3A_572 : memref<10240x16xf32, #tpu.memory_space<vmem_shared>>) offsets(%dma_start3A_569 : memref<125xi32, #tpu.memory_space<vmem>>) semaphore(%arg22 : memref<!tpu.dma_semaphore, #tpu.memory_space<semaphore_mem>>) {add = true}
      %dma_wait3A_573 = arith.constant 0 : i32
      %dma_wait3A_574 = arith.constant 3 : i32
      %dma_wait3A_575 = arith.constant 0 : i32
      %dma_wait3A_576 = arith.constant 0 : i32
      %dma_wait3A_577 = tpu.memref_slice %arg7[%dma_wait3A_574, %dma_wait3A_575, %dma_wait3A_576] : memref<10x125x16xf32, #tpu.memory_space<vmem>> -> memref<1x125x16xf32, #tpu.memory_space<vmem>>
      %dma_wait3A_578 = tpu.memref_squeeze %dma_wait3A_577 : memref<1x125x16xf32, #tpu.memory_space<vmem>> -> memref<125x16xf32, #tpu.memory_space<vmem>>
      %dma_wait3A_579 = arith.constant 0 : i32
      %dma_wait3A_580 = tpu.memref_slice %arg5[%dma_wait3A_573, %dma_wait3A_579] : memref<80x125xi32, #tpu.memory_space<vmem>> -> memref<1x125xi32, #tpu.memory_space<vmem>>
      %dma_wait3A_581 = tpu.memref_squeeze %dma_wait3A_580 : memref<1x125xi32, #tpu.memory_space<vmem>> -> memref<125xi32, #tpu.memory_space<vmem>>
      %dma_wait3A_582 = arith.constant 0 : i32
      %dma_wait3A_583 = arith.constant 0 : i32
      %dma_wait3A_584 = tpu.memref_slice %arg2[%dma_wait3A_582, %dma_wait3A_583] : memref<10000x16xf32, #tpu.memory_space<hbm>> -> memref<10000x16xf32, #tpu.memory_space<hbm>>
      tpu.wait_indirect_dma semaphore(%arg13 : memref<!tpu.dma_semaphore, #tpu.memory_space<semaphore_mem>>) src(%dma_wait3A_584 : memref<10000x16xf32, #tpu.memory_space<hbm>>) dst(%dma_wait3A_578 : memref<125x16xf32, #tpu.memory_space<vmem>>)
      %add3A_585 = arith.constant 3 : i32
      %add3A_586 = arith.addi %mul3A_497, %add3A_585 : i32
      %dma_start3A_587 = arith.constant 3 : i32
      %dma_start3A_588 = arith.constant 0 : i32
      %dma_start3A_589 = arith.constant 0 : i32
      %dma_start3A_590 = tpu.memref_slice %arg7[%dma_start3A_587, %dma_start3A_588, %dma_start3A_589] : memref<10x125x16xf32, #tpu.memory_space<vmem>> -> memref<1x125x16xf32, #tpu.memory_space<vmem>>
      %dma_start3A_591 = tpu.memref_squeeze %dma_start3A_590 : memref<1x125x16xf32, #tpu.memory_space<vmem>> -> memref<125x16xf32, #tpu.memory_space<vmem>>
      %dma_start3A_592 = arith.constant 0 : i32
      %dma_start3A_593 = tpu.memref_slice %arg6[%add3A_586, %dma_start3A_592] : memref<80x125xi32, #tpu.memory_space<vmem>> -> memref<1x125xi32, #tpu.memory_space<vmem>>
      %dma_start3A_594 = tpu.memref_squeeze %dma_start3A_593 : memref<1x125xi32, #tpu.memory_space<vmem>> -> memref<125xi32, #tpu.memory_space<vmem>>
      %dma_start3A_595 = arith.constant 0 : i32
      %dma_start3A_596 = arith.constant 0 : i32
      %dma_start3A_597 = tpu.memref_slice %arg9[%dma_start3A_595, %dma_start3A_596] : memref<10240x16xf32, #tpu.memory_space<vmem_shared>> -> memref<10240x16xf32, #tpu.memory_space<vmem_shared>>
      tpu.enqueue_indirect_dma source(%dma_start3A_591 : memref<125x16xf32, #tpu.memory_space<vmem>>) target(%dma_start3A_597 : memref<10240x16xf32, #tpu.memory_space<vmem_shared>>) offsets(%dma_start3A_594 : memref<125xi32, #tpu.memory_space<vmem>>) semaphore(%arg23 : memref<!tpu.dma_semaphore, #tpu.memory_space<semaphore_mem>>) {add = true}
      %dma_wait3A_598 = arith.constant 0 : i32
      %dma_wait3A_599 = arith.constant 4 : i32
      %dma_wait3A_600 = arith.constant 0 : i32
      %dma_wait3A_601 = arith.constant 0 : i32
      %dma_wait3A_602 = tpu.memref_slice %arg7[%dma_wait3A_599, %dma_wait3A_600, %dma_wait3A_601] : memref<10x125x16xf32, #tpu.memory_space<vmem>> -> memref<1x125x16xf32, #tpu.memory_space<vmem>>
      %dma_wait3A_603 = tpu.memref_squeeze %dma_wait3A_602 : memref<1x125x16xf32, #tpu.memory_space<vmem>> -> memref<125x16xf32, #tpu.memory_space<vmem>>
      %dma_wait3A_604 = arith.constant 0 : i32
      %dma_wait3A_605 = tpu.memref_slice %arg5[%dma_wait3A_598, %dma_wait3A_604] : memref<80x125xi32, #tpu.memory_space<vmem>> -> memref<1x125xi32, #tpu.memory_space<vmem>>
      %dma_wait3A_606 = tpu.memref_squeeze %dma_wait3A_605 : memref<1x125xi32, #tpu.memory_space<vmem>> -> memref<125xi32, #tpu.memory_space<vmem>>
      %dma_wait3A_607 = arith.constant 0 : i32
      %dma_wait3A_608 = arith.constant 0 : i32
      %dma_wait3A_609 = tpu.memref_slice %arg2[%dma_wait3A_607, %dma_wait3A_608] : memref<10000x16xf32, #tpu.memory_space<hbm>> -> memref<10000x16xf32, #tpu.memory_space<hbm>>
      tpu.wait_indirect_dma semaphore(%arg14 : memref<!tpu.dma_semaphore, #tpu.memory_space<semaphore_mem>>) src(%dma_wait3A_609 : memref<10000x16xf32, #tpu.memory_space<hbm>>) dst(%dma_wait3A_603 : memref<125x16xf32, #tpu.memory_space<vmem>>)
      %add3A_610 = arith.constant 4 : i32
      %add3A_611 = arith.addi %mul3A_497, %add3A_610 : i32
      %dma_start3A_612 = arith.constant 4 : i32
      %dma_start3A_613 = arith.constant 0 : i32
      %dma_start3A_614 = arith.constant 0 : i32
      %dma_start3A_615 = tpu.memref_slice %arg7[%dma_start3A_612, %dma_start3A_613, %dma_start3A_614] : memref<10x125x16xf32, #tpu.memory_space<vmem>> -> memref<1x125x16xf32, #tpu.memory_space<vmem>>
      %dma_start3A_616 = tpu.memref_squeeze %dma_start3A_615 : memref<1x125x16xf32, #tpu.memory_space<vmem>> -> memref<125x16xf32, #tpu.memory_space<vmem>>
      %dma_start3A_617 = arith.constant 0 : i32
      %dma_start3A_618 = tpu.memref_slice %arg6[%add3A_611, %dma_start3A_617] : memref<80x125xi32, #tpu.memory_space<vmem>> -> memref<1x125xi32, #tpu.memory_space<vmem>>
      %dma_start3A_619 = tpu.memref_squeeze %dma_start3A_618 : memref<1x125xi32, #tpu.memory_space<vmem>> -> memref<125xi32, #tpu.memory_space<vmem>>
      %dma_start3A_620 = arith.constant 0 : i32
      %dma_start3A_621 = arith.constant 0 : i32
      %dma_start3A_622 = tpu.memref_slice %arg9[%dma_start3A_620, %dma_start3A_621] : memref<10240x16xf32, #tpu.memory_space<vmem_shared>> -> memref<10240x16xf32, #tpu.memory_space<vmem_shared>>
      tpu.enqueue_indirect_dma source(%dma_start3A_616 : memref<125x16xf32, #tpu.memory_space<vmem>>) target(%dma_start3A_622 : memref<10240x16xf32, #tpu.memory_space<vmem_shared>>) offsets(%dma_start3A_619 : memref<125xi32, #tpu.memory_space<vmem>>) semaphore(%arg24 : memref<!tpu.dma_semaphore, #tpu.memory_space<semaphore_mem>>) {add = true}
      %dma_wait3A_623 = arith.constant 0 : i32
      %dma_wait3A_624 = arith.constant 5 : i32
      %dma_wait3A_625 = arith.constant 0 : i32
      %dma_wait3A_626 = arith.constant 0 : i32
      %dma_wait3A_627 = tpu.memref_slice %arg7[%dma_wait3A_624, %dma_wait3A_625, %dma_wait3A_626] : memref<10x125x16xf32, #tpu.memory_space<vmem>> -> memref<1x125x16xf32, #tpu.memory_space<vmem>>
      %dma_wait3A_628 = tpu.memref_squeeze %dma_wait3A_627 : memref<1x125x16xf32, #tpu.memory_space<vmem>> -> memref<125x16xf32, #tpu.memory_space<vmem>>
      %dma_wait3A_629 = arith.constant 0 : i32
      %dma_wait3A_630 = tpu.memref_slice %arg5[%dma_wait3A_623, %dma_wait3A_629] : memref<80x125xi32, #tpu.memory_space<vmem>> -> memref<1x125xi32, #tpu.memory_space<vmem>>
      %dma_wait3A_631 = tpu.memref_squeeze %dma_wait3A_630 : memref<1x125xi32, #tpu.memory_space<vmem>> -> memref<125xi32, #tpu.memory_space<vmem>>
      %dma_wait3A_632 = arith.constant 0 : i32
      %dma_wait3A_633 = arith.constant 0 : i32
      %dma_wait3A_634 = tpu.memref_slice %arg2[%dma_wait3A_632, %dma_wait3A_633] : memref<10000x16xf32, #tpu.memory_space<hbm>> -> memref<10000x16xf32, #tpu.memory_space<hbm>>
      tpu.wait_indirect_dma semaphore(%arg15 : memref<!tpu.dma_semaphore, #tpu.memory_space<semaphore_mem>>) src(%dma_wait3A_634 : memref<10000x16xf32, #tpu.memory_space<hbm>>) dst(%dma_wait3A_628 : memref<125x16xf32, #tpu.memory_space<vmem>>)
      %add3A_635 = arith.constant 5 : i32
      %add3A_636 = arith.addi %mul3A_497, %add3A_635 : i32
      %dma_start3A_637 = arith.constant 5 : i32
      %dma_start3A_638 = arith.constant 0 : i32
      %dma_start3A_639 = arith.constant 0 : i32
      %dma_start3A_640 = tpu.memref_slice %arg7[%dma_start3A_637, %dma_start3A_638, %dma_start3A_639] : memref<10x125x16xf32, #tpu.memory_space<vmem>> -> memref<1x125x16xf32, #tpu.memory_space<vmem>>
      %dma_start3A_641 = tpu.memref_squeeze %dma_start3A_640 : memref<1x125x16xf32, #tpu.memory_space<vmem>> -> memref<125x16xf32, #tpu.memory_space<vmem>>
      %dma_start3A_642 = arith.constant 0 : i32
      %dma_start3A_643 = tpu.memref_slice %arg6[%add3A_636, %dma_start3A_642] : memref<80x125xi32, #tpu.memory_space<vmem>> -> memref<1x125xi32, #tpu.memory_space<vmem>>
      %dma_start3A_644 = tpu.memref_squeeze %dma_start3A_643 : memref<1x125xi32, #tpu.memory_space<vmem>> -> memref<125xi32, #tpu.memory_space<vmem>>
      %dma_start3A_645 = arith.constant 0 : i32
      %dma_start3A_646 = arith.constant 0 : i32
      %dma_start3A_647 = tpu.memref_slice %arg9[%dma_start3A_645, %dma_start3A_646] : memref<10240x16xf32, #tpu.memory_space<vmem_shared>> -> memref<10240x16xf32, #tpu.memory_space<vmem_shared>>
      tpu.enqueue_indirect_dma source(%dma_start3A_641 : memref<125x16xf32, #tpu.memory_space<vmem>>) target(%dma_start3A_647 : memref<10240x16xf32, #tpu.memory_space<vmem_shared>>) offsets(%dma_start3A_644 : memref<125xi32, #tpu.memory_space<vmem>>) semaphore(%arg25 : memref<!tpu.dma_semaphore, #tpu.memory_space<semaphore_mem>>) {add = true}
      %dma_wait3A_648 = arith.constant 0 : i32
      %dma_wait3A_649 = arith.constant 6 : i32
      %dma_wait3A_650 = arith.constant 0 : i32
      %dma_wait3A_651 = arith.constant 0 : i32
      %dma_wait3A_652 = tpu.memref_slice %arg7[%dma_wait3A_649, %dma_wait3A_650, %dma_wait3A_651] : memref<10x125x16xf32, #tpu.memory_space<vmem>> -> memref<1x125x16xf32, #tpu.memory_space<vmem>>
      %dma_wait3A_653 = tpu.memref_squeeze %dma_wait3A_652 : memref<1x125x16xf32, #tpu.memory_space<vmem>> -> memref<125x16xf32, #tpu.memory_space<vmem>>
      %dma_wait3A_654 = arith.constant 0 : i32
      %dma_wait3A_655 = tpu.memref_slice %arg5[%dma_wait3A_648, %dma_wait3A_654] : memref<80x125xi32, #tpu.memory_space<vmem>> -> memref<1x125xi32, #tpu.memory_space<vmem>>
      %dma_wait3A_656 = tpu.memref_squeeze %dma_wait3A_655 : memref<1x125xi32, #tpu.memory_space<vmem>> -> memref<125xi32, #tpu.memory_space<vmem>>
      %dma_wait3A_657 = arith.constant 0 : i32
      %dma_wait3A_658 = arith.constant 0 : i32
      %dma_wait3A_659 = tpu.memref_slice %arg2[%dma_wait3A_657, %dma_wait3A_658] : memref<10000x16xf32, #tpu.memory_space<hbm>> -> memref<10000x16xf32, #tpu.memory_space<hbm>>
      tpu.wait_indirect_dma semaphore(%arg16 : memref<!tpu.dma_semaphore, #tpu.memory_space<semaphore_mem>>) src(%dma_wait3A_659 : memref<10000x16xf32, #tpu.memory_space<hbm>>) dst(%dma_wait3A_653 : memref<125x16xf32, #tpu.memory_space<vmem>>)
      %add3A_660 = arith.constant 6 : i32
      %add3A_661 = arith.addi %mul3A_497, %add3A_660 : i32
      %dma_start3A_662 = arith.constant 6 : i32
      %dma_start3A_663 = arith.constant 0 : i32
      %dma_start3A_664 = arith.constant 0 : i32
      %dma_start3A_665 = tpu.memref_slice %arg7[%dma_start3A_662, %dma_start3A_663, %dma_start3A_664] : memref<10x125x16xf32, #tpu.memory_space<vmem>> -> memref<1x125x16xf32, #tpu.memory_space<vmem>>
      %dma_start3A_666 = tpu.memref_squeeze %dma_start3A_665 : memref<1x125x16xf32, #tpu.memory_space<vmem>> -> memref<125x16xf32, #tpu.memory_space<vmem>>
      %dma_start3A_667 = arith.constant 0 : i32
      %dma_start3A_668 = tpu.memref_slice %arg6[%add3A_661, %dma_start3A_667] : memref<80x125xi32, #tpu.memory_space<vmem>> -> memref<1x125xi32, #tpu.memory_space<vmem>>
      %dma_start3A_669 = tpu.memref_squeeze %dma_start3A_668 : memref<1x125xi32, #tpu.memory_space<vmem>> -> memref<125xi32, #tpu.memory_space<vmem>>
      %dma_start3A_670 = arith.constant 0 : i32
      %dma_start3A_671 = arith.constant 0 : i32
      %dma_start3A_672 = tpu.memref_slice %arg9[%dma_start3A_670, %dma_start3A_671] : memref<10240x16xf32, #tpu.memory_space<vmem_shared>> -> memref<10240x16xf32, #tpu.memory_space<vmem_shared>>
      tpu.enqueue_indirect_dma source(%dma_start3A_666 : memref<125x16xf32, #tpu.memory_space<vmem>>) target(%dma_start3A_672 : memref<10240x16xf32, #tpu.memory_space<vmem_shared>>) offsets(%dma_start3A_669 : memref<125xi32, #tpu.memory_space<vmem>>) semaphore(%arg26 : memref<!tpu.dma_semaphore, #tpu.memory_space<semaphore_mem>>) {add = true}
      %dma_wait3A_673 = arith.constant 0 : i32
      %dma_wait3A_674 = arith.constant 7 : i32
      %dma_wait3A_675 = arith.constant 0 : i32
      %dma_wait3A_676 = arith.constant 0 : i32
      %dma_wait3A_677 = tpu.memref_slice %arg7[%dma_wait3A_674, %dma_wait3A_675, %dma_wait3A_676] : memref<10x125x16xf32, #tpu.memory_space<vmem>> -> memref<1x125x16xf32, #tpu.memory_space<vmem>>
      %dma_wait3A_678 = tpu.memref_squeeze %dma_wait3A_677 : memref<1x125x16xf32, #tpu.memory_space<vmem>> -> memref<125x16xf32, #tpu.memory_space<vmem>>
      %dma_wait3A_679 = arith.constant 0 : i32
      %dma_wait3A_680 = tpu.memref_slice %arg5[%dma_wait3A_673, %dma_wait3A_679] : memref<80x125xi32, #tpu.memory_space<vmem>> -> memref<1x125xi32, #tpu.memory_space<vmem>>
      %dma_wait3A_681 = tpu.memref_squeeze %dma_wait3A_680 : memref<1x125xi32, #tpu.memory_space<vmem>> -> memref<125xi32, #tpu.memory_space<vmem>>
      %dma_wait3A_682 = arith.constant 0 : i32
      %dma_wait3A_683 = arith.constant 0 : i32
      %dma_wait3A_684 = tpu.memref_slice %arg2[%dma_wait3A_682, %dma_wait3A_683] : memref<10000x16xf32, #tpu.memory_space<hbm>> -> memref<10000x16xf32, #tpu.memory_space<hbm>>
      tpu.wait_indirect_dma semaphore(%arg17 : memref<!tpu.dma_semaphore, #tpu.memory_space<semaphore_mem>>) src(%dma_wait3A_684 : memref<10000x16xf32, #tpu.memory_space<hbm>>) dst(%dma_wait3A_678 : memref<125x16xf32, #tpu.memory_space<vmem>>)
      %add3A_685 = arith.constant 7 : i32
      %add3A_686 = arith.addi %mul3A_497, %add3A_685 : i32
      %dma_start3A_687 = arith.constant 7 : i32
      %dma_start3A_688 = arith.constant 0 : i32
      %dma_start3A_689 = arith.constant 0 : i32
      %dma_start3A_690 = tpu.memref_slice %arg7[%dma_start3A_687, %dma_start3A_688, %dma_start3A_689] : memref<10x125x16xf32, #tpu.memory_space<vmem>> -> memref<1x125x16xf32, #tpu.memory_space<vmem>>
      %dma_start3A_691 = tpu.memref_squeeze %dma_start3A_690 : memref<1x125x16xf32, #tpu.memory_space<vmem>> -> memref<125x16xf32, #tpu.memory_space<vmem>>
      %dma_start3A_692 = arith.constant 0 : i32
      %dma_start3A_693 = tpu.memref_slice %arg6[%add3A_686, %dma_start3A_692] : memref<80x125xi32, #tpu.memory_space<vmem>> -> memref<1x125xi32, #tpu.memory_space<vmem>>
      %dma_start3A_694 = tpu.memref_squeeze %dma_start3A_693 : memref<1x125xi32, #tpu.memory_space<vmem>> -> memref<125xi32, #tpu.memory_space<vmem>>
      %dma_start3A_695 = arith.constant 0 : i32
      %dma_start3A_696 = arith.constant 0 : i32
      %dma_start3A_697 = tpu.memref_slice %arg9[%dma_start3A_695, %dma_start3A_696] : memref<10240x16xf32, #tpu.memory_space<vmem_shared>> -> memref<10240x16xf32, #tpu.memory_space<vmem_shared>>
      tpu.enqueue_indirect_dma source(%dma_start3A_691 : memref<125x16xf32, #tpu.memory_space<vmem>>) target(%dma_start3A_697 : memref<10240x16xf32, #tpu.memory_space<vmem_shared>>) offsets(%dma_start3A_694 : memref<125xi32, #tpu.memory_space<vmem>>) semaphore(%arg27 : memref<!tpu.dma_semaphore, #tpu.memory_space<semaphore_mem>>) {add = true}
      %dma_wait3A_698 = arith.constant 0 : i32
      %dma_wait3A_699 = arith.constant 8 : i32
      %dma_wait3A_700 = arith.constant 0 : i32
      %dma_wait3A_701 = arith.constant 0 : i32
      %dma_wait3A_702 = tpu.memref_slice %arg7[%dma_wait3A_699, %dma_wait3A_700, %dma_wait3A_701] : memref<10x125x16xf32, #tpu.memory_space<vmem>> -> memref<1x125x16xf32, #tpu.memory_space<vmem>>
      %dma_wait3A_703 = tpu.memref_squeeze %dma_wait3A_702 : memref<1x125x16xf32, #tpu.memory_space<vmem>> -> memref<125x16xf32, #tpu.memory_space<vmem>>
      %dma_wait3A_704 = arith.constant 0 : i32
      %dma_wait3A_705 = tpu.memref_slice %arg5[%dma_wait3A_698, %dma_wait3A_704] : memref<80x125xi32, #tpu.memory_space<vmem>> -> memref<1x125xi32, #tpu.memory_space<vmem>>
      %dma_wait3A_706 = tpu.memref_squeeze %dma_wait3A_705 : memref<1x125xi32, #tpu.memory_space<vmem>> -> memref<125xi32, #tpu.memory_space<vmem>>
      %dma_wait3A_707 = arith.constant 0 : i32
      %dma_wait3A_708 = arith.constant 0 : i32
      %dma_wait3A_709 = tpu.memref_slice %arg2[%dma_wait3A_707, %dma_wait3A_708] : memref<10000x16xf32, #tpu.memory_space<hbm>> -> memref<10000x16xf32, #tpu.memory_space<hbm>>
      tpu.wait_indirect_dma semaphore(%arg18 : memref<!tpu.dma_semaphore, #tpu.memory_space<semaphore_mem>>) src(%dma_wait3A_709 : memref<10000x16xf32, #tpu.memory_space<hbm>>) dst(%dma_wait3A_703 : memref<125x16xf32, #tpu.memory_space<vmem>>)
      %add3A_710 = arith.constant 8 : i32
      %add3A_711 = arith.addi %mul3A_497, %add3A_710 : i32
      %dma_start3A_712 = arith.constant 8 : i32
      %dma_start3A_713 = arith.constant 0 : i32
      %dma_start3A_714 = arith.constant 0 : i32
      %dma_start3A_715 = tpu.memref_slice %arg7[%dma_start3A_712, %dma_start3A_713, %dma_start3A_714] : memref<10x125x16xf32, #tpu.memory_space<vmem>> -> memref<1x125x16xf32, #tpu.memory_space<vmem>>
      %dma_start3A_716 = tpu.memref_squeeze %dma_start3A_715 : memref<1x125x16xf32, #tpu.memory_space<vmem>> -> memref<125x16xf32, #tpu.memory_space<vmem>>
      %dma_start3A_717 = arith.constant 0 : i32
      %dma_start3A_718 = tpu.memref_slice %arg6[%add3A_711, %dma_start3A_717] : memref<80x125xi32, #tpu.memory_space<vmem>> -> memref<1x125xi32, #tpu.memory_space<vmem>>
      %dma_start3A_719 = tpu.memref_squeeze %dma_start3A_718 : memref<1x125xi32, #tpu.memory_space<vmem>> -> memref<125xi32, #tpu.memory_space<vmem>>
      %dma_start3A_720 = arith.constant 0 : i32
      %dma_start3A_721 = arith.constant 0 : i32
      %dma_start3A_722 = tpu.memref_slice %arg9[%dma_start3A_720, %dma_start3A_721] : memref<10240x16xf32, #tpu.memory_space<vmem_shared>> -> memref<10240x16xf32, #tpu.memory_space<vmem_shared>>
      tpu.enqueue_indirect_dma source(%dma_start3A_716 : memref<125x16xf32, #tpu.memory_space<vmem>>) target(%dma_start3A_722 : memref<10240x16xf32, #tpu.memory_space<vmem_shared>>) offsets(%dma_start3A_719 : memref<125xi32, #tpu.memory_space<vmem>>) semaphore(%arg28 : memref<!tpu.dma_semaphore, #tpu.memory_space<semaphore_mem>>) {add = true}
      %dma_wait3A_723 = arith.constant 0 : i32
      %dma_wait3A_724 = arith.constant 9 : i32
      %dma_wait3A_725 = arith.constant 0 : i32
      %dma_wait3A_726 = arith.constant 0 : i32
      %dma_wait3A_727 = tpu.memref_slice %arg7[%dma_wait3A_724, %dma_wait3A_725, %dma_wait3A_726] : memref<10x125x16xf32, #tpu.memory_space<vmem>> -> memref<1x125x16xf32, #tpu.memory_space<vmem>>
      %dma_wait3A_728 = tpu.memref_squeeze %dma_wait3A_727 : memref<1x125x16xf32, #tpu.memory_space<vmem>> -> memref<125x16xf32, #tpu.memory_space<vmem>>
      %dma_wait3A_729 = arith.constant 0 : i32
      %dma_wait3A_730 = tpu.memref_slice %arg5[%dma_wait3A_723, %dma_wait3A_729] : memref<80x125xi32, #tpu.memory_space<vmem>> -> memref<1x125xi32, #tpu.memory_space<vmem>>
      %dma_wait3A_731 = tpu.memref_squeeze %dma_wait3A_730 : memref<1x125xi32, #tpu.memory_space<vmem>> -> memref<125xi32, #tpu.memory_space<vmem>>
      %dma_wait3A_732 = arith.constant 0 : i32
      %dma_wait3A_733 = arith.constant 0 : i32
      %dma_wait3A_734 = tpu.memref_slice %arg2[%dma_wait3A_732, %dma_wait3A_733] : memref<10000x16xf32, #tpu.memory_space<hbm>> -> memref<10000x16xf32, #tpu.memory_space<hbm>>
      tpu.wait_indirect_dma semaphore(%arg19 : memref<!tpu.dma_semaphore, #tpu.memory_space<semaphore_mem>>) src(%dma_wait3A_734 : memref<10000x16xf32, #tpu.memory_space<hbm>>) dst(%dma_wait3A_728 : memref<125x16xf32, #tpu.memory_space<vmem>>)
      %add3A_735 = arith.constant 9 : i32
      %add3A_736 = arith.addi %mul3A_497, %add3A_735 : i32
      %dma_start3A_737 = arith.constant 9 : i32
      %dma_start3A_738 = arith.constant 0 : i32
      %dma_start3A_739 = arith.constant 0 : i32
      %dma_start3A_740 = tpu.memref_slice %arg7[%dma_start3A_737, %dma_start3A_738, %dma_start3A_739] : memref<10x125x16xf32, #tpu.memory_space<vmem>> -> memref<1x125x16xf32, #tpu.memory_space<vmem>>
      %dma_start3A_741 = tpu.memref_squeeze %dma_start3A_740 : memref<1x125x16xf32, #tpu.memory_space<vmem>> -> memref<125x16xf32, #tpu.memory_space<vmem>>
      %dma_start3A_742 = arith.constant 0 : i32
      %dma_start3A_743 = tpu.memref_slice %arg6[%add3A_736, %dma_start3A_742] : memref<80x125xi32, #tpu.memory_space<vmem>> -> memref<1x125xi32, #tpu.memory_space<vmem>>
      %dma_start3A_744 = tpu.memref_squeeze %dma_start3A_743 : memref<1x125xi32, #tpu.memory_space<vmem>> -> memref<125xi32, #tpu.memory_space<vmem>>
      %dma_start3A_745 = arith.constant 0 : i32
      %dma_start3A_746 = arith.constant 0 : i32
      %dma_start3A_747 = tpu.memref_slice %arg9[%dma_start3A_745, %dma_start3A_746] : memref<10240x16xf32, #tpu.memory_space<vmem_shared>> -> memref<10240x16xf32, #tpu.memory_space<vmem_shared>>
      tpu.enqueue_indirect_dma source(%dma_start3A_741 : memref<125x16xf32, #tpu.memory_space<vmem>>) target(%dma_start3A_747 : memref<10240x16xf32, #tpu.memory_space<vmem_shared>>) offsets(%dma_start3A_744 : memref<125xi32, #tpu.memory_space<vmem>>) semaphore(%arg29 : memref<!tpu.dma_semaphore, #tpu.memory_space<semaphore_mem>>) {add = true}
      %dma_wait3A_748 = arith.constant 0 : i32
      %dma_wait3A_749 = arith.constant 0 : i32
      %dma_wait3A_750 = arith.constant 0 : i32
      %dma_wait3A_751 = arith.constant 0 : i32
      %dma_wait3A_752 = tpu.memref_slice %arg7[%dma_wait3A_748, %dma_wait3A_750, %dma_wait3A_751] : memref<10x125x16xf32, #tpu.memory_space<vmem>> -> memref<1x125x16xf32, #tpu.memory_space<vmem>>
      %dma_wait3A_753 = tpu.memref_squeeze %dma_wait3A_752 : memref<1x125x16xf32, #tpu.memory_space<vmem>> -> memref<125x16xf32, #tpu.memory_space<vmem>>
      %dma_wait3A_754 = arith.constant 0 : i32
      %dma_wait3A_755 = tpu.memref_slice %arg6[%dma_wait3A_749, %dma_wait3A_754] : memref<80x125xi32, #tpu.memory_space<vmem>> -> memref<1x125xi32, #tpu.memory_space<vmem>>
      %dma_wait3A_756 = tpu.memref_squeeze %dma_wait3A_755 : memref<1x125xi32, #tpu.memory_space<vmem>> -> memref<125xi32, #tpu.memory_space<vmem>>
      %dma_wait3A_757 = arith.constant 0 : i32
      %dma_wait3A_758 = arith.constant 0 : i32
      %dma_wait3A_759 = tpu.memref_slice %arg9[%dma_wait3A_757, %dma_wait3A_758] : memref<10240x16xf32, #tpu.memory_space<vmem_shared>> -> memref<10240x16xf32, #tpu.memory_space<vmem_shared>>
      tpu.wait_indirect_dma semaphore(%arg20 : memref<!tpu.dma_semaphore, #tpu.memory_space<semaphore_mem>>) src(%dma_wait3A_753 : memref<125x16xf32, #tpu.memory_space<vmem>>) dst(%dma_wait3A_759 : memref<10240x16xf32, #tpu.memory_space<vmem_shared>>)
      %add3A_760 = arith.constant 0 : i32
      %add3A_761 = arith.addi %mul3A_497, %add3A_760 : i32
      %add3A_762 = arith.constant 10 : i32
      %add3A_763 = arith.addi %add3A_761, %add3A_762 : i32
      %dma_start3A_764 = arith.constant 0 : i32
      %dma_start3A_765 = arith.constant 0 : i32
      %dma_start3A_766 = arith.constant 0 : i32
      %dma_start3A_767 = tpu.memref_slice %arg7[%dma_start3A_764, %dma_start3A_765, %dma_start3A_766] : memref<10x125x16xf32, #tpu.memory_space<vmem>> -> memref<1x125x16xf32, #tpu.memory_space<vmem>>
      %dma_start3A_768 = tpu.memref_squeeze %dma_start3A_767 : memref<1x125x16xf32, #tpu.memory_space<vmem>> -> memref<125x16xf32, #tpu.memory_space<vmem>>
      %dma_start3A_769 = arith.constant 0 : i32
      %dma_start3A_770 = tpu.memref_slice %arg5[%add3A_763, %dma_start3A_769] : memref<80x125xi32, #tpu.memory_space<vmem>> -> memref<1x125xi32, #tpu.memory_space<vmem>>
      %dma_start3A_771 = tpu.memref_squeeze %dma_start3A_770 : memref<1x125xi32, #tpu.memory_space<vmem>> -> memref<125xi32, #tpu.memory_space<vmem>>
      %dma_start3A_772 = arith.constant 0 : i32
      %dma_start3A_773 = arith.constant 0 : i32
      %dma_start3A_774 = tpu.memref_slice %arg2[%dma_start3A_772, %dma_start3A_773] : memref<10000x16xf32, #tpu.memory_space<hbm>> -> memref<10000x16xf32, #tpu.memory_space<hbm>>
      tpu.enqueue_indirect_dma source(%dma_start3A_774 : memref<10000x16xf32, #tpu.memory_space<hbm>>) target(%dma_start3A_768 : memref<125x16xf32, #tpu.memory_space<vmem>>) offsets(%dma_start3A_771 : memref<125xi32, #tpu.memory_space<vmem>>) semaphore(%arg10 : memref<!tpu.dma_semaphore, #tpu.memory_space<semaphore_mem>>)
      %dma_wait3A_775 = arith.constant 1 : i32
      %dma_wait3A_776 = arith.constant 0 : i32
      %dma_wait3A_777 = arith.constant 0 : i32
      %dma_wait3A_778 = arith.constant 0 : i32
      %dma_wait3A_779 = tpu.memref_slice %arg7[%dma_wait3A_775, %dma_wait3A_777, %dma_wait3A_778] : memref<10x125x16xf32, #tpu.memory_space<vmem>> -> memref<1x125x16xf32, #tpu.memory_space<vmem>>
      %dma_wait3A_780 = tpu.memref_squeeze %dma_wait3A_779 : memref<1x125x16xf32, #tpu.memory_space<vmem>> -> memref<125x16xf32, #tpu.memory_space<vmem>>
      %dma_wait3A_781 = arith.constant 0 : i32
      %dma_wait3A_782 = tpu.memref_slice %arg6[%dma_wait3A_776, %dma_wait3A_781] : memref<80x125xi32, #tpu.memory_space<vmem>> -> memref<1x125xi32, #tpu.memory_space<vmem>>
      %dma_wait3A_783 = tpu.memref_squeeze %dma_wait3A_782 : memref<1x125xi32, #tpu.memory_space<vmem>> -> memref<125xi32, #tpu.memory_space<vmem>>
      %dma_wait3A_784 = arith.constant 0 : i32
      %dma_wait3A_785 = arith.constant 0 : i32
      %dma_wait3A_786 = tpu.memref_slice %arg9[%dma_wait3A_784, %dma_wait3A_785] : memref<10240x16xf32, #tpu.memory_space<vmem_shared>> -> memref<10240x16xf32, #tpu.memory_space<vmem_shared>>
      tpu.wait_indirect_dma semaphore(%arg21 : memref<!tpu.dma_semaphore, #tpu.memory_space<semaphore_mem>>) src(%dma_wait3A_780 : memref<125x16xf32, #tpu.memory_space<vmem>>) dst(%dma_wait3A_786 : memref<10240x16xf32, #tpu.memory_space<vmem_shared>>)
      %add3A_787 = arith.constant 1 : i32
      %add3A_788 = arith.addi %mul3A_497, %add3A_787 : i32
      %add3A_789 = arith.constant 10 : i32
      %add3A_790 = arith.addi %add3A_788, %add3A_789 : i32
      %dma_start3A_791 = arith.constant 1 : i32
      %dma_start3A_792 = arith.constant 0 : i32
      %dma_start3A_793 = arith.constant 0 : i32
      %dma_start3A_794 = tpu.memref_slice %arg7[%dma_start3A_791, %dma_start3A_792, %dma_start3A_793] : memref<10x125x16xf32, #tpu.memory_space<vmem>> -> memref<1x125x16xf32, #tpu.memory_space<vmem>>
      %dma_start3A_795 = tpu.memref_squeeze %dma_start3A_794 : memref<1x125x16xf32, #tpu.memory_space<vmem>> -> memref<125x16xf32, #tpu.memory_space<vmem>>
      %dma_start3A_796 = arith.constant 0 : i32
      %dma_start3A_797 = tpu.memref_slice %arg5[%add3A_790, %dma_start3A_796] : memref<80x125xi32, #tpu.memory_space<vmem>> -> memref<1x125xi32, #tpu.memory_space<vmem>>
      %dma_start3A_798 = tpu.memref_squeeze %dma_start3A_797 : memref<1x125xi32, #tpu.memory_space<vmem>> -> memref<125xi32, #tpu.memory_space<vmem>>
      %dma_start3A_799 = arith.constant 0 : i32
      %dma_start3A_800 = arith.constant 0 : i32
      %dma_start3A_801 = tpu.memref_slice %arg2[%dma_start3A_799, %dma_start3A_800] : memref<10000x16xf32, #tpu.memory_space<hbm>> -> memref<10000x16xf32, #tpu.memory_space<hbm>>
      tpu.enqueue_indirect_dma source(%dma_start3A_801 : memref<10000x16xf32, #tpu.memory_space<hbm>>) target(%dma_start3A_795 : memref<125x16xf32, #tpu.memory_space<vmem>>) offsets(%dma_start3A_798 : memref<125xi32, #tpu.memory_space<vmem>>) semaphore(%arg11 : memref<!tpu.dma_semaphore, #tpu.memory_space<semaphore_mem>>)
      %dma_wait3A_802 = arith.constant 2 : i32
      %dma_wait3A_803 = arith.constant 0 : i32
      %dma_wait3A_804 = arith.constant 0 : i32
      %dma_wait3A_805 = arith.constant 0 : i32
      %dma_wait3A_806 = tpu.memref_slice %arg7[%dma_wait3A_802, %dma_wait3A_804, %dma_wait3A_805] : memref<10x125x16xf32, #tpu.memory_space<vmem>> -> memref<1x125x16xf32, #tpu.memory_space<vmem>>
      %dma_wait3A_807 = tpu.memref_squeeze %dma_wait3A_806 : memref<1x125x16xf32, #tpu.memory_space<vmem>> -> memref<125x16xf32, #tpu.memory_space<vmem>>
      %dma_wait3A_808 = arith.constant 0 : i32
      %dma_wait3A_809 = tpu.memref_slice %arg6[%dma_wait3A_803, %dma_wait3A_808] : memref<80x125xi32, #tpu.memory_space<vmem>> -> memref<1x125xi32, #tpu.memory_space<vmem>>
      %dma_wait3A_810 = tpu.memref_squeeze %dma_wait3A_809 : memref<1x125xi32, #tpu.memory_space<vmem>> -> memref<125xi32, #tpu.memory_space<vmem>>
      %dma_wait3A_811 = arith.constant 0 : i32
      %dma_wait3A_812 = arith.constant 0 : i32
      %dma_wait3A_813 = tpu.memref_slice %arg9[%dma_wait3A_811, %dma_wait3A_812] : memref<10240x16xf32, #tpu.memory_space<vmem_shared>> -> memref<10240x16xf32, #tpu.memory_space<vmem_shared>>
      tpu.wait_indirect_dma semaphore(%arg22 : memref<!tpu.dma_semaphore, #tpu.memory_space<semaphore_mem>>) src(%dma_wait3A_807 : memref<125x16xf32, #tpu.memory_space<vmem>>) dst(%dma_wait3A_813 : memref<10240x16xf32, #tpu.memory_space<vmem_shared>>)
      %add3A_814 = arith.constant 2 : i32
      %add3A_815 = arith.addi %mul3A_497, %add3A_814 : i32
      %add3A_816 = arith.constant 10 : i32
      %add3A_817 = arith.addi %add3A_815, %add3A_816 : i32
      %dma_start3A_818 = arith.constant 2 : i32
      %dma_start3A_819 = arith.constant 0 : i32
      %dma_start3A_820 = arith.constant 0 : i32
      %dma_start3A_821 = tpu.memref_slice %arg7[%dma_start3A_818, %dma_start3A_819, %dma_start3A_820] : memref<10x125x16xf32, #tpu.memory_space<vmem>> -> memref<1x125x16xf32, #tpu.memory_space<vmem>>
      %dma_start3A_822 = tpu.memref_squeeze %dma_start3A_821 : memref<1x125x16xf32, #tpu.memory_space<vmem>> -> memref<125x16xf32, #tpu.memory_space<vmem>>
      %dma_start3A_823 = arith.constant 0 : i32
      %dma_start3A_824 = tpu.memref_slice %arg5[%add3A_817, %dma_start3A_823] : memref<80x125xi32, #tpu.memory_space<vmem>> -> memref<1x125xi32, #tpu.memory_space<vmem>>
      %dma_start3A_825 = tpu.memref_squeeze %dma_start3A_824 : memref<1x125xi32, #tpu.memory_space<vmem>> -> memref<125xi32, #tpu.memory_space<vmem>>
      %dma_start3A_826 = arith.constant 0 : i32
      %dma_start3A_827 = arith.constant 0 : i32
      %dma_start3A_828 = tpu.memref_slice %arg2[%dma_start3A_826, %dma_start3A_827] : memref<10000x16xf32, #tpu.memory_space<hbm>> -> memref<10000x16xf32, #tpu.memory_space<hbm>>
      tpu.enqueue_indirect_dma source(%dma_start3A_828 : memref<10000x16xf32, #tpu.memory_space<hbm>>) target(%dma_start3A_822 : memref<125x16xf32, #tpu.memory_space<vmem>>) offsets(%dma_start3A_825 : memref<125xi32, #tpu.memory_space<vmem>>) semaphore(%arg12 : memref<!tpu.dma_semaphore, #tpu.memory_space<semaphore_mem>>)
      %dma_wait3A_829 = arith.constant 3 : i32
      %dma_wait3A_830 = arith.constant 0 : i32
      %dma_wait3A_831 = arith.constant 0 : i32
      %dma_wait3A_832 = arith.constant 0 : i32
      %dma_wait3A_833 = tpu.memref_slice %arg7[%dma_wait3A_829, %dma_wait3A_831, %dma_wait3A_832] : memref<10x125x16xf32, #tpu.memory_space<vmem>> -> memref<1x125x16xf32, #tpu.memory_space<vmem>>
      %dma_wait3A_834 = tpu.memref_squeeze %dma_wait3A_833 : memref<1x125x16xf32, #tpu.memory_space<vmem>> -> memref<125x16xf32, #tpu.memory_space<vmem>>
      %dma_wait3A_835 = arith.constant 0 : i32
      %dma_wait3A_836 = tpu.memref_slice %arg6[%dma_wait3A_830, %dma_wait3A_835] : memref<80x125xi32, #tpu.memory_space<vmem>> -> memref<1x125xi32, #tpu.memory_space<vmem>>
      %dma_wait3A_837 = tpu.memref_squeeze %dma_wait3A_836 : memref<1x125xi32, #tpu.memory_space<vmem>> -> memref<125xi32, #tpu.memory_space<vmem>>
      %dma_wait3A_838 = arith.constant 0 : i32
      %dma_wait3A_839 = arith.constant 0 : i32
      %dma_wait3A_840 = tpu.memref_slice %arg9[%dma_wait3A_838, %dma_wait3A_839] : memref<10240x16xf32, #tpu.memory_space<vmem_shared>> -> memref<10240x16xf32, #tpu.memory_space<vmem_shared>>
      tpu.wait_indirect_dma semaphore(%arg23 : memref<!tpu.dma_semaphore, #tpu.memory_space<semaphore_mem>>) src(%dma_wait3A_834 : memref<125x16xf32, #tpu.memory_space<vmem>>) dst(%dma_wait3A_840 : memref<10240x16xf32, #tpu.memory_space<vmem_shared>>)
      %add3A_841 = arith.constant 3 : i32
      %add3A_842 = arith.addi %mul3A_497, %add3A_841 : i32
      %add3A_843 = arith.constant 10 : i32
      %add3A_844 = arith.addi %add3A_842, %add3A_843 : i32
      %dma_start3A_845 = arith.constant 3 : i32
      %dma_start3A_846 = arith.constant 0 : i32
      %dma_start3A_847 = arith.constant 0 : i32
      %dma_start3A_848 = tpu.memref_slice %arg7[%dma_start3A_845, %dma_start3A_846, %dma_start3A_847] : memref<10x125x16xf32, #tpu.memory_space<vmem>> -> memref<1x125x16xf32, #tpu.memory_space<vmem>>
      %dma_start3A_849 = tpu.memref_squeeze %dma_start3A_848 : memref<1x125x16xf32, #tpu.memory_space<vmem>> -> memref<125x16xf32, #tpu.memory_space<vmem>>
      %dma_start3A_850 = arith.constant 0 : i32
      %dma_start3A_851 = tpu.memref_slice %arg5[%add3A_844, %dma_start3A_850] : memref<80x125xi32, #tpu.memory_space<vmem>> -> memref<1x125xi32, #tpu.memory_space<vmem>>
      %dma_start3A_852 = tpu.memref_squeeze %dma_start3A_851 : memref<1x125xi32, #tpu.memory_space<vmem>> -> memref<125xi32, #tpu.memory_space<vmem>>
      %dma_start3A_853 = arith.constant 0 : i32
      %dma_start3A_854 = arith.constant 0 : i32
      %dma_start3A_855 = tpu.memref_slice %arg2[%dma_start3A_853, %dma_start3A_854] : memref<10000x16xf32, #tpu.memory_space<hbm>> -> memref<10000x16xf32, #tpu.memory_space<hbm>>
      tpu.enqueue_indirect_dma source(%dma_start3A_855 : memref<10000x16xf32, #tpu.memory_space<hbm>>) target(%dma_start3A_849 : memref<125x16xf32, #tpu.memory_space<vmem>>) offsets(%dma_start3A_852 : memref<125xi32, #tpu.memory_space<vmem>>) semaphore(%arg13 : memref<!tpu.dma_semaphore, #tpu.memory_space<semaphore_mem>>)
      %dma_wait3A_856 = arith.constant 4 : i32
      %dma_wait3A_857 = arith.constant 0 : i32
      %dma_wait3A_858 = arith.constant 0 : i32
      %dma_wait3A_859 = arith.constant 0 : i32
      %dma_wait3A_860 = tpu.memref_slice %arg7[%dma_wait3A_856, %dma_wait3A_858, %dma_wait3A_859] : memref<10x125x16xf32, #tpu.memory_space<vmem>> -> memref<1x125x16xf32, #tpu.memory_space<vmem>>
      %dma_wait3A_861 = tpu.memref_squeeze %dma_wait3A_860 : memref<1x125x16xf32, #tpu.memory_space<vmem>> -> memref<125x16xf32, #tpu.memory_space<vmem>>
      %dma_wait3A_862 = arith.constant 0 : i32
      %dma_wait3A_863 = tpu.memref_slice %arg6[%dma_wait3A_857, %dma_wait3A_862] : memref<80x125xi32, #tpu.memory_space<vmem>> -> memref<1x125xi32, #tpu.memory_space<vmem>>
      %dma_wait3A_864 = tpu.memref_squeeze %dma_wait3A_863 : memref<1x125xi32, #tpu.memory_space<vmem>> -> memref<125xi32, #tpu.memory_space<vmem>>
      %dma_wait3A_865 = arith.constant 0 : i32
      %dma_wait3A_866 = arith.constant 0 : i32
      %dma_wait3A_867 = tpu.memref_slice %arg9[%dma_wait3A_865, %dma_wait3A_866] : memref<10240x16xf32, #tpu.memory_space<vmem_shared>> -> memref<10240x16xf32, #tpu.memory_space<vmem_shared>>
      tpu.wait_indirect_dma semaphore(%arg24 : memref<!tpu.dma_semaphore, #tpu.memory_space<semaphore_mem>>) src(%dma_wait3A_861 : memref<125x16xf32, #tpu.memory_space<vmem>>) dst(%dma_wait3A_867 : memref<10240x16xf32, #tpu.memory_space<vmem_shared>>)
      %add3A_868 = arith.constant 4 : i32
      %add3A_869 = arith.addi %mul3A_497, %add3A_868 : i32
      %add3A_870 = arith.constant 10 : i32
      %add3A_871 = arith.addi %add3A_869, %add3A_870 : i32
      %dma_start3A_872 = arith.constant 4 : i32
      %dma_start3A_873 = arith.constant 0 : i32
      %dma_start3A_874 = arith.constant 0 : i32
      %dma_start3A_875 = tpu.memref_slice %arg7[%dma_start3A_872, %dma_start3A_873, %dma_start3A_874] : memref<10x125x16xf32, #tpu.memory_space<vmem>> -> memref<1x125x16xf32, #tpu.memory_space<vmem>>
      %dma_start3A_876 = tpu.memref_squeeze %dma_start3A_875 : memref<1x125x16xf32, #tpu.memory_space<vmem>> -> memref<125x16xf32, #tpu.memory_space<vmem>>
      %dma_start3A_877 = arith.constant 0 : i32
      %dma_start3A_878 = tpu.memref_slice %arg5[%add3A_871, %dma_start3A_877] : memref<80x125xi32, #tpu.memory_space<vmem>> -> memref<1x125xi32, #tpu.memory_space<vmem>>
      %dma_start3A_879 = tpu.memref_squeeze %dma_start3A_878 : memref<1x125xi32, #tpu.memory_space<vmem>> -> memref<125xi32, #tpu.memory_space<vmem>>
      %dma_start3A_880 = arith.constant 0 : i32
      %dma_start3A_881 = arith.constant 0 : i32
      %dma_start3A_882 = tpu.memref_slice %arg2[%dma_start3A_880, %dma_start3A_881] : memref<10000x16xf32, #tpu.memory_space<hbm>> -> memref<10000x16xf32, #tpu.memory_space<hbm>>
      tpu.enqueue_indirect_dma source(%dma_start3A_882 : memref<10000x16xf32, #tpu.memory_space<hbm>>) target(%dma_start3A_876 : memref<125x16xf32, #tpu.memory_space<vmem>>) offsets(%dma_start3A_879 : memref<125xi32, #tpu.memory_space<vmem>>) semaphore(%arg14 : memref<!tpu.dma_semaphore, #tpu.memory_space<semaphore_mem>>)
      %dma_wait3A_883 = arith.constant 5 : i32
      %dma_wait3A_884 = arith.constant 0 : i32
      %dma_wait3A_885 = arith.constant 0 : i32
      %dma_wait3A_886 = arith.constant 0 : i32
      %dma_wait3A_887 = tpu.memref_slice %arg7[%dma_wait3A_883, %dma_wait3A_885, %dma_wait3A_886] : memref<10x125x16xf32, #tpu.memory_space<vmem>> -> memref<1x125x16xf32, #tpu.memory_space<vmem>>
      %dma_wait3A_888 = tpu.memref_squeeze %dma_wait3A_887 : memref<1x125x16xf32, #tpu.memory_space<vmem>> -> memref<125x16xf32, #tpu.memory_space<vmem>>
      %dma_wait3A_889 = arith.constant 0 : i32
      %dma_wait3A_890 = tpu.memref_slice %arg6[%dma_wait3A_884, %dma_wait3A_889] : memref<80x125xi32, #tpu.memory_space<vmem>> -> memref<1x125xi32, #tpu.memory_space<vmem>>
      %dma_wait3A_891 = tpu.memref_squeeze %dma_wait3A_890 : memref<1x125xi32, #tpu.memory_space<vmem>> -> memref<125xi32, #tpu.memory_space<vmem>>
      %dma_wait3A_892 = arith.constant 0 : i32
      %dma_wait3A_893 = arith.constant 0 : i32
      %dma_wait3A_894 = tpu.memref_slice %arg9[%dma_wait3A_892, %dma_wait3A_893] : memref<10240x16xf32, #tpu.memory_space<vmem_shared>> -> memref<10240x16xf32, #tpu.memory_space<vmem_shared>>
      tpu.wait_indirect_dma semaphore(%arg25 : memref<!tpu.dma_semaphore, #tpu.memory_space<semaphore_mem>>) src(%dma_wait3A_888 : memref<125x16xf32, #tpu.memory_space<vmem>>) dst(%dma_wait3A_894 : memref<10240x16xf32, #tpu.memory_space<vmem_shared>>)
      %add3A_895 = arith.constant 5 : i32
      %add3A_896 = arith.addi %mul3A_497, %add3A_895 : i32
      %add3A_897 = arith.constant 10 : i32
      %add3A_898 = arith.addi %add3A_896, %add3A_897 : i32
      %dma_start3A_899 = arith.constant 5 : i32
      %dma_start3A_900 = arith.constant 0 : i32
      %dma_start3A_901 = arith.constant 0 : i32
      %dma_start3A_902 = tpu.memref_slice %arg7[%dma_start3A_899, %dma_start3A_900, %dma_start3A_901] : memref<10x125x16xf32, #tpu.memory_space<vmem>> -> memref<1x125x16xf32, #tpu.memory_space<vmem>>
      %dma_start3A_903 = tpu.memref_squeeze %dma_start3A_902 : memref<1x125x16xf32, #tpu.memory_space<vmem>> -> memref<125x16xf32, #tpu.memory_space<vmem>>
      %dma_start3A_904 = arith.constant 0 : i32
      %dma_start3A_905 = tpu.memref_slice %arg5[%add3A_898, %dma_start3A_904] : memref<80x125xi32, #tpu.memory_space<vmem>> -> memref<1x125xi32, #tpu.memory_space<vmem>>
      %dma_start3A_906 = tpu.memref_squeeze %dma_start3A_905 : memref<1x125xi32, #tpu.memory_space<vmem>> -> memref<125xi32, #tpu.memory_space<vmem>>
      %dma_start3A_907 = arith.constant 0 : i32
      %dma_start3A_908 = arith.constant 0 : i32
      %dma_start3A_909 = tpu.memref_slice %arg2[%dma_start3A_907, %dma_start3A_908] : memref<10000x16xf32, #tpu.memory_space<hbm>> -> memref<10000x16xf32, #tpu.memory_space<hbm>>
      tpu.enqueue_indirect_dma source(%dma_start3A_909 : memref<10000x16xf32, #tpu.memory_space<hbm>>) target(%dma_start3A_903 : memref<125x16xf32, #tpu.memory_space<vmem>>) offsets(%dma_start3A_906 : memref<125xi32, #tpu.memory_space<vmem>>) semaphore(%arg15 : memref<!tpu.dma_semaphore, #tpu.memory_space<semaphore_mem>>)
      %dma_wait3A_910 = arith.constant 6 : i32
      %dma_wait3A_911 = arith.constant 0 : i32
      %dma_wait3A_912 = arith.constant 0 : i32
      %dma_wait3A_913 = arith.constant 0 : i32
      %dma_wait3A_914 = tpu.memref_slice %arg7[%dma_wait3A_910, %dma_wait3A_912, %dma_wait3A_913] : memref<10x125x16xf32, #tpu.memory_space<vmem>> -> memref<1x125x16xf32, #tpu.memory_space<vmem>>
      %dma_wait3A_915 = tpu.memref_squeeze %dma_wait3A_914 : memref<1x125x16xf32, #tpu.memory_space<vmem>> -> memref<125x16xf32, #tpu.memory_space<vmem>>
      %dma_wait3A_916 = arith.constant 0 : i32
      %dma_wait3A_917 = tpu.memref_slice %arg6[%dma_wait3A_911, %dma_wait3A_916] : memref<80x125xi32, #tpu.memory_space<vmem>> -> memref<1x125xi32, #tpu.memory_space<vmem>>
      %dma_wait3A_918 = tpu.memref_squeeze %dma_wait3A_917 : memref<1x125xi32, #tpu.memory_space<vmem>> -> memref<125xi32, #tpu.memory_space<vmem>>
      %dma_wait3A_919 = arith.constant 0 : i32
      %dma_wait3A_920 = arith.constant 0 : i32
      %dma_wait3A_921 = tpu.memref_slice %arg9[%dma_wait3A_919, %dma_wait3A_920] : memref<10240x16xf32, #tpu.memory_space<vmem_shared>> -> memref<10240x16xf32, #tpu.memory_space<vmem_shared>>
      tpu.wait_indirect_dma semaphore(%arg26 : memref<!tpu.dma_semaphore, #tpu.memory_space<semaphore_mem>>) src(%dma_wait3A_915 : memref<125x16xf32, #tpu.memory_space<vmem>>) dst(%dma_wait3A_921 : memref<10240x16xf32, #tpu.memory_space<vmem_shared>>)
      %add3A_922 = arith.constant 6 : i32
      %add3A_923 = arith.addi %mul3A_497, %add3A_922 : i32
      %add3A_924 = arith.constant 10 : i32
      %add3A_925 = arith.addi %add3A_923, %add3A_924 : i32
      %dma_start3A_926 = arith.constant 6 : i32
      %dma_start3A_927 = arith.constant 0 : i32
      %dma_start3A_928 = arith.constant 0 : i32
      %dma_start3A_929 = tpu.memref_slice %arg7[%dma_start3A_926, %dma_start3A_927, %dma_start3A_928] : memref<10x125x16xf32, #tpu.memory_space<vmem>> -> memref<1x125x16xf32, #tpu.memory_space<vmem>>
      %dma_start3A_930 = tpu.memref_squeeze %dma_start3A_929 : memref<1x125x16xf32, #tpu.memory_space<vmem>> -> memref<125x16xf32, #tpu.memory_space<vmem>>
      %dma_start3A_931 = arith.constant 0 : i32
      %dma_start3A_932 = tpu.memref_slice %arg5[%add3A_925, %dma_start3A_931] : memref<80x125xi32, #tpu.memory_space<vmem>> -> memref<1x125xi32, #tpu.memory_space<vmem>>
      %dma_start3A_933 = tpu.memref_squeeze %dma_start3A_932 : memref<1x125xi32, #tpu.memory_space<vmem>> -> memref<125xi32, #tpu.memory_space<vmem>>
      %dma_start3A_934 = arith.constant 0 : i32
      %dma_start3A_935 = arith.constant 0 : i32
      %dma_start3A_936 = tpu.memref_slice %arg2[%dma_start3A_934, %dma_start3A_935] : memref<10000x16xf32, #tpu.memory_space<hbm>> -> memref<10000x16xf32, #tpu.memory_space<hbm>>
      tpu.enqueue_indirect_dma source(%dma_start3A_936 : memref<10000x16xf32, #tpu.memory_space<hbm>>) target(%dma_start3A_930 : memref<125x16xf32, #tpu.memory_space<vmem>>) offsets(%dma_start3A_933 : memref<125xi32, #tpu.memory_space<vmem>>) semaphore(%arg16 : memref<!tpu.dma_semaphore, #tpu.memory_space<semaphore_mem>>)
      %dma_wait3A_937 = arith.constant 7 : i32
      %dma_wait3A_938 = arith.constant 0 : i32
      %dma_wait3A_939 = arith.constant 0 : i32
      %dma_wait3A_940 = arith.constant 0 : i32
      %dma_wait3A_941 = tpu.memref_slice %arg7[%dma_wait3A_937, %dma_wait3A_939, %dma_wait3A_940] : memref<10x125x16xf32, #tpu.memory_space<vmem>> -> memref<1x125x16xf32, #tpu.memory_space<vmem>>
      %dma_wait3A_942 = tpu.memref_squeeze %dma_wait3A_941 : memref<1x125x16xf32, #tpu.memory_space<vmem>> -> memref<125x16xf32, #tpu.memory_space<vmem>>
      %dma_wait3A_943 = arith.constant 0 : i32
      %dma_wait3A_944 = tpu.memref_slice %arg6[%dma_wait3A_938, %dma_wait3A_943] : memref<80x125xi32, #tpu.memory_space<vmem>> -> memref<1x125xi32, #tpu.memory_space<vmem>>
      %dma_wait3A_945 = tpu.memref_squeeze %dma_wait3A_944 : memref<1x125xi32, #tpu.memory_space<vmem>> -> memref<125xi32, #tpu.memory_space<vmem>>
      %dma_wait3A_946 = arith.constant 0 : i32
      %dma_wait3A_947 = arith.constant 0 : i32
      %dma_wait3A_948 = tpu.memref_slice %arg9[%dma_wait3A_946, %dma_wait3A_947] : memref<10240x16xf32, #tpu.memory_space<vmem_shared>> -> memref<10240x16xf32, #tpu.memory_space<vmem_shared>>
      tpu.wait_indirect_dma semaphore(%arg27 : memref<!tpu.dma_semaphore, #tpu.memory_space<semaphore_mem>>) src(%dma_wait3A_942 : memref<125x16xf32, #tpu.memory_space<vmem>>) dst(%dma_wait3A_948 : memref<10240x16xf32, #tpu.memory_space<vmem_shared>>)
      %add3A_949 = arith.constant 7 : i32
      %add3A_950 = arith.addi %mul3A_497, %add3A_949 : i32
      %add3A_951 = arith.constant 10 : i32
      %add3A_952 = arith.addi %add3A_950, %add3A_951 : i32
      %dma_start3A_953 = arith.constant 7 : i32
      %dma_start3A_954 = arith.constant 0 : i32
      %dma_start3A_955 = arith.constant 0 : i32
      %dma_start3A_956 = tpu.memref_slice %arg7[%dma_start3A_953, %dma_start3A_954, %dma_start3A_955] : memref<10x125x16xf32, #tpu.memory_space<vmem>> -> memref<1x125x16xf32, #tpu.memory_space<vmem>>
      %dma_start3A_957 = tpu.memref_squeeze %dma_start3A_956 : memref<1x125x16xf32, #tpu.memory_space<vmem>> -> memref<125x16xf32, #tpu.memory_space<vmem>>
      %dma_start3A_958 = arith.constant 0 : i32
      %dma_start3A_959 = tpu.memref_slice %arg5[%add3A_952, %dma_start3A_958] : memref<80x125xi32, #tpu.memory_space<vmem>> -> memref<1x125xi32, #tpu.memory_space<vmem>>
      %dma_start3A_960 = tpu.memref_squeeze %dma_start3A_959 : memref<1x125xi32, #tpu.memory_space<vmem>> -> memref<125xi32, #tpu.memory_space<vmem>>
      %dma_start3A_961 = arith.constant 0 : i32
      %dma_start3A_962 = arith.constant 0 : i32
      %dma_start3A_963 = tpu.memref_slice %arg2[%dma_start3A_961, %dma_start3A_962] : memref<10000x16xf32, #tpu.memory_space<hbm>> -> memref<10000x16xf32, #tpu.memory_space<hbm>>
      tpu.enqueue_indirect_dma source(%dma_start3A_963 : memref<10000x16xf32, #tpu.memory_space<hbm>>) target(%dma_start3A_957 : memref<125x16xf32, #tpu.memory_space<vmem>>) offsets(%dma_start3A_960 : memref<125xi32, #tpu.memory_space<vmem>>) semaphore(%arg17 : memref<!tpu.dma_semaphore, #tpu.memory_space<semaphore_mem>>)
      %dma_wait3A_964 = arith.constant 8 : i32
      %dma_wait3A_965 = arith.constant 0 : i32
      %dma_wait3A_966 = arith.constant 0 : i32
      %dma_wait3A_967 = arith.constant 0 : i32
      %dma_wait3A_968 = tpu.memref_slice %arg7[%dma_wait3A_964, %dma_wait3A_966, %dma_wait3A_967] : memref<10x125x16xf32, #tpu.memory_space<vmem>> -> memref<1x125x16xf32, #tpu.memory_space<vmem>>
      %dma_wait3A_969 = tpu.memref_squeeze %dma_wait3A_968 : memref<1x125x16xf32, #tpu.memory_space<vmem>> -> memref<125x16xf32, #tpu.memory_space<vmem>>
      %dma_wait3A_970 = arith.constant 0 : i32
      %dma_wait3A_971 = tpu.memref_slice %arg6[%dma_wait3A_965, %dma_wait3A_970] : memref<80x125xi32, #tpu.memory_space<vmem>> -> memref<1x125xi32, #tpu.memory_space<vmem>>
      %dma_wait3A_972 = tpu.memref_squeeze %dma_wait3A_971 : memref<1x125xi32, #tpu.memory_space<vmem>> -> memref<125xi32, #tpu.memory_space<vmem>>
      %dma_wait3A_973 = arith.constant 0 : i32
      %dma_wait3A_974 = arith.constant 0 : i32
      %dma_wait3A_975 = tpu.memref_slice %arg9[%dma_wait3A_973, %dma_wait3A_974] : memref<10240x16xf32, #tpu.memory_space<vmem_shared>> -> memref<10240x16xf32, #tpu.memory_space<vmem_shared>>
      tpu.wait_indirect_dma semaphore(%arg28 : memref<!tpu.dma_semaphore, #tpu.memory_space<semaphore_mem>>) src(%dma_wait3A_969 : memref<125x16xf32, #tpu.memory_space<vmem>>) dst(%dma_wait3A_975 : memref<10240x16xf32, #tpu.memory_space<vmem_shared>>)
      %add3A_976 = arith.constant 8 : i32
      %add3A_977 = arith.addi %mul3A_497, %add3A_976 : i32
      %add3A_978 = arith.constant 10 : i32
      %add3A_979 = arith.addi %add3A_977, %add3A_978 : i32
      %dma_start3A_980 = arith.constant 8 : i32
      %dma_start3A_981 = arith.constant 0 : i32
      %dma_start3A_982 = arith.constant 0 : i32
      %dma_start3A_983 = tpu.memref_slice %arg7[%dma_start3A_980, %dma_start3A_981, %dma_start3A_982] : memref<10x125x16xf32, #tpu.memory_space<vmem>> -> memref<1x125x16xf32, #tpu.memory_space<vmem>>
      %dma_start3A_984 = tpu.memref_squeeze %dma_start3A_983 : memref<1x125x16xf32, #tpu.memory_space<vmem>> -> memref<125x16xf32, #tpu.memory_space<vmem>>
      %dma_start3A_985 = arith.constant 0 : i32
      %dma_start3A_986 = tpu.memref_slice %arg5[%add3A_979, %dma_start3A_985] : memref<80x125xi32, #tpu.memory_space<vmem>> -> memref<1x125xi32, #tpu.memory_space<vmem>>
      %dma_start3A_987 = tpu.memref_squeeze %dma_start3A_986 : memref<1x125xi32, #tpu.memory_space<vmem>> -> memref<125xi32, #tpu.memory_space<vmem>>
      %dma_start3A_988 = arith.constant 0 : i32
      %dma_start3A_989 = arith.constant 0 : i32
      %dma_start3A_990 = tpu.memref_slice %arg2[%dma_start3A_988, %dma_start3A_989] : memref<10000x16xf32, #tpu.memory_space<hbm>> -> memref<10000x16xf32, #tpu.memory_space<hbm>>
      tpu.enqueue_indirect_dma source(%dma_start3A_990 : memref<10000x16xf32, #tpu.memory_space<hbm>>) target(%dma_start3A_984 : memref<125x16xf32, #tpu.memory_space<vmem>>) offsets(%dma_start3A_987 : memref<125xi32, #tpu.memory_space<vmem>>) semaphore(%arg18 : memref<!tpu.dma_semaphore, #tpu.memory_space<semaphore_mem>>)
      %dma_wait3A_991 = arith.constant 9 : i32
      %dma_wait3A_992 = arith.constant 0 : i32
      %dma_wait3A_993 = arith.constant 0 : i32
      %dma_wait3A_994 = arith.constant 0 : i32
      %dma_wait3A_995 = tpu.memref_slice %arg7[%dma_wait3A_991, %dma_wait3A_993, %dma_wait3A_994] : memref<10x125x16xf32, #tpu.memory_space<vmem>> -> memref<1x125x16xf32, #tpu.memory_space<vmem>>
      %dma_wait3A_996 = tpu.memref_squeeze %dma_wait3A_995 : memref<1x125x16xf32, #tpu.memory_space<vmem>> -> memref<125x16xf32, #tpu.memory_space<vmem>>
      %dma_wait3A_997 = arith.constant 0 : i32
      %dma_wait3A_998 = tpu.memref_slice %arg6[%dma_wait3A_992, %dma_wait3A_997] : memref<80x125xi32, #tpu.memory_space<vmem>> -> memref<1x125xi32, #tpu.memory_space<vmem>>
      %dma_wait3A_999 = tpu.memref_squeeze %dma_wait3A_998 : memref<1x125xi32, #tpu.memory_space<vmem>> -> memref<125xi32, #tpu.memory_space<vmem>>
      %dma_wait3A_1000 = arith.constant 0 : i32
      %dma_wait3A_1001 = arith.constant 0 : i32
      %dma_wait3A_1002 = tpu.memref_slice %arg9[%dma_wait3A_1000, %dma_wait3A_1001] : memref<10240x16xf32, #tpu.memory_space<vmem_shared>> -> memref<10240x16xf32, #tpu.memory_space<vmem_shared>>
      tpu.wait_indirect_dma semaphore(%arg29 : memref<!tpu.dma_semaphore, #tpu.memory_space<semaphore_mem>>) src(%dma_wait3A_996 : memref<125x16xf32, #tpu.memory_space<vmem>>) dst(%dma_wait3A_1002 : memref<10240x16xf32, #tpu.memory_space<vmem_shared>>)
      %add3A_1003 = arith.constant 9 : i32
      %add3A_1004 = arith.addi %mul3A_497, %add3A_1003 : i32
      %add3A_1005 = arith.constant 10 : i32
      %add3A_1006 = arith.addi %add3A_1004, %add3A_1005 : i32
      %dma_start3A_1007 = arith.constant 9 : i32
      %dma_start3A_1008 = arith.constant 0 : i32
      %dma_start3A_1009 = arith.constant 0 : i32
      %dma_start3A_1010 = tpu.memref_slice %arg7[%dma_start3A_1007, %dma_start3A_1008, %dma_start3A_1009] : memref<10x125x16xf32, #tpu.memory_space<vmem>> -> memref<1x125x16xf32, #tpu.memory_space<vmem>>
      %dma_start3A_1011 = tpu.memref_squeeze %dma_start3A_1010 : memref<1x125x16xf32, #tpu.memory_space<vmem>> -> memref<125x16xf32, #tpu.memory_space<vmem>>
      %dma_start3A_1012 = arith.constant 0 : i32
      %dma_start3A_1013 = tpu.memref_slice %arg5[%add3A_1006, %dma_start3A_1012] : memref<80x125xi32, #tpu.memory_space<vmem>> -> memref<1x125xi32, #tpu.memory_space<vmem>>
      %dma_start3A_1014 = tpu.memref_squeeze %dma_start3A_1013 : memref<1x125xi32, #tpu.memory_space<vmem>> -> memref<125xi32, #tpu.memory_space<vmem>>
      %dma_start3A_1015 = arith.constant 0 : i32
      %dma_start3A_1016 = arith.constant 0 : i32
      %dma_start3A_1017 = tpu.memref_slice %arg2[%dma_start3A_1015, %dma_start3A_1016] : memref<10000x16xf32, #tpu.memory_space<hbm>> -> memref<10000x16xf32, #tpu.memory_space<hbm>>
      tpu.enqueue_indirect_dma source(%dma_start3A_1017 : memref<10000x16xf32, #tpu.memory_space<hbm>>) target(%dma_start3A_1011 : memref<125x16xf32, #tpu.memory_space<vmem>>) offsets(%dma_start3A_1014 : memref<125xi32, #tpu.memory_space<vmem>>) semaphore(%arg19 : memref<!tpu.dma_semaphore, #tpu.memory_space<semaphore_mem>>)
    }
    %scan3A_134 = arith.constant 7 : i32
    %dma_wait3A = arith.constant 0 : i32
    %dma_wait3A_135 = arith.constant 0 : i32
    %dma_wait3A_136 = arith.constant 0 : i32
    %dma_wait3A_137 = arith.constant 0 : i32
    %dma_wait3A_138 = tpu.memref_slice %arg7[%dma_wait3A_135, %dma_wait3A_136, %dma_wait3A_137] : memref<10x125x16xf32, #tpu.memory_space<vmem>> -> memref<1x125x16xf32, #tpu.memory_space<vmem>>
    %dma_wait3A_139 = tpu.memref_squeeze %dma_wait3A_138 : memref<1x125x16xf32, #tpu.memory_space<vmem>> -> memref<125x16xf32, #tpu.memory_space<vmem>>
    %dma_wait3A_140 = arith.constant 0 : i32
    %dma_wait3A_141 = tpu.memref_slice %arg5[%dma_wait3A, %dma_wait3A_140] : memref<80x125xi32, #tpu.memory_space<vmem>> -> memref<1x125xi32, #tpu.memory_space<vmem>>
    %dma_wait3A_142 = tpu.memref_squeeze %dma_wait3A_141 : memref<1x125xi32, #tpu.memory_space<vmem>> -> memref<125xi32, #tpu.memory_space<vmem>>
    %dma_wait3A_143 = arith.constant 0 : i32
    %dma_wait3A_144 = arith.constant 0 : i32
    %dma_wait3A_145 = tpu.memref_slice %arg2[%dma_wait3A_143, %dma_wait3A_144] : memref<10000x16xf32, #tpu.memory_space<hbm>> -> memref<10000x16xf32, #tpu.memory_space<hbm>>
    tpu.wait_indirect_dma semaphore(%arg10 : memref<!tpu.dma_semaphore, #tpu.memory_space<semaphore_mem>>) src(%dma_wait3A_145 : memref<10000x16xf32, #tpu.memory_space<hbm>>) dst(%dma_wait3A_139 : memref<125x16xf32, #tpu.memory_space<vmem>>)
    %dma_start3A_146 = arith.constant 0 : i32
    %dma_start3A_147 = arith.constant 70 : i32
    %dma_start3A_148 = arith.constant 0 : i32
    %dma_start3A_149 = arith.constant 0 : i32
    %dma_start3A_150 = tpu.memref_slice %arg7[%dma_start3A_146, %dma_start3A_148, %dma_start3A_149] : memref<10x125x16xf32, #tpu.memory_space<vmem>> -> memref<1x125x16xf32, #tpu.memory_space<vmem>>
    %dma_start3A_151 = tpu.memref_squeeze %dma_start3A_150 : memref<1x125x16xf32, #tpu.memory_space<vmem>> -> memref<125x16xf32, #tpu.memory_space<vmem>>
    %dma_start3A_152 = arith.constant 0 : i32
    %dma_start3A_153 = tpu.memref_slice %arg6[%dma_start3A_147, %dma_start3A_152] : memref<80x125xi32, #tpu.memory_space<vmem>> -> memref<1x125xi32, #tpu.memory_space<vmem>>
    %dma_start3A_154 = tpu.memref_squeeze %dma_start3A_153 : memref<1x125xi32, #tpu.memory_space<vmem>> -> memref<125xi32, #tpu.memory_space<vmem>>
    %dma_start3A_155 = arith.constant 0 : i32
    %dma_start3A_156 = arith.constant 0 : i32
    %dma_start3A_157 = tpu.memref_slice %arg9[%dma_start3A_155, %dma_start3A_156] : memref<10240x16xf32, #tpu.memory_space<vmem_shared>> -> memref<10240x16xf32, #tpu.memory_space<vmem_shared>>
    tpu.enqueue_indirect_dma source(%dma_start3A_151 : memref<125x16xf32, #tpu.memory_space<vmem>>) target(%dma_start3A_157 : memref<10240x16xf32, #tpu.memory_space<vmem_shared>>) offsets(%dma_start3A_154 : memref<125xi32, #tpu.memory_space<vmem>>) semaphore(%arg20 : memref<!tpu.dma_semaphore, #tpu.memory_space<semaphore_mem>>) {add = true}
    %dma_wait3A_158 = arith.constant 0 : i32
    %dma_wait3A_159 = arith.constant 1 : i32
    %dma_wait3A_160 = arith.constant 0 : i32
    %dma_wait3A_161 = arith.constant 0 : i32
    %dma_wait3A_162 = tpu.memref_slice %arg7[%dma_wait3A_159, %dma_wait3A_160, %dma_wait3A_161] : memref<10x125x16xf32, #tpu.memory_space<vmem>> -> memref<1x125x16xf32, #tpu.memory_space<vmem>>
    %dma_wait3A_163 = tpu.memref_squeeze %dma_wait3A_162 : memref<1x125x16xf32, #tpu.memory_space<vmem>> -> memref<125x16xf32, #tpu.memory_space<vmem>>
    %dma_wait3A_164 = arith.constant 0 : i32
    %dma_wait3A_165 = tpu.memref_slice %arg5[%dma_wait3A_158, %dma_wait3A_164] : memref<80x125xi32, #tpu.memory_space<vmem>> -> memref<1x125xi32, #tpu.memory_space<vmem>>
    %dma_wait3A_166 = tpu.memref_squeeze %dma_wait3A_165 : memref<1x125xi32, #tpu.memory_space<vmem>> -> memref<125xi32, #tpu.memory_space<vmem>>
    %dma_wait3A_167 = arith.constant 0 : i32
    %dma_wait3A_168 = arith.constant 0 : i32
    %dma_wait3A_169 = tpu.memref_slice %arg2[%dma_wait3A_167, %dma_wait3A_168] : memref<10000x16xf32, #tpu.memory_space<hbm>> -> memref<10000x16xf32, #tpu.memory_space<hbm>>
    tpu.wait_indirect_dma semaphore(%arg11 : memref<!tpu.dma_semaphore, #tpu.memory_space<semaphore_mem>>) src(%dma_wait3A_169 : memref<10000x16xf32, #tpu.memory_space<hbm>>) dst(%dma_wait3A_163 : memref<125x16xf32, #tpu.memory_space<vmem>>)
    %dma_start3A_170 = arith.constant 1 : i32
    %dma_start3A_171 = arith.constant 71 : i32
    %dma_start3A_172 = arith.constant 0 : i32
    %dma_start3A_173 = arith.constant 0 : i32
    %dma_start3A_174 = tpu.memref_slice %arg7[%dma_start3A_170, %dma_start3A_172, %dma_start3A_173] : memref<10x125x16xf32, #tpu.memory_space<vmem>> -> memref<1x125x16xf32, #tpu.memory_space<vmem>>
    %dma_start3A_175 = tpu.memref_squeeze %dma_start3A_174 : memref<1x125x16xf32, #tpu.memory_space<vmem>> -> memref<125x16xf32, #tpu.memory_space<vmem>>
    %dma_start3A_176 = arith.constant 0 : i32
    %dma_start3A_177 = tpu.memref_slice %arg6[%dma_start3A_171, %dma_start3A_176] : memref<80x125xi32, #tpu.memory_space<vmem>> -> memref<1x125xi32, #tpu.memory_space<vmem>>
    %dma_start3A_178 = tpu.memref_squeeze %dma_start3A_177 : memref<1x125xi32, #tpu.memory_space<vmem>> -> memref<125xi32, #tpu.memory_space<vmem>>
    %dma_start3A_179 = arith.constant 0 : i32
    %dma_start3A_180 = arith.constant 0 : i32
    %dma_start3A_181 = tpu.memref_slice %arg9[%dma_start3A_179, %dma_start3A_180] : memref<10240x16xf32, #tpu.memory_space<vmem_shared>> -> memref<10240x16xf32, #tpu.memory_space<vmem_shared>>
    tpu.enqueue_indirect_dma source(%dma_start3A_175 : memref<125x16xf32, #tpu.memory_space<vmem>>) target(%dma_start3A_181 : memref<10240x16xf32, #tpu.memory_space<vmem_shared>>) offsets(%dma_start3A_178 : memref<125xi32, #tpu.memory_space<vmem>>) semaphore(%arg21 : memref<!tpu.dma_semaphore, #tpu.memory_space<semaphore_mem>>) {add = true}
    %dma_wait3A_182 = arith.constant 0 : i32
    %dma_wait3A_183 = arith.constant 2 : i32
    %dma_wait3A_184 = arith.constant 0 : i32
    %dma_wait3A_185 = arith.constant 0 : i32
    %dma_wait3A_186 = tpu.memref_slice %arg7[%dma_wait3A_183, %dma_wait3A_184, %dma_wait3A_185] : memref<10x125x16xf32, #tpu.memory_space<vmem>> -> memref<1x125x16xf32, #tpu.memory_space<vmem>>
    %dma_wait3A_187 = tpu.memref_squeeze %dma_wait3A_186 : memref<1x125x16xf32, #tpu.memory_space<vmem>> -> memref<125x16xf32, #tpu.memory_space<vmem>>
    %dma_wait3A_188 = arith.constant 0 : i32
    %dma_wait3A_189 = tpu.memref_slice %arg5[%dma_wait3A_182, %dma_wait3A_188] : memref<80x125xi32, #tpu.memory_space<vmem>> -> memref<1x125xi32, #tpu.memory_space<vmem>>
    %dma_wait3A_190 = tpu.memref_squeeze %dma_wait3A_189 : memref<1x125xi32, #tpu.memory_space<vmem>> -> memref<125xi32, #tpu.memory_space<vmem>>
    %dma_wait3A_191 = arith.constant 0 : i32
    %dma_wait3A_192 = arith.constant 0 : i32
    %dma_wait3A_193 = tpu.memref_slice %arg2[%dma_wait3A_191, %dma_wait3A_192] : memref<10000x16xf32, #tpu.memory_space<hbm>> -> memref<10000x16xf32, #tpu.memory_space<hbm>>
    tpu.wait_indirect_dma semaphore(%arg12 : memref<!tpu.dma_semaphore, #tpu.memory_space<semaphore_mem>>) src(%dma_wait3A_193 : memref<10000x16xf32, #tpu.memory_space<hbm>>) dst(%dma_wait3A_187 : memref<125x16xf32, #tpu.memory_space<vmem>>)
    %dma_start3A_194 = arith.constant 2 : i32
    %dma_start3A_195 = arith.constant 72 : i32
    %dma_start3A_196 = arith.constant 0 : i32
    %dma_start3A_197 = arith.constant 0 : i32
    %dma_start3A_198 = tpu.memref_slice %arg7[%dma_start3A_194, %dma_start3A_196, %dma_start3A_197] : memref<10x125x16xf32, #tpu.memory_space<vmem>> -> memref<1x125x16xf32, #tpu.memory_space<vmem>>
    %dma_start3A_199 = tpu.memref_squeeze %dma_start3A_198 : memref<1x125x16xf32, #tpu.memory_space<vmem>> -> memref<125x16xf32, #tpu.memory_space<vmem>>
    %dma_start3A_200 = arith.constant 0 : i32
    %dma_start3A_201 = tpu.memref_slice %arg6[%dma_start3A_195, %dma_start3A_200] : memref<80x125xi32, #tpu.memory_space<vmem>> -> memref<1x125xi32, #tpu.memory_space<vmem>>
    %dma_start3A_202 = tpu.memref_squeeze %dma_start3A_201 : memref<1x125xi32, #tpu.memory_space<vmem>> -> memref<125xi32, #tpu.memory_space<vmem>>
    %dma_start3A_203 = arith.constant 0 : i32
    %dma_start3A_204 = arith.constant 0 : i32
    %dma_start3A_205 = tpu.memref_slice %arg9[%dma_start3A_203, %dma_start3A_204] : memref<10240x16xf32, #tpu.memory_space<vmem_shared>> -> memref<10240x16xf32, #tpu.memory_space<vmem_shared>>
    tpu.enqueue_indirect_dma source(%dma_start3A_199 : memref<125x16xf32, #tpu.memory_space<vmem>>) target(%dma_start3A_205 : memref<10240x16xf32, #tpu.memory_space<vmem_shared>>) offsets(%dma_start3A_202 : memref<125xi32, #tpu.memory_space<vmem>>) semaphore(%arg22 : memref<!tpu.dma_semaphore, #tpu.memory_space<semaphore_mem>>) {add = true}
    %dma_wait3A_206 = arith.constant 0 : i32
    %dma_wait3A_207 = arith.constant 3 : i32
    %dma_wait3A_208 = arith.constant 0 : i32
    %dma_wait3A_209 = arith.constant 0 : i32
    %dma_wait3A_210 = tpu.memref_slice %arg7[%dma_wait3A_207, %dma_wait3A_208, %dma_wait3A_209] : memref<10x125x16xf32, #tpu.memory_space<vmem>> -> memref<1x125x16xf32, #tpu.memory_space<vmem>>
    %dma_wait3A_211 = tpu.memref_squeeze %dma_wait3A_210 : memref<1x125x16xf32, #tpu.memory_space<vmem>> -> memref<125x16xf32, #tpu.memory_space<vmem>>
    %dma_wait3A_212 = arith.constant 0 : i32
    %dma_wait3A_213 = tpu.memref_slice %arg5[%dma_wait3A_206, %dma_wait3A_212] : memref<80x125xi32, #tpu.memory_space<vmem>> -> memref<1x125xi32, #tpu.memory_space<vmem>>
    %dma_wait3A_214 = tpu.memref_squeeze %dma_wait3A_213 : memref<1x125xi32, #tpu.memory_space<vmem>> -> memref<125xi32, #tpu.memory_space<vmem>>
    %dma_wait3A_215 = arith.constant 0 : i32
    %dma_wait3A_216 = arith.constant 0 : i32
    %dma_wait3A_217 = tpu.memref_slice %arg2[%dma_wait3A_215, %dma_wait3A_216] : memref<10000x16xf32, #tpu.memory_space<hbm>> -> memref<10000x16xf32, #tpu.memory_space<hbm>>
    tpu.wait_indirect_dma semaphore(%arg13 : memref<!tpu.dma_semaphore, #tpu.memory_space<semaphore_mem>>) src(%dma_wait3A_217 : memref<10000x16xf32, #tpu.memory_space<hbm>>) dst(%dma_wait3A_211 : memref<125x16xf32, #tpu.memory_space<vmem>>)
    %dma_start3A_218 = arith.constant 3 : i32
    %dma_start3A_219 = arith.constant 73 : i32
    %dma_start3A_220 = arith.constant 0 : i32
    %dma_start3A_221 = arith.constant 0 : i32
    %dma_start3A_222 = tpu.memref_slice %arg7[%dma_start3A_218, %dma_start3A_220, %dma_start3A_221] : memref<10x125x16xf32, #tpu.memory_space<vmem>> -> memref<1x125x16xf32, #tpu.memory_space<vmem>>
    %dma_start3A_223 = tpu.memref_squeeze %dma_start3A_222 : memref<1x125x16xf32, #tpu.memory_space<vmem>> -> memref<125x16xf32, #tpu.memory_space<vmem>>
    %dma_start3A_224 = arith.constant 0 : i32
    %dma_start3A_225 = tpu.memref_slice %arg6[%dma_start3A_219, %dma_start3A_224] : memref<80x125xi32, #tpu.memory_space<vmem>> -> memref<1x125xi32, #tpu.memory_space<vmem>>
    %dma_start3A_226 = tpu.memref_squeeze %dma_start3A_225 : memref<1x125xi32, #tpu.memory_space<vmem>> -> memref<125xi32, #tpu.memory_space<vmem>>
    %dma_start3A_227 = arith.constant 0 : i32
    %dma_start3A_228 = arith.constant 0 : i32
    %dma_start3A_229 = tpu.memref_slice %arg9[%dma_start3A_227, %dma_start3A_228] : memref<10240x16xf32, #tpu.memory_space<vmem_shared>> -> memref<10240x16xf32, #tpu.memory_space<vmem_shared>>
    tpu.enqueue_indirect_dma source(%dma_start3A_223 : memref<125x16xf32, #tpu.memory_space<vmem>>) target(%dma_start3A_229 : memref<10240x16xf32, #tpu.memory_space<vmem_shared>>) offsets(%dma_start3A_226 : memref<125xi32, #tpu.memory_space<vmem>>) semaphore(%arg23 : memref<!tpu.dma_semaphore, #tpu.memory_space<semaphore_mem>>) {add = true}
    %dma_wait3A_230 = arith.constant 0 : i32
    %dma_wait3A_231 = arith.constant 4 : i32
    %dma_wait3A_232 = arith.constant 0 : i32
    %dma_wait3A_233 = arith.constant 0 : i32
    %dma_wait3A_234 = tpu.memref_slice %arg7[%dma_wait3A_231, %dma_wait3A_232, %dma_wait3A_233] : memref<10x125x16xf32, #tpu.memory_space<vmem>> -> memref<1x125x16xf32, #tpu.memory_space<vmem>>
    %dma_wait3A_235 = tpu.memref_squeeze %dma_wait3A_234 : memref<1x125x16xf32, #tpu.memory_space<vmem>> -> memref<125x16xf32, #tpu.memory_space<vmem>>
    %dma_wait3A_236 = arith.constant 0 : i32
    %dma_wait3A_237 = tpu.memref_slice %arg5[%dma_wait3A_230, %dma_wait3A_236] : memref<80x125xi32, #tpu.memory_space<vmem>> -> memref<1x125xi32, #tpu.memory_space<vmem>>
    %dma_wait3A_238 = tpu.memref_squeeze %dma_wait3A_237 : memref<1x125xi32, #tpu.memory_space<vmem>> -> memref<125xi32, #tpu.memory_space<vmem>>
    %dma_wait3A_239 = arith.constant 0 : i32
    %dma_wait3A_240 = arith.constant 0 : i32
    %dma_wait3A_241 = tpu.memref_slice %arg2[%dma_wait3A_239, %dma_wait3A_240] : memref<10000x16xf32, #tpu.memory_space<hbm>> -> memref<10000x16xf32, #tpu.memory_space<hbm>>
    tpu.wait_indirect_dma semaphore(%arg14 : memref<!tpu.dma_semaphore, #tpu.memory_space<semaphore_mem>>) src(%dma_wait3A_241 : memref<10000x16xf32, #tpu.memory_space<hbm>>) dst(%dma_wait3A_235 : memref<125x16xf32, #tpu.memory_space<vmem>>)
    %dma_start3A_242 = arith.constant 4 : i32
    %dma_start3A_243 = arith.constant 74 : i32
    %dma_start3A_244 = arith.constant 0 : i32
    %dma_start3A_245 = arith.constant 0 : i32
    %dma_start3A_246 = tpu.memref_slice %arg7[%dma_start3A_242, %dma_start3A_244, %dma_start3A_245] : memref<10x125x16xf32, #tpu.memory_space<vmem>> -> memref<1x125x16xf32, #tpu.memory_space<vmem>>
    %dma_start3A_247 = tpu.memref_squeeze %dma_start3A_246 : memref<1x125x16xf32, #tpu.memory_space<vmem>> -> memref<125x16xf32, #tpu.memory_space<vmem>>
    %dma_start3A_248 = arith.constant 0 : i32
    %dma_start3A_249 = tpu.memref_slice %arg6[%dma_start3A_243, %dma_start3A_248] : memref<80x125xi32, #tpu.memory_space<vmem>> -> memref<1x125xi32, #tpu.memory_space<vmem>>
    %dma_start3A_250 = tpu.memref_squeeze %dma_start3A_249 : memref<1x125xi32, #tpu.memory_space<vmem>> -> memref<125xi32, #tpu.memory_space<vmem>>
    %dma_start3A_251 = arith.constant 0 : i32
    %dma_start3A_252 = arith.constant 0 : i32
    %dma_start3A_253 = tpu.memref_slice %arg9[%dma_start3A_251, %dma_start3A_252] : memref<10240x16xf32, #tpu.memory_space<vmem_shared>> -> memref<10240x16xf32, #tpu.memory_space<vmem_shared>>
    tpu.enqueue_indirect_dma source(%dma_start3A_247 : memref<125x16xf32, #tpu.memory_space<vmem>>) target(%dma_start3A_253 : memref<10240x16xf32, #tpu.memory_space<vmem_shared>>) offsets(%dma_start3A_250 : memref<125xi32, #tpu.memory_space<vmem>>) semaphore(%arg24 : memref<!tpu.dma_semaphore, #tpu.memory_space<semaphore_mem>>) {add = true}
    %dma_wait3A_254 = arith.constant 0 : i32
    %dma_wait3A_255 = arith.constant 5 : i32
    %dma_wait3A_256 = arith.constant 0 : i32
    %dma_wait3A_257 = arith.constant 0 : i32
    %dma_wait3A_258 = tpu.memref_slice %arg7[%dma_wait3A_255, %dma_wait3A_256, %dma_wait3A_257] : memref<10x125x16xf32, #tpu.memory_space<vmem>> -> memref<1x125x16xf32, #tpu.memory_space<vmem>>
    %dma_wait3A_259 = tpu.memref_squeeze %dma_wait3A_258 : memref<1x125x16xf32, #tpu.memory_space<vmem>> -> memref<125x16xf32, #tpu.memory_space<vmem>>
    %dma_wait3A_260 = arith.constant 0 : i32
    %dma_wait3A_261 = tpu.memref_slice %arg5[%dma_wait3A_254, %dma_wait3A_260] : memref<80x125xi32, #tpu.memory_space<vmem>> -> memref<1x125xi32, #tpu.memory_space<vmem>>
    %dma_wait3A_262 = tpu.memref_squeeze %dma_wait3A_261 : memref<1x125xi32, #tpu.memory_space<vmem>> -> memref<125xi32, #tpu.memory_space<vmem>>
    %dma_wait3A_263 = arith.constant 0 : i32
    %dma_wait3A_264 = arith.constant 0 : i32
    %dma_wait3A_265 = tpu.memref_slice %arg2[%dma_wait3A_263, %dma_wait3A_264] : memref<10000x16xf32, #tpu.memory_space<hbm>> -> memref<10000x16xf32, #tpu.memory_space<hbm>>
    tpu.wait_indirect_dma semaphore(%arg15 : memref<!tpu.dma_semaphore, #tpu.memory_space<semaphore_mem>>) src(%dma_wait3A_265 : memref<10000x16xf32, #tpu.memory_space<hbm>>) dst(%dma_wait3A_259 : memref<125x16xf32, #tpu.memory_space<vmem>>)
    %dma_start3A_266 = arith.constant 5 : i32
    %dma_start3A_267 = arith.constant 75 : i32
    %dma_start3A_268 = arith.constant 0 : i32
    %dma_start3A_269 = arith.constant 0 : i32
    %dma_start3A_270 = tpu.memref_slice %arg7[%dma_start3A_266, %dma_start3A_268, %dma_start3A_269] : memref<10x125x16xf32, #tpu.memory_space<vmem>> -> memref<1x125x16xf32, #tpu.memory_space<vmem>>
    %dma_start3A_271 = tpu.memref_squeeze %dma_start3A_270 : memref<1x125x16xf32, #tpu.memory_space<vmem>> -> memref<125x16xf32, #tpu.memory_space<vmem>>
    %dma_start3A_272 = arith.constant 0 : i32
    %dma_start3A_273 = tpu.memref_slice %arg6[%dma_start3A_267, %dma_start3A_272] : memref<80x125xi32, #tpu.memory_space<vmem>> -> memref<1x125xi32, #tpu.memory_space<vmem>>
    %dma_start3A_274 = tpu.memref_squeeze %dma_start3A_273 : memref<1x125xi32, #tpu.memory_space<vmem>> -> memref<125xi32, #tpu.memory_space<vmem>>
    %dma_start3A_275 = arith.constant 0 : i32
    %dma_start3A_276 = arith.constant 0 : i32
    %dma_start3A_277 = tpu.memref_slice %arg9[%dma_start3A_275, %dma_start3A_276] : memref<10240x16xf32, #tpu.memory_space<vmem_shared>> -> memref<10240x16xf32, #tpu.memory_space<vmem_shared>>
    tpu.enqueue_indirect_dma source(%dma_start3A_271 : memref<125x16xf32, #tpu.memory_space<vmem>>) target(%dma_start3A_277 : memref<10240x16xf32, #tpu.memory_space<vmem_shared>>) offsets(%dma_start3A_274 : memref<125xi32, #tpu.memory_space<vmem>>) semaphore(%arg25 : memref<!tpu.dma_semaphore, #tpu.memory_space<semaphore_mem>>) {add = true}
    %dma_wait3A_278 = arith.constant 0 : i32
    %dma_wait3A_279 = arith.constant 6 : i32
    %dma_wait3A_280 = arith.constant 0 : i32
    %dma_wait3A_281 = arith.constant 0 : i32
    %dma_wait3A_282 = tpu.memref_slice %arg7[%dma_wait3A_279, %dma_wait3A_280, %dma_wait3A_281] : memref<10x125x16xf32, #tpu.memory_space<vmem>> -> memref<1x125x16xf32, #tpu.memory_space<vmem>>
    %dma_wait3A_283 = tpu.memref_squeeze %dma_wait3A_282 : memref<1x125x16xf32, #tpu.memory_space<vmem>> -> memref<125x16xf32, #tpu.memory_space<vmem>>
    %dma_wait3A_284 = arith.constant 0 : i32
    %dma_wait3A_285 = tpu.memref_slice %arg5[%dma_wait3A_278, %dma_wait3A_284] : memref<80x125xi32, #tpu.memory_space<vmem>> -> memref<1x125xi32, #tpu.memory_space<vmem>>
    %dma_wait3A_286 = tpu.memref_squeeze %dma_wait3A_285 : memref<1x125xi32, #tpu.memory_space<vmem>> -> memref<125xi32, #tpu.memory_space<vmem>>
    %dma_wait3A_287 = arith.constant 0 : i32
    %dma_wait3A_288 = arith.constant 0 : i32
    %dma_wait3A_289 = tpu.memref_slice %arg2[%dma_wait3A_287, %dma_wait3A_288] : memref<10000x16xf32, #tpu.memory_space<hbm>> -> memref<10000x16xf32, #tpu.memory_space<hbm>>
    tpu.wait_indirect_dma semaphore(%arg16 : memref<!tpu.dma_semaphore, #tpu.memory_space<semaphore_mem>>) src(%dma_wait3A_289 : memref<10000x16xf32, #tpu.memory_space<hbm>>) dst(%dma_wait3A_283 : memref<125x16xf32, #tpu.memory_space<vmem>>)
    %dma_start3A_290 = arith.constant 6 : i32
    %dma_start3A_291 = arith.constant 76 : i32
    %dma_start3A_292 = arith.constant 0 : i32
    %dma_start3A_293 = arith.constant 0 : i32
    %dma_start3A_294 = tpu.memref_slice %arg7[%dma_start3A_290, %dma_start3A_292, %dma_start3A_293] : memref<10x125x16xf32, #tpu.memory_space<vmem>> -> memref<1x125x16xf32, #tpu.memory_space<vmem>>
    %dma_start3A_295 = tpu.memref_squeeze %dma_start3A_294 : memref<1x125x16xf32, #tpu.memory_space<vmem>> -> memref<125x16xf32, #tpu.memory_space<vmem>>
    %dma_start3A_296 = arith.constant 0 : i32
    %dma_start3A_297 = tpu.memref_slice %arg6[%dma_start3A_291, %dma_start3A_296] : memref<80x125xi32, #tpu.memory_space<vmem>> -> memref<1x125xi32, #tpu.memory_space<vmem>>
    %dma_start3A_298 = tpu.memref_squeeze %dma_start3A_297 : memref<1x125xi32, #tpu.memory_space<vmem>> -> memref<125xi32, #tpu.memory_space<vmem>>
    %dma_start3A_299 = arith.constant 0 : i32
    %dma_start3A_300 = arith.constant 0 : i32
    %dma_start3A_301 = tpu.memref_slice %arg9[%dma_start3A_299, %dma_start3A_300] : memref<10240x16xf32, #tpu.memory_space<vmem_shared>> -> memref<10240x16xf32, #tpu.memory_space<vmem_shared>>
    tpu.enqueue_indirect_dma source(%dma_start3A_295 : memref<125x16xf32, #tpu.memory_space<vmem>>) target(%dma_start3A_301 : memref<10240x16xf32, #tpu.memory_space<vmem_shared>>) offsets(%dma_start3A_298 : memref<125xi32, #tpu.memory_space<vmem>>) semaphore(%arg26 : memref<!tpu.dma_semaphore, #tpu.memory_space<semaphore_mem>>) {add = true}
    %dma_wait3A_302 = arith.constant 0 : i32
    %dma_wait3A_303 = arith.constant 7 : i32
    %dma_wait3A_304 = arith.constant 0 : i32
    %dma_wait3A_305 = arith.constant 0 : i32
    %dma_wait3A_306 = tpu.memref_slice %arg7[%dma_wait3A_303, %dma_wait3A_304, %dma_wait3A_305] : memref<10x125x16xf32, #tpu.memory_space<vmem>> -> memref<1x125x16xf32, #tpu.memory_space<vmem>>
    %dma_wait3A_307 = tpu.memref_squeeze %dma_wait3A_306 : memref<1x125x16xf32, #tpu.memory_space<vmem>> -> memref<125x16xf32, #tpu.memory_space<vmem>>
    %dma_wait3A_308 = arith.constant 0 : i32
    %dma_wait3A_309 = tpu.memref_slice %arg5[%dma_wait3A_302, %dma_wait3A_308] : memref<80x125xi32, #tpu.memory_space<vmem>> -> memref<1x125xi32, #tpu.memory_space<vmem>>
    %dma_wait3A_310 = tpu.memref_squeeze %dma_wait3A_309 : memref<1x125xi32, #tpu.memory_space<vmem>> -> memref<125xi32, #tpu.memory_space<vmem>>
    %dma_wait3A_311 = arith.constant 0 : i32
    %dma_wait3A_312 = arith.constant 0 : i32
    %dma_wait3A_313 = tpu.memref_slice %arg2[%dma_wait3A_311, %dma_wait3A_312] : memref<10000x16xf32, #tpu.memory_space<hbm>> -> memref<10000x16xf32, #tpu.memory_space<hbm>>
    tpu.wait_indirect_dma semaphore(%arg17 : memref<!tpu.dma_semaphore, #tpu.memory_space<semaphore_mem>>) src(%dma_wait3A_313 : memref<10000x16xf32, #tpu.memory_space<hbm>>) dst(%dma_wait3A_307 : memref<125x16xf32, #tpu.memory_space<vmem>>)
    %dma_start3A_314 = arith.constant 7 : i32
    %dma_start3A_315 = arith.constant 77 : i32
    %dma_start3A_316 = arith.constant 0 : i32
    %dma_start3A_317 = arith.constant 0 : i32
    %dma_start3A_318 = tpu.memref_slice %arg7[%dma_start3A_314, %dma_start3A_316, %dma_start3A_317] : memref<10x125x16xf32, #tpu.memory_space<vmem>> -> memref<1x125x16xf32, #tpu.memory_space<vmem>>
    %dma_start3A_319 = tpu.memref_squeeze %dma_start3A_318 : memref<1x125x16xf32, #tpu.memory_space<vmem>> -> memref<125x16xf32, #tpu.memory_space<vmem>>
    %dma_start3A_320 = arith.constant 0 : i32
    %dma_start3A_321 = tpu.memref_slice %arg6[%dma_start3A_315, %dma_start3A_320] : memref<80x125xi32, #tpu.memory_space<vmem>> -> memref<1x125xi32, #tpu.memory_space<vmem>>
    %dma_start3A_322 = tpu.memref_squeeze %dma_start3A_321 : memref<1x125xi32, #tpu.memory_space<vmem>> -> memref<125xi32, #tpu.memory_space<vmem>>
    %dma_start3A_323 = arith.constant 0 : i32
    %dma_start3A_324 = arith.constant 0 : i32
    %dma_start3A_325 = tpu.memref_slice %arg9[%dma_start3A_323, %dma_start3A_324] : memref<10240x16xf32, #tpu.memory_space<vmem_shared>> -> memref<10240x16xf32, #tpu.memory_space<vmem_shared>>
    tpu.enqueue_indirect_dma source(%dma_start3A_319 : memref<125x16xf32, #tpu.memory_space<vmem>>) target(%dma_start3A_325 : memref<10240x16xf32, #tpu.memory_space<vmem_shared>>) offsets(%dma_start3A_322 : memref<125xi32, #tpu.memory_space<vmem>>) semaphore(%arg27 : memref<!tpu.dma_semaphore, #tpu.memory_space<semaphore_mem>>) {add = true}
    %dma_wait3A_326 = arith.constant 0 : i32
    %dma_wait3A_327 = arith.constant 8 : i32
    %dma_wait3A_328 = arith.constant 0 : i32
    %dma_wait3A_329 = arith.constant 0 : i32
    %dma_wait3A_330 = tpu.memref_slice %arg7[%dma_wait3A_327, %dma_wait3A_328, %dma_wait3A_329] : memref<10x125x16xf32, #tpu.memory_space<vmem>> -> memref<1x125x16xf32, #tpu.memory_space<vmem>>
    %dma_wait3A_331 = tpu.memref_squeeze %dma_wait3A_330 : memref<1x125x16xf32, #tpu.memory_space<vmem>> -> memref<125x16xf32, #tpu.memory_space<vmem>>
    %dma_wait3A_332 = arith.constant 0 : i32
    %dma_wait3A_333 = tpu.memref_slice %arg5[%dma_wait3A_326, %dma_wait3A_332] : memref<80x125xi32, #tpu.memory_space<vmem>> -> memref<1x125xi32, #tpu.memory_space<vmem>>
    %dma_wait3A_334 = tpu.memref_squeeze %dma_wait3A_333 : memref<1x125xi32, #tpu.memory_space<vmem>> -> memref<125xi32, #tpu.memory_space<vmem>>
    %dma_wait3A_335 = arith.constant 0 : i32
    %dma_wait3A_336 = arith.constant 0 : i32
    %dma_wait3A_337 = tpu.memref_slice %arg2[%dma_wait3A_335, %dma_wait3A_336] : memref<10000x16xf32, #tpu.memory_space<hbm>> -> memref<10000x16xf32, #tpu.memory_space<hbm>>
    tpu.wait_indirect_dma semaphore(%arg18 : memref<!tpu.dma_semaphore, #tpu.memory_space<semaphore_mem>>) src(%dma_wait3A_337 : memref<10000x16xf32, #tpu.memory_space<hbm>>) dst(%dma_wait3A_331 : memref<125x16xf32, #tpu.memory_space<vmem>>)
    %dma_start3A_338 = arith.constant 8 : i32
    %dma_start3A_339 = arith.constant 78 : i32
    %dma_start3A_340 = arith.constant 0 : i32
    %dma_start3A_341 = arith.constant 0 : i32
    %dma_start3A_342 = tpu.memref_slice %arg7[%dma_start3A_338, %dma_start3A_340, %dma_start3A_341] : memref<10x125x16xf32, #tpu.memory_space<vmem>> -> memref<1x125x16xf32, #tpu.memory_space<vmem>>
    %dma_start3A_343 = tpu.memref_squeeze %dma_start3A_342 : memref<1x125x16xf32, #tpu.memory_space<vmem>> -> memref<125x16xf32, #tpu.memory_space<vmem>>
    %dma_start3A_344 = arith.constant 0 : i32
    %dma_start3A_345 = tpu.memref_slice %arg6[%dma_start3A_339, %dma_start3A_344] : memref<80x125xi32, #tpu.memory_space<vmem>> -> memref<1x125xi32, #tpu.memory_space<vmem>>
    %dma_start3A_346 = tpu.memref_squeeze %dma_start3A_345 : memref<1x125xi32, #tpu.memory_space<vmem>> -> memref<125xi32, #tpu.memory_space<vmem>>
    %dma_start3A_347 = arith.constant 0 : i32
    %dma_start3A_348 = arith.constant 0 : i32
    %dma_start3A_349 = tpu.memref_slice %arg9[%dma_start3A_347, %dma_start3A_348] : memref<10240x16xf32, #tpu.memory_space<vmem_shared>> -> memref<10240x16xf32, #tpu.memory_space<vmem_shared>>
    tpu.enqueue_indirect_dma source(%dma_start3A_343 : memref<125x16xf32, #tpu.memory_space<vmem>>) target(%dma_start3A_349 : memref<10240x16xf32, #tpu.memory_space<vmem_shared>>) offsets(%dma_start3A_346 : memref<125xi32, #tpu.memory_space<vmem>>) semaphore(%arg28 : memref<!tpu.dma_semaphore, #tpu.memory_space<semaphore_mem>>) {add = true}
    %dma_wait3A_350 = arith.constant 0 : i32
    %dma_wait3A_351 = arith.constant 9 : i32
    %dma_wait3A_352 = arith.constant 0 : i32
    %dma_wait3A_353 = arith.constant 0 : i32
    %dma_wait3A_354 = tpu.memref_slice %arg7[%dma_wait3A_351, %dma_wait3A_352, %dma_wait3A_353] : memref<10x125x16xf32, #tpu.memory_space<vmem>> -> memref<1x125x16xf32, #tpu.memory_space<vmem>>
    %dma_wait3A_355 = tpu.memref_squeeze %dma_wait3A_354 : memref<1x125x16xf32, #tpu.memory_space<vmem>> -> memref<125x16xf32, #tpu.memory_space<vmem>>
    %dma_wait3A_356 = arith.constant 0 : i32
    %dma_wait3A_357 = tpu.memref_slice %arg5[%dma_wait3A_350, %dma_wait3A_356] : memref<80x125xi32, #tpu.memory_space<vmem>> -> memref<1x125xi32, #tpu.memory_space<vmem>>
    %dma_wait3A_358 = tpu.memref_squeeze %dma_wait3A_357 : memref<1x125xi32, #tpu.memory_space<vmem>> -> memref<125xi32, #tpu.memory_space<vmem>>
    %dma_wait3A_359 = arith.constant 0 : i32
    %dma_wait3A_360 = arith.constant 0 : i32
    %dma_wait3A_361 = tpu.memref_slice %arg2[%dma_wait3A_359, %dma_wait3A_360] : memref<10000x16xf32, #tpu.memory_space<hbm>> -> memref<10000x16xf32, #tpu.memory_space<hbm>>
    tpu.wait_indirect_dma semaphore(%arg19 : memref<!tpu.dma_semaphore, #tpu.memory_space<semaphore_mem>>) src(%dma_wait3A_361 : memref<10000x16xf32, #tpu.memory_space<hbm>>) dst(%dma_wait3A_355 : memref<125x16xf32, #tpu.memory_space<vmem>>)
    %dma_start3A_362 = arith.constant 9 : i32
    %dma_start3A_363 = arith.constant 79 : i32
    %dma_start3A_364 = arith.constant 0 : i32
    %dma_start3A_365 = arith.constant 0 : i32
    %dma_start3A_366 = tpu.memref_slice %arg7[%dma_start3A_362, %dma_start3A_364, %dma_start3A_365] : memref<10x125x16xf32, #tpu.memory_space<vmem>> -> memref<1x125x16xf32, #tpu.memory_space<vmem>>
    %dma_start3A_367 = tpu.memref_squeeze %dma_start3A_366 : memref<1x125x16xf32, #tpu.memory_space<vmem>> -> memref<125x16xf32, #tpu.memory_space<vmem>>
    %dma_start3A_368 = arith.constant 0 : i32
    %dma_start3A_369 = tpu.memref_slice %arg6[%dma_start3A_363, %dma_start3A_368] : memref<80x125xi32, #tpu.memory_space<vmem>> -> memref<1x125xi32, #tpu.memory_space<vmem>>
    %dma_start3A_370 = tpu.memref_squeeze %dma_start3A_369 : memref<1x125xi32, #tpu.memory_space<vmem>> -> memref<125xi32, #tpu.memory_space<vmem>>
    %dma_start3A_371 = arith.constant 0 : i32
    %dma_start3A_372 = arith.constant 0 : i32
    %dma_start3A_373 = tpu.memref_slice %arg9[%dma_start3A_371, %dma_start3A_372] : memref<10240x16xf32, #tpu.memory_space<vmem_shared>> -> memref<10240x16xf32, #tpu.memory_space<vmem_shared>>
    tpu.enqueue_indirect_dma source(%dma_start3A_367 : memref<125x16xf32, #tpu.memory_space<vmem>>) target(%dma_start3A_373 : memref<10240x16xf32, #tpu.memory_space<vmem_shared>>) offsets(%dma_start3A_370 : memref<125xi32, #tpu.memory_space<vmem>>) semaphore(%arg29 : memref<!tpu.dma_semaphore, #tpu.memory_space<semaphore_mem>>) {add = true}
    %dma_wait3A_374 = arith.constant 0 : i32
    %dma_wait3A_375 = arith.constant 0 : i32
    %dma_wait3A_376 = arith.constant 0 : i32
    %dma_wait3A_377 = arith.constant 0 : i32
    %dma_wait3A_378 = tpu.memref_slice %arg7[%dma_wait3A_374, %dma_wait3A_376, %dma_wait3A_377] : memref<10x125x16xf32, #tpu.memory_space<vmem>> -> memref<1x125x16xf32, #tpu.memory_space<vmem>>
    %dma_wait3A_379 = tpu.memref_squeeze %dma_wait3A_378 : memref<1x125x16xf32, #tpu.memory_space<vmem>> -> memref<125x16xf32, #tpu.memory_space<vmem>>
    %dma_wait3A_380 = arith.constant 0 : i32
    %dma_wait3A_381 = tpu.memref_slice %arg6[%dma_wait3A_375, %dma_wait3A_380] : memref<80x125xi32, #tpu.memory_space<vmem>> -> memref<1x125xi32, #tpu.memory_space<vmem>>
    %dma_wait3A_382 = tpu.memref_squeeze %dma_wait3A_381 : memref<1x125xi32, #tpu.memory_space<vmem>> -> memref<125xi32, #tpu.memory_space<vmem>>
    %dma_wait3A_383 = arith.constant 0 : i32
    %dma_wait3A_384 = arith.constant 0 : i32
    %dma_wait3A_385 = tpu.memref_slice %arg9[%dma_wait3A_383, %dma_wait3A_384] : memref<10240x16xf32, #tpu.memory_space<vmem_shared>> -> memref<10240x16xf32, #tpu.memory_space<vmem_shared>>
    tpu.wait_indirect_dma semaphore(%arg20 : memref<!tpu.dma_semaphore, #tpu.memory_space<semaphore_mem>>) src(%dma_wait3A_379 : memref<125x16xf32, #tpu.memory_space<vmem>>) dst(%dma_wait3A_385 : memref<10240x16xf32, #tpu.memory_space<vmem_shared>>)
    %dma_wait3A_386 = arith.constant 1 : i32
    %dma_wait3A_387 = arith.constant 0 : i32
    %dma_wait3A_388 = arith.constant 0 : i32
    %dma_wait3A_389 = arith.constant 0 : i32
    %dma_wait3A_390 = tpu.memref_slice %arg7[%dma_wait3A_386, %dma_wait3A_388, %dma_wait3A_389] : memref<10x125x16xf32, #tpu.memory_space<vmem>> -> memref<1x125x16xf32, #tpu.memory_space<vmem>>
    %dma_wait3A_391 = tpu.memref_squeeze %dma_wait3A_390 : memref<1x125x16xf32, #tpu.memory_space<vmem>> -> memref<125x16xf32, #tpu.memory_space<vmem>>
    %dma_wait3A_392 = arith.constant 0 : i32
    %dma_wait3A_393 = tpu.memref_slice %arg6[%dma_wait3A_387, %dma_wait3A_392] : memref<80x125xi32, #tpu.memory_space<vmem>> -> memref<1x125xi32, #tpu.memory_space<vmem>>
    %dma_wait3A_394 = tpu.memref_squeeze %dma_wait3A_393 : memref<1x125xi32, #tpu.memory_space<vmem>> -> memref<125xi32, #tpu.memory_space<vmem>>
    %dma_wait3A_395 = arith.constant 0 : i32
    %dma_wait3A_396 = arith.constant 0 : i32
    %dma_wait3A_397 = tpu.memref_slice %arg9[%dma_wait3A_395, %dma_wait3A_396] : memref<10240x16xf32, #tpu.memory_space<vmem_shared>> -> memref<10240x16xf32, #tpu.memory_space<vmem_shared>>
    tpu.wait_indirect_dma semaphore(%arg21 : memref<!tpu.dma_semaphore, #tpu.memory_space<semaphore_mem>>) src(%dma_wait3A_391 : memref<125x16xf32, #tpu.memory_space<vmem>>) dst(%dma_wait3A_397 : memref<10240x16xf32, #tpu.memory_space<vmem_shared>>)
    %dma_wait3A_398 = arith.constant 2 : i32
    %dma_wait3A_399 = arith.constant 0 : i32
    %dma_wait3A_400 = arith.constant 0 : i32
    %dma_wait3A_401 = arith.constant 0 : i32
    %dma_wait3A_402 = tpu.memref_slice %arg7[%dma_wait3A_398, %dma_wait3A_400, %dma_wait3A_401] : memref<10x125x16xf32, #tpu.memory_space<vmem>> -> memref<1x125x16xf32, #tpu.memory_space<vmem>>
    %dma_wait3A_403 = tpu.memref_squeeze %dma_wait3A_402 : memref<1x125x16xf32, #tpu.memory_space<vmem>> -> memref<125x16xf32, #tpu.memory_space<vmem>>
    %dma_wait3A_404 = arith.constant 0 : i32
    %dma_wait3A_405 = tpu.memref_slice %arg6[%dma_wait3A_399, %dma_wait3A_404] : memref<80x125xi32, #tpu.memory_space<vmem>> -> memref<1x125xi32, #tpu.memory_space<vmem>>
    %dma_wait3A_406 = tpu.memref_squeeze %dma_wait3A_405 : memref<1x125xi32, #tpu.memory_space<vmem>> -> memref<125xi32, #tpu.memory_space<vmem>>
    %dma_wait3A_407 = arith.constant 0 : i32
    %dma_wait3A_408 = arith.constant 0 : i32
    %dma_wait3A_409 = tpu.memref_slice %arg9[%dma_wait3A_407, %dma_wait3A_408] : memref<10240x16xf32, #tpu.memory_space<vmem_shared>> -> memref<10240x16xf32, #tpu.memory_space<vmem_shared>>
    tpu.wait_indirect_dma semaphore(%arg22 : memref<!tpu.dma_semaphore, #tpu.memory_space<semaphore_mem>>) src(%dma_wait3A_403 : memref<125x16xf32, #tpu.memory_space<vmem>>) dst(%dma_wait3A_409 : memref<10240x16xf32, #tpu.memory_space<vmem_shared>>)
    %dma_wait3A_410 = arith.constant 3 : i32
    %dma_wait3A_411 = arith.constant 0 : i32
    %dma_wait3A_412 = arith.constant 0 : i32
    %dma_wait3A_413 = arith.constant 0 : i32
    %dma_wait3A_414 = tpu.memref_slice %arg7[%dma_wait3A_410, %dma_wait3A_412, %dma_wait3A_413] : memref<10x125x16xf32, #tpu.memory_space<vmem>> -> memref<1x125x16xf32, #tpu.memory_space<vmem>>
    %dma_wait3A_415 = tpu.memref_squeeze %dma_wait3A_414 : memref<1x125x16xf32, #tpu.memory_space<vmem>> -> memref<125x16xf32, #tpu.memory_space<vmem>>
    %dma_wait3A_416 = arith.constant 0 : i32
    %dma_wait3A_417 = tpu.memref_slice %arg6[%dma_wait3A_411, %dma_wait3A_416] : memref<80x125xi32, #tpu.memory_space<vmem>> -> memref<1x125xi32, #tpu.memory_space<vmem>>
    %dma_wait3A_418 = tpu.memref_squeeze %dma_wait3A_417 : memref<1x125xi32, #tpu.memory_space<vmem>> -> memref<125xi32, #tpu.memory_space<vmem>>
    %dma_wait3A_419 = arith.constant 0 : i32
    %dma_wait3A_420 = arith.constant 0 : i32
    %dma_wait3A_421 = tpu.memref_slice %arg9[%dma_wait3A_419, %dma_wait3A_420] : memref<10240x16xf32, #tpu.memory_space<vmem_shared>> -> memref<10240x16xf32, #tpu.memory_space<vmem_shared>>
    tpu.wait_indirect_dma semaphore(%arg23 : memref<!tpu.dma_semaphore, #tpu.memory_space<semaphore_mem>>) src(%dma_wait3A_415 : memref<125x16xf32, #tpu.memory_space<vmem>>) dst(%dma_wait3A_421 : memref<10240x16xf32, #tpu.memory_space<vmem_shared>>)
    %dma_wait3A_422 = arith.constant 4 : i32
    %dma_wait3A_423 = arith.constant 0 : i32
    %dma_wait3A_424 = arith.constant 0 : i32
    %dma_wait3A_425 = arith.constant 0 : i32
    %dma_wait3A_426 = tpu.memref_slice %arg7[%dma_wait3A_422, %dma_wait3A_424, %dma_wait3A_425] : memref<10x125x16xf32, #tpu.memory_space<vmem>> -> memref<1x125x16xf32, #tpu.memory_space<vmem>>
    %dma_wait3A_427 = tpu.memref_squeeze %dma_wait3A_426 : memref<1x125x16xf32, #tpu.memory_space<vmem>> -> memref<125x16xf32, #tpu.memory_space<vmem>>
    %dma_wait3A_428 = arith.constant 0 : i32
    %dma_wait3A_429 = tpu.memref_slice %arg6[%dma_wait3A_423, %dma_wait3A_428] : memref<80x125xi32, #tpu.memory_space<vmem>> -> memref<1x125xi32, #tpu.memory_space<vmem>>
    %dma_wait3A_430 = tpu.memref_squeeze %dma_wait3A_429 : memref<1x125xi32, #tpu.memory_space<vmem>> -> memref<125xi32, #tpu.memory_space<vmem>>
    %dma_wait3A_431 = arith.constant 0 : i32
    %dma_wait3A_432 = arith.constant 0 : i32
    %dma_wait3A_433 = tpu.memref_slice %arg9[%dma_wait3A_431, %dma_wait3A_432] : memref<10240x16xf32, #tpu.memory_space<vmem_shared>> -> memref<10240x16xf32, #tpu.memory_space<vmem_shared>>
    tpu.wait_indirect_dma semaphore(%arg24 : memref<!tpu.dma_semaphore, #tpu.memory_space<semaphore_mem>>) src(%dma_wait3A_427 : memref<125x16xf32, #tpu.memory_space<vmem>>) dst(%dma_wait3A_433 : memref<10240x16xf32, #tpu.memory_space<vmem_shared>>)
    %dma_wait3A_434 = arith.constant 5 : i32
    %dma_wait3A_435 = arith.constant 0 : i32
    %dma_wait3A_436 = arith.constant 0 : i32
    %dma_wait3A_437 = arith.constant 0 : i32
    %dma_wait3A_438 = tpu.memref_slice %arg7[%dma_wait3A_434, %dma_wait3A_436, %dma_wait3A_437] : memref<10x125x16xf32, #tpu.memory_space<vmem>> -> memref<1x125x16xf32, #tpu.memory_space<vmem>>
    %dma_wait3A_439 = tpu.memref_squeeze %dma_wait3A_438 : memref<1x125x16xf32, #tpu.memory_space<vmem>> -> memref<125x16xf32, #tpu.memory_space<vmem>>
    %dma_wait3A_440 = arith.constant 0 : i32
    %dma_wait3A_441 = tpu.memref_slice %arg6[%dma_wait3A_435, %dma_wait3A_440] : memref<80x125xi32, #tpu.memory_space<vmem>> -> memref<1x125xi32, #tpu.memory_space<vmem>>
    %dma_wait3A_442 = tpu.memref_squeeze %dma_wait3A_441 : memref<1x125xi32, #tpu.memory_space<vmem>> -> memref<125xi32, #tpu.memory_space<vmem>>
    %dma_wait3A_443 = arith.constant 0 : i32
    %dma_wait3A_444 = arith.constant 0 : i32
    %dma_wait3A_445 = tpu.memref_slice %arg9[%dma_wait3A_443, %dma_wait3A_444] : memref<10240x16xf32, #tpu.memory_space<vmem_shared>> -> memref<10240x16xf32, #tpu.memory_space<vmem_shared>>
    tpu.wait_indirect_dma semaphore(%arg25 : memref<!tpu.dma_semaphore, #tpu.memory_space<semaphore_mem>>) src(%dma_wait3A_439 : memref<125x16xf32, #tpu.memory_space<vmem>>) dst(%dma_wait3A_445 : memref<10240x16xf32, #tpu.memory_space<vmem_shared>>)
    %dma_wait3A_446 = arith.constant 6 : i32
    %dma_wait3A_447 = arith.constant 0 : i32
    %dma_wait3A_448 = arith.constant 0 : i32
    %dma_wait3A_449 = arith.constant 0 : i32
    %dma_wait3A_450 = tpu.memref_slice %arg7[%dma_wait3A_446, %dma_wait3A_448, %dma_wait3A_449] : memref<10x125x16xf32, #tpu.memory_space<vmem>> -> memref<1x125x16xf32, #tpu.memory_space<vmem>>
    %dma_wait3A_451 = tpu.memref_squeeze %dma_wait3A_450 : memref<1x125x16xf32, #tpu.memory_space<vmem>> -> memref<125x16xf32, #tpu.memory_space<vmem>>
    %dma_wait3A_452 = arith.constant 0 : i32
    %dma_wait3A_453 = tpu.memref_slice %arg6[%dma_wait3A_447, %dma_wait3A_452] : memref<80x125xi32, #tpu.memory_space<vmem>> -> memref<1x125xi32, #tpu.memory_space<vmem>>
    %dma_wait3A_454 = tpu.memref_squeeze %dma_wait3A_453 : memref<1x125xi32, #tpu.memory_space<vmem>> -> memref<125xi32, #tpu.memory_space<vmem>>
    %dma_wait3A_455 = arith.constant 0 : i32
    %dma_wait3A_456 = arith.constant 0 : i32
    %dma_wait3A_457 = tpu.memref_slice %arg9[%dma_wait3A_455, %dma_wait3A_456] : memref<10240x16xf32, #tpu.memory_space<vmem_shared>> -> memref<10240x16xf32, #tpu.memory_space<vmem_shared>>
    tpu.wait_indirect_dma semaphore(%arg26 : memref<!tpu.dma_semaphore, #tpu.memory_space<semaphore_mem>>) src(%dma_wait3A_451 : memref<125x16xf32, #tpu.memory_space<vmem>>) dst(%dma_wait3A_457 : memref<10240x16xf32, #tpu.memory_space<vmem_shared>>)
    %dma_wait3A_458 = arith.constant 7 : i32
    %dma_wait3A_459 = arith.constant 0 : i32
    %dma_wait3A_460 = arith.constant 0 : i32
    %dma_wait3A_461 = arith.constant 0 : i32
    %dma_wait3A_462 = tpu.memref_slice %arg7[%dma_wait3A_458, %dma_wait3A_460, %dma_wait3A_461] : memref<10x125x16xf32, #tpu.memory_space<vmem>> -> memref<1x125x16xf32, #tpu.memory_space<vmem>>
    %dma_wait3A_463 = tpu.memref_squeeze %dma_wait3A_462 : memref<1x125x16xf32, #tpu.memory_space<vmem>> -> memref<125x16xf32, #tpu.memory_space<vmem>>
    %dma_wait3A_464 = arith.constant 0 : i32
    %dma_wait3A_465 = tpu.memref_slice %arg6[%dma_wait3A_459, %dma_wait3A_464] : memref<80x125xi32, #tpu.memory_space<vmem>> -> memref<1x125xi32, #tpu.memory_space<vmem>>
    %dma_wait3A_466 = tpu.memref_squeeze %dma_wait3A_465 : memref<1x125xi32, #tpu.memory_space<vmem>> -> memref<125xi32, #tpu.memory_space<vmem>>
    %dma_wait3A_467 = arith.constant 0 : i32
    %dma_wait3A_468 = arith.constant 0 : i32
    %dma_wait3A_469 = tpu.memref_slice %arg9[%dma_wait3A_467, %dma_wait3A_468] : memref<10240x16xf32, #tpu.memory_space<vmem_shared>> -> memref<10240x16xf32, #tpu.memory_space<vmem_shared>>
    tpu.wait_indirect_dma semaphore(%arg27 : memref<!tpu.dma_semaphore, #tpu.memory_space<semaphore_mem>>) src(%dma_wait3A_463 : memref<125x16xf32, #tpu.memory_space<vmem>>) dst(%dma_wait3A_469 : memref<10240x16xf32, #tpu.memory_space<vmem_shared>>)
    %dma_wait3A_470 = arith.constant 8 : i32
    %dma_wait3A_471 = arith.constant 0 : i32
    %dma_wait3A_472 = arith.constant 0 : i32
    %dma_wait3A_473 = arith.constant 0 : i32
    %dma_wait3A_474 = tpu.memref_slice %arg7[%dma_wait3A_470, %dma_wait3A_472, %dma_wait3A_473] : memref<10x125x16xf32, #tpu.memory_space<vmem>> -> memref<1x125x16xf32, #tpu.memory_space<vmem>>
    %dma_wait3A_475 = tpu.memref_squeeze %dma_wait3A_474 : memref<1x125x16xf32, #tpu.memory_space<vmem>> -> memref<125x16xf32, #tpu.memory_space<vmem>>
    %dma_wait3A_476 = arith.constant 0 : i32
    %dma_wait3A_477 = tpu.memref_slice %arg6[%dma_wait3A_471, %dma_wait3A_476] : memref<80x125xi32, #tpu.memory_space<vmem>> -> memref<1x125xi32, #tpu.memory_space<vmem>>
    %dma_wait3A_478 = tpu.memref_squeeze %dma_wait3A_477 : memref<1x125xi32, #tpu.memory_space<vmem>> -> memref<125xi32, #tpu.memory_space<vmem>>
    %dma_wait3A_479 = arith.constant 0 : i32
    %dma_wait3A_480 = arith.constant 0 : i32
    %dma_wait3A_481 = tpu.memref_slice %arg9[%dma_wait3A_479, %dma_wait3A_480] : memref<10240x16xf32, #tpu.memory_space<vmem_shared>> -> memref<10240x16xf32, #tpu.memory_space<vmem_shared>>
    tpu.wait_indirect_dma semaphore(%arg28 : memref<!tpu.dma_semaphore, #tpu.memory_space<semaphore_mem>>) src(%dma_wait3A_475 : memref<125x16xf32, #tpu.memory_space<vmem>>) dst(%dma_wait3A_481 : memref<10240x16xf32, #tpu.memory_space<vmem_shared>>)
    %dma_wait3A_482 = arith.constant 9 : i32
    %dma_wait3A_483 = arith.constant 0 : i32
    %dma_wait3A_484 = arith.constant 0 : i32
    %dma_wait3A_485 = arith.constant 0 : i32
    %dma_wait3A_486 = tpu.memref_slice %arg7[%dma_wait3A_482, %dma_wait3A_484, %dma_wait3A_485] : memref<10x125x16xf32, #tpu.memory_space<vmem>> -> memref<1x125x16xf32, #tpu.memory_space<vmem>>
    %dma_wait3A_487 = tpu.memref_squeeze %dma_wait3A_486 : memref<1x125x16xf32, #tpu.memory_space<vmem>> -> memref<125x16xf32, #tpu.memory_space<vmem>>
    %dma_wait3A_488 = arith.constant 0 : i32
    %dma_wait3A_489 = tpu.memref_slice %arg6[%dma_wait3A_483, %dma_wait3A_488] : memref<80x125xi32, #tpu.memory_space<vmem>> -> memref<1x125xi32, #tpu.memory_space<vmem>>
    %dma_wait3A_490 = tpu.memref_squeeze %dma_wait3A_489 : memref<1x125xi32, #tpu.memory_space<vmem>> -> memref<125xi32, #tpu.memory_space<vmem>>
    %dma_wait3A_491 = arith.constant 0 : i32
    %dma_wait3A_492 = arith.constant 0 : i32
    %dma_wait3A_493 = tpu.memref_slice %arg9[%dma_wait3A_491, %dma_wait3A_492] : memref<10240x16xf32, #tpu.memory_space<vmem_shared>> -> memref<10240x16xf32, #tpu.memory_space<vmem_shared>>
    tpu.wait_indirect_dma semaphore(%arg29 : memref<!tpu.dma_semaphore, #tpu.memory_space<semaphore_mem>>) src(%dma_wait3A_487 : memref<125x16xf32, #tpu.memory_space<vmem>>) dst(%dma_wait3A_493 : memref<10240x16xf32, #tpu.memory_space<vmem_shared>>)
    %barrier3A_494 = arith.constant 0 : index
    tpu.barrier barrier_id(%barrier3A_494)
    "tpu.region"() ({
      %run_scoped3A_495 = tpu.sem_alloc : memref<!tpu.dma_semaphore, #tpu.memory_space<semaphore_mem>>
      %dma_start3A_496 = arith.constant 0 : i32
      %dma_start3A_497 = tpu.memref_slice %arg4[%arg0, %mul3A_128, %dma_start3A_496] : memref<2x10240x16xf32, #tpu.memory_space<hbm>> -> memref<1x640x16xf32, #tpu.memory_space<hbm>>
      %dma_start3A_498 = tpu.memref_squeeze %dma_start3A_497 : memref<1x640x16xf32, #tpu.memory_space<hbm>> -> memref<640x16xf32, #tpu.memory_space<hbm>>
      %dma_start3A_499 = arith.constant 0 : i32
      %dma_start3A_500 = tpu.memref_slice %arg9[%mul3A_128, %dma_start3A_499] : memref<10240x16xf32, #tpu.memory_space<vmem_shared>> -> memref<640x16xf32, #tpu.memory_space<vmem_shared>>
      tpu.enqueue_dma source(%dma_start3A_500 : memref<640x16xf32, #tpu.memory_space<vmem_shared>>) target(%dma_start3A_498 : memref<640x16xf32, #tpu.memory_space<hbm>>) target_semaphore(%run_scoped3A_495 : memref<!tpu.dma_semaphore, #tpu.memory_space<semaphore_mem>>)
      %dma_wait3A_501 = arith.constant 0 : i32
      %dma_wait3A_502 = tpu.memref_slice %arg4[%arg0, %mul3A_128, %dma_wait3A_501] : memref<2x10240x16xf32, #tpu.memory_space<hbm>> -> memref<1x640x16xf32, #tpu.memory_space<hbm>>
      %dma_wait3A_503 = tpu.memref_squeeze %dma_wait3A_502 : memref<1x640x16xf32, #tpu.memory_space<hbm>> -> memref<640x16xf32, #tpu.memory_space<hbm>>
      %dma_wait3A_504 = arith.constant 0 : i32
      %dma_wait3A_505 = tpu.memref_slice %arg9[%mul3A_128, %dma_wait3A_504] : memref<10240x16xf32, #tpu.memory_space<vmem_shared>> -> memref<640x16xf32, #tpu.memory_space<vmem_shared>>
      tpu.wait_dma2 semaphore(%run_scoped3A_495 : memref<!tpu.dma_semaphore, #tpu.memory_space<semaphore_mem>>) src(%dma_wait3A_505 : memref<640x16xf32, #tpu.memory_space<vmem_shared>>) dst(%dma_wait3A_503 : memref<640x16xf32, #tpu.memory_space<hbm>>)
      tpu.yield
    }) : () -> ()
    return
  }
}

#map = affine_map<(d0, d1) -> (0, 0, 0)>
#map1 = affine_map<(d0, d1) -> (0)>
#map2 = affine_map<(d0, d1) -> (0, 0)>
module attributes {stable_mosaic.version = 14 : i64} {
  func.func @relu_k(%arg0: i32, %arg1: i32, %arg2: memref<2x10240x16xf32, #tpu.memory_space<hbm>>, %arg3: memref<16xf32, #tpu.memory_space<hbm>>, %arg4: memref<10240x16xf32, #tpu.memory_space<hbm>>, %arg5: memref<320x16xf32, #tpu.memory_space<vmem>>, %arg6: memref<320x16xf32, #tpu.memory_space<vmem>>, %arg7: memref<16xf32, #tpu.memory_space<vmem>>) attributes {dimension_semantics = [#tpu.dimension_semantics<core_parallel>, #tpu.dimension_semantics<subcore_parallel>], iteration_bounds = array<i64: 2, 16>, scalar_prefetch = 0 : i64, scratch_operands = 3 : i64, tpu.core_type = #tpu.core_type<sc_vector_subcore>, window_params = [{transform_indices = #map}, {transform_indices = #map1}, {transform_indices = #map2}]} {
    %mul3A = arith.constant 2 : i32
    %mul3A_0 = arith.muli %arg1, %mul3A : i32
    %add3A = arith.addi %mul3A_0, %arg0 : i32
    %mul3A_1 = arith.constant 320 : i32
    %mul3A_2 = arith.muli %add3A, %mul3A_1 : i32
    %run_scoped3A = arith.constant 0 : i32
    "tpu.region"() ({
      %run_scoped3A_11 = tpu.sem_alloc : memref<!tpu.dma_semaphore, #tpu.memory_space<semaphore_mem>>
      %dma_start3A = arith.constant 0 : i32
      %dma_start3A_12 = tpu.memref_slice %arg2[%run_scoped3A, %mul3A_2, %dma_start3A] : memref<2x10240x16xf32, #tpu.memory_space<hbm>> -> memref<1x320x16xf32, #tpu.memory_space<hbm>>
      %dma_start3A_13 = tpu.memref_squeeze %dma_start3A_12 : memref<1x320x16xf32, #tpu.memory_space<hbm>> -> memref<320x16xf32, #tpu.memory_space<hbm>>
      %dma_start3A_14 = arith.constant 0 : i32
      %dma_start3A_15 = tpu.memref_slice %arg2[%run_scoped3A, %mul3A_2, %dma_start3A_14] : memref<2x10240x16xf32, #tpu.memory_space<hbm>> -> memref<1x320x16xf32, #tpu.memory_space<hbm>>
      %dma_start3A_16 = tpu.memref_squeeze %dma_start3A_15 : memref<1x320x16xf32, #tpu.memory_space<hbm>> -> memref<320x16xf32, #tpu.memory_space<hbm>>
      tpu.enqueue_dma source(%dma_start3A_16 : memref<320x16xf32, #tpu.memory_space<hbm>>) target(%arg5 : memref<320x16xf32, #tpu.memory_space<vmem>>) target_semaphore(%run_scoped3A_11 : memref<!tpu.dma_semaphore, #tpu.memory_space<semaphore_mem>>)
      %dma_wait3A = arith.constant 0 : i32
      %dma_wait3A_17 = tpu.memref_slice %arg2[%run_scoped3A, %mul3A_2, %dma_wait3A] : memref<2x10240x16xf32, #tpu.memory_space<hbm>> -> memref<1x320x16xf32, #tpu.memory_space<hbm>>
      %dma_wait3A_18 = tpu.memref_squeeze %dma_wait3A_17 : memref<1x320x16xf32, #tpu.memory_space<hbm>> -> memref<320x16xf32, #tpu.memory_space<hbm>>
      %dma_wait3A_19 = arith.constant 0 : i32
      %dma_wait3A_20 = tpu.memref_slice %arg2[%run_scoped3A, %mul3A_2, %dma_wait3A_19] : memref<2x10240x16xf32, #tpu.memory_space<hbm>> -> memref<1x320x16xf32, #tpu.memory_space<hbm>>
      %dma_wait3A_21 = tpu.memref_squeeze %dma_wait3A_20 : memref<1x320x16xf32, #tpu.memory_space<hbm>> -> memref<320x16xf32, #tpu.memory_space<hbm>>
      tpu.wait_dma2 semaphore(%run_scoped3A_11 : memref<!tpu.dma_semaphore, #tpu.memory_space<semaphore_mem>>) src(%dma_wait3A_21 : memref<320x16xf32, #tpu.memory_space<hbm>>) dst(%arg5 : memref<320x16xf32, #tpu.memory_space<vmem>>)
      tpu.yield
    }) : () -> ()
    %run_scoped3A_3 = arith.constant 1 : i32
    "tpu.region"() ({
      %run_scoped3A_11 = tpu.sem_alloc : memref<!tpu.dma_semaphore, #tpu.memory_space<semaphore_mem>>
      %dma_start3A = arith.constant 0 : i32
      %dma_start3A_12 = tpu.memref_slice %arg2[%run_scoped3A_3, %mul3A_2, %dma_start3A] : memref<2x10240x16xf32, #tpu.memory_space<hbm>> -> memref<1x320x16xf32, #tpu.memory_space<hbm>>
      %dma_start3A_13 = tpu.memref_squeeze %dma_start3A_12 : memref<1x320x16xf32, #tpu.memory_space<hbm>> -> memref<320x16xf32, #tpu.memory_space<hbm>>
      %dma_start3A_14 = arith.constant 0 : i32
      %dma_start3A_15 = tpu.memref_slice %arg2[%run_scoped3A_3, %mul3A_2, %dma_start3A_14] : memref<2x10240x16xf32, #tpu.memory_space<hbm>> -> memref<1x320x16xf32, #tpu.memory_space<hbm>>
      %dma_start3A_16 = tpu.memref_squeeze %dma_start3A_15 : memref<1x320x16xf32, #tpu.memory_space<hbm>> -> memref<320x16xf32, #tpu.memory_space<hbm>>
      tpu.enqueue_dma source(%dma_start3A_16 : memref<320x16xf32, #tpu.memory_space<hbm>>) target(%arg6 : memref<320x16xf32, #tpu.memory_space<vmem>>) target_semaphore(%run_scoped3A_11 : memref<!tpu.dma_semaphore, #tpu.memory_space<semaphore_mem>>)
      %dma_wait3A = arith.constant 0 : i32
      %dma_wait3A_17 = tpu.memref_slice %arg2[%run_scoped3A_3, %mul3A_2, %dma_wait3A] : memref<2x10240x16xf32, #tpu.memory_space<hbm>> -> memref<1x320x16xf32, #tpu.memory_space<hbm>>
      %dma_wait3A_18 = tpu.memref_squeeze %dma_wait3A_17 : memref<1x320x16xf32, #tpu.memory_space<hbm>> -> memref<320x16xf32, #tpu.memory_space<hbm>>
      %dma_wait3A_19 = arith.constant 0 : i32
      %dma_wait3A_20 = tpu.memref_slice %arg2[%run_scoped3A_3, %mul3A_2, %dma_wait3A_19] : memref<2x10240x16xf32, #tpu.memory_space<hbm>> -> memref<1x320x16xf32, #tpu.memory_space<hbm>>
      %dma_wait3A_21 = tpu.memref_squeeze %dma_wait3A_20 : memref<1x320x16xf32, #tpu.memory_space<hbm>> -> memref<320x16xf32, #tpu.memory_space<hbm>>
      tpu.wait_dma2 semaphore(%run_scoped3A_11 : memref<!tpu.dma_semaphore, #tpu.memory_space<semaphore_mem>>) src(%dma_wait3A_21 : memref<320x16xf32, #tpu.memory_space<hbm>>) dst(%arg6 : memref<320x16xf32, #tpu.memory_space<vmem>>)
      tpu.yield
    }) : () -> ()
    "tpu.region"() ({
      %run_scoped3A_11 = tpu.sem_alloc : memref<!tpu.dma_semaphore, #tpu.memory_space<semaphore_mem>>
      tpu.enqueue_dma source(%arg3 : memref<16xf32, #tpu.memory_space<hbm>>) target(%arg7 : memref<16xf32, #tpu.memory_space<vmem>>) target_semaphore(%run_scoped3A_11 : memref<!tpu.dma_semaphore, #tpu.memory_space<semaphore_mem>>)
      tpu.wait_dma2 semaphore(%run_scoped3A_11 : memref<!tpu.dma_semaphore, #tpu.memory_space<semaphore_mem>>) src(%arg3 : memref<16xf32, #tpu.memory_space<hbm>>) dst(%arg7 : memref<16xf32, #tpu.memory_space<vmem>>)
      tpu.yield
    }) : () -> ()
    %get3A = arith.constant 0 : index
    %get3A_4 = tpu.vector_load %arg7[%get3A] {strides = array<i32>} : memref<16xf32, #tpu.memory_space<vmem>>, vector<16xf32>,
    %get3A_5 = vector.shape_cast %get3A_4 : vector<16xf32> to vector<16xf32>
    %scan3A = arith.constant 0 : i32
    %scan3A_6 = arith.constant 0 : i32
    %scan3A_7 = arith.constant 40 : i32
    %scan3A_8 = arith.addi %scan3A_6, %scan3A_7 : i32
    %scan3A_9 = arith.constant 1 : i32
    scf.for %scan3A_11 = %scan3A_6 to %scan3A_8 step %scan3A_9  : i32 {
      %mul3A_12 = arith.constant 8 : i32
      %mul3A_13 = arith.muli %scan3A_11, %mul3A_12 : i32
      %add3A_14 = arith.constant 0 : i32
      %add3A_15 = arith.addi %mul3A_13, %add3A_14 : i32
      %get3A_16 = arith.index_cast %add3A_15 : i32 to index
      %get3A_17 = arith.constant 0 : index
      %get3A_18 = tpu.vector_load %arg5[%get3A_16, %get3A_17] {strides = array<i32>} : memref<320x16xf32, #tpu.memory_space<vmem>>, vector<1x16xf32>,
      %get3A_19 = vector.shape_cast %get3A_18 : vector<1x16xf32> to vector<16xf32>
      %get3A_20 = arith.index_cast %add3A_15 : i32 to index
      %get3A_21 = arith.constant 0 : index
      %get3A_22 = tpu.vector_load %arg6[%get3A_20, %get3A_21] {strides = array<i32>} : memref<320x16xf32, #tpu.memory_space<vmem>>, vector<1x16xf32>,
      %get3A_23 = vector.shape_cast %get3A_22 : vector<1x16xf32> to vector<16xf32>
      %add3A_24 = arith.addf %get3A_19, %get3A_23 : vector<16xf32>
      %add3A_25 = arith.addf %add3A_24, %get3A_5 : vector<16xf32>
      %max3A = arith.constant 0.000000e+00 : f32
      %max3A_26 = vector.broadcast %max3A : f32 to vector<16xf32>
      %max3A_27 = arith.maximumf %add3A_25, %max3A_26 : vector<16xf32>
      %swap3A = arith.index_cast %add3A_15 : i32 to index
      %swap3A_28 = arith.constant 0 : index
      %swap3A_29 = tpu.vector_load %arg5[%swap3A, %swap3A_28] {strides = array<i32>} : memref<320x16xf32, #tpu.memory_space<vmem>>, vector<1x16xf32>,
      %swap3A_30 = vector.shape_cast %swap3A_29 : vector<1x16xf32> to vector<16xf32>
      %swap3A_31 = vector.shape_cast %max3A_27 : vector<16xf32> to vector<1x16xf32>
      tpu.vector_store %arg5[%swap3A, %swap3A_28], %swap3A_31 {strides = array<i32>} : memref<320x16xf32, #tpu.memory_space<vmem>>, vector<1x16xf32>,
      %mul3A_32 = arith.constant 8 : i32
      %mul3A_33 = arith.muli %scan3A_11, %mul3A_32 : i32
      %add3A_34 = arith.constant 1 : i32
      %add3A_35 = arith.addi %mul3A_33, %add3A_34 : i32
      %get3A_36 = arith.index_cast %add3A_35 : i32 to index
      %get3A_37 = arith.constant 0 : index
      %get3A_38 = tpu.vector_load %arg5[%get3A_36, %get3A_37] {strides = array<i32>} : memref<320x16xf32, #tpu.memory_space<vmem>>, vector<1x16xf32>,
      %get3A_39 = vector.shape_cast %get3A_38 : vector<1x16xf32> to vector<16xf32>
      %get3A_40 = arith.index_cast %add3A_35 : i32 to index
      %get3A_41 = arith.constant 0 : index
      %get3A_42 = tpu.vector_load %arg6[%get3A_40, %get3A_41] {strides = array<i32>} : memref<320x16xf32, #tpu.memory_space<vmem>>, vector<1x16xf32>,
      %get3A_43 = vector.shape_cast %get3A_42 : vector<1x16xf32> to vector<16xf32>
      %add3A_44 = arith.addf %get3A_39, %get3A_43 : vector<16xf32>
      %add3A_45 = arith.addf %add3A_44, %get3A_5 : vector<16xf32>
      %max3A_46 = arith.constant 0.000000e+00 : f32
      %max3A_47 = vector.broadcast %max3A_46 : f32 to vector<16xf32>
      %max3A_48 = arith.maximumf %add3A_45, %max3A_47 : vector<16xf32>
      %swap3A_49 = arith.index_cast %add3A_35 : i32 to index
      %swap3A_50 = arith.constant 0 : index
      %swap3A_51 = tpu.vector_load %arg5[%swap3A_49, %swap3A_50] {strides = array<i32>} : memref<320x16xf32, #tpu.memory_space<vmem>>, vector<1x16xf32>,
      %swap3A_52 = vector.shape_cast %swap3A_51 : vector<1x16xf32> to vector<16xf32>
      %swap3A_53 = vector.shape_cast %max3A_48 : vector<16xf32> to vector<1x16xf32>
      tpu.vector_store %arg5[%swap3A_49, %swap3A_50], %swap3A_53 {strides = array<i32>} : memref<320x16xf32, #tpu.memory_space<vmem>>, vector<1x16xf32>,
      %mul3A_54 = arith.constant 8 : i32
      %mul3A_55 = arith.muli %scan3A_11, %mul3A_54 : i32
      %add3A_56 = arith.constant 2 : i32
      %add3A_57 = arith.addi %mul3A_55, %add3A_56 : i32
      %get3A_58 = arith.index_cast %add3A_57 : i32 to index
      %get3A_59 = arith.constant 0 : index
      %get3A_60 = tpu.vector_load %arg5[%get3A_58, %get3A_59] {strides = array<i32>} : memref<320x16xf32, #tpu.memory_space<vmem>>, vector<1x16xf32>,
      %get3A_61 = vector.shape_cast %get3A_60 : vector<1x16xf32> to vector<16xf32>
      %get3A_62 = arith.index_cast %add3A_57 : i32 to index
      %get3A_63 = arith.constant 0 : index
      %get3A_64 = tpu.vector_load %arg6[%get3A_62, %get3A_63] {strides = array<i32>} : memref<320x16xf32, #tpu.memory_space<vmem>>, vector<1x16xf32>,
      %get3A_65 = vector.shape_cast %get3A_64 : vector<1x16xf32> to vector<16xf32>
      %add3A_66 = arith.addf %get3A_61, %get3A_65 : vector<16xf32>
      %add3A_67 = arith.addf %add3A_66, %get3A_5 : vector<16xf32>
      %max3A_68 = arith.constant 0.000000e+00 : f32
      %max3A_69 = vector.broadcast %max3A_68 : f32 to vector<16xf32>
      %max3A_70 = arith.maximumf %add3A_67, %max3A_69 : vector<16xf32>
      %swap3A_71 = arith.index_cast %add3A_57 : i32 to index
      %swap3A_72 = arith.constant 0 : index
      %swap3A_73 = tpu.vector_load %arg5[%swap3A_71, %swap3A_72] {strides = array<i32>} : memref<320x16xf32, #tpu.memory_space<vmem>>, vector<1x16xf32>,
      %swap3A_74 = vector.shape_cast %swap3A_73 : vector<1x16xf32> to vector<16xf32>
      %swap3A_75 = vector.shape_cast %max3A_70 : vector<16xf32> to vector<1x16xf32>
      tpu.vector_store %arg5[%swap3A_71, %swap3A_72], %swap3A_75 {strides = array<i32>} : memref<320x16xf32, #tpu.memory_space<vmem>>, vector<1x16xf32>,
      %mul3A_76 = arith.constant 8 : i32
      %mul3A_77 = arith.muli %scan3A_11, %mul3A_76 : i32
      %add3A_78 = arith.constant 3 : i32
      %add3A_79 = arith.addi %mul3A_77, %add3A_78 : i32
      %get3A_80 = arith.index_cast %add3A_79 : i32 to index
      %get3A_81 = arith.constant 0 : index
      %get3A_82 = tpu.vector_load %arg5[%get3A_80, %get3A_81] {strides = array<i32>} : memref<320x16xf32, #tpu.memory_space<vmem>>, vector<1x16xf32>,
      %get3A_83 = vector.shape_cast %get3A_82 : vector<1x16xf32> to vector<16xf32>
      %get3A_84 = arith.index_cast %add3A_79 : i32 to index
      %get3A_85 = arith.constant 0 : index
      %get3A_86 = tpu.vector_load %arg6[%get3A_84, %get3A_85] {strides = array<i32>} : memref<320x16xf32, #tpu.memory_space<vmem>>, vector<1x16xf32>,
      %get3A_87 = vector.shape_cast %get3A_86 : vector<1x16xf32> to vector<16xf32>
      %add3A_88 = arith.addf %get3A_83, %get3A_87 : vector<16xf32>
      %add3A_89 = arith.addf %add3A_88, %get3A_5 : vector<16xf32>
      %max3A_90 = arith.constant 0.000000e+00 : f32
      %max3A_91 = vector.broadcast %max3A_90 : f32 to vector<16xf32>
      %max3A_92 = arith.maximumf %add3A_89, %max3A_91 : vector<16xf32>
      %swap3A_93 = arith.index_cast %add3A_79 : i32 to index
      %swap3A_94 = arith.constant 0 : index
      %swap3A_95 = tpu.vector_load %arg5[%swap3A_93, %swap3A_94] {strides = array<i32>} : memref<320x16xf32, #tpu.memory_space<vmem>>, vector<1x16xf32>,
      %swap3A_96 = vector.shape_cast %swap3A_95 : vector<1x16xf32> to vector<16xf32>
      %swap3A_97 = vector.shape_cast %max3A_92 : vector<16xf32> to vector<1x16xf32>
      tpu.vector_store %arg5[%swap3A_93, %swap3A_94], %swap3A_97 {strides = array<i32>} : memref<320x16xf32, #tpu.memory_space<vmem>>, vector<1x16xf32>,
      %mul3A_98 = arith.constant 8 : i32
      %mul3A_99 = arith.muli %scan3A_11, %mul3A_98 : i32
      %add3A_100 = arith.constant 4 : i32
      %add3A_101 = arith.addi %mul3A_99, %add3A_100 : i32
      %get3A_102 = arith.index_cast %add3A_101 : i32 to index
      %get3A_103 = arith.constant 0 : index
      %get3A_104 = tpu.vector_load %arg5[%get3A_102, %get3A_103] {strides = array<i32>} : memref<320x16xf32, #tpu.memory_space<vmem>>, vector<1x16xf32>,
      %get3A_105 = vector.shape_cast %get3A_104 : vector<1x16xf32> to vector<16xf32>
      %get3A_106 = arith.index_cast %add3A_101 : i32 to index
      %get3A_107 = arith.constant 0 : index
      %get3A_108 = tpu.vector_load %arg6[%get3A_106, %get3A_107] {strides = array<i32>} : memref<320x16xf32, #tpu.memory_space<vmem>>, vector<1x16xf32>,
      %get3A_109 = vector.shape_cast %get3A_108 : vector<1x16xf32> to vector<16xf32>
      %add3A_110 = arith.addf %get3A_105, %get3A_109 : vector<16xf32>
      %add3A_111 = arith.addf %add3A_110, %get3A_5 : vector<16xf32>
      %max3A_112 = arith.constant 0.000000e+00 : f32
      %max3A_113 = vector.broadcast %max3A_112 : f32 to vector<16xf32>
      %max3A_114 = arith.maximumf %add3A_111, %max3A_113 : vector<16xf32>
      %swap3A_115 = arith.index_cast %add3A_101 : i32 to index
      %swap3A_116 = arith.constant 0 : index
      %swap3A_117 = tpu.vector_load %arg5[%swap3A_115, %swap3A_116] {strides = array<i32>} : memref<320x16xf32, #tpu.memory_space<vmem>>, vector<1x16xf32>,
      %swap3A_118 = vector.shape_cast %swap3A_117 : vector<1x16xf32> to vector<16xf32>
      %swap3A_119 = vector.shape_cast %max3A_114 : vector<16xf32> to vector<1x16xf32>
      tpu.vector_store %arg5[%swap3A_115, %swap3A_116], %swap3A_119 {strides = array<i32>} : memref<320x16xf32, #tpu.memory_space<vmem>>, vector<1x16xf32>,
      %mul3A_120 = arith.constant 8 : i32
      %mul3A_121 = arith.muli %scan3A_11, %mul3A_120 : i32
      %add3A_122 = arith.constant 5 : i32
      %add3A_123 = arith.addi %mul3A_121, %add3A_122 : i32
      %get3A_124 = arith.index_cast %add3A_123 : i32 to index
      %get3A_125 = arith.constant 0 : index
      %get3A_126 = tpu.vector_load %arg5[%get3A_124, %get3A_125] {strides = array<i32>} : memref<320x16xf32, #tpu.memory_space<vmem>>, vector<1x16xf32>,
      %get3A_127 = vector.shape_cast %get3A_126 : vector<1x16xf32> to vector<16xf32>
      %get3A_128 = arith.index_cast %add3A_123 : i32 to index
      %get3A_129 = arith.constant 0 : index
      %get3A_130 = tpu.vector_load %arg6[%get3A_128, %get3A_129] {strides = array<i32>} : memref<320x16xf32, #tpu.memory_space<vmem>>, vector<1x16xf32>,
      %get3A_131 = vector.shape_cast %get3A_130 : vector<1x16xf32> to vector<16xf32>
      %add3A_132 = arith.addf %get3A_127, %get3A_131 : vector<16xf32>
      %add3A_133 = arith.addf %add3A_132, %get3A_5 : vector<16xf32>
      %max3A_134 = arith.constant 0.000000e+00 : f32
      %max3A_135 = vector.broadcast %max3A_134 : f32 to vector<16xf32>
      %max3A_136 = arith.maximumf %add3A_133, %max3A_135 : vector<16xf32>
      %swap3A_137 = arith.index_cast %add3A_123 : i32 to index
      %swap3A_138 = arith.constant 0 : index
      %swap3A_139 = tpu.vector_load %arg5[%swap3A_137, %swap3A_138] {strides = array<i32>} : memref<320x16xf32, #tpu.memory_space<vmem>>, vector<1x16xf32>,
      %swap3A_140 = vector.shape_cast %swap3A_139 : vector<1x16xf32> to vector<16xf32>
      %swap3A_141 = vector.shape_cast %max3A_136 : vector<16xf32> to vector<1x16xf32>
      tpu.vector_store %arg5[%swap3A_137, %swap3A_138], %swap3A_141 {strides = array<i32>} : memref<320x16xf32, #tpu.memory_space<vmem>>, vector<1x16xf32>,
      %mul3A_142 = arith.constant 8 : i32
      %mul3A_143 = arith.muli %scan3A_11, %mul3A_142 : i32
      %add3A_144 = arith.constant 6 : i32
      %add3A_145 = arith.addi %mul3A_143, %add3A_144 : i32
      %get3A_146 = arith.index_cast %add3A_145 : i32 to index
      %get3A_147 = arith.constant 0 : index
      %get3A_148 = tpu.vector_load %arg5[%get3A_146, %get3A_147] {strides = array<i32>} : memref<320x16xf32, #tpu.memory_space<vmem>>, vector<1x16xf32>,
      %get3A_149 = vector.shape_cast %get3A_148 : vector<1x16xf32> to vector<16xf32>
      %get3A_150 = arith.index_cast %add3A_145 : i32 to index
      %get3A_151 = arith.constant 0 : index
      %get3A_152 = tpu.vector_load %arg6[%get3A_150, %get3A_151] {strides = array<i32>} : memref<320x16xf32, #tpu.memory_space<vmem>>, vector<1x16xf32>,
      %get3A_153 = vector.shape_cast %get3A_152 : vector<1x16xf32> to vector<16xf32>
      %add3A_154 = arith.addf %get3A_149, %get3A_153 : vector<16xf32>
      %add3A_155 = arith.addf %add3A_154, %get3A_5 : vector<16xf32>
      %max3A_156 = arith.constant 0.000000e+00 : f32
      %max3A_157 = vector.broadcast %max3A_156 : f32 to vector<16xf32>
      %max3A_158 = arith.maximumf %add3A_155, %max3A_157 : vector<16xf32>
      %swap3A_159 = arith.index_cast %add3A_145 : i32 to index
      %swap3A_160 = arith.constant 0 : index
      %swap3A_161 = tpu.vector_load %arg5[%swap3A_159, %swap3A_160] {strides = array<i32>} : memref<320x16xf32, #tpu.memory_space<vmem>>, vector<1x16xf32>,
      %swap3A_162 = vector.shape_cast %swap3A_161 : vector<1x16xf32> to vector<16xf32>
      %swap3A_163 = vector.shape_cast %max3A_158 : vector<16xf32> to vector<1x16xf32>
      tpu.vector_store %arg5[%swap3A_159, %swap3A_160], %swap3A_163 {strides = array<i32>} : memref<320x16xf32, #tpu.memory_space<vmem>>, vector<1x16xf32>,
      %mul3A_164 = arith.constant 8 : i32
      %mul3A_165 = arith.muli %scan3A_11, %mul3A_164 : i32
      %add3A_166 = arith.constant 7 : i32
      %add3A_167 = arith.addi %mul3A_165, %add3A_166 : i32
      %get3A_168 = arith.index_cast %add3A_167 : i32 to index
      %get3A_169 = arith.constant 0 : index
      %get3A_170 = tpu.vector_load %arg5[%get3A_168, %get3A_169] {strides = array<i32>} : memref<320x16xf32, #tpu.memory_space<vmem>>, vector<1x16xf32>,
      %get3A_171 = vector.shape_cast %get3A_170 : vector<1x16xf32> to vector<16xf32>
      %get3A_172 = arith.index_cast %add3A_167 : i32 to index
      %get3A_173 = arith.constant 0 : index
      %get3A_174 = tpu.vector_load %arg6[%get3A_172, %get3A_173] {strides = array<i32>} : memref<320x16xf32, #tpu.memory_space<vmem>>, vector<1x16xf32>,
      %get3A_175 = vector.shape_cast %get3A_174 : vector<1x16xf32> to vector<16xf32>
      %add3A_176 = arith.addf %get3A_171, %get3A_175 : vector<16xf32>
      %add3A_177 = arith.addf %add3A_176, %get3A_5 : vector<16xf32>
      %max3A_178 = arith.constant 0.000000e+00 : f32
      %max3A_179 = vector.broadcast %max3A_178 : f32 to vector<16xf32>
      %max3A_180 = arith.maximumf %add3A_177, %max3A_179 : vector<16xf32>
      %swap3A_181 = arith.index_cast %add3A_167 : i32 to index
      %swap3A_182 = arith.constant 0 : index
      %swap3A_183 = tpu.vector_load %arg5[%swap3A_181, %swap3A_182] {strides = array<i32>} : memref<320x16xf32, #tpu.memory_space<vmem>>, vector<1x16xf32>,
      %swap3A_184 = vector.shape_cast %swap3A_183 : vector<1x16xf32> to vector<16xf32>
      %swap3A_185 = vector.shape_cast %max3A_180 : vector<16xf32> to vector<1x16xf32>
      tpu.vector_store %arg5[%swap3A_181, %swap3A_182], %swap3A_185 {strides = array<i32>} : memref<320x16xf32, #tpu.memory_space<vmem>>, vector<1x16xf32>,
    }
    %scan3A_10 = arith.constant 40 : i32
    "tpu.region"() ({
      %run_scoped3A_11 = tpu.sem_alloc : memref<!tpu.dma_semaphore, #tpu.memory_space<semaphore_mem>>
      %dma_start3A = arith.constant 0 : i32
      %dma_start3A_12 = tpu.memref_slice %arg4[%mul3A_2, %dma_start3A] : memref<10240x16xf32, #tpu.memory_space<hbm>> -> memref<320x16xf32, #tpu.memory_space<hbm>>
      %dma_start3A_13 = arith.constant 0 : i32
      %dma_start3A_14 = tpu.memref_slice %arg4[%mul3A_2, %dma_start3A_13] : memref<10240x16xf32, #tpu.memory_space<hbm>> -> memref<320x16xf32, #tpu.memory_space<hbm>>
      tpu.enqueue_dma source(%arg5 : memref<320x16xf32, #tpu.memory_space<vmem>>) target(%dma_start3A_14 : memref<320x16xf32, #tpu.memory_space<hbm>>) target_semaphore(%run_scoped3A_11 : memref<!tpu.dma_semaphore, #tpu.memory_space<semaphore_mem>>)
      %dma_wait3A = arith.constant 0 : i32
      %dma_wait3A_15 = tpu.memref_slice %arg4[%mul3A_2, %dma_wait3A] : memref<10240x16xf32, #tpu.memory_space<hbm>> -> memref<320x16xf32, #tpu.memory_space<hbm>>
      %dma_wait3A_16 = arith.constant 0 : i32
      %dma_wait3A_17 = tpu.memref_slice %arg4[%mul3A_2, %dma_wait3A_16] : memref<10240x16xf32, #tpu.memory_space<hbm>> -> memref<320x16xf32, #tpu.memory_space<hbm>>
      tpu.wait_dma2 semaphore(%run_scoped3A_11 : memref<!tpu.dma_semaphore, #tpu.memory_space<semaphore_mem>>) src(%arg5 : memref<320x16xf32, #tpu.memory_space<vmem>>) dst(%dma_wait3A_17 : memref<320x16xf32, #tpu.memory_space<hbm>>)
      tpu.yield
    }) : () -> ()
    return
  }
}

#map = affine_map<(d0, d1) -> (0, 0)>
#map1 = affine_map<(d0, d1) -> (0, 0, 0, 0)>
#map2 = affine_map<(d0, d1) -> (0, 0, 0)>
module attributes {stable_mosaic.version = 14 : i64} {
  func.func @seg(%arg0: i32, %arg1: i32, %arg2: memref<10240x16xf32, #tpu.memory_space<hbm>>, %arg3: memref<2x32x80x125xi32, #tpu.memory_space<hbm>>, %arg4: memref<2x10240x16xf32, #tpu.memory_space<hbm>>, %arg5: memref<80x125xi32, #tpu.memory_space<vmem>>, %arg6: memref<80x125xi32, #tpu.memory_space<vmem>>, %arg7: memref<10x125x16xf32, #tpu.memory_space<vmem>>, %arg8: memref<640x16xf32, #tpu.memory_space<vmem>>, %arg9: memref<10240x16xf32, #tpu.memory_space<vmem_shared>>, %arg10: memref<!tpu.dma_semaphore, #tpu.memory_space<semaphore_mem>>, %arg11: memref<!tpu.dma_semaphore, #tpu.memory_space<semaphore_mem>>, %arg12: memref<!tpu.dma_semaphore, #tpu.memory_space<semaphore_mem>>, %arg13: memref<!tpu.dma_semaphore, #tpu.memory_space<semaphore_mem>>, %arg14: memref<!tpu.dma_semaphore, #tpu.memory_space<semaphore_mem>>, %arg15: memref<!tpu.dma_semaphore, #tpu.memory_space<semaphore_mem>>, %arg16: memref<!tpu.dma_semaphore, #tpu.memory_space<semaphore_mem>>, %arg17: memref<!tpu.dma_semaphore, #tpu.memory_space<semaphore_mem>>, %arg18: memref<!tpu.dma_semaphore, #tpu.memory_space<semaphore_mem>>, %arg19: memref<!tpu.dma_semaphore, #tpu.memory_space<semaphore_mem>>, %arg20: memref<!tpu.dma_semaphore, #tpu.memory_space<semaphore_mem>>, %arg21: memref<!tpu.dma_semaphore, #tpu.memory_space<semaphore_mem>>, %arg22: memref<!tpu.dma_semaphore, #tpu.memory_space<semaphore_mem>>, %arg23: memref<!tpu.dma_semaphore, #tpu.memory_space<semaphore_mem>>, %arg24: memref<!tpu.dma_semaphore, #tpu.memory_space<semaphore_mem>>, %arg25: memref<!tpu.dma_semaphore, #tpu.memory_space<semaphore_mem>>, %arg26: memref<!tpu.dma_semaphore, #tpu.memory_space<semaphore_mem>>, %arg27: memref<!tpu.dma_semaphore, #tpu.memory_space<semaphore_mem>>, %arg28: memref<!tpu.dma_semaphore, #tpu.memory_space<semaphore_mem>>, %arg29: memref<!tpu.dma_semaphore, #tpu.memory_space<semaphore_mem>>) attributes {dimension_semantics = [#tpu.dimension_semantics<core_parallel>, #tpu.dimension_semantics<subcore_parallel>], iteration_bounds = array<i64: 2, 16>, scalar_prefetch = 0 : i64, scratch_operands = 25 : i64, tpu.core_type = #tpu.core_type<sc_vector_subcore>, window_params = [{transform_indices = #map}, {transform_indices = #map1}, {transform_indices = #map2}]} {
    %mul3A = arith.constant 2 : i32
    %mul3A_0 = arith.muli %arg1, %mul3A : i32
    %add3A = arith.addi %mul3A_0, %arg0 : i32
    %run_scoped3A = arith.constant 0 : i32
    "tpu.region"() ({
      %run_scoped3A_495 = tpu.sem_alloc : memref<!tpu.dma_semaphore, #tpu.memory_space<semaphore_mem>>
      %dma_start3A_496 = arith.constant 0 : i32
      %dma_start3A_497 = arith.constant 0 : i32
      %dma_start3A_498 = tpu.memref_slice %arg3[%run_scoped3A, %add3A, %dma_start3A_496, %dma_start3A_497] : memref<2x32x80x125xi32, #tpu.memory_space<hbm>> -> memref<1x1x80x125xi32, #tpu.memory_space<hbm>>
      %dma_start3A_499 = tpu.memref_squeeze %dma_start3A_498 : memref<1x1x80x125xi32, #tpu.memory_space<hbm>> -> memref<80x125xi32, #tpu.memory_space<hbm>>
      %dma_start3A_500 = arith.constant 0 : i32
      %dma_start3A_501 = arith.constant 0 : i32
      %dma_start3A_502 = tpu.memref_slice %arg3[%run_scoped3A, %add3A, %dma_start3A_500, %dma_start3A_501] : memref<2x32x80x125xi32, #tpu.memory_space<hbm>> -> memref<1x1x80x125xi32, #tpu.memory_space<hbm>>
      %dma_start3A_503 = tpu.memref_squeeze %dma_start3A_502 : memref<1x1x80x125xi32, #tpu.memory_space<hbm>> -> memref<80x125xi32, #tpu.memory_space<hbm>>
      tpu.enqueue_dma source(%dma_start3A_503 : memref<80x125xi32, #tpu.memory_space<hbm>>) target(%arg5 : memref<80x125xi32, #tpu.memory_space<vmem>>) target_semaphore(%run_scoped3A_495 : memref<!tpu.dma_semaphore, #tpu.memory_space<semaphore_mem>>)
      %dma_wait3A_504 = arith.constant 0 : i32
      %dma_wait3A_505 = arith.constant 0 : i32
      %dma_wait3A_506 = tpu.memref_slice %arg3[%run_scoped3A, %add3A, %dma_wait3A_504, %dma_wait3A_505] : memref<2x32x80x125xi32, #tpu.memory_space<hbm>> -> memref<1x1x80x125xi32, #tpu.memory_space<hbm>>
      %dma_wait3A_507 = tpu.memref_squeeze %dma_wait3A_506 : memref<1x1x80x125xi32, #tpu.memory_space<hbm>> -> memref<80x125xi32, #tpu.memory_space<hbm>>
      %dma_wait3A_508 = arith.constant 0 : i32
      %dma_wait3A_509 = arith.constant 0 : i32
      %dma_wait3A_510 = tpu.memref_slice %arg3[%run_scoped3A, %add3A, %dma_wait3A_508, %dma_wait3A_509] : memref<2x32x80x125xi32, #tpu.memory_space<hbm>> -> memref<1x1x80x125xi32, #tpu.memory_space<hbm>>
      %dma_wait3A_511 = tpu.memref_squeeze %dma_wait3A_510 : memref<1x1x80x125xi32, #tpu.memory_space<hbm>> -> memref<80x125xi32, #tpu.memory_space<hbm>>
      tpu.wait_dma2 semaphore(%run_scoped3A_495 : memref<!tpu.dma_semaphore, #tpu.memory_space<semaphore_mem>>) src(%dma_wait3A_511 : memref<80x125xi32, #tpu.memory_space<hbm>>) dst(%arg5 : memref<80x125xi32, #tpu.memory_space<vmem>>)
      tpu.yield
    }) : () -> ()
    %run_scoped3A_1 = arith.constant 1 : i32
    "tpu.region"() ({
      %run_scoped3A_495 = tpu.sem_alloc : memref<!tpu.dma_semaphore, #tpu.memory_space<semaphore_mem>>
      %dma_start3A_496 = arith.constant 0 : i32
      %dma_start3A_497 = arith.constant 0 : i32
      %dma_start3A_498 = tpu.memref_slice %arg3[%run_scoped3A_1, %add3A, %dma_start3A_496, %dma_start3A_497] : memref<2x32x80x125xi32, #tpu.memory_space<hbm>> -> memref<1x1x80x125xi32, #tpu.memory_space<hbm>>
      %dma_start3A_499 = tpu.memref_squeeze %dma_start3A_498 : memref<1x1x80x125xi32, #tpu.memory_space<hbm>> -> memref<80x125xi32, #tpu.memory_space<hbm>>
      %dma_start3A_500 = arith.constant 0 : i32
      %dma_start3A_501 = arith.constant 0 : i32
      %dma_start3A_502 = tpu.memref_slice %arg3[%run_scoped3A_1, %add3A, %dma_start3A_500, %dma_start3A_501] : memref<2x32x80x125xi32, #tpu.memory_space<hbm>> -> memref<1x1x80x125xi32, #tpu.memory_space<hbm>>
      %dma_start3A_503 = tpu.memref_squeeze %dma_start3A_502 : memref<1x1x80x125xi32, #tpu.memory_space<hbm>> -> memref<80x125xi32, #tpu.memory_space<hbm>>
      tpu.enqueue_dma source(%dma_start3A_503 : memref<80x125xi32, #tpu.memory_space<hbm>>) target(%arg6 : memref<80x125xi32, #tpu.memory_space<vmem>>) target_semaphore(%run_scoped3A_495 : memref<!tpu.dma_semaphore, #tpu.memory_space<semaphore_mem>>)
      %dma_wait3A_504 = arith.constant 0 : i32
      %dma_wait3A_505 = arith.constant 0 : i32
      %dma_wait3A_506 = tpu.memref_slice %arg3[%run_scoped3A_1, %add3A, %dma_wait3A_504, %dma_wait3A_505] : memref<2x32x80x125xi32, #tpu.memory_space<hbm>> -> memref<1x1x80x125xi32, #tpu.memory_space<hbm>>
      %dma_wait3A_507 = tpu.memref_squeeze %dma_wait3A_506 : memref<1x1x80x125xi32, #tpu.memory_space<hbm>> -> memref<80x125xi32, #tpu.memory_space<hbm>>
      %dma_wait3A_508 = arith.constant 0 : i32
      %dma_wait3A_509 = arith.constant 0 : i32
      %dma_wait3A_510 = tpu.memref_slice %arg3[%run_scoped3A_1, %add3A, %dma_wait3A_508, %dma_wait3A_509] : memref<2x32x80x125xi32, #tpu.memory_space<hbm>> -> memref<1x1x80x125xi32, #tpu.memory_space<hbm>>
      %dma_wait3A_511 = tpu.memref_squeeze %dma_wait3A_510 : memref<1x1x80x125xi32, #tpu.memory_space<hbm>> -> memref<80x125xi32, #tpu.memory_space<hbm>>
      tpu.wait_dma2 semaphore(%run_scoped3A_495 : memref<!tpu.dma_semaphore, #tpu.memory_space<semaphore_mem>>) src(%dma_wait3A_511 : memref<80x125xi32, #tpu.memory_space<hbm>>) dst(%arg6 : memref<80x125xi32, #tpu.memory_space<vmem>>)
      tpu.yield
    }) : () -> ()
    %dma_start3A = arith.constant 0 : i32
    %dma_start3A_2 = arith.constant 0 : i32
    %dma_start3A_3 = arith.constant 0 : i32
    %dma_start3A_4 = arith.constant 0 : i32
    %dma_start3A_5 = tpu.memref_slice %arg7[%dma_start3A_2, %dma_start3A_3, %dma_start3A_4] : memref<10x125x16xf32, #tpu.memory_space<vmem>> -> memref<1x125x16xf32, #tpu.memory_space<vmem>>
    %dma_start3A_6 = tpu.memref_squeeze %dma_start3A_5 : memref<1x125x16xf32, #tpu.memory_space<vmem>> -> memref<125x16xf32, #tpu.memory_space<vmem>>
    %dma_start3A_7 = arith.constant 0 : i32
    %dma_start3A_8 = tpu.memref_slice %arg5[%dma_start3A, %dma_start3A_7] : memref<80x125xi32, #tpu.memory_space<vmem>> -> memref<1x125xi32, #tpu.memory_space<vmem>>
    %dma_start3A_9 = tpu.memref_squeeze %dma_start3A_8 : memref<1x125xi32, #tpu.memory_space<vmem>> -> memref<125xi32, #tpu.memory_space<vmem>>
    %dma_start3A_10 = arith.constant 0 : i32
    %dma_start3A_11 = arith.constant 0 : i32
    %dma_start3A_12 = tpu.memref_slice %arg2[%dma_start3A_10, %dma_start3A_11] : memref<10240x16xf32, #tpu.memory_space<hbm>> -> memref<10240x16xf32, #tpu.memory_space<hbm>>
    tpu.enqueue_indirect_dma source(%dma_start3A_12 : memref<10240x16xf32, #tpu.memory_space<hbm>>) target(%dma_start3A_6 : memref<125x16xf32, #tpu.memory_space<vmem>>) offsets(%dma_start3A_9 : memref<125xi32, #tpu.memory_space<vmem>>) semaphore(%arg10 : memref<!tpu.dma_semaphore, #tpu.memory_space<semaphore_mem>>)
    %dma_start3A_13 = arith.constant 1 : i32
    %dma_start3A_14 = arith.constant 1 : i32
    %dma_start3A_15 = arith.constant 0 : i32
    %dma_start3A_16 = arith.constant 0 : i32
    %dma_start3A_17 = tpu.memref_slice %arg7[%dma_start3A_14, %dma_start3A_15, %dma_start3A_16] : memref<10x125x16xf32, #tpu.memory_space<vmem>> -> memref<1x125x16xf32, #tpu.memory_space<vmem>>
    %dma_start3A_18 = tpu.memref_squeeze %dma_start3A_17 : memref<1x125x16xf32, #tpu.memory_space<vmem>> -> memref<125x16xf32, #tpu.memory_space<vmem>>
    %dma_start3A_19 = arith.constant 0 : i32
    %dma_start3A_20 = tpu.memref_slice %arg5[%dma_start3A_13, %dma_start3A_19] : memref<80x125xi32, #tpu.memory_space<vmem>> -> memref<1x125xi32, #tpu.memory_space<vmem>>
    %dma_start3A_21 = tpu.memref_squeeze %dma_start3A_20 : memref<1x125xi32, #tpu.memory_space<vmem>> -> memref<125xi32, #tpu.memory_space<vmem>>
    %dma_start3A_22 = arith.constant 0 : i32
    %dma_start3A_23 = arith.constant 0 : i32
    %dma_start3A_24 = tpu.memref_slice %arg2[%dma_start3A_22, %dma_start3A_23] : memref<10240x16xf32, #tpu.memory_space<hbm>> -> memref<10240x16xf32, #tpu.memory_space<hbm>>
    tpu.enqueue_indirect_dma source(%dma_start3A_24 : memref<10240x16xf32, #tpu.memory_space<hbm>>) target(%dma_start3A_18 : memref<125x16xf32, #tpu.memory_space<vmem>>) offsets(%dma_start3A_21 : memref<125xi32, #tpu.memory_space<vmem>>) semaphore(%arg11 : memref<!tpu.dma_semaphore, #tpu.memory_space<semaphore_mem>>)
    %dma_start3A_25 = arith.constant 2 : i32
    %dma_start3A_26 = arith.constant 2 : i32
    %dma_start3A_27 = arith.constant 0 : i32
    %dma_start3A_28 = arith.constant 0 : i32
    %dma_start3A_29 = tpu.memref_slice %arg7[%dma_start3A_26, %dma_start3A_27, %dma_start3A_28] : memref<10x125x16xf32, #tpu.memory_space<vmem>> -> memref<1x125x16xf32, #tpu.memory_space<vmem>>
    %dma_start3A_30 = tpu.memref_squeeze %dma_start3A_29 : memref<1x125x16xf32, #tpu.memory_space<vmem>> -> memref<125x16xf32, #tpu.memory_space<vmem>>
    %dma_start3A_31 = arith.constant 0 : i32
    %dma_start3A_32 = tpu.memref_slice %arg5[%dma_start3A_25, %dma_start3A_31] : memref<80x125xi32, #tpu.memory_space<vmem>> -> memref<1x125xi32, #tpu.memory_space<vmem>>
    %dma_start3A_33 = tpu.memref_squeeze %dma_start3A_32 : memref<1x125xi32, #tpu.memory_space<vmem>> -> memref<125xi32, #tpu.memory_space<vmem>>
    %dma_start3A_34 = arith.constant 0 : i32
    %dma_start3A_35 = arith.constant 0 : i32
    %dma_start3A_36 = tpu.memref_slice %arg2[%dma_start3A_34, %dma_start3A_35] : memref<10240x16xf32, #tpu.memory_space<hbm>> -> memref<10240x16xf32, #tpu.memory_space<hbm>>
    tpu.enqueue_indirect_dma source(%dma_start3A_36 : memref<10240x16xf32, #tpu.memory_space<hbm>>) target(%dma_start3A_30 : memref<125x16xf32, #tpu.memory_space<vmem>>) offsets(%dma_start3A_33 : memref<125xi32, #tpu.memory_space<vmem>>) semaphore(%arg12 : memref<!tpu.dma_semaphore, #tpu.memory_space<semaphore_mem>>)
    %dma_start3A_37 = arith.constant 3 : i32
    %dma_start3A_38 = arith.constant 3 : i32
    %dma_start3A_39 = arith.constant 0 : i32
    %dma_start3A_40 = arith.constant 0 : i32
    %dma_start3A_41 = tpu.memref_slice %arg7[%dma_start3A_38, %dma_start3A_39, %dma_start3A_40] : memref<10x125x16xf32, #tpu.memory_space<vmem>> -> memref<1x125x16xf32, #tpu.memory_space<vmem>>
    %dma_start3A_42 = tpu.memref_squeeze %dma_start3A_41 : memref<1x125x16xf32, #tpu.memory_space<vmem>> -> memref<125x16xf32, #tpu.memory_space<vmem>>
    %dma_start3A_43 = arith.constant 0 : i32
    %dma_start3A_44 = tpu.memref_slice %arg5[%dma_start3A_37, %dma_start3A_43] : memref<80x125xi32, #tpu.memory_space<vmem>> -> memref<1x125xi32, #tpu.memory_space<vmem>>
    %dma_start3A_45 = tpu.memref_squeeze %dma_start3A_44 : memref<1x125xi32, #tpu.memory_space<vmem>> -> memref<125xi32, #tpu.memory_space<vmem>>
    %dma_start3A_46 = arith.constant 0 : i32
    %dma_start3A_47 = arith.constant 0 : i32
    %dma_start3A_48 = tpu.memref_slice %arg2[%dma_start3A_46, %dma_start3A_47] : memref<10240x16xf32, #tpu.memory_space<hbm>> -> memref<10240x16xf32, #tpu.memory_space<hbm>>
    tpu.enqueue_indirect_dma source(%dma_start3A_48 : memref<10240x16xf32, #tpu.memory_space<hbm>>) target(%dma_start3A_42 : memref<125x16xf32, #tpu.memory_space<vmem>>) offsets(%dma_start3A_45 : memref<125xi32, #tpu.memory_space<vmem>>) semaphore(%arg13 : memref<!tpu.dma_semaphore, #tpu.memory_space<semaphore_mem>>)
    %dma_start3A_49 = arith.constant 4 : i32
    %dma_start3A_50 = arith.constant 4 : i32
    %dma_start3A_51 = arith.constant 0 : i32
    %dma_start3A_52 = arith.constant 0 : i32
    %dma_start3A_53 = tpu.memref_slice %arg7[%dma_start3A_50, %dma_start3A_51, %dma_start3A_52] : memref<10x125x16xf32, #tpu.memory_space<vmem>> -> memref<1x125x16xf32, #tpu.memory_space<vmem>>
    %dma_start3A_54 = tpu.memref_squeeze %dma_start3A_53 : memref<1x125x16xf32, #tpu.memory_space<vmem>> -> memref<125x16xf32, #tpu.memory_space<vmem>>
    %dma_start3A_55 = arith.constant 0 : i32
    %dma_start3A_56 = tpu.memref_slice %arg5[%dma_start3A_49, %dma_start3A_55] : memref<80x125xi32, #tpu.memory_space<vmem>> -> memref<1x125xi32, #tpu.memory_space<vmem>>
    %dma_start3A_57 = tpu.memref_squeeze %dma_start3A_56 : memref<1x125xi32, #tpu.memory_space<vmem>> -> memref<125xi32, #tpu.memory_space<vmem>>
    %dma_start3A_58 = arith.constant 0 : i32
    %dma_start3A_59 = arith.constant 0 : i32
    %dma_start3A_60 = tpu.memref_slice %arg2[%dma_start3A_58, %dma_start3A_59] : memref<10240x16xf32, #tpu.memory_space<hbm>> -> memref<10240x16xf32, #tpu.memory_space<hbm>>
    tpu.enqueue_indirect_dma source(%dma_start3A_60 : memref<10240x16xf32, #tpu.memory_space<hbm>>) target(%dma_start3A_54 : memref<125x16xf32, #tpu.memory_space<vmem>>) offsets(%dma_start3A_57 : memref<125xi32, #tpu.memory_space<vmem>>) semaphore(%arg14 : memref<!tpu.dma_semaphore, #tpu.memory_space<semaphore_mem>>)
    %dma_start3A_61 = arith.constant 5 : i32
    %dma_start3A_62 = arith.constant 5 : i32
    %dma_start3A_63 = arith.constant 0 : i32
    %dma_start3A_64 = arith.constant 0 : i32
    %dma_start3A_65 = tpu.memref_slice %arg7[%dma_start3A_62, %dma_start3A_63, %dma_start3A_64] : memref<10x125x16xf32, #tpu.memory_space<vmem>> -> memref<1x125x16xf32, #tpu.memory_space<vmem>>
    %dma_start3A_66 = tpu.memref_squeeze %dma_start3A_65 : memref<1x125x16xf32, #tpu.memory_space<vmem>> -> memref<125x16xf32, #tpu.memory_space<vmem>>
    %dma_start3A_67 = arith.constant 0 : i32
    %dma_start3A_68 = tpu.memref_slice %arg5[%dma_start3A_61, %dma_start3A_67] : memref<80x125xi32, #tpu.memory_space<vmem>> -> memref<1x125xi32, #tpu.memory_space<vmem>>
    %dma_start3A_69 = tpu.memref_squeeze %dma_start3A_68 : memref<1x125xi32, #tpu.memory_space<vmem>> -> memref<125xi32, #tpu.memory_space<vmem>>
    %dma_start3A_70 = arith.constant 0 : i32
    %dma_start3A_71 = arith.constant 0 : i32
    %dma_start3A_72 = tpu.memref_slice %arg2[%dma_start3A_70, %dma_start3A_71] : memref<10240x16xf32, #tpu.memory_space<hbm>> -> memref<10240x16xf32, #tpu.memory_space<hbm>>
    tpu.enqueue_indirect_dma source(%dma_start3A_72 : memref<10240x16xf32, #tpu.memory_space<hbm>>) target(%dma_start3A_66 : memref<125x16xf32, #tpu.memory_space<vmem>>) offsets(%dma_start3A_69 : memref<125xi32, #tpu.memory_space<vmem>>) semaphore(%arg15 : memref<!tpu.dma_semaphore, #tpu.memory_space<semaphore_mem>>)
    %dma_start3A_73 = arith.constant 6 : i32
    %dma_start3A_74 = arith.constant 6 : i32
    %dma_start3A_75 = arith.constant 0 : i32
    %dma_start3A_76 = arith.constant 0 : i32
    %dma_start3A_77 = tpu.memref_slice %arg7[%dma_start3A_74, %dma_start3A_75, %dma_start3A_76] : memref<10x125x16xf32, #tpu.memory_space<vmem>> -> memref<1x125x16xf32, #tpu.memory_space<vmem>>
    %dma_start3A_78 = tpu.memref_squeeze %dma_start3A_77 : memref<1x125x16xf32, #tpu.memory_space<vmem>> -> memref<125x16xf32, #tpu.memory_space<vmem>>
    %dma_start3A_79 = arith.constant 0 : i32
    %dma_start3A_80 = tpu.memref_slice %arg5[%dma_start3A_73, %dma_start3A_79] : memref<80x125xi32, #tpu.memory_space<vmem>> -> memref<1x125xi32, #tpu.memory_space<vmem>>
    %dma_start3A_81 = tpu.memref_squeeze %dma_start3A_80 : memref<1x125xi32, #tpu.memory_space<vmem>> -> memref<125xi32, #tpu.memory_space<vmem>>
    %dma_start3A_82 = arith.constant 0 : i32
    %dma_start3A_83 = arith.constant 0 : i32
    %dma_start3A_84 = tpu.memref_slice %arg2[%dma_start3A_82, %dma_start3A_83] : memref<10240x16xf32, #tpu.memory_space<hbm>> -> memref<10240x16xf32, #tpu.memory_space<hbm>>
    tpu.enqueue_indirect_dma source(%dma_start3A_84 : memref<10240x16xf32, #tpu.memory_space<hbm>>) target(%dma_start3A_78 : memref<125x16xf32, #tpu.memory_space<vmem>>) offsets(%dma_start3A_81 : memref<125xi32, #tpu.memory_space<vmem>>) semaphore(%arg16 : memref<!tpu.dma_semaphore, #tpu.memory_space<semaphore_mem>>)
    %dma_start3A_85 = arith.constant 7 : i32
    %dma_start3A_86 = arith.constant 7 : i32
    %dma_start3A_87 = arith.constant 0 : i32
    %dma_start3A_88 = arith.constant 0 : i32
    %dma_start3A_89 = tpu.memref_slice %arg7[%dma_start3A_86, %dma_start3A_87, %dma_start3A_88] : memref<10x125x16xf32, #tpu.memory_space<vmem>> -> memref<1x125x16xf32, #tpu.memory_space<vmem>>
    %dma_start3A_90 = tpu.memref_squeeze %dma_start3A_89 : memref<1x125x16xf32, #tpu.memory_space<vmem>> -> memref<125x16xf32, #tpu.memory_space<vmem>>
    %dma_start3A_91 = arith.constant 0 : i32
    %dma_start3A_92 = tpu.memref_slice %arg5[%dma_start3A_85, %dma_start3A_91] : memref<80x125xi32, #tpu.memory_space<vmem>> -> memref<1x125xi32, #tpu.memory_space<vmem>>
    %dma_start3A_93 = tpu.memref_squeeze %dma_start3A_92 : memref<1x125xi32, #tpu.memory_space<vmem>> -> memref<125xi32, #tpu.memory_space<vmem>>
    %dma_start3A_94 = arith.constant 0 : i32
    %dma_start3A_95 = arith.constant 0 : i32
    %dma_start3A_96 = tpu.memref_slice %arg2[%dma_start3A_94, %dma_start3A_95] : memref<10240x16xf32, #tpu.memory_space<hbm>> -> memref<10240x16xf32, #tpu.memory_space<hbm>>
    tpu.enqueue_indirect_dma source(%dma_start3A_96 : memref<10240x16xf32, #tpu.memory_space<hbm>>) target(%dma_start3A_90 : memref<125x16xf32, #tpu.memory_space<vmem>>) offsets(%dma_start3A_93 : memref<125xi32, #tpu.memory_space<vmem>>) semaphore(%arg17 : memref<!tpu.dma_semaphore, #tpu.memory_space<semaphore_mem>>)
    %dma_start3A_97 = arith.constant 8 : i32
    %dma_start3A_98 = arith.constant 8 : i32
    %dma_start3A_99 = arith.constant 0 : i32
    %dma_start3A_100 = arith.constant 0 : i32
    %dma_start3A_101 = tpu.memref_slice %arg7[%dma_start3A_98, %dma_start3A_99, %dma_start3A_100] : memref<10x125x16xf32, #tpu.memory_space<vmem>> -> memref<1x125x16xf32, #tpu.memory_space<vmem>>
    %dma_start3A_102 = tpu.memref_squeeze %dma_start3A_101 : memref<1x125x16xf32, #tpu.memory_space<vmem>> -> memref<125x16xf32, #tpu.memory_space<vmem>>
    %dma_start3A_103 = arith.constant 0 : i32
    %dma_start3A_104 = tpu.memref_slice %arg5[%dma_start3A_97, %dma_start3A_103] : memref<80x125xi32, #tpu.memory_space<vmem>> -> memref<1x125xi32, #tpu.memory_space<vmem>>
    %dma_start3A_105 = tpu.memref_squeeze %dma_start3A_104 : memref<1x125xi32, #tpu.memory_space<vmem>> -> memref<125xi32, #tpu.memory_space<vmem>>
    %dma_start3A_106 = arith.constant 0 : i32
    %dma_start3A_107 = arith.constant 0 : i32
    %dma_start3A_108 = tpu.memref_slice %arg2[%dma_start3A_106, %dma_start3A_107] : memref<10240x16xf32, #tpu.memory_space<hbm>> -> memref<10240x16xf32, #tpu.memory_space<hbm>>
    tpu.enqueue_indirect_dma source(%dma_start3A_108 : memref<10240x16xf32, #tpu.memory_space<hbm>>) target(%dma_start3A_102 : memref<125x16xf32, #tpu.memory_space<vmem>>) offsets(%dma_start3A_105 : memref<125xi32, #tpu.memory_space<vmem>>) semaphore(%arg18 : memref<!tpu.dma_semaphore, #tpu.memory_space<semaphore_mem>>)
    %dma_start3A_109 = arith.constant 9 : i32
    %dma_start3A_110 = arith.constant 9 : i32
    %dma_start3A_111 = arith.constant 0 : i32
    %dma_start3A_112 = arith.constant 0 : i32
    %dma_start3A_113 = tpu.memref_slice %arg7[%dma_start3A_110, %dma_start3A_111, %dma_start3A_112] : memref<10x125x16xf32, #tpu.memory_space<vmem>> -> memref<1x125x16xf32, #tpu.memory_space<vmem>>
    %dma_start3A_114 = tpu.memref_squeeze %dma_start3A_113 : memref<1x125x16xf32, #tpu.memory_space<vmem>> -> memref<125x16xf32, #tpu.memory_space<vmem>>
    %dma_start3A_115 = arith.constant 0 : i32
    %dma_start3A_116 = tpu.memref_slice %arg5[%dma_start3A_109, %dma_start3A_115] : memref<80x125xi32, #tpu.memory_space<vmem>> -> memref<1x125xi32, #tpu.memory_space<vmem>>
    %dma_start3A_117 = tpu.memref_squeeze %dma_start3A_116 : memref<1x125xi32, #tpu.memory_space<vmem>> -> memref<125xi32, #tpu.memory_space<vmem>>
    %dma_start3A_118 = arith.constant 0 : i32
    %dma_start3A_119 = arith.constant 0 : i32
    %dma_start3A_120 = tpu.memref_slice %arg2[%dma_start3A_118, %dma_start3A_119] : memref<10240x16xf32, #tpu.memory_space<hbm>> -> memref<10240x16xf32, #tpu.memory_space<hbm>>
    tpu.enqueue_indirect_dma source(%dma_start3A_120 : memref<10240x16xf32, #tpu.memory_space<hbm>>) target(%dma_start3A_114 : memref<125x16xf32, #tpu.memory_space<vmem>>) offsets(%dma_start3A_117 : memref<125xi32, #tpu.memory_space<vmem>>) semaphore(%arg19 : memref<!tpu.dma_semaphore, #tpu.memory_space<semaphore_mem>>)
    %broadcast_in_dim3A = arith.constant 0.000000e+00 : f32
    %broadcast_in_dim3A_121 = vector.broadcast %broadcast_in_dim3A : f32 to vector<16xf32>
    %scan3A = arith.constant 0 : i32
    %scan3A_122 = arith.constant 0 : i32
    %scan3A_123 = arith.constant 80 : i32
    %scan3A_124 = arith.addi %scan3A_122, %scan3A_123 : i32
    %scan3A_125 = arith.constant 1 : i32
    scf.for %scan3A_495 = %scan3A_122 to %scan3A_124 step %scan3A_125  : i32 {
      %mul3A_496 = arith.constant 8 : i32
      %mul3A_497 = arith.muli %scan3A_495, %mul3A_496 : i32
      %add3A_498 = arith.constant 0 : i32
      %add3A_499 = arith.addi %mul3A_497, %add3A_498 : i32
      %swap3A = arith.index_cast %add3A_499 : i32 to index
      %swap3A_500 = arith.constant 0 : index
      %swap3A_501 = tpu.vector_load %arg8[%swap3A, %swap3A_500] {strides = array<i32>} : memref<640x16xf32, #tpu.memory_space<vmem>>, vector<1x16xf32>,
      %swap3A_502 = vector.shape_cast %swap3A_501 : vector<1x16xf32> to vector<16xf32>
      %swap3A_503 = vector.shape_cast %broadcast_in_dim3A_121 : vector<16xf32> to vector<1x16xf32>
      tpu.vector_store %arg8[%swap3A, %swap3A_500], %swap3A_503 {strides = array<i32>} : memref<640x16xf32, #tpu.memory_space<vmem>>, vector<1x16xf32>,
      %mul3A_504 = arith.constant 8 : i32
      %mul3A_505 = arith.muli %scan3A_495, %mul3A_504 : i32
      %add3A_506 = arith.constant 1 : i32
      %add3A_507 = arith.addi %mul3A_505, %add3A_506 : i32
      %swap3A_508 = arith.index_cast %add3A_507 : i32 to index
      %swap3A_509 = arith.constant 0 : index
      %swap3A_510 = tpu.vector_load %arg8[%swap3A_508, %swap3A_509] {strides = array<i32>} : memref<640x16xf32, #tpu.memory_space<vmem>>, vector<1x16xf32>,
      %swap3A_511 = vector.shape_cast %swap3A_510 : vector<1x16xf32> to vector<16xf32>
      %swap3A_512 = vector.shape_cast %broadcast_in_dim3A_121 : vector<16xf32> to vector<1x16xf32>
      tpu.vector_store %arg8[%swap3A_508, %swap3A_509], %swap3A_512 {strides = array<i32>} : memref<640x16xf32, #tpu.memory_space<vmem>>, vector<1x16xf32>,
      %mul3A_513 = arith.constant 8 : i32
      %mul3A_514 = arith.muli %scan3A_495, %mul3A_513 : i32
      %add3A_515 = arith.constant 2 : i32
      %add3A_516 = arith.addi %mul3A_514, %add3A_515 : i32
      %swap3A_517 = arith.index_cast %add3A_516 : i32 to index
      %swap3A_518 = arith.constant 0 : index
      %swap3A_519 = tpu.vector_load %arg8[%swap3A_517, %swap3A_518] {strides = array<i32>} : memref<640x16xf32, #tpu.memory_space<vmem>>, vector<1x16xf32>,
      %swap3A_520 = vector.shape_cast %swap3A_519 : vector<1x16xf32> to vector<16xf32>
      %swap3A_521 = vector.shape_cast %broadcast_in_dim3A_121 : vector<16xf32> to vector<1x16xf32>
      tpu.vector_store %arg8[%swap3A_517, %swap3A_518], %swap3A_521 {strides = array<i32>} : memref<640x16xf32, #tpu.memory_space<vmem>>, vector<1x16xf32>,
      %mul3A_522 = arith.constant 8 : i32
      %mul3A_523 = arith.muli %scan3A_495, %mul3A_522 : i32
      %add3A_524 = arith.constant 3 : i32
      %add3A_525 = arith.addi %mul3A_523, %add3A_524 : i32
      %swap3A_526 = arith.index_cast %add3A_525 : i32 to index
      %swap3A_527 = arith.constant 0 : index
      %swap3A_528 = tpu.vector_load %arg8[%swap3A_526, %swap3A_527] {strides = array<i32>} : memref<640x16xf32, #tpu.memory_space<vmem>>, vector<1x16xf32>,
      %swap3A_529 = vector.shape_cast %swap3A_528 : vector<1x16xf32> to vector<16xf32>
      %swap3A_530 = vector.shape_cast %broadcast_in_dim3A_121 : vector<16xf32> to vector<1x16xf32>
      tpu.vector_store %arg8[%swap3A_526, %swap3A_527], %swap3A_530 {strides = array<i32>} : memref<640x16xf32, #tpu.memory_space<vmem>>, vector<1x16xf32>,
      %mul3A_531 = arith.constant 8 : i32
      %mul3A_532 = arith.muli %scan3A_495, %mul3A_531 : i32
      %add3A_533 = arith.constant 4 : i32
      %add3A_534 = arith.addi %mul3A_532, %add3A_533 : i32
      %swap3A_535 = arith.index_cast %add3A_534 : i32 to index
      %swap3A_536 = arith.constant 0 : index
      %swap3A_537 = tpu.vector_load %arg8[%swap3A_535, %swap3A_536] {strides = array<i32>} : memref<640x16xf32, #tpu.memory_space<vmem>>, vector<1x16xf32>,
      %swap3A_538 = vector.shape_cast %swap3A_537 : vector<1x16xf32> to vector<16xf32>
      %swap3A_539 = vector.shape_cast %broadcast_in_dim3A_121 : vector<16xf32> to vector<1x16xf32>
      tpu.vector_store %arg8[%swap3A_535, %swap3A_536], %swap3A_539 {strides = array<i32>} : memref<640x16xf32, #tpu.memory_space<vmem>>, vector<1x16xf32>,
      %mul3A_540 = arith.constant 8 : i32
      %mul3A_541 = arith.muli %scan3A_495, %mul3A_540 : i32
      %add3A_542 = arith.constant 5 : i32
      %add3A_543 = arith.addi %mul3A_541, %add3A_542 : i32
      %swap3A_544 = arith.index_cast %add3A_543 : i32 to index
      %swap3A_545 = arith.constant 0 : index
      %swap3A_546 = tpu.vector_load %arg8[%swap3A_544, %swap3A_545] {strides = array<i32>} : memref<640x16xf32, #tpu.memory_space<vmem>>, vector<1x16xf32>,
      %swap3A_547 = vector.shape_cast %swap3A_546 : vector<1x16xf32> to vector<16xf32>
      %swap3A_548 = vector.shape_cast %broadcast_in_dim3A_121 : vector<16xf32> to vector<1x16xf32>
      tpu.vector_store %arg8[%swap3A_544, %swap3A_545], %swap3A_548 {strides = array<i32>} : memref<640x16xf32, #tpu.memory_space<vmem>>, vector<1x16xf32>,
      %mul3A_549 = arith.constant 8 : i32
      %mul3A_550 = arith.muli %scan3A_495, %mul3A_549 : i32
      %add3A_551 = arith.constant 6 : i32
      %add3A_552 = arith.addi %mul3A_550, %add3A_551 : i32
      %swap3A_553 = arith.index_cast %add3A_552 : i32 to index
      %swap3A_554 = arith.constant 0 : index
      %swap3A_555 = tpu.vector_load %arg8[%swap3A_553, %swap3A_554] {strides = array<i32>} : memref<640x16xf32, #tpu.memory_space<vmem>>, vector<1x16xf32>,
      %swap3A_556 = vector.shape_cast %swap3A_555 : vector<1x16xf32> to vector<16xf32>
      %swap3A_557 = vector.shape_cast %broadcast_in_dim3A_121 : vector<16xf32> to vector<1x16xf32>
      tpu.vector_store %arg8[%swap3A_553, %swap3A_554], %swap3A_557 {strides = array<i32>} : memref<640x16xf32, #tpu.memory_space<vmem>>, vector<1x16xf32>,
      %mul3A_558 = arith.constant 8 : i32
      %mul3A_559 = arith.muli %scan3A_495, %mul3A_558 : i32
      %add3A_560 = arith.constant 7 : i32
      %add3A_561 = arith.addi %mul3A_559, %add3A_560 : i32
      %swap3A_562 = arith.index_cast %add3A_561 : i32 to index
      %swap3A_563 = arith.constant 0 : index
      %swap3A_564 = tpu.vector_load %arg8[%swap3A_562, %swap3A_563] {strides = array<i32>} : memref<640x16xf32, #tpu.memory_space<vmem>>, vector<1x16xf32>,
      %swap3A_565 = vector.shape_cast %swap3A_564 : vector<1x16xf32> to vector<16xf32>
      %swap3A_566 = vector.shape_cast %broadcast_in_dim3A_121 : vector<16xf32> to vector<1x16xf32>
      tpu.vector_store %arg8[%swap3A_562, %swap3A_563], %swap3A_566 {strides = array<i32>} : memref<640x16xf32, #tpu.memory_space<vmem>>, vector<1x16xf32>,
    }
    %scan3A_126 = arith.constant 80 : i32
    %mul3A_127 = arith.constant 640 : i32
    %mul3A_128 = arith.muli %arg1, %mul3A_127 : i32
    "tpu.region"() ({
      %run_scoped3A_495 = tpu.sem_alloc : memref<!tpu.dma_semaphore, #tpu.memory_space<semaphore_mem>>
      %dma_start3A_496 = arith.constant 0 : i32
      %dma_start3A_497 = tpu.memref_slice %arg9[%mul3A_128, %dma_start3A_496] : memref<10240x16xf32, #tpu.memory_space<vmem_shared>> -> memref<640x16xf32, #tpu.memory_space<vmem_shared>>
      %dma_start3A_498 = arith.constant 0 : i32
      %dma_start3A_499 = tpu.memref_slice %arg9[%mul3A_128, %dma_start3A_498] : memref<10240x16xf32, #tpu.memory_space<vmem_shared>> -> memref<640x16xf32, #tpu.memory_space<vmem_shared>>
      tpu.enqueue_dma source(%arg8 : memref<640x16xf32, #tpu.memory_space<vmem>>) target(%dma_start3A_499 : memref<640x16xf32, #tpu.memory_space<vmem_shared>>) target_semaphore(%run_scoped3A_495 : memref<!tpu.dma_semaphore, #tpu.memory_space<semaphore_mem>>)
      %dma_wait3A_500 = arith.constant 0 : i32
      %dma_wait3A_501 = tpu.memref_slice %arg9[%mul3A_128, %dma_wait3A_500] : memref<10240x16xf32, #tpu.memory_space<vmem_shared>> -> memref<640x16xf32, #tpu.memory_space<vmem_shared>>
      %dma_wait3A_502 = arith.constant 0 : i32
      %dma_wait3A_503 = tpu.memref_slice %arg9[%mul3A_128, %dma_wait3A_502] : memref<10240x16xf32, #tpu.memory_space<vmem_shared>> -> memref<640x16xf32, #tpu.memory_space<vmem_shared>>
      tpu.wait_dma2 semaphore(%run_scoped3A_495 : memref<!tpu.dma_semaphore, #tpu.memory_space<semaphore_mem>>) src(%arg8 : memref<640x16xf32, #tpu.memory_space<vmem>>) dst(%dma_wait3A_503 : memref<640x16xf32, #tpu.memory_space<vmem_shared>>)
      tpu.yield
    }) : () -> ()
    %barrier3A = arith.constant 0 : index
    tpu.barrier barrier_id(%barrier3A)
    %scan3A_129 = arith.constant 0 : i32
    %scan3A_130 = arith.constant 0 : i32
    %scan3A_131 = arith.constant 7 : i32
    %scan3A_132 = arith.addi %scan3A_130, %scan3A_131 : i32
    %scan3A_133 = arith.constant 1 : i32
    scf.for %scan3A_495 = %scan3A_130 to %scan3A_132 step %scan3A_133  : i32 {
      %mul3A_496 = arith.constant 10 : i32
      %mul3A_497 = arith.muli %scan3A_495, %mul3A_496 : i32
      %dma_wait3A_498 = arith.constant 0 : i32
      %dma_wait3A_499 = arith.constant 0 : i32
      %dma_wait3A_500 = arith.constant 0 : i32
      %dma_wait3A_501 = arith.constant 0 : i32
      %dma_wait3A_502 = tpu.memref_slice %arg7[%dma_wait3A_499, %dma_wait3A_500, %dma_wait3A_501] : memref<10x125x16xf32, #tpu.memory_space<vmem>> -> memref<1x125x16xf32, #tpu.memory_space<vmem>>
      %dma_wait3A_503 = tpu.memref_squeeze %dma_wait3A_502 : memref<1x125x16xf32, #tpu.memory_space<vmem>> -> memref<125x16xf32, #tpu.memory_space<vmem>>
      %dma_wait3A_504 = arith.constant 0 : i32
      %dma_wait3A_505 = tpu.memref_slice %arg5[%dma_wait3A_498, %dma_wait3A_504] : memref<80x125xi32, #tpu.memory_space<vmem>> -> memref<1x125xi32, #tpu.memory_space<vmem>>
      %dma_wait3A_506 = tpu.memref_squeeze %dma_wait3A_505 : memref<1x125xi32, #tpu.memory_space<vmem>> -> memref<125xi32, #tpu.memory_space<vmem>>
      %dma_wait3A_507 = arith.constant 0 : i32
      %dma_wait3A_508 = arith.constant 0 : i32
      %dma_wait3A_509 = tpu.memref_slice %arg2[%dma_wait3A_507, %dma_wait3A_508] : memref<10240x16xf32, #tpu.memory_space<hbm>> -> memref<10240x16xf32, #tpu.memory_space<hbm>>
      tpu.wait_indirect_dma semaphore(%arg10 : memref<!tpu.dma_semaphore, #tpu.memory_space<semaphore_mem>>) src(%dma_wait3A_509 : memref<10240x16xf32, #tpu.memory_space<hbm>>) dst(%dma_wait3A_503 : memref<125x16xf32, #tpu.memory_space<vmem>>)
      %add3A_510 = arith.constant 0 : i32
      %add3A_511 = arith.addi %mul3A_497, %add3A_510 : i32
      %dma_start3A_512 = arith.constant 0 : i32
      %dma_start3A_513 = arith.constant 0 : i32
      %dma_start3A_514 = arith.constant 0 : i32
      %dma_start3A_515 = tpu.memref_slice %arg7[%dma_start3A_512, %dma_start3A_513, %dma_start3A_514] : memref<10x125x16xf32, #tpu.memory_space<vmem>> -> memref<1x125x16xf32, #tpu.memory_space<vmem>>
      %dma_start3A_516 = tpu.memref_squeeze %dma_start3A_515 : memref<1x125x16xf32, #tpu.memory_space<vmem>> -> memref<125x16xf32, #tpu.memory_space<vmem>>
      %dma_start3A_517 = arith.constant 0 : i32
      %dma_start3A_518 = tpu.memref_slice %arg6[%add3A_511, %dma_start3A_517] : memref<80x125xi32, #tpu.memory_space<vmem>> -> memref<1x125xi32, #tpu.memory_space<vmem>>
      %dma_start3A_519 = tpu.memref_squeeze %dma_start3A_518 : memref<1x125xi32, #tpu.memory_space<vmem>> -> memref<125xi32, #tpu.memory_space<vmem>>
      %dma_start3A_520 = arith.constant 0 : i32
      %dma_start3A_521 = arith.constant 0 : i32
      %dma_start3A_522 = tpu.memref_slice %arg9[%dma_start3A_520, %dma_start3A_521] : memref<10240x16xf32, #tpu.memory_space<vmem_shared>> -> memref<10240x16xf32, #tpu.memory_space<vmem_shared>>
      tpu.enqueue_indirect_dma source(%dma_start3A_516 : memref<125x16xf32, #tpu.memory_space<vmem>>) target(%dma_start3A_522 : memref<10240x16xf32, #tpu.memory_space<vmem_shared>>) offsets(%dma_start3A_519 : memref<125xi32, #tpu.memory_space<vmem>>) semaphore(%arg20 : memref<!tpu.dma_semaphore, #tpu.memory_space<semaphore_mem>>) {add = true}
      %dma_wait3A_523 = arith.constant 0 : i32
      %dma_wait3A_524 = arith.constant 1 : i32
      %dma_wait3A_525 = arith.constant 0 : i32
      %dma_wait3A_526 = arith.constant 0 : i32
      %dma_wait3A_527 = tpu.memref_slice %arg7[%dma_wait3A_524, %dma_wait3A_525, %dma_wait3A_526] : memref<10x125x16xf32, #tpu.memory_space<vmem>> -> memref<1x125x16xf32, #tpu.memory_space<vmem>>
      %dma_wait3A_528 = tpu.memref_squeeze %dma_wait3A_527 : memref<1x125x16xf32, #tpu.memory_space<vmem>> -> memref<125x16xf32, #tpu.memory_space<vmem>>
      %dma_wait3A_529 = arith.constant 0 : i32
      %dma_wait3A_530 = tpu.memref_slice %arg5[%dma_wait3A_523, %dma_wait3A_529] : memref<80x125xi32, #tpu.memory_space<vmem>> -> memref<1x125xi32, #tpu.memory_space<vmem>>
      %dma_wait3A_531 = tpu.memref_squeeze %dma_wait3A_530 : memref<1x125xi32, #tpu.memory_space<vmem>> -> memref<125xi32, #tpu.memory_space<vmem>>
      %dma_wait3A_532 = arith.constant 0 : i32
      %dma_wait3A_533 = arith.constant 0 : i32
      %dma_wait3A_534 = tpu.memref_slice %arg2[%dma_wait3A_532, %dma_wait3A_533] : memref<10240x16xf32, #tpu.memory_space<hbm>> -> memref<10240x16xf32, #tpu.memory_space<hbm>>
      tpu.wait_indirect_dma semaphore(%arg11 : memref<!tpu.dma_semaphore, #tpu.memory_space<semaphore_mem>>) src(%dma_wait3A_534 : memref<10240x16xf32, #tpu.memory_space<hbm>>) dst(%dma_wait3A_528 : memref<125x16xf32, #tpu.memory_space<vmem>>)
      %add3A_535 = arith.constant 1 : i32
      %add3A_536 = arith.addi %mul3A_497, %add3A_535 : i32
      %dma_start3A_537 = arith.constant 1 : i32
      %dma_start3A_538 = arith.constant 0 : i32
      %dma_start3A_539 = arith.constant 0 : i32
      %dma_start3A_540 = tpu.memref_slice %arg7[%dma_start3A_537, %dma_start3A_538, %dma_start3A_539] : memref<10x125x16xf32, #tpu.memory_space<vmem>> -> memref<1x125x16xf32, #tpu.memory_space<vmem>>
      %dma_start3A_541 = tpu.memref_squeeze %dma_start3A_540 : memref<1x125x16xf32, #tpu.memory_space<vmem>> -> memref<125x16xf32, #tpu.memory_space<vmem>>
      %dma_start3A_542 = arith.constant 0 : i32
      %dma_start3A_543 = tpu.memref_slice %arg6[%add3A_536, %dma_start3A_542] : memref<80x125xi32, #tpu.memory_space<vmem>> -> memref<1x125xi32, #tpu.memory_space<vmem>>
      %dma_start3A_544 = tpu.memref_squeeze %dma_start3A_543 : memref<1x125xi32, #tpu.memory_space<vmem>> -> memref<125xi32, #tpu.memory_space<vmem>>
      %dma_start3A_545 = arith.constant 0 : i32
      %dma_start3A_546 = arith.constant 0 : i32
      %dma_start3A_547 = tpu.memref_slice %arg9[%dma_start3A_545, %dma_start3A_546] : memref<10240x16xf32, #tpu.memory_space<vmem_shared>> -> memref<10240x16xf32, #tpu.memory_space<vmem_shared>>
      tpu.enqueue_indirect_dma source(%dma_start3A_541 : memref<125x16xf32, #tpu.memory_space<vmem>>) target(%dma_start3A_547 : memref<10240x16xf32, #tpu.memory_space<vmem_shared>>) offsets(%dma_start3A_544 : memref<125xi32, #tpu.memory_space<vmem>>) semaphore(%arg21 : memref<!tpu.dma_semaphore, #tpu.memory_space<semaphore_mem>>) {add = true}
      %dma_wait3A_548 = arith.constant 0 : i32
      %dma_wait3A_549 = arith.constant 2 : i32
      %dma_wait3A_550 = arith.constant 0 : i32
      %dma_wait3A_551 = arith.constant 0 : i32
      %dma_wait3A_552 = tpu.memref_slice %arg7[%dma_wait3A_549, %dma_wait3A_550, %dma_wait3A_551] : memref<10x125x16xf32, #tpu.memory_space<vmem>> -> memref<1x125x16xf32, #tpu.memory_space<vmem>>
      %dma_wait3A_553 = tpu.memref_squeeze %dma_wait3A_552 : memref<1x125x16xf32, #tpu.memory_space<vmem>> -> memref<125x16xf32, #tpu.memory_space<vmem>>
      %dma_wait3A_554 = arith.constant 0 : i32
      %dma_wait3A_555 = tpu.memref_slice %arg5[%dma_wait3A_548, %dma_wait3A_554] : memref<80x125xi32, #tpu.memory_space<vmem>> -> memref<1x125xi32, #tpu.memory_space<vmem>>
      %dma_wait3A_556 = tpu.memref_squeeze %dma_wait3A_555 : memref<1x125xi32, #tpu.memory_space<vmem>> -> memref<125xi32, #tpu.memory_space<vmem>>
      %dma_wait3A_557 = arith.constant 0 : i32
      %dma_wait3A_558 = arith.constant 0 : i32
      %dma_wait3A_559 = tpu.memref_slice %arg2[%dma_wait3A_557, %dma_wait3A_558] : memref<10240x16xf32, #tpu.memory_space<hbm>> -> memref<10240x16xf32, #tpu.memory_space<hbm>>
      tpu.wait_indirect_dma semaphore(%arg12 : memref<!tpu.dma_semaphore, #tpu.memory_space<semaphore_mem>>) src(%dma_wait3A_559 : memref<10240x16xf32, #tpu.memory_space<hbm>>) dst(%dma_wait3A_553 : memref<125x16xf32, #tpu.memory_space<vmem>>)
      %add3A_560 = arith.constant 2 : i32
      %add3A_561 = arith.addi %mul3A_497, %add3A_560 : i32
      %dma_start3A_562 = arith.constant 2 : i32
      %dma_start3A_563 = arith.constant 0 : i32
      %dma_start3A_564 = arith.constant 0 : i32
      %dma_start3A_565 = tpu.memref_slice %arg7[%dma_start3A_562, %dma_start3A_563, %dma_start3A_564] : memref<10x125x16xf32, #tpu.memory_space<vmem>> -> memref<1x125x16xf32, #tpu.memory_space<vmem>>
      %dma_start3A_566 = tpu.memref_squeeze %dma_start3A_565 : memref<1x125x16xf32, #tpu.memory_space<vmem>> -> memref<125x16xf32, #tpu.memory_space<vmem>>
      %dma_start3A_567 = arith.constant 0 : i32
      %dma_start3A_568 = tpu.memref_slice %arg6[%add3A_561, %dma_start3A_567] : memref<80x125xi32, #tpu.memory_space<vmem>> -> memref<1x125xi32, #tpu.memory_space<vmem>>
      %dma_start3A_569 = tpu.memref_squeeze %dma_start3A_568 : memref<1x125xi32, #tpu.memory_space<vmem>> -> memref<125xi32, #tpu.memory_space<vmem>>
      %dma_start3A_570 = arith.constant 0 : i32
      %dma_start3A_571 = arith.constant 0 : i32
      %dma_start3A_572 = tpu.memref_slice %arg9[%dma_start3A_570, %dma_start3A_571] : memref<10240x16xf32, #tpu.memory_space<vmem_shared>> -> memref<10240x16xf32, #tpu.memory_space<vmem_shared>>
      tpu.enqueue_indirect_dma source(%dma_start3A_566 : memref<125x16xf32, #tpu.memory_space<vmem>>) target(%dma_start3A_572 : memref<10240x16xf32, #tpu.memory_space<vmem_shared>>) offsets(%dma_start3A_569 : memref<125xi32, #tpu.memory_space<vmem>>) semaphore(%arg22 : memref<!tpu.dma_semaphore, #tpu.memory_space<semaphore_mem>>) {add = true}
      %dma_wait3A_573 = arith.constant 0 : i32
      %dma_wait3A_574 = arith.constant 3 : i32
      %dma_wait3A_575 = arith.constant 0 : i32
      %dma_wait3A_576 = arith.constant 0 : i32
      %dma_wait3A_577 = tpu.memref_slice %arg7[%dma_wait3A_574, %dma_wait3A_575, %dma_wait3A_576] : memref<10x125x16xf32, #tpu.memory_space<vmem>> -> memref<1x125x16xf32, #tpu.memory_space<vmem>>
      %dma_wait3A_578 = tpu.memref_squeeze %dma_wait3A_577 : memref<1x125x16xf32, #tpu.memory_space<vmem>> -> memref<125x16xf32, #tpu.memory_space<vmem>>
      %dma_wait3A_579 = arith.constant 0 : i32
      %dma_wait3A_580 = tpu.memref_slice %arg5[%dma_wait3A_573, %dma_wait3A_579] : memref<80x125xi32, #tpu.memory_space<vmem>> -> memref<1x125xi32, #tpu.memory_space<vmem>>
      %dma_wait3A_581 = tpu.memref_squeeze %dma_wait3A_580 : memref<1x125xi32, #tpu.memory_space<vmem>> -> memref<125xi32, #tpu.memory_space<vmem>>
      %dma_wait3A_582 = arith.constant 0 : i32
      %dma_wait3A_583 = arith.constant 0 : i32
      %dma_wait3A_584 = tpu.memref_slice %arg2[%dma_wait3A_582, %dma_wait3A_583] : memref<10240x16xf32, #tpu.memory_space<hbm>> -> memref<10240x16xf32, #tpu.memory_space<hbm>>
      tpu.wait_indirect_dma semaphore(%arg13 : memref<!tpu.dma_semaphore, #tpu.memory_space<semaphore_mem>>) src(%dma_wait3A_584 : memref<10240x16xf32, #tpu.memory_space<hbm>>) dst(%dma_wait3A_578 : memref<125x16xf32, #tpu.memory_space<vmem>>)
      %add3A_585 = arith.constant 3 : i32
      %add3A_586 = arith.addi %mul3A_497, %add3A_585 : i32
      %dma_start3A_587 = arith.constant 3 : i32
      %dma_start3A_588 = arith.constant 0 : i32
      %dma_start3A_589 = arith.constant 0 : i32
      %dma_start3A_590 = tpu.memref_slice %arg7[%dma_start3A_587, %dma_start3A_588, %dma_start3A_589] : memref<10x125x16xf32, #tpu.memory_space<vmem>> -> memref<1x125x16xf32, #tpu.memory_space<vmem>>
      %dma_start3A_591 = tpu.memref_squeeze %dma_start3A_590 : memref<1x125x16xf32, #tpu.memory_space<vmem>> -> memref<125x16xf32, #tpu.memory_space<vmem>>
      %dma_start3A_592 = arith.constant 0 : i32
      %dma_start3A_593 = tpu.memref_slice %arg6[%add3A_586, %dma_start3A_592] : memref<80x125xi32, #tpu.memory_space<vmem>> -> memref<1x125xi32, #tpu.memory_space<vmem>>
      %dma_start3A_594 = tpu.memref_squeeze %dma_start3A_593 : memref<1x125xi32, #tpu.memory_space<vmem>> -> memref<125xi32, #tpu.memory_space<vmem>>
      %dma_start3A_595 = arith.constant 0 : i32
      %dma_start3A_596 = arith.constant 0 : i32
      %dma_start3A_597 = tpu.memref_slice %arg9[%dma_start3A_595, %dma_start3A_596] : memref<10240x16xf32, #tpu.memory_space<vmem_shared>> -> memref<10240x16xf32, #tpu.memory_space<vmem_shared>>
      tpu.enqueue_indirect_dma source(%dma_start3A_591 : memref<125x16xf32, #tpu.memory_space<vmem>>) target(%dma_start3A_597 : memref<10240x16xf32, #tpu.memory_space<vmem_shared>>) offsets(%dma_start3A_594 : memref<125xi32, #tpu.memory_space<vmem>>) semaphore(%arg23 : memref<!tpu.dma_semaphore, #tpu.memory_space<semaphore_mem>>) {add = true}
      %dma_wait3A_598 = arith.constant 0 : i32
      %dma_wait3A_599 = arith.constant 4 : i32
      %dma_wait3A_600 = arith.constant 0 : i32
      %dma_wait3A_601 = arith.constant 0 : i32
      %dma_wait3A_602 = tpu.memref_slice %arg7[%dma_wait3A_599, %dma_wait3A_600, %dma_wait3A_601] : memref<10x125x16xf32, #tpu.memory_space<vmem>> -> memref<1x125x16xf32, #tpu.memory_space<vmem>>
      %dma_wait3A_603 = tpu.memref_squeeze %dma_wait3A_602 : memref<1x125x16xf32, #tpu.memory_space<vmem>> -> memref<125x16xf32, #tpu.memory_space<vmem>>
      %dma_wait3A_604 = arith.constant 0 : i32
      %dma_wait3A_605 = tpu.memref_slice %arg5[%dma_wait3A_598, %dma_wait3A_604] : memref<80x125xi32, #tpu.memory_space<vmem>> -> memref<1x125xi32, #tpu.memory_space<vmem>>
      %dma_wait3A_606 = tpu.memref_squeeze %dma_wait3A_605 : memref<1x125xi32, #tpu.memory_space<vmem>> -> memref<125xi32, #tpu.memory_space<vmem>>
      %dma_wait3A_607 = arith.constant 0 : i32
      %dma_wait3A_608 = arith.constant 0 : i32
      %dma_wait3A_609 = tpu.memref_slice %arg2[%dma_wait3A_607, %dma_wait3A_608] : memref<10240x16xf32, #tpu.memory_space<hbm>> -> memref<10240x16xf32, #tpu.memory_space<hbm>>
      tpu.wait_indirect_dma semaphore(%arg14 : memref<!tpu.dma_semaphore, #tpu.memory_space<semaphore_mem>>) src(%dma_wait3A_609 : memref<10240x16xf32, #tpu.memory_space<hbm>>) dst(%dma_wait3A_603 : memref<125x16xf32, #tpu.memory_space<vmem>>)
      %add3A_610 = arith.constant 4 : i32
      %add3A_611 = arith.addi %mul3A_497, %add3A_610 : i32
      %dma_start3A_612 = arith.constant 4 : i32
      %dma_start3A_613 = arith.constant 0 : i32
      %dma_start3A_614 = arith.constant 0 : i32
      %dma_start3A_615 = tpu.memref_slice %arg7[%dma_start3A_612, %dma_start3A_613, %dma_start3A_614] : memref<10x125x16xf32, #tpu.memory_space<vmem>> -> memref<1x125x16xf32, #tpu.memory_space<vmem>>
      %dma_start3A_616 = tpu.memref_squeeze %dma_start3A_615 : memref<1x125x16xf32, #tpu.memory_space<vmem>> -> memref<125x16xf32, #tpu.memory_space<vmem>>
      %dma_start3A_617 = arith.constant 0 : i32
      %dma_start3A_618 = tpu.memref_slice %arg6[%add3A_611, %dma_start3A_617] : memref<80x125xi32, #tpu.memory_space<vmem>> -> memref<1x125xi32, #tpu.memory_space<vmem>>
      %dma_start3A_619 = tpu.memref_squeeze %dma_start3A_618 : memref<1x125xi32, #tpu.memory_space<vmem>> -> memref<125xi32, #tpu.memory_space<vmem>>
      %dma_start3A_620 = arith.constant 0 : i32
      %dma_start3A_621 = arith.constant 0 : i32
      %dma_start3A_622 = tpu.memref_slice %arg9[%dma_start3A_620, %dma_start3A_621] : memref<10240x16xf32, #tpu.memory_space<vmem_shared>> -> memref<10240x16xf32, #tpu.memory_space<vmem_shared>>
      tpu.enqueue_indirect_dma source(%dma_start3A_616 : memref<125x16xf32, #tpu.memory_space<vmem>>) target(%dma_start3A_622 : memref<10240x16xf32, #tpu.memory_space<vmem_shared>>) offsets(%dma_start3A_619 : memref<125xi32, #tpu.memory_space<vmem>>) semaphore(%arg24 : memref<!tpu.dma_semaphore, #tpu.memory_space<semaphore_mem>>) {add = true}
      %dma_wait3A_623 = arith.constant 0 : i32
      %dma_wait3A_624 = arith.constant 5 : i32
      %dma_wait3A_625 = arith.constant 0 : i32
      %dma_wait3A_626 = arith.constant 0 : i32
      %dma_wait3A_627 = tpu.memref_slice %arg7[%dma_wait3A_624, %dma_wait3A_625, %dma_wait3A_626] : memref<10x125x16xf32, #tpu.memory_space<vmem>> -> memref<1x125x16xf32, #tpu.memory_space<vmem>>
      %dma_wait3A_628 = tpu.memref_squeeze %dma_wait3A_627 : memref<1x125x16xf32, #tpu.memory_space<vmem>> -> memref<125x16xf32, #tpu.memory_space<vmem>>
      %dma_wait3A_629 = arith.constant 0 : i32
      %dma_wait3A_630 = tpu.memref_slice %arg5[%dma_wait3A_623, %dma_wait3A_629] : memref<80x125xi32, #tpu.memory_space<vmem>> -> memref<1x125xi32, #tpu.memory_space<vmem>>
      %dma_wait3A_631 = tpu.memref_squeeze %dma_wait3A_630 : memref<1x125xi32, #tpu.memory_space<vmem>> -> memref<125xi32, #tpu.memory_space<vmem>>
      %dma_wait3A_632 = arith.constant 0 : i32
      %dma_wait3A_633 = arith.constant 0 : i32
      %dma_wait3A_634 = tpu.memref_slice %arg2[%dma_wait3A_632, %dma_wait3A_633] : memref<10240x16xf32, #tpu.memory_space<hbm>> -> memref<10240x16xf32, #tpu.memory_space<hbm>>
      tpu.wait_indirect_dma semaphore(%arg15 : memref<!tpu.dma_semaphore, #tpu.memory_space<semaphore_mem>>) src(%dma_wait3A_634 : memref<10240x16xf32, #tpu.memory_space<hbm>>) dst(%dma_wait3A_628 : memref<125x16xf32, #tpu.memory_space<vmem>>)
      %add3A_635 = arith.constant 5 : i32
      %add3A_636 = arith.addi %mul3A_497, %add3A_635 : i32
      %dma_start3A_637 = arith.constant 5 : i32
      %dma_start3A_638 = arith.constant 0 : i32
      %dma_start3A_639 = arith.constant 0 : i32
      %dma_start3A_640 = tpu.memref_slice %arg7[%dma_start3A_637, %dma_start3A_638, %dma_start3A_639] : memref<10x125x16xf32, #tpu.memory_space<vmem>> -> memref<1x125x16xf32, #tpu.memory_space<vmem>>
      %dma_start3A_641 = tpu.memref_squeeze %dma_start3A_640 : memref<1x125x16xf32, #tpu.memory_space<vmem>> -> memref<125x16xf32, #tpu.memory_space<vmem>>
      %dma_start3A_642 = arith.constant 0 : i32
      %dma_start3A_643 = tpu.memref_slice %arg6[%add3A_636, %dma_start3A_642] : memref<80x125xi32, #tpu.memory_space<vmem>> -> memref<1x125xi32, #tpu.memory_space<vmem>>
      %dma_start3A_644 = tpu.memref_squeeze %dma_start3A_643 : memref<1x125xi32, #tpu.memory_space<vmem>> -> memref<125xi32, #tpu.memory_space<vmem>>
      %dma_start3A_645 = arith.constant 0 : i32
      %dma_start3A_646 = arith.constant 0 : i32
      %dma_start3A_647 = tpu.memref_slice %arg9[%dma_start3A_645, %dma_start3A_646] : memref<10240x16xf32, #tpu.memory_space<vmem_shared>> -> memref<10240x16xf32, #tpu.memory_space<vmem_shared>>
      tpu.enqueue_indirect_dma source(%dma_start3A_641 : memref<125x16xf32, #tpu.memory_space<vmem>>) target(%dma_start3A_647 : memref<10240x16xf32, #tpu.memory_space<vmem_shared>>) offsets(%dma_start3A_644 : memref<125xi32, #tpu.memory_space<vmem>>) semaphore(%arg25 : memref<!tpu.dma_semaphore, #tpu.memory_space<semaphore_mem>>) {add = true}
      %dma_wait3A_648 = arith.constant 0 : i32
      %dma_wait3A_649 = arith.constant 6 : i32
      %dma_wait3A_650 = arith.constant 0 : i32
      %dma_wait3A_651 = arith.constant 0 : i32
      %dma_wait3A_652 = tpu.memref_slice %arg7[%dma_wait3A_649, %dma_wait3A_650, %dma_wait3A_651] : memref<10x125x16xf32, #tpu.memory_space<vmem>> -> memref<1x125x16xf32, #tpu.memory_space<vmem>>
      %dma_wait3A_653 = tpu.memref_squeeze %dma_wait3A_652 : memref<1x125x16xf32, #tpu.memory_space<vmem>> -> memref<125x16xf32, #tpu.memory_space<vmem>>
      %dma_wait3A_654 = arith.constant 0 : i32
      %dma_wait3A_655 = tpu.memref_slice %arg5[%dma_wait3A_648, %dma_wait3A_654] : memref<80x125xi32, #tpu.memory_space<vmem>> -> memref<1x125xi32, #tpu.memory_space<vmem>>
      %dma_wait3A_656 = tpu.memref_squeeze %dma_wait3A_655 : memref<1x125xi32, #tpu.memory_space<vmem>> -> memref<125xi32, #tpu.memory_space<vmem>>
      %dma_wait3A_657 = arith.constant 0 : i32
      %dma_wait3A_658 = arith.constant 0 : i32
      %dma_wait3A_659 = tpu.memref_slice %arg2[%dma_wait3A_657, %dma_wait3A_658] : memref<10240x16xf32, #tpu.memory_space<hbm>> -> memref<10240x16xf32, #tpu.memory_space<hbm>>
      tpu.wait_indirect_dma semaphore(%arg16 : memref<!tpu.dma_semaphore, #tpu.memory_space<semaphore_mem>>) src(%dma_wait3A_659 : memref<10240x16xf32, #tpu.memory_space<hbm>>) dst(%dma_wait3A_653 : memref<125x16xf32, #tpu.memory_space<vmem>>)
      %add3A_660 = arith.constant 6 : i32
      %add3A_661 = arith.addi %mul3A_497, %add3A_660 : i32
      %dma_start3A_662 = arith.constant 6 : i32
      %dma_start3A_663 = arith.constant 0 : i32
      %dma_start3A_664 = arith.constant 0 : i32
      %dma_start3A_665 = tpu.memref_slice %arg7[%dma_start3A_662, %dma_start3A_663, %dma_start3A_664] : memref<10x125x16xf32, #tpu.memory_space<vmem>> -> memref<1x125x16xf32, #tpu.memory_space<vmem>>
      %dma_start3A_666 = tpu.memref_squeeze %dma_start3A_665 : memref<1x125x16xf32, #tpu.memory_space<vmem>> -> memref<125x16xf32, #tpu.memory_space<vmem>>
      %dma_start3A_667 = arith.constant 0 : i32
      %dma_start3A_668 = tpu.memref_slice %arg6[%add3A_661, %dma_start3A_667] : memref<80x125xi32, #tpu.memory_space<vmem>> -> memref<1x125xi32, #tpu.memory_space<vmem>>
      %dma_start3A_669 = tpu.memref_squeeze %dma_start3A_668 : memref<1x125xi32, #tpu.memory_space<vmem>> -> memref<125xi32, #tpu.memory_space<vmem>>
      %dma_start3A_670 = arith.constant 0 : i32
      %dma_start3A_671 = arith.constant 0 : i32
      %dma_start3A_672 = tpu.memref_slice %arg9[%dma_start3A_670, %dma_start3A_671] : memref<10240x16xf32, #tpu.memory_space<vmem_shared>> -> memref<10240x16xf32, #tpu.memory_space<vmem_shared>>
      tpu.enqueue_indirect_dma source(%dma_start3A_666 : memref<125x16xf32, #tpu.memory_space<vmem>>) target(%dma_start3A_672 : memref<10240x16xf32, #tpu.memory_space<vmem_shared>>) offsets(%dma_start3A_669 : memref<125xi32, #tpu.memory_space<vmem>>) semaphore(%arg26 : memref<!tpu.dma_semaphore, #tpu.memory_space<semaphore_mem>>) {add = true}
      %dma_wait3A_673 = arith.constant 0 : i32
      %dma_wait3A_674 = arith.constant 7 : i32
      %dma_wait3A_675 = arith.constant 0 : i32
      %dma_wait3A_676 = arith.constant 0 : i32
      %dma_wait3A_677 = tpu.memref_slice %arg7[%dma_wait3A_674, %dma_wait3A_675, %dma_wait3A_676] : memref<10x125x16xf32, #tpu.memory_space<vmem>> -> memref<1x125x16xf32, #tpu.memory_space<vmem>>
      %dma_wait3A_678 = tpu.memref_squeeze %dma_wait3A_677 : memref<1x125x16xf32, #tpu.memory_space<vmem>> -> memref<125x16xf32, #tpu.memory_space<vmem>>
      %dma_wait3A_679 = arith.constant 0 : i32
      %dma_wait3A_680 = tpu.memref_slice %arg5[%dma_wait3A_673, %dma_wait3A_679] : memref<80x125xi32, #tpu.memory_space<vmem>> -> memref<1x125xi32, #tpu.memory_space<vmem>>
      %dma_wait3A_681 = tpu.memref_squeeze %dma_wait3A_680 : memref<1x125xi32, #tpu.memory_space<vmem>> -> memref<125xi32, #tpu.memory_space<vmem>>
      %dma_wait3A_682 = arith.constant 0 : i32
      %dma_wait3A_683 = arith.constant 0 : i32
      %dma_wait3A_684 = tpu.memref_slice %arg2[%dma_wait3A_682, %dma_wait3A_683] : memref<10240x16xf32, #tpu.memory_space<hbm>> -> memref<10240x16xf32, #tpu.memory_space<hbm>>
      tpu.wait_indirect_dma semaphore(%arg17 : memref<!tpu.dma_semaphore, #tpu.memory_space<semaphore_mem>>) src(%dma_wait3A_684 : memref<10240x16xf32, #tpu.memory_space<hbm>>) dst(%dma_wait3A_678 : memref<125x16xf32, #tpu.memory_space<vmem>>)
      %add3A_685 = arith.constant 7 : i32
      %add3A_686 = arith.addi %mul3A_497, %add3A_685 : i32
      %dma_start3A_687 = arith.constant 7 : i32
      %dma_start3A_688 = arith.constant 0 : i32
      %dma_start3A_689 = arith.constant 0 : i32
      %dma_start3A_690 = tpu.memref_slice %arg7[%dma_start3A_687, %dma_start3A_688, %dma_start3A_689] : memref<10x125x16xf32, #tpu.memory_space<vmem>> -> memref<1x125x16xf32, #tpu.memory_space<vmem>>
      %dma_start3A_691 = tpu.memref_squeeze %dma_start3A_690 : memref<1x125x16xf32, #tpu.memory_space<vmem>> -> memref<125x16xf32, #tpu.memory_space<vmem>>
      %dma_start3A_692 = arith.constant 0 : i32
      %dma_start3A_693 = tpu.memref_slice %arg6[%add3A_686, %dma_start3A_692] : memref<80x125xi32, #tpu.memory_space<vmem>> -> memref<1x125xi32, #tpu.memory_space<vmem>>
      %dma_start3A_694 = tpu.memref_squeeze %dma_start3A_693 : memref<1x125xi32, #tpu.memory_space<vmem>> -> memref<125xi32, #tpu.memory_space<vmem>>
      %dma_start3A_695 = arith.constant 0 : i32
      %dma_start3A_696 = arith.constant 0 : i32
      %dma_start3A_697 = tpu.memref_slice %arg9[%dma_start3A_695, %dma_start3A_696] : memref<10240x16xf32, #tpu.memory_space<vmem_shared>> -> memref<10240x16xf32, #tpu.memory_space<vmem_shared>>
      tpu.enqueue_indirect_dma source(%dma_start3A_691 : memref<125x16xf32, #tpu.memory_space<vmem>>) target(%dma_start3A_697 : memref<10240x16xf32, #tpu.memory_space<vmem_shared>>) offsets(%dma_start3A_694 : memref<125xi32, #tpu.memory_space<vmem>>) semaphore(%arg27 : memref<!tpu.dma_semaphore, #tpu.memory_space<semaphore_mem>>) {add = true}
      %dma_wait3A_698 = arith.constant 0 : i32
      %dma_wait3A_699 = arith.constant 8 : i32
      %dma_wait3A_700 = arith.constant 0 : i32
      %dma_wait3A_701 = arith.constant 0 : i32
      %dma_wait3A_702 = tpu.memref_slice %arg7[%dma_wait3A_699, %dma_wait3A_700, %dma_wait3A_701] : memref<10x125x16xf32, #tpu.memory_space<vmem>> -> memref<1x125x16xf32, #tpu.memory_space<vmem>>
      %dma_wait3A_703 = tpu.memref_squeeze %dma_wait3A_702 : memref<1x125x16xf32, #tpu.memory_space<vmem>> -> memref<125x16xf32, #tpu.memory_space<vmem>>
      %dma_wait3A_704 = arith.constant 0 : i32
      %dma_wait3A_705 = tpu.memref_slice %arg5[%dma_wait3A_698, %dma_wait3A_704] : memref<80x125xi32, #tpu.memory_space<vmem>> -> memref<1x125xi32, #tpu.memory_space<vmem>>
      %dma_wait3A_706 = tpu.memref_squeeze %dma_wait3A_705 : memref<1x125xi32, #tpu.memory_space<vmem>> -> memref<125xi32, #tpu.memory_space<vmem>>
      %dma_wait3A_707 = arith.constant 0 : i32
      %dma_wait3A_708 = arith.constant 0 : i32
      %dma_wait3A_709 = tpu.memref_slice %arg2[%dma_wait3A_707, %dma_wait3A_708] : memref<10240x16xf32, #tpu.memory_space<hbm>> -> memref<10240x16xf32, #tpu.memory_space<hbm>>
      tpu.wait_indirect_dma semaphore(%arg18 : memref<!tpu.dma_semaphore, #tpu.memory_space<semaphore_mem>>) src(%dma_wait3A_709 : memref<10240x16xf32, #tpu.memory_space<hbm>>) dst(%dma_wait3A_703 : memref<125x16xf32, #tpu.memory_space<vmem>>)
      %add3A_710 = arith.constant 8 : i32
      %add3A_711 = arith.addi %mul3A_497, %add3A_710 : i32
      %dma_start3A_712 = arith.constant 8 : i32
      %dma_start3A_713 = arith.constant 0 : i32
      %dma_start3A_714 = arith.constant 0 : i32
      %dma_start3A_715 = tpu.memref_slice %arg7[%dma_start3A_712, %dma_start3A_713, %dma_start3A_714] : memref<10x125x16xf32, #tpu.memory_space<vmem>> -> memref<1x125x16xf32, #tpu.memory_space<vmem>>
      %dma_start3A_716 = tpu.memref_squeeze %dma_start3A_715 : memref<1x125x16xf32, #tpu.memory_space<vmem>> -> memref<125x16xf32, #tpu.memory_space<vmem>>
      %dma_start3A_717 = arith.constant 0 : i32
      %dma_start3A_718 = tpu.memref_slice %arg6[%add3A_711, %dma_start3A_717] : memref<80x125xi32, #tpu.memory_space<vmem>> -> memref<1x125xi32, #tpu.memory_space<vmem>>
      %dma_start3A_719 = tpu.memref_squeeze %dma_start3A_718 : memref<1x125xi32, #tpu.memory_space<vmem>> -> memref<125xi32, #tpu.memory_space<vmem>>
      %dma_start3A_720 = arith.constant 0 : i32
      %dma_start3A_721 = arith.constant 0 : i32
      %dma_start3A_722 = tpu.memref_slice %arg9[%dma_start3A_720, %dma_start3A_721] : memref<10240x16xf32, #tpu.memory_space<vmem_shared>> -> memref<10240x16xf32, #tpu.memory_space<vmem_shared>>
      tpu.enqueue_indirect_dma source(%dma_start3A_716 : memref<125x16xf32, #tpu.memory_space<vmem>>) target(%dma_start3A_722 : memref<10240x16xf32, #tpu.memory_space<vmem_shared>>) offsets(%dma_start3A_719 : memref<125xi32, #tpu.memory_space<vmem>>) semaphore(%arg28 : memref<!tpu.dma_semaphore, #tpu.memory_space<semaphore_mem>>) {add = true}
      %dma_wait3A_723 = arith.constant 0 : i32
      %dma_wait3A_724 = arith.constant 9 : i32
      %dma_wait3A_725 = arith.constant 0 : i32
      %dma_wait3A_726 = arith.constant 0 : i32
      %dma_wait3A_727 = tpu.memref_slice %arg7[%dma_wait3A_724, %dma_wait3A_725, %dma_wait3A_726] : memref<10x125x16xf32, #tpu.memory_space<vmem>> -> memref<1x125x16xf32, #tpu.memory_space<vmem>>
      %dma_wait3A_728 = tpu.memref_squeeze %dma_wait3A_727 : memref<1x125x16xf32, #tpu.memory_space<vmem>> -> memref<125x16xf32, #tpu.memory_space<vmem>>
      %dma_wait3A_729 = arith.constant 0 : i32
      %dma_wait3A_730 = tpu.memref_slice %arg5[%dma_wait3A_723, %dma_wait3A_729] : memref<80x125xi32, #tpu.memory_space<vmem>> -> memref<1x125xi32, #tpu.memory_space<vmem>>
      %dma_wait3A_731 = tpu.memref_squeeze %dma_wait3A_730 : memref<1x125xi32, #tpu.memory_space<vmem>> -> memref<125xi32, #tpu.memory_space<vmem>>
      %dma_wait3A_732 = arith.constant 0 : i32
      %dma_wait3A_733 = arith.constant 0 : i32
      %dma_wait3A_734 = tpu.memref_slice %arg2[%dma_wait3A_732, %dma_wait3A_733] : memref<10240x16xf32, #tpu.memory_space<hbm>> -> memref<10240x16xf32, #tpu.memory_space<hbm>>
      tpu.wait_indirect_dma semaphore(%arg19 : memref<!tpu.dma_semaphore, #tpu.memory_space<semaphore_mem>>) src(%dma_wait3A_734 : memref<10240x16xf32, #tpu.memory_space<hbm>>) dst(%dma_wait3A_728 : memref<125x16xf32, #tpu.memory_space<vmem>>)
      %add3A_735 = arith.constant 9 : i32
      %add3A_736 = arith.addi %mul3A_497, %add3A_735 : i32
      %dma_start3A_737 = arith.constant 9 : i32
      %dma_start3A_738 = arith.constant 0 : i32
      %dma_start3A_739 = arith.constant 0 : i32
      %dma_start3A_740 = tpu.memref_slice %arg7[%dma_start3A_737, %dma_start3A_738, %dma_start3A_739] : memref<10x125x16xf32, #tpu.memory_space<vmem>> -> memref<1x125x16xf32, #tpu.memory_space<vmem>>
      %dma_start3A_741 = tpu.memref_squeeze %dma_start3A_740 : memref<1x125x16xf32, #tpu.memory_space<vmem>> -> memref<125x16xf32, #tpu.memory_space<vmem>>
      %dma_start3A_742 = arith.constant 0 : i32
      %dma_start3A_743 = tpu.memref_slice %arg6[%add3A_736, %dma_start3A_742] : memref<80x125xi32, #tpu.memory_space<vmem>> -> memref<1x125xi32, #tpu.memory_space<vmem>>
      %dma_start3A_744 = tpu.memref_squeeze %dma_start3A_743 : memref<1x125xi32, #tpu.memory_space<vmem>> -> memref<125xi32, #tpu.memory_space<vmem>>
      %dma_start3A_745 = arith.constant 0 : i32
      %dma_start3A_746 = arith.constant 0 : i32
      %dma_start3A_747 = tpu.memref_slice %arg9[%dma_start3A_745, %dma_start3A_746] : memref<10240x16xf32, #tpu.memory_space<vmem_shared>> -> memref<10240x16xf32, #tpu.memory_space<vmem_shared>>
      tpu.enqueue_indirect_dma source(%dma_start3A_741 : memref<125x16xf32, #tpu.memory_space<vmem>>) target(%dma_start3A_747 : memref<10240x16xf32, #tpu.memory_space<vmem_shared>>) offsets(%dma_start3A_744 : memref<125xi32, #tpu.memory_space<vmem>>) semaphore(%arg29 : memref<!tpu.dma_semaphore, #tpu.memory_space<semaphore_mem>>) {add = true}
      %dma_wait3A_748 = arith.constant 0 : i32
      %dma_wait3A_749 = arith.constant 0 : i32
      %dma_wait3A_750 = arith.constant 0 : i32
      %dma_wait3A_751 = arith.constant 0 : i32
      %dma_wait3A_752 = tpu.memref_slice %arg7[%dma_wait3A_748, %dma_wait3A_750, %dma_wait3A_751] : memref<10x125x16xf32, #tpu.memory_space<vmem>> -> memref<1x125x16xf32, #tpu.memory_space<vmem>>
      %dma_wait3A_753 = tpu.memref_squeeze %dma_wait3A_752 : memref<1x125x16xf32, #tpu.memory_space<vmem>> -> memref<125x16xf32, #tpu.memory_space<vmem>>
      %dma_wait3A_754 = arith.constant 0 : i32
      %dma_wait3A_755 = tpu.memref_slice %arg6[%dma_wait3A_749, %dma_wait3A_754] : memref<80x125xi32, #tpu.memory_space<vmem>> -> memref<1x125xi32, #tpu.memory_space<vmem>>
      %dma_wait3A_756 = tpu.memref_squeeze %dma_wait3A_755 : memref<1x125xi32, #tpu.memory_space<vmem>> -> memref<125xi32, #tpu.memory_space<vmem>>
      %dma_wait3A_757 = arith.constant 0 : i32
      %dma_wait3A_758 = arith.constant 0 : i32
      %dma_wait3A_759 = tpu.memref_slice %arg9[%dma_wait3A_757, %dma_wait3A_758] : memref<10240x16xf32, #tpu.memory_space<vmem_shared>> -> memref<10240x16xf32, #tpu.memory_space<vmem_shared>>
      tpu.wait_indirect_dma semaphore(%arg20 : memref<!tpu.dma_semaphore, #tpu.memory_space<semaphore_mem>>) src(%dma_wait3A_753 : memref<125x16xf32, #tpu.memory_space<vmem>>) dst(%dma_wait3A_759 : memref<10240x16xf32, #tpu.memory_space<vmem_shared>>)
      %add3A_760 = arith.constant 0 : i32
      %add3A_761 = arith.addi %mul3A_497, %add3A_760 : i32
      %add3A_762 = arith.constant 10 : i32
      %add3A_763 = arith.addi %add3A_761, %add3A_762 : i32
      %dma_start3A_764 = arith.constant 0 : i32
      %dma_start3A_765 = arith.constant 0 : i32
      %dma_start3A_766 = arith.constant 0 : i32
      %dma_start3A_767 = tpu.memref_slice %arg7[%dma_start3A_764, %dma_start3A_765, %dma_start3A_766] : memref<10x125x16xf32, #tpu.memory_space<vmem>> -> memref<1x125x16xf32, #tpu.memory_space<vmem>>
      %dma_start3A_768 = tpu.memref_squeeze %dma_start3A_767 : memref<1x125x16xf32, #tpu.memory_space<vmem>> -> memref<125x16xf32, #tpu.memory_space<vmem>>
      %dma_start3A_769 = arith.constant 0 : i32
      %dma_start3A_770 = tpu.memref_slice %arg5[%add3A_763, %dma_start3A_769] : memref<80x125xi32, #tpu.memory_space<vmem>> -> memref<1x125xi32, #tpu.memory_space<vmem>>
      %dma_start3A_771 = tpu.memref_squeeze %dma_start3A_770 : memref<1x125xi32, #tpu.memory_space<vmem>> -> memref<125xi32, #tpu.memory_space<vmem>>
      %dma_start3A_772 = arith.constant 0 : i32
      %dma_start3A_773 = arith.constant 0 : i32
      %dma_start3A_774 = tpu.memref_slice %arg2[%dma_start3A_772, %dma_start3A_773] : memref<10240x16xf32, #tpu.memory_space<hbm>> -> memref<10240x16xf32, #tpu.memory_space<hbm>>
      tpu.enqueue_indirect_dma source(%dma_start3A_774 : memref<10240x16xf32, #tpu.memory_space<hbm>>) target(%dma_start3A_768 : memref<125x16xf32, #tpu.memory_space<vmem>>) offsets(%dma_start3A_771 : memref<125xi32, #tpu.memory_space<vmem>>) semaphore(%arg10 : memref<!tpu.dma_semaphore, #tpu.memory_space<semaphore_mem>>)
      %dma_wait3A_775 = arith.constant 1 : i32
      %dma_wait3A_776 = arith.constant 0 : i32
      %dma_wait3A_777 = arith.constant 0 : i32
      %dma_wait3A_778 = arith.constant 0 : i32
      %dma_wait3A_779 = tpu.memref_slice %arg7[%dma_wait3A_775, %dma_wait3A_777, %dma_wait3A_778] : memref<10x125x16xf32, #tpu.memory_space<vmem>> -> memref<1x125x16xf32, #tpu.memory_space<vmem>>
      %dma_wait3A_780 = tpu.memref_squeeze %dma_wait3A_779 : memref<1x125x16xf32, #tpu.memory_space<vmem>> -> memref<125x16xf32, #tpu.memory_space<vmem>>
      %dma_wait3A_781 = arith.constant 0 : i32
      %dma_wait3A_782 = tpu.memref_slice %arg6[%dma_wait3A_776, %dma_wait3A_781] : memref<80x125xi32, #tpu.memory_space<vmem>> -> memref<1x125xi32, #tpu.memory_space<vmem>>
      %dma_wait3A_783 = tpu.memref_squeeze %dma_wait3A_782 : memref<1x125xi32, #tpu.memory_space<vmem>> -> memref<125xi32, #tpu.memory_space<vmem>>
      %dma_wait3A_784 = arith.constant 0 : i32
      %dma_wait3A_785 = arith.constant 0 : i32
      %dma_wait3A_786 = tpu.memref_slice %arg9[%dma_wait3A_784, %dma_wait3A_785] : memref<10240x16xf32, #tpu.memory_space<vmem_shared>> -> memref<10240x16xf32, #tpu.memory_space<vmem_shared>>
      tpu.wait_indirect_dma semaphore(%arg21 : memref<!tpu.dma_semaphore, #tpu.memory_space<semaphore_mem>>) src(%dma_wait3A_780 : memref<125x16xf32, #tpu.memory_space<vmem>>) dst(%dma_wait3A_786 : memref<10240x16xf32, #tpu.memory_space<vmem_shared>>)
      %add3A_787 = arith.constant 1 : i32
      %add3A_788 = arith.addi %mul3A_497, %add3A_787 : i32
      %add3A_789 = arith.constant 10 : i32
      %add3A_790 = arith.addi %add3A_788, %add3A_789 : i32
      %dma_start3A_791 = arith.constant 1 : i32
      %dma_start3A_792 = arith.constant 0 : i32
      %dma_start3A_793 = arith.constant 0 : i32
      %dma_start3A_794 = tpu.memref_slice %arg7[%dma_start3A_791, %dma_start3A_792, %dma_start3A_793] : memref<10x125x16xf32, #tpu.memory_space<vmem>> -> memref<1x125x16xf32, #tpu.memory_space<vmem>>
      %dma_start3A_795 = tpu.memref_squeeze %dma_start3A_794 : memref<1x125x16xf32, #tpu.memory_space<vmem>> -> memref<125x16xf32, #tpu.memory_space<vmem>>
      %dma_start3A_796 = arith.constant 0 : i32
      %dma_start3A_797 = tpu.memref_slice %arg5[%add3A_790, %dma_start3A_796] : memref<80x125xi32, #tpu.memory_space<vmem>> -> memref<1x125xi32, #tpu.memory_space<vmem>>
      %dma_start3A_798 = tpu.memref_squeeze %dma_start3A_797 : memref<1x125xi32, #tpu.memory_space<vmem>> -> memref<125xi32, #tpu.memory_space<vmem>>
      %dma_start3A_799 = arith.constant 0 : i32
      %dma_start3A_800 = arith.constant 0 : i32
      %dma_start3A_801 = tpu.memref_slice %arg2[%dma_start3A_799, %dma_start3A_800] : memref<10240x16xf32, #tpu.memory_space<hbm>> -> memref<10240x16xf32, #tpu.memory_space<hbm>>
      tpu.enqueue_indirect_dma source(%dma_start3A_801 : memref<10240x16xf32, #tpu.memory_space<hbm>>) target(%dma_start3A_795 : memref<125x16xf32, #tpu.memory_space<vmem>>) offsets(%dma_start3A_798 : memref<125xi32, #tpu.memory_space<vmem>>) semaphore(%arg11 : memref<!tpu.dma_semaphore, #tpu.memory_space<semaphore_mem>>)
      %dma_wait3A_802 = arith.constant 2 : i32
      %dma_wait3A_803 = arith.constant 0 : i32
      %dma_wait3A_804 = arith.constant 0 : i32
      %dma_wait3A_805 = arith.constant 0 : i32
      %dma_wait3A_806 = tpu.memref_slice %arg7[%dma_wait3A_802, %dma_wait3A_804, %dma_wait3A_805] : memref<10x125x16xf32, #tpu.memory_space<vmem>> -> memref<1x125x16xf32, #tpu.memory_space<vmem>>
      %dma_wait3A_807 = tpu.memref_squeeze %dma_wait3A_806 : memref<1x125x16xf32, #tpu.memory_space<vmem>> -> memref<125x16xf32, #tpu.memory_space<vmem>>
      %dma_wait3A_808 = arith.constant 0 : i32
      %dma_wait3A_809 = tpu.memref_slice %arg6[%dma_wait3A_803, %dma_wait3A_808] : memref<80x125xi32, #tpu.memory_space<vmem>> -> memref<1x125xi32, #tpu.memory_space<vmem>>
      %dma_wait3A_810 = tpu.memref_squeeze %dma_wait3A_809 : memref<1x125xi32, #tpu.memory_space<vmem>> -> memref<125xi32, #tpu.memory_space<vmem>>
      %dma_wait3A_811 = arith.constant 0 : i32
      %dma_wait3A_812 = arith.constant 0 : i32
      %dma_wait3A_813 = tpu.memref_slice %arg9[%dma_wait3A_811, %dma_wait3A_812] : memref<10240x16xf32, #tpu.memory_space<vmem_shared>> -> memref<10240x16xf32, #tpu.memory_space<vmem_shared>>
      tpu.wait_indirect_dma semaphore(%arg22 : memref<!tpu.dma_semaphore, #tpu.memory_space<semaphore_mem>>) src(%dma_wait3A_807 : memref<125x16xf32, #tpu.memory_space<vmem>>) dst(%dma_wait3A_813 : memref<10240x16xf32, #tpu.memory_space<vmem_shared>>)
      %add3A_814 = arith.constant 2 : i32
      %add3A_815 = arith.addi %mul3A_497, %add3A_814 : i32
      %add3A_816 = arith.constant 10 : i32
      %add3A_817 = arith.addi %add3A_815, %add3A_816 : i32
      %dma_start3A_818 = arith.constant 2 : i32
      %dma_start3A_819 = arith.constant 0 : i32
      %dma_start3A_820 = arith.constant 0 : i32
      %dma_start3A_821 = tpu.memref_slice %arg7[%dma_start3A_818, %dma_start3A_819, %dma_start3A_820] : memref<10x125x16xf32, #tpu.memory_space<vmem>> -> memref<1x125x16xf32, #tpu.memory_space<vmem>>
      %dma_start3A_822 = tpu.memref_squeeze %dma_start3A_821 : memref<1x125x16xf32, #tpu.memory_space<vmem>> -> memref<125x16xf32, #tpu.memory_space<vmem>>
      %dma_start3A_823 = arith.constant 0 : i32
      %dma_start3A_824 = tpu.memref_slice %arg5[%add3A_817, %dma_start3A_823] : memref<80x125xi32, #tpu.memory_space<vmem>> -> memref<1x125xi32, #tpu.memory_space<vmem>>
      %dma_start3A_825 = tpu.memref_squeeze %dma_start3A_824 : memref<1x125xi32, #tpu.memory_space<vmem>> -> memref<125xi32, #tpu.memory_space<vmem>>
      %dma_start3A_826 = arith.constant 0 : i32
      %dma_start3A_827 = arith.constant 0 : i32
      %dma_start3A_828 = tpu.memref_slice %arg2[%dma_start3A_826, %dma_start3A_827] : memref<10240x16xf32, #tpu.memory_space<hbm>> -> memref<10240x16xf32, #tpu.memory_space<hbm>>
      tpu.enqueue_indirect_dma source(%dma_start3A_828 : memref<10240x16xf32, #tpu.memory_space<hbm>>) target(%dma_start3A_822 : memref<125x16xf32, #tpu.memory_space<vmem>>) offsets(%dma_start3A_825 : memref<125xi32, #tpu.memory_space<vmem>>) semaphore(%arg12 : memref<!tpu.dma_semaphore, #tpu.memory_space<semaphore_mem>>)
      %dma_wait3A_829 = arith.constant 3 : i32
      %dma_wait3A_830 = arith.constant 0 : i32
      %dma_wait3A_831 = arith.constant 0 : i32
      %dma_wait3A_832 = arith.constant 0 : i32
      %dma_wait3A_833 = tpu.memref_slice %arg7[%dma_wait3A_829, %dma_wait3A_831, %dma_wait3A_832] : memref<10x125x16xf32, #tpu.memory_space<vmem>> -> memref<1x125x16xf32, #tpu.memory_space<vmem>>
      %dma_wait3A_834 = tpu.memref_squeeze %dma_wait3A_833 : memref<1x125x16xf32, #tpu.memory_space<vmem>> -> memref<125x16xf32, #tpu.memory_space<vmem>>
      %dma_wait3A_835 = arith.constant 0 : i32
      %dma_wait3A_836 = tpu.memref_slice %arg6[%dma_wait3A_830, %dma_wait3A_835] : memref<80x125xi32, #tpu.memory_space<vmem>> -> memref<1x125xi32, #tpu.memory_space<vmem>>
      %dma_wait3A_837 = tpu.memref_squeeze %dma_wait3A_836 : memref<1x125xi32, #tpu.memory_space<vmem>> -> memref<125xi32, #tpu.memory_space<vmem>>
      %dma_wait3A_838 = arith.constant 0 : i32
      %dma_wait3A_839 = arith.constant 0 : i32
      %dma_wait3A_840 = tpu.memref_slice %arg9[%dma_wait3A_838, %dma_wait3A_839] : memref<10240x16xf32, #tpu.memory_space<vmem_shared>> -> memref<10240x16xf32, #tpu.memory_space<vmem_shared>>
      tpu.wait_indirect_dma semaphore(%arg23 : memref<!tpu.dma_semaphore, #tpu.memory_space<semaphore_mem>>) src(%dma_wait3A_834 : memref<125x16xf32, #tpu.memory_space<vmem>>) dst(%dma_wait3A_840 : memref<10240x16xf32, #tpu.memory_space<vmem_shared>>)
      %add3A_841 = arith.constant 3 : i32
      %add3A_842 = arith.addi %mul3A_497, %add3A_841 : i32
      %add3A_843 = arith.constant 10 : i32
      %add3A_844 = arith.addi %add3A_842, %add3A_843 : i32
      %dma_start3A_845 = arith.constant 3 : i32
      %dma_start3A_846 = arith.constant 0 : i32
      %dma_start3A_847 = arith.constant 0 : i32
      %dma_start3A_848 = tpu.memref_slice %arg7[%dma_start3A_845, %dma_start3A_846, %dma_start3A_847] : memref<10x125x16xf32, #tpu.memory_space<vmem>> -> memref<1x125x16xf32, #tpu.memory_space<vmem>>
      %dma_start3A_849 = tpu.memref_squeeze %dma_start3A_848 : memref<1x125x16xf32, #tpu.memory_space<vmem>> -> memref<125x16xf32, #tpu.memory_space<vmem>>
      %dma_start3A_850 = arith.constant 0 : i32
      %dma_start3A_851 = tpu.memref_slice %arg5[%add3A_844, %dma_start3A_850] : memref<80x125xi32, #tpu.memory_space<vmem>> -> memref<1x125xi32, #tpu.memory_space<vmem>>
      %dma_start3A_852 = tpu.memref_squeeze %dma_start3A_851 : memref<1x125xi32, #tpu.memory_space<vmem>> -> memref<125xi32, #tpu.memory_space<vmem>>
      %dma_start3A_853 = arith.constant 0 : i32
      %dma_start3A_854 = arith.constant 0 : i32
      %dma_start3A_855 = tpu.memref_slice %arg2[%dma_start3A_853, %dma_start3A_854] : memref<10240x16xf32, #tpu.memory_space<hbm>> -> memref<10240x16xf32, #tpu.memory_space<hbm>>
      tpu.enqueue_indirect_dma source(%dma_start3A_855 : memref<10240x16xf32, #tpu.memory_space<hbm>>) target(%dma_start3A_849 : memref<125x16xf32, #tpu.memory_space<vmem>>) offsets(%dma_start3A_852 : memref<125xi32, #tpu.memory_space<vmem>>) semaphore(%arg13 : memref<!tpu.dma_semaphore, #tpu.memory_space<semaphore_mem>>)
      %dma_wait3A_856 = arith.constant 4 : i32
      %dma_wait3A_857 = arith.constant 0 : i32
      %dma_wait3A_858 = arith.constant 0 : i32
      %dma_wait3A_859 = arith.constant 0 : i32
      %dma_wait3A_860 = tpu.memref_slice %arg7[%dma_wait3A_856, %dma_wait3A_858, %dma_wait3A_859] : memref<10x125x16xf32, #tpu.memory_space<vmem>> -> memref<1x125x16xf32, #tpu.memory_space<vmem>>
      %dma_wait3A_861 = tpu.memref_squeeze %dma_wait3A_860 : memref<1x125x16xf32, #tpu.memory_space<vmem>> -> memref<125x16xf32, #tpu.memory_space<vmem>>
      %dma_wait3A_862 = arith.constant 0 : i32
      %dma_wait3A_863 = tpu.memref_slice %arg6[%dma_wait3A_857, %dma_wait3A_862] : memref<80x125xi32, #tpu.memory_space<vmem>> -> memref<1x125xi32, #tpu.memory_space<vmem>>
      %dma_wait3A_864 = tpu.memref_squeeze %dma_wait3A_863 : memref<1x125xi32, #tpu.memory_space<vmem>> -> memref<125xi32, #tpu.memory_space<vmem>>
      %dma_wait3A_865 = arith.constant 0 : i32
      %dma_wait3A_866 = arith.constant 0 : i32
      %dma_wait3A_867 = tpu.memref_slice %arg9[%dma_wait3A_865, %dma_wait3A_866] : memref<10240x16xf32, #tpu.memory_space<vmem_shared>> -> memref<10240x16xf32, #tpu.memory_space<vmem_shared>>
      tpu.wait_indirect_dma semaphore(%arg24 : memref<!tpu.dma_semaphore, #tpu.memory_space<semaphore_mem>>) src(%dma_wait3A_861 : memref<125x16xf32, #tpu.memory_space<vmem>>) dst(%dma_wait3A_867 : memref<10240x16xf32, #tpu.memory_space<vmem_shared>>)
      %add3A_868 = arith.constant 4 : i32
      %add3A_869 = arith.addi %mul3A_497, %add3A_868 : i32
      %add3A_870 = arith.constant 10 : i32
      %add3A_871 = arith.addi %add3A_869, %add3A_870 : i32
      %dma_start3A_872 = arith.constant 4 : i32
      %dma_start3A_873 = arith.constant 0 : i32
      %dma_start3A_874 = arith.constant 0 : i32
      %dma_start3A_875 = tpu.memref_slice %arg7[%dma_start3A_872, %dma_start3A_873, %dma_start3A_874] : memref<10x125x16xf32, #tpu.memory_space<vmem>> -> memref<1x125x16xf32, #tpu.memory_space<vmem>>
      %dma_start3A_876 = tpu.memref_squeeze %dma_start3A_875 : memref<1x125x16xf32, #tpu.memory_space<vmem>> -> memref<125x16xf32, #tpu.memory_space<vmem>>
      %dma_start3A_877 = arith.constant 0 : i32
      %dma_start3A_878 = tpu.memref_slice %arg5[%add3A_871, %dma_start3A_877] : memref<80x125xi32, #tpu.memory_space<vmem>> -> memref<1x125xi32, #tpu.memory_space<vmem>>
      %dma_start3A_879 = tpu.memref_squeeze %dma_start3A_878 : memref<1x125xi32, #tpu.memory_space<vmem>> -> memref<125xi32, #tpu.memory_space<vmem>>
      %dma_start3A_880 = arith.constant 0 : i32
      %dma_start3A_881 = arith.constant 0 : i32
      %dma_start3A_882 = tpu.memref_slice %arg2[%dma_start3A_880, %dma_start3A_881] : memref<10240x16xf32, #tpu.memory_space<hbm>> -> memref<10240x16xf32, #tpu.memory_space<hbm>>
      tpu.enqueue_indirect_dma source(%dma_start3A_882 : memref<10240x16xf32, #tpu.memory_space<hbm>>) target(%dma_start3A_876 : memref<125x16xf32, #tpu.memory_space<vmem>>) offsets(%dma_start3A_879 : memref<125xi32, #tpu.memory_space<vmem>>) semaphore(%arg14 : memref<!tpu.dma_semaphore, #tpu.memory_space<semaphore_mem>>)
      %dma_wait3A_883 = arith.constant 5 : i32
      %dma_wait3A_884 = arith.constant 0 : i32
      %dma_wait3A_885 = arith.constant 0 : i32
      %dma_wait3A_886 = arith.constant 0 : i32
      %dma_wait3A_887 = tpu.memref_slice %arg7[%dma_wait3A_883, %dma_wait3A_885, %dma_wait3A_886] : memref<10x125x16xf32, #tpu.memory_space<vmem>> -> memref<1x125x16xf32, #tpu.memory_space<vmem>>
      %dma_wait3A_888 = tpu.memref_squeeze %dma_wait3A_887 : memref<1x125x16xf32, #tpu.memory_space<vmem>> -> memref<125x16xf32, #tpu.memory_space<vmem>>
      %dma_wait3A_889 = arith.constant 0 : i32
      %dma_wait3A_890 = tpu.memref_slice %arg6[%dma_wait3A_884, %dma_wait3A_889] : memref<80x125xi32, #tpu.memory_space<vmem>> -> memref<1x125xi32, #tpu.memory_space<vmem>>
      %dma_wait3A_891 = tpu.memref_squeeze %dma_wait3A_890 : memref<1x125xi32, #tpu.memory_space<vmem>> -> memref<125xi32, #tpu.memory_space<vmem>>
      %dma_wait3A_892 = arith.constant 0 : i32
      %dma_wait3A_893 = arith.constant 0 : i32
      %dma_wait3A_894 = tpu.memref_slice %arg9[%dma_wait3A_892, %dma_wait3A_893] : memref<10240x16xf32, #tpu.memory_space<vmem_shared>> -> memref<10240x16xf32, #tpu.memory_space<vmem_shared>>
      tpu.wait_indirect_dma semaphore(%arg25 : memref<!tpu.dma_semaphore, #tpu.memory_space<semaphore_mem>>) src(%dma_wait3A_888 : memref<125x16xf32, #tpu.memory_space<vmem>>) dst(%dma_wait3A_894 : memref<10240x16xf32, #tpu.memory_space<vmem_shared>>)
      %add3A_895 = arith.constant 5 : i32
      %add3A_896 = arith.addi %mul3A_497, %add3A_895 : i32
      %add3A_897 = arith.constant 10 : i32
      %add3A_898 = arith.addi %add3A_896, %add3A_897 : i32
      %dma_start3A_899 = arith.constant 5 : i32
      %dma_start3A_900 = arith.constant 0 : i32
      %dma_start3A_901 = arith.constant 0 : i32
      %dma_start3A_902 = tpu.memref_slice %arg7[%dma_start3A_899, %dma_start3A_900, %dma_start3A_901] : memref<10x125x16xf32, #tpu.memory_space<vmem>> -> memref<1x125x16xf32, #tpu.memory_space<vmem>>
      %dma_start3A_903 = tpu.memref_squeeze %dma_start3A_902 : memref<1x125x16xf32, #tpu.memory_space<vmem>> -> memref<125x16xf32, #tpu.memory_space<vmem>>
      %dma_start3A_904 = arith.constant 0 : i32
      %dma_start3A_905 = tpu.memref_slice %arg5[%add3A_898, %dma_start3A_904] : memref<80x125xi32, #tpu.memory_space<vmem>> -> memref<1x125xi32, #tpu.memory_space<vmem>>
      %dma_start3A_906 = tpu.memref_squeeze %dma_start3A_905 : memref<1x125xi32, #tpu.memory_space<vmem>> -> memref<125xi32, #tpu.memory_space<vmem>>
      %dma_start3A_907 = arith.constant 0 : i32
      %dma_start3A_908 = arith.constant 0 : i32
      %dma_start3A_909 = tpu.memref_slice %arg2[%dma_start3A_907, %dma_start3A_908] : memref<10240x16xf32, #tpu.memory_space<hbm>> -> memref<10240x16xf32, #tpu.memory_space<hbm>>
      tpu.enqueue_indirect_dma source(%dma_start3A_909 : memref<10240x16xf32, #tpu.memory_space<hbm>>) target(%dma_start3A_903 : memref<125x16xf32, #tpu.memory_space<vmem>>) offsets(%dma_start3A_906 : memref<125xi32, #tpu.memory_space<vmem>>) semaphore(%arg15 : memref<!tpu.dma_semaphore, #tpu.memory_space<semaphore_mem>>)
      %dma_wait3A_910 = arith.constant 6 : i32
      %dma_wait3A_911 = arith.constant 0 : i32
      %dma_wait3A_912 = arith.constant 0 : i32
      %dma_wait3A_913 = arith.constant 0 : i32
      %dma_wait3A_914 = tpu.memref_slice %arg7[%dma_wait3A_910, %dma_wait3A_912, %dma_wait3A_913] : memref<10x125x16xf32, #tpu.memory_space<vmem>> -> memref<1x125x16xf32, #tpu.memory_space<vmem>>
      %dma_wait3A_915 = tpu.memref_squeeze %dma_wait3A_914 : memref<1x125x16xf32, #tpu.memory_space<vmem>> -> memref<125x16xf32, #tpu.memory_space<vmem>>
      %dma_wait3A_916 = arith.constant 0 : i32
      %dma_wait3A_917 = tpu.memref_slice %arg6[%dma_wait3A_911, %dma_wait3A_916] : memref<80x125xi32, #tpu.memory_space<vmem>> -> memref<1x125xi32, #tpu.memory_space<vmem>>
      %dma_wait3A_918 = tpu.memref_squeeze %dma_wait3A_917 : memref<1x125xi32, #tpu.memory_space<vmem>> -> memref<125xi32, #tpu.memory_space<vmem>>
      %dma_wait3A_919 = arith.constant 0 : i32
      %dma_wait3A_920 = arith.constant 0 : i32
      %dma_wait3A_921 = tpu.memref_slice %arg9[%dma_wait3A_919, %dma_wait3A_920] : memref<10240x16xf32, #tpu.memory_space<vmem_shared>> -> memref<10240x16xf32, #tpu.memory_space<vmem_shared>>
      tpu.wait_indirect_dma semaphore(%arg26 : memref<!tpu.dma_semaphore, #tpu.memory_space<semaphore_mem>>) src(%dma_wait3A_915 : memref<125x16xf32, #tpu.memory_space<vmem>>) dst(%dma_wait3A_921 : memref<10240x16xf32, #tpu.memory_space<vmem_shared>>)
      %add3A_922 = arith.constant 6 : i32
      %add3A_923 = arith.addi %mul3A_497, %add3A_922 : i32
      %add3A_924 = arith.constant 10 : i32
      %add3A_925 = arith.addi %add3A_923, %add3A_924 : i32
      %dma_start3A_926 = arith.constant 6 : i32
      %dma_start3A_927 = arith.constant 0 : i32
      %dma_start3A_928 = arith.constant 0 : i32
      %dma_start3A_929 = tpu.memref_slice %arg7[%dma_start3A_926, %dma_start3A_927, %dma_start3A_928] : memref<10x125x16xf32, #tpu.memory_space<vmem>> -> memref<1x125x16xf32, #tpu.memory_space<vmem>>
      %dma_start3A_930 = tpu.memref_squeeze %dma_start3A_929 : memref<1x125x16xf32, #tpu.memory_space<vmem>> -> memref<125x16xf32, #tpu.memory_space<vmem>>
      %dma_start3A_931 = arith.constant 0 : i32
      %dma_start3A_932 = tpu.memref_slice %arg5[%add3A_925, %dma_start3A_931] : memref<80x125xi32, #tpu.memory_space<vmem>> -> memref<1x125xi32, #tpu.memory_space<vmem>>
      %dma_start3A_933 = tpu.memref_squeeze %dma_start3A_932 : memref<1x125xi32, #tpu.memory_space<vmem>> -> memref<125xi32, #tpu.memory_space<vmem>>
      %dma_start3A_934 = arith.constant 0 : i32
      %dma_start3A_935 = arith.constant 0 : i32
      %dma_start3A_936 = tpu.memref_slice %arg2[%dma_start3A_934, %dma_start3A_935] : memref<10240x16xf32, #tpu.memory_space<hbm>> -> memref<10240x16xf32, #tpu.memory_space<hbm>>
      tpu.enqueue_indirect_dma source(%dma_start3A_936 : memref<10240x16xf32, #tpu.memory_space<hbm>>) target(%dma_start3A_930 : memref<125x16xf32, #tpu.memory_space<vmem>>) offsets(%dma_start3A_933 : memref<125xi32, #tpu.memory_space<vmem>>) semaphore(%arg16 : memref<!tpu.dma_semaphore, #tpu.memory_space<semaphore_mem>>)
      %dma_wait3A_937 = arith.constant 7 : i32
      %dma_wait3A_938 = arith.constant 0 : i32
      %dma_wait3A_939 = arith.constant 0 : i32
      %dma_wait3A_940 = arith.constant 0 : i32
      %dma_wait3A_941 = tpu.memref_slice %arg7[%dma_wait3A_937, %dma_wait3A_939, %dma_wait3A_940] : memref<10x125x16xf32, #tpu.memory_space<vmem>> -> memref<1x125x16xf32, #tpu.memory_space<vmem>>
      %dma_wait3A_942 = tpu.memref_squeeze %dma_wait3A_941 : memref<1x125x16xf32, #tpu.memory_space<vmem>> -> memref<125x16xf32, #tpu.memory_space<vmem>>
      %dma_wait3A_943 = arith.constant 0 : i32
      %dma_wait3A_944 = tpu.memref_slice %arg6[%dma_wait3A_938, %dma_wait3A_943] : memref<80x125xi32, #tpu.memory_space<vmem>> -> memref<1x125xi32, #tpu.memory_space<vmem>>
      %dma_wait3A_945 = tpu.memref_squeeze %dma_wait3A_944 : memref<1x125xi32, #tpu.memory_space<vmem>> -> memref<125xi32, #tpu.memory_space<vmem>>
      %dma_wait3A_946 = arith.constant 0 : i32
      %dma_wait3A_947 = arith.constant 0 : i32
      %dma_wait3A_948 = tpu.memref_slice %arg9[%dma_wait3A_946, %dma_wait3A_947] : memref<10240x16xf32, #tpu.memory_space<vmem_shared>> -> memref<10240x16xf32, #tpu.memory_space<vmem_shared>>
      tpu.wait_indirect_dma semaphore(%arg27 : memref<!tpu.dma_semaphore, #tpu.memory_space<semaphore_mem>>) src(%dma_wait3A_942 : memref<125x16xf32, #tpu.memory_space<vmem>>) dst(%dma_wait3A_948 : memref<10240x16xf32, #tpu.memory_space<vmem_shared>>)
      %add3A_949 = arith.constant 7 : i32
      %add3A_950 = arith.addi %mul3A_497, %add3A_949 : i32
      %add3A_951 = arith.constant 10 : i32
      %add3A_952 = arith.addi %add3A_950, %add3A_951 : i32
      %dma_start3A_953 = arith.constant 7 : i32
      %dma_start3A_954 = arith.constant 0 : i32
      %dma_start3A_955 = arith.constant 0 : i32
      %dma_start3A_956 = tpu.memref_slice %arg7[%dma_start3A_953, %dma_start3A_954, %dma_start3A_955] : memref<10x125x16xf32, #tpu.memory_space<vmem>> -> memref<1x125x16xf32, #tpu.memory_space<vmem>>
      %dma_start3A_957 = tpu.memref_squeeze %dma_start3A_956 : memref<1x125x16xf32, #tpu.memory_space<vmem>> -> memref<125x16xf32, #tpu.memory_space<vmem>>
      %dma_start3A_958 = arith.constant 0 : i32
      %dma_start3A_959 = tpu.memref_slice %arg5[%add3A_952, %dma_start3A_958] : memref<80x125xi32, #tpu.memory_space<vmem>> -> memref<1x125xi32, #tpu.memory_space<vmem>>
      %dma_start3A_960 = tpu.memref_squeeze %dma_start3A_959 : memref<1x125xi32, #tpu.memory_space<vmem>> -> memref<125xi32, #tpu.memory_space<vmem>>
      %dma_start3A_961 = arith.constant 0 : i32
      %dma_start3A_962 = arith.constant 0 : i32
      %dma_start3A_963 = tpu.memref_slice %arg2[%dma_start3A_961, %dma_start3A_962] : memref<10240x16xf32, #tpu.memory_space<hbm>> -> memref<10240x16xf32, #tpu.memory_space<hbm>>
      tpu.enqueue_indirect_dma source(%dma_start3A_963 : memref<10240x16xf32, #tpu.memory_space<hbm>>) target(%dma_start3A_957 : memref<125x16xf32, #tpu.memory_space<vmem>>) offsets(%dma_start3A_960 : memref<125xi32, #tpu.memory_space<vmem>>) semaphore(%arg17 : memref<!tpu.dma_semaphore, #tpu.memory_space<semaphore_mem>>)
      %dma_wait3A_964 = arith.constant 8 : i32
      %dma_wait3A_965 = arith.constant 0 : i32
      %dma_wait3A_966 = arith.constant 0 : i32
      %dma_wait3A_967 = arith.constant 0 : i32
      %dma_wait3A_968 = tpu.memref_slice %arg7[%dma_wait3A_964, %dma_wait3A_966, %dma_wait3A_967] : memref<10x125x16xf32, #tpu.memory_space<vmem>> -> memref<1x125x16xf32, #tpu.memory_space<vmem>>
      %dma_wait3A_969 = tpu.memref_squeeze %dma_wait3A_968 : memref<1x125x16xf32, #tpu.memory_space<vmem>> -> memref<125x16xf32, #tpu.memory_space<vmem>>
      %dma_wait3A_970 = arith.constant 0 : i32
      %dma_wait3A_971 = tpu.memref_slice %arg6[%dma_wait3A_965, %dma_wait3A_970] : memref<80x125xi32, #tpu.memory_space<vmem>> -> memref<1x125xi32, #tpu.memory_space<vmem>>
      %dma_wait3A_972 = tpu.memref_squeeze %dma_wait3A_971 : memref<1x125xi32, #tpu.memory_space<vmem>> -> memref<125xi32, #tpu.memory_space<vmem>>
      %dma_wait3A_973 = arith.constant 0 : i32
      %dma_wait3A_974 = arith.constant 0 : i32
      %dma_wait3A_975 = tpu.memref_slice %arg9[%dma_wait3A_973, %dma_wait3A_974] : memref<10240x16xf32, #tpu.memory_space<vmem_shared>> -> memref<10240x16xf32, #tpu.memory_space<vmem_shared>>
      tpu.wait_indirect_dma semaphore(%arg28 : memref<!tpu.dma_semaphore, #tpu.memory_space<semaphore_mem>>) src(%dma_wait3A_969 : memref<125x16xf32, #tpu.memory_space<vmem>>) dst(%dma_wait3A_975 : memref<10240x16xf32, #tpu.memory_space<vmem_shared>>)
      %add3A_976 = arith.constant 8 : i32
      %add3A_977 = arith.addi %mul3A_497, %add3A_976 : i32
      %add3A_978 = arith.constant 10 : i32
      %add3A_979 = arith.addi %add3A_977, %add3A_978 : i32
      %dma_start3A_980 = arith.constant 8 : i32
      %dma_start3A_981 = arith.constant 0 : i32
      %dma_start3A_982 = arith.constant 0 : i32
      %dma_start3A_983 = tpu.memref_slice %arg7[%dma_start3A_980, %dma_start3A_981, %dma_start3A_982] : memref<10x125x16xf32, #tpu.memory_space<vmem>> -> memref<1x125x16xf32, #tpu.memory_space<vmem>>
      %dma_start3A_984 = tpu.memref_squeeze %dma_start3A_983 : memref<1x125x16xf32, #tpu.memory_space<vmem>> -> memref<125x16xf32, #tpu.memory_space<vmem>>
      %dma_start3A_985 = arith.constant 0 : i32
      %dma_start3A_986 = tpu.memref_slice %arg5[%add3A_979, %dma_start3A_985] : memref<80x125xi32, #tpu.memory_space<vmem>> -> memref<1x125xi32, #tpu.memory_space<vmem>>
      %dma_start3A_987 = tpu.memref_squeeze %dma_start3A_986 : memref<1x125xi32, #tpu.memory_space<vmem>> -> memref<125xi32, #tpu.memory_space<vmem>>
      %dma_start3A_988 = arith.constant 0 : i32
      %dma_start3A_989 = arith.constant 0 : i32
      %dma_start3A_990 = tpu.memref_slice %arg2[%dma_start3A_988, %dma_start3A_989] : memref<10240x16xf32, #tpu.memory_space<hbm>> -> memref<10240x16xf32, #tpu.memory_space<hbm>>
      tpu.enqueue_indirect_dma source(%dma_start3A_990 : memref<10240x16xf32, #tpu.memory_space<hbm>>) target(%dma_start3A_984 : memref<125x16xf32, #tpu.memory_space<vmem>>) offsets(%dma_start3A_987 : memref<125xi32, #tpu.memory_space<vmem>>) semaphore(%arg18 : memref<!tpu.dma_semaphore, #tpu.memory_space<semaphore_mem>>)
      %dma_wait3A_991 = arith.constant 9 : i32
      %dma_wait3A_992 = arith.constant 0 : i32
      %dma_wait3A_993 = arith.constant 0 : i32
      %dma_wait3A_994 = arith.constant 0 : i32
      %dma_wait3A_995 = tpu.memref_slice %arg7[%dma_wait3A_991, %dma_wait3A_993, %dma_wait3A_994] : memref<10x125x16xf32, #tpu.memory_space<vmem>> -> memref<1x125x16xf32, #tpu.memory_space<vmem>>
      %dma_wait3A_996 = tpu.memref_squeeze %dma_wait3A_995 : memref<1x125x16xf32, #tpu.memory_space<vmem>> -> memref<125x16xf32, #tpu.memory_space<vmem>>
      %dma_wait3A_997 = arith.constant 0 : i32
      %dma_wait3A_998 = tpu.memref_slice %arg6[%dma_wait3A_992, %dma_wait3A_997] : memref<80x125xi32, #tpu.memory_space<vmem>> -> memref<1x125xi32, #tpu.memory_space<vmem>>
      %dma_wait3A_999 = tpu.memref_squeeze %dma_wait3A_998 : memref<1x125xi32, #tpu.memory_space<vmem>> -> memref<125xi32, #tpu.memory_space<vmem>>
      %dma_wait3A_1000 = arith.constant 0 : i32
      %dma_wait3A_1001 = arith.constant 0 : i32
      %dma_wait3A_1002 = tpu.memref_slice %arg9[%dma_wait3A_1000, %dma_wait3A_1001] : memref<10240x16xf32, #tpu.memory_space<vmem_shared>> -> memref<10240x16xf32, #tpu.memory_space<vmem_shared>>
      tpu.wait_indirect_dma semaphore(%arg29 : memref<!tpu.dma_semaphore, #tpu.memory_space<semaphore_mem>>) src(%dma_wait3A_996 : memref<125x16xf32, #tpu.memory_space<vmem>>) dst(%dma_wait3A_1002 : memref<10240x16xf32, #tpu.memory_space<vmem_shared>>)
      %add3A_1003 = arith.constant 9 : i32
      %add3A_1004 = arith.addi %mul3A_497, %add3A_1003 : i32
      %add3A_1005 = arith.constant 10 : i32
      %add3A_1006 = arith.addi %add3A_1004, %add3A_1005 : i32
      %dma_start3A_1007 = arith.constant 9 : i32
      %dma_start3A_1008 = arith.constant 0 : i32
      %dma_start3A_1009 = arith.constant 0 : i32
      %dma_start3A_1010 = tpu.memref_slice %arg7[%dma_start3A_1007, %dma_start3A_1008, %dma_start3A_1009] : memref<10x125x16xf32, #tpu.memory_space<vmem>> -> memref<1x125x16xf32, #tpu.memory_space<vmem>>
      %dma_start3A_1011 = tpu.memref_squeeze %dma_start3A_1010 : memref<1x125x16xf32, #tpu.memory_space<vmem>> -> memref<125x16xf32, #tpu.memory_space<vmem>>
      %dma_start3A_1012 = arith.constant 0 : i32
      %dma_start3A_1013 = tpu.memref_slice %arg5[%add3A_1006, %dma_start3A_1012] : memref<80x125xi32, #tpu.memory_space<vmem>> -> memref<1x125xi32, #tpu.memory_space<vmem>>
      %dma_start3A_1014 = tpu.memref_squeeze %dma_start3A_1013 : memref<1x125xi32, #tpu.memory_space<vmem>> -> memref<125xi32, #tpu.memory_space<vmem>>
      %dma_start3A_1015 = arith.constant 0 : i32
      %dma_start3A_1016 = arith.constant 0 : i32
      %dma_start3A_1017 = tpu.memref_slice %arg2[%dma_start3A_1015, %dma_start3A_1016] : memref<10240x16xf32, #tpu.memory_space<hbm>> -> memref<10240x16xf32, #tpu.memory_space<hbm>>
      tpu.enqueue_indirect_dma source(%dma_start3A_1017 : memref<10240x16xf32, #tpu.memory_space<hbm>>) target(%dma_start3A_1011 : memref<125x16xf32, #tpu.memory_space<vmem>>) offsets(%dma_start3A_1014 : memref<125xi32, #tpu.memory_space<vmem>>) semaphore(%arg19 : memref<!tpu.dma_semaphore, #tpu.memory_space<semaphore_mem>>)
    }
    %scan3A_134 = arith.constant 7 : i32
    %dma_wait3A = arith.constant 0 : i32
    %dma_wait3A_135 = arith.constant 0 : i32
    %dma_wait3A_136 = arith.constant 0 : i32
    %dma_wait3A_137 = arith.constant 0 : i32
    %dma_wait3A_138 = tpu.memref_slice %arg7[%dma_wait3A_135, %dma_wait3A_136, %dma_wait3A_137] : memref<10x125x16xf32, #tpu.memory_space<vmem>> -> memref<1x125x16xf32, #tpu.memory_space<vmem>>
    %dma_wait3A_139 = tpu.memref_squeeze %dma_wait3A_138 : memref<1x125x16xf32, #tpu.memory_space<vmem>> -> memref<125x16xf32, #tpu.memory_space<vmem>>
    %dma_wait3A_140 = arith.constant 0 : i32
    %dma_wait3A_141 = tpu.memref_slice %arg5[%dma_wait3A, %dma_wait3A_140] : memref<80x125xi32, #tpu.memory_space<vmem>> -> memref<1x125xi32, #tpu.memory_space<vmem>>
    %dma_wait3A_142 = tpu.memref_squeeze %dma_wait3A_141 : memref<1x125xi32, #tpu.memory_space<vmem>> -> memref<125xi32, #tpu.memory_space<vmem>>
    %dma_wait3A_143 = arith.constant 0 : i32
    %dma_wait3A_144 = arith.constant 0 : i32
    %dma_wait3A_145 = tpu.memref_slice %arg2[%dma_wait3A_143, %dma_wait3A_144] : memref<10240x16xf32, #tpu.memory_space<hbm>> -> memref<10240x16xf32, #tpu.memory_space<hbm>>
    tpu.wait_indirect_dma semaphore(%arg10 : memref<!tpu.dma_semaphore, #tpu.memory_space<semaphore_mem>>) src(%dma_wait3A_145 : memref<10240x16xf32, #tpu.memory_space<hbm>>) dst(%dma_wait3A_139 : memref<125x16xf32, #tpu.memory_space<vmem>>)
    %dma_start3A_146 = arith.constant 0 : i32
    %dma_start3A_147 = arith.constant 70 : i32
    %dma_start3A_148 = arith.constant 0 : i32
    %dma_start3A_149 = arith.constant 0 : i32
    %dma_start3A_150 = tpu.memref_slice %arg7[%dma_start3A_146, %dma_start3A_148, %dma_start3A_149] : memref<10x125x16xf32, #tpu.memory_space<vmem>> -> memref<1x125x16xf32, #tpu.memory_space<vmem>>
    %dma_start3A_151 = tpu.memref_squeeze %dma_start3A_150 : memref<1x125x16xf32, #tpu.memory_space<vmem>> -> memref<125x16xf32, #tpu.memory_space<vmem>>
    %dma_start3A_152 = arith.constant 0 : i32
    %dma_start3A_153 = tpu.memref_slice %arg6[%dma_start3A_147, %dma_start3A_152] : memref<80x125xi32, #tpu.memory_space<vmem>> -> memref<1x125xi32, #tpu.memory_space<vmem>>
    %dma_start3A_154 = tpu.memref_squeeze %dma_start3A_153 : memref<1x125xi32, #tpu.memory_space<vmem>> -> memref<125xi32, #tpu.memory_space<vmem>>
    %dma_start3A_155 = arith.constant 0 : i32
    %dma_start3A_156 = arith.constant 0 : i32
    %dma_start3A_157 = tpu.memref_slice %arg9[%dma_start3A_155, %dma_start3A_156] : memref<10240x16xf32, #tpu.memory_space<vmem_shared>> -> memref<10240x16xf32, #tpu.memory_space<vmem_shared>>
    tpu.enqueue_indirect_dma source(%dma_start3A_151 : memref<125x16xf32, #tpu.memory_space<vmem>>) target(%dma_start3A_157 : memref<10240x16xf32, #tpu.memory_space<vmem_shared>>) offsets(%dma_start3A_154 : memref<125xi32, #tpu.memory_space<vmem>>) semaphore(%arg20 : memref<!tpu.dma_semaphore, #tpu.memory_space<semaphore_mem>>) {add = true}
    %dma_wait3A_158 = arith.constant 0 : i32
    %dma_wait3A_159 = arith.constant 1 : i32
    %dma_wait3A_160 = arith.constant 0 : i32
    %dma_wait3A_161 = arith.constant 0 : i32
    %dma_wait3A_162 = tpu.memref_slice %arg7[%dma_wait3A_159, %dma_wait3A_160, %dma_wait3A_161] : memref<10x125x16xf32, #tpu.memory_space<vmem>> -> memref<1x125x16xf32, #tpu.memory_space<vmem>>
    %dma_wait3A_163 = tpu.memref_squeeze %dma_wait3A_162 : memref<1x125x16xf32, #tpu.memory_space<vmem>> -> memref<125x16xf32, #tpu.memory_space<vmem>>
    %dma_wait3A_164 = arith.constant 0 : i32
    %dma_wait3A_165 = tpu.memref_slice %arg5[%dma_wait3A_158, %dma_wait3A_164] : memref<80x125xi32, #tpu.memory_space<vmem>> -> memref<1x125xi32, #tpu.memory_space<vmem>>
    %dma_wait3A_166 = tpu.memref_squeeze %dma_wait3A_165 : memref<1x125xi32, #tpu.memory_space<vmem>> -> memref<125xi32, #tpu.memory_space<vmem>>
    %dma_wait3A_167 = arith.constant 0 : i32
    %dma_wait3A_168 = arith.constant 0 : i32
    %dma_wait3A_169 = tpu.memref_slice %arg2[%dma_wait3A_167, %dma_wait3A_168] : memref<10240x16xf32, #tpu.memory_space<hbm>> -> memref<10240x16xf32, #tpu.memory_space<hbm>>
    tpu.wait_indirect_dma semaphore(%arg11 : memref<!tpu.dma_semaphore, #tpu.memory_space<semaphore_mem>>) src(%dma_wait3A_169 : memref<10240x16xf32, #tpu.memory_space<hbm>>) dst(%dma_wait3A_163 : memref<125x16xf32, #tpu.memory_space<vmem>>)
    %dma_start3A_170 = arith.constant 1 : i32
    %dma_start3A_171 = arith.constant 71 : i32
    %dma_start3A_172 = arith.constant 0 : i32
    %dma_start3A_173 = arith.constant 0 : i32
    %dma_start3A_174 = tpu.memref_slice %arg7[%dma_start3A_170, %dma_start3A_172, %dma_start3A_173] : memref<10x125x16xf32, #tpu.memory_space<vmem>> -> memref<1x125x16xf32, #tpu.memory_space<vmem>>
    %dma_start3A_175 = tpu.memref_squeeze %dma_start3A_174 : memref<1x125x16xf32, #tpu.memory_space<vmem>> -> memref<125x16xf32, #tpu.memory_space<vmem>>
    %dma_start3A_176 = arith.constant 0 : i32
    %dma_start3A_177 = tpu.memref_slice %arg6[%dma_start3A_171, %dma_start3A_176] : memref<80x125xi32, #tpu.memory_space<vmem>> -> memref<1x125xi32, #tpu.memory_space<vmem>>
    %dma_start3A_178 = tpu.memref_squeeze %dma_start3A_177 : memref<1x125xi32, #tpu.memory_space<vmem>> -> memref<125xi32, #tpu.memory_space<vmem>>
    %dma_start3A_179 = arith.constant 0 : i32
    %dma_start3A_180 = arith.constant 0 : i32
    %dma_start3A_181 = tpu.memref_slice %arg9[%dma_start3A_179, %dma_start3A_180] : memref<10240x16xf32, #tpu.memory_space<vmem_shared>> -> memref<10240x16xf32, #tpu.memory_space<vmem_shared>>
    tpu.enqueue_indirect_dma source(%dma_start3A_175 : memref<125x16xf32, #tpu.memory_space<vmem>>) target(%dma_start3A_181 : memref<10240x16xf32, #tpu.memory_space<vmem_shared>>) offsets(%dma_start3A_178 : memref<125xi32, #tpu.memory_space<vmem>>) semaphore(%arg21 : memref<!tpu.dma_semaphore, #tpu.memory_space<semaphore_mem>>) {add = true}
    %dma_wait3A_182 = arith.constant 0 : i32
    %dma_wait3A_183 = arith.constant 2 : i32
    %dma_wait3A_184 = arith.constant 0 : i32
    %dma_wait3A_185 = arith.constant 0 : i32
    %dma_wait3A_186 = tpu.memref_slice %arg7[%dma_wait3A_183, %dma_wait3A_184, %dma_wait3A_185] : memref<10x125x16xf32, #tpu.memory_space<vmem>> -> memref<1x125x16xf32, #tpu.memory_space<vmem>>
    %dma_wait3A_187 = tpu.memref_squeeze %dma_wait3A_186 : memref<1x125x16xf32, #tpu.memory_space<vmem>> -> memref<125x16xf32, #tpu.memory_space<vmem>>
    %dma_wait3A_188 = arith.constant 0 : i32
    %dma_wait3A_189 = tpu.memref_slice %arg5[%dma_wait3A_182, %dma_wait3A_188] : memref<80x125xi32, #tpu.memory_space<vmem>> -> memref<1x125xi32, #tpu.memory_space<vmem>>
    %dma_wait3A_190 = tpu.memref_squeeze %dma_wait3A_189 : memref<1x125xi32, #tpu.memory_space<vmem>> -> memref<125xi32, #tpu.memory_space<vmem>>
    %dma_wait3A_191 = arith.constant 0 : i32
    %dma_wait3A_192 = arith.constant 0 : i32
    %dma_wait3A_193 = tpu.memref_slice %arg2[%dma_wait3A_191, %dma_wait3A_192] : memref<10240x16xf32, #tpu.memory_space<hbm>> -> memref<10240x16xf32, #tpu.memory_space<hbm>>
    tpu.wait_indirect_dma semaphore(%arg12 : memref<!tpu.dma_semaphore, #tpu.memory_space<semaphore_mem>>) src(%dma_wait3A_193 : memref<10240x16xf32, #tpu.memory_space<hbm>>) dst(%dma_wait3A_187 : memref<125x16xf32, #tpu.memory_space<vmem>>)
    %dma_start3A_194 = arith.constant 2 : i32
    %dma_start3A_195 = arith.constant 72 : i32
    %dma_start3A_196 = arith.constant 0 : i32
    %dma_start3A_197 = arith.constant 0 : i32
    %dma_start3A_198 = tpu.memref_slice %arg7[%dma_start3A_194, %dma_start3A_196, %dma_start3A_197] : memref<10x125x16xf32, #tpu.memory_space<vmem>> -> memref<1x125x16xf32, #tpu.memory_space<vmem>>
    %dma_start3A_199 = tpu.memref_squeeze %dma_start3A_198 : memref<1x125x16xf32, #tpu.memory_space<vmem>> -> memref<125x16xf32, #tpu.memory_space<vmem>>
    %dma_start3A_200 = arith.constant 0 : i32
    %dma_start3A_201 = tpu.memref_slice %arg6[%dma_start3A_195, %dma_start3A_200] : memref<80x125xi32, #tpu.memory_space<vmem>> -> memref<1x125xi32, #tpu.memory_space<vmem>>
    %dma_start3A_202 = tpu.memref_squeeze %dma_start3A_201 : memref<1x125xi32, #tpu.memory_space<vmem>> -> memref<125xi32, #tpu.memory_space<vmem>>
    %dma_start3A_203 = arith.constant 0 : i32
    %dma_start3A_204 = arith.constant 0 : i32
    %dma_start3A_205 = tpu.memref_slice %arg9[%dma_start3A_203, %dma_start3A_204] : memref<10240x16xf32, #tpu.memory_space<vmem_shared>> -> memref<10240x16xf32, #tpu.memory_space<vmem_shared>>
    tpu.enqueue_indirect_dma source(%dma_start3A_199 : memref<125x16xf32, #tpu.memory_space<vmem>>) target(%dma_start3A_205 : memref<10240x16xf32, #tpu.memory_space<vmem_shared>>) offsets(%dma_start3A_202 : memref<125xi32, #tpu.memory_space<vmem>>) semaphore(%arg22 : memref<!tpu.dma_semaphore, #tpu.memory_space<semaphore_mem>>) {add = true}
    %dma_wait3A_206 = arith.constant 0 : i32
    %dma_wait3A_207 = arith.constant 3 : i32
    %dma_wait3A_208 = arith.constant 0 : i32
    %dma_wait3A_209 = arith.constant 0 : i32
    %dma_wait3A_210 = tpu.memref_slice %arg7[%dma_wait3A_207, %dma_wait3A_208, %dma_wait3A_209] : memref<10x125x16xf32, #tpu.memory_space<vmem>> -> memref<1x125x16xf32, #tpu.memory_space<vmem>>
    %dma_wait3A_211 = tpu.memref_squeeze %dma_wait3A_210 : memref<1x125x16xf32, #tpu.memory_space<vmem>> -> memref<125x16xf32, #tpu.memory_space<vmem>>
    %dma_wait3A_212 = arith.constant 0 : i32
    %dma_wait3A_213 = tpu.memref_slice %arg5[%dma_wait3A_206, %dma_wait3A_212] : memref<80x125xi32, #tpu.memory_space<vmem>> -> memref<1x125xi32, #tpu.memory_space<vmem>>
    %dma_wait3A_214 = tpu.memref_squeeze %dma_wait3A_213 : memref<1x125xi32, #tpu.memory_space<vmem>> -> memref<125xi32, #tpu.memory_space<vmem>>
    %dma_wait3A_215 = arith.constant 0 : i32
    %dma_wait3A_216 = arith.constant 0 : i32
    %dma_wait3A_217 = tpu.memref_slice %arg2[%dma_wait3A_215, %dma_wait3A_216] : memref<10240x16xf32, #tpu.memory_space<hbm>> -> memref<10240x16xf32, #tpu.memory_space<hbm>>
    tpu.wait_indirect_dma semaphore(%arg13 : memref<!tpu.dma_semaphore, #tpu.memory_space<semaphore_mem>>) src(%dma_wait3A_217 : memref<10240x16xf32, #tpu.memory_space<hbm>>) dst(%dma_wait3A_211 : memref<125x16xf32, #tpu.memory_space<vmem>>)
    %dma_start3A_218 = arith.constant 3 : i32
    %dma_start3A_219 = arith.constant 73 : i32
    %dma_start3A_220 = arith.constant 0 : i32
    %dma_start3A_221 = arith.constant 0 : i32
    %dma_start3A_222 = tpu.memref_slice %arg7[%dma_start3A_218, %dma_start3A_220, %dma_start3A_221] : memref<10x125x16xf32, #tpu.memory_space<vmem>> -> memref<1x125x16xf32, #tpu.memory_space<vmem>>
    %dma_start3A_223 = tpu.memref_squeeze %dma_start3A_222 : memref<1x125x16xf32, #tpu.memory_space<vmem>> -> memref<125x16xf32, #tpu.memory_space<vmem>>
    %dma_start3A_224 = arith.constant 0 : i32
    %dma_start3A_225 = tpu.memref_slice %arg6[%dma_start3A_219, %dma_start3A_224] : memref<80x125xi32, #tpu.memory_space<vmem>> -> memref<1x125xi32, #tpu.memory_space<vmem>>
    %dma_start3A_226 = tpu.memref_squeeze %dma_start3A_225 : memref<1x125xi32, #tpu.memory_space<vmem>> -> memref<125xi32, #tpu.memory_space<vmem>>
    %dma_start3A_227 = arith.constant 0 : i32
    %dma_start3A_228 = arith.constant 0 : i32
    %dma_start3A_229 = tpu.memref_slice %arg9[%dma_start3A_227, %dma_start3A_228] : memref<10240x16xf32, #tpu.memory_space<vmem_shared>> -> memref<10240x16xf32, #tpu.memory_space<vmem_shared>>
    tpu.enqueue_indirect_dma source(%dma_start3A_223 : memref<125x16xf32, #tpu.memory_space<vmem>>) target(%dma_start3A_229 : memref<10240x16xf32, #tpu.memory_space<vmem_shared>>) offsets(%dma_start3A_226 : memref<125xi32, #tpu.memory_space<vmem>>) semaphore(%arg23 : memref<!tpu.dma_semaphore, #tpu.memory_space<semaphore_mem>>) {add = true}
    %dma_wait3A_230 = arith.constant 0 : i32
    %dma_wait3A_231 = arith.constant 4 : i32
    %dma_wait3A_232 = arith.constant 0 : i32
    %dma_wait3A_233 = arith.constant 0 : i32
    %dma_wait3A_234 = tpu.memref_slice %arg7[%dma_wait3A_231, %dma_wait3A_232, %dma_wait3A_233] : memref<10x125x16xf32, #tpu.memory_space<vmem>> -> memref<1x125x16xf32, #tpu.memory_space<vmem>>
    %dma_wait3A_235 = tpu.memref_squeeze %dma_wait3A_234 : memref<1x125x16xf32, #tpu.memory_space<vmem>> -> memref<125x16xf32, #tpu.memory_space<vmem>>
    %dma_wait3A_236 = arith.constant 0 : i32
    %dma_wait3A_237 = tpu.memref_slice %arg5[%dma_wait3A_230, %dma_wait3A_236] : memref<80x125xi32, #tpu.memory_space<vmem>> -> memref<1x125xi32, #tpu.memory_space<vmem>>
    %dma_wait3A_238 = tpu.memref_squeeze %dma_wait3A_237 : memref<1x125xi32, #tpu.memory_space<vmem>> -> memref<125xi32, #tpu.memory_space<vmem>>
    %dma_wait3A_239 = arith.constant 0 : i32
    %dma_wait3A_240 = arith.constant 0 : i32
    %dma_wait3A_241 = tpu.memref_slice %arg2[%dma_wait3A_239, %dma_wait3A_240] : memref<10240x16xf32, #tpu.memory_space<hbm>> -> memref<10240x16xf32, #tpu.memory_space<hbm>>
    tpu.wait_indirect_dma semaphore(%arg14 : memref<!tpu.dma_semaphore, #tpu.memory_space<semaphore_mem>>) src(%dma_wait3A_241 : memref<10240x16xf32, #tpu.memory_space<hbm>>) dst(%dma_wait3A_235 : memref<125x16xf32, #tpu.memory_space<vmem>>)
    %dma_start3A_242 = arith.constant 4 : i32
    %dma_start3A_243 = arith.constant 74 : i32
    %dma_start3A_244 = arith.constant 0 : i32
    %dma_start3A_245 = arith.constant 0 : i32
    %dma_start3A_246 = tpu.memref_slice %arg7[%dma_start3A_242, %dma_start3A_244, %dma_start3A_245] : memref<10x125x16xf32, #tpu.memory_space<vmem>> -> memref<1x125x16xf32, #tpu.memory_space<vmem>>
    %dma_start3A_247 = tpu.memref_squeeze %dma_start3A_246 : memref<1x125x16xf32, #tpu.memory_space<vmem>> -> memref<125x16xf32, #tpu.memory_space<vmem>>
    %dma_start3A_248 = arith.constant 0 : i32
    %dma_start3A_249 = tpu.memref_slice %arg6[%dma_start3A_243, %dma_start3A_248] : memref<80x125xi32, #tpu.memory_space<vmem>> -> memref<1x125xi32, #tpu.memory_space<vmem>>
    %dma_start3A_250 = tpu.memref_squeeze %dma_start3A_249 : memref<1x125xi32, #tpu.memory_space<vmem>> -> memref<125xi32, #tpu.memory_space<vmem>>
    %dma_start3A_251 = arith.constant 0 : i32
    %dma_start3A_252 = arith.constant 0 : i32
    %dma_start3A_253 = tpu.memref_slice %arg9[%dma_start3A_251, %dma_start3A_252] : memref<10240x16xf32, #tpu.memory_space<vmem_shared>> -> memref<10240x16xf32, #tpu.memory_space<vmem_shared>>
    tpu.enqueue_indirect_dma source(%dma_start3A_247 : memref<125x16xf32, #tpu.memory_space<vmem>>) target(%dma_start3A_253 : memref<10240x16xf32, #tpu.memory_space<vmem_shared>>) offsets(%dma_start3A_250 : memref<125xi32, #tpu.memory_space<vmem>>) semaphore(%arg24 : memref<!tpu.dma_semaphore, #tpu.memory_space<semaphore_mem>>) {add = true}
    %dma_wait3A_254 = arith.constant 0 : i32
    %dma_wait3A_255 = arith.constant 5 : i32
    %dma_wait3A_256 = arith.constant 0 : i32
    %dma_wait3A_257 = arith.constant 0 : i32
    %dma_wait3A_258 = tpu.memref_slice %arg7[%dma_wait3A_255, %dma_wait3A_256, %dma_wait3A_257] : memref<10x125x16xf32, #tpu.memory_space<vmem>> -> memref<1x125x16xf32, #tpu.memory_space<vmem>>
    %dma_wait3A_259 = tpu.memref_squeeze %dma_wait3A_258 : memref<1x125x16xf32, #tpu.memory_space<vmem>> -> memref<125x16xf32, #tpu.memory_space<vmem>>
    %dma_wait3A_260 = arith.constant 0 : i32
    %dma_wait3A_261 = tpu.memref_slice %arg5[%dma_wait3A_254, %dma_wait3A_260] : memref<80x125xi32, #tpu.memory_space<vmem>> -> memref<1x125xi32, #tpu.memory_space<vmem>>
    %dma_wait3A_262 = tpu.memref_squeeze %dma_wait3A_261 : memref<1x125xi32, #tpu.memory_space<vmem>> -> memref<125xi32, #tpu.memory_space<vmem>>
    %dma_wait3A_263 = arith.constant 0 : i32
    %dma_wait3A_264 = arith.constant 0 : i32
    %dma_wait3A_265 = tpu.memref_slice %arg2[%dma_wait3A_263, %dma_wait3A_264] : memref<10240x16xf32, #tpu.memory_space<hbm>> -> memref<10240x16xf32, #tpu.memory_space<hbm>>
    tpu.wait_indirect_dma semaphore(%arg15 : memref<!tpu.dma_semaphore, #tpu.memory_space<semaphore_mem>>) src(%dma_wait3A_265 : memref<10240x16xf32, #tpu.memory_space<hbm>>) dst(%dma_wait3A_259 : memref<125x16xf32, #tpu.memory_space<vmem>>)
    %dma_start3A_266 = arith.constant 5 : i32
    %dma_start3A_267 = arith.constant 75 : i32
    %dma_start3A_268 = arith.constant 0 : i32
    %dma_start3A_269 = arith.constant 0 : i32
    %dma_start3A_270 = tpu.memref_slice %arg7[%dma_start3A_266, %dma_start3A_268, %dma_start3A_269] : memref<10x125x16xf32, #tpu.memory_space<vmem>> -> memref<1x125x16xf32, #tpu.memory_space<vmem>>
    %dma_start3A_271 = tpu.memref_squeeze %dma_start3A_270 : memref<1x125x16xf32, #tpu.memory_space<vmem>> -> memref<125x16xf32, #tpu.memory_space<vmem>>
    %dma_start3A_272 = arith.constant 0 : i32
    %dma_start3A_273 = tpu.memref_slice %arg6[%dma_start3A_267, %dma_start3A_272] : memref<80x125xi32, #tpu.memory_space<vmem>> -> memref<1x125xi32, #tpu.memory_space<vmem>>
    %dma_start3A_274 = tpu.memref_squeeze %dma_start3A_273 : memref<1x125xi32, #tpu.memory_space<vmem>> -> memref<125xi32, #tpu.memory_space<vmem>>
    %dma_start3A_275 = arith.constant 0 : i32
    %dma_start3A_276 = arith.constant 0 : i32
    %dma_start3A_277 = tpu.memref_slice %arg9[%dma_start3A_275, %dma_start3A_276] : memref<10240x16xf32, #tpu.memory_space<vmem_shared>> -> memref<10240x16xf32, #tpu.memory_space<vmem_shared>>
    tpu.enqueue_indirect_dma source(%dma_start3A_271 : memref<125x16xf32, #tpu.memory_space<vmem>>) target(%dma_start3A_277 : memref<10240x16xf32, #tpu.memory_space<vmem_shared>>) offsets(%dma_start3A_274 : memref<125xi32, #tpu.memory_space<vmem>>) semaphore(%arg25 : memref<!tpu.dma_semaphore, #tpu.memory_space<semaphore_mem>>) {add = true}
    %dma_wait3A_278 = arith.constant 0 : i32
    %dma_wait3A_279 = arith.constant 6 : i32
    %dma_wait3A_280 = arith.constant 0 : i32
    %dma_wait3A_281 = arith.constant 0 : i32
    %dma_wait3A_282 = tpu.memref_slice %arg7[%dma_wait3A_279, %dma_wait3A_280, %dma_wait3A_281] : memref<10x125x16xf32, #tpu.memory_space<vmem>> -> memref<1x125x16xf32, #tpu.memory_space<vmem>>
    %dma_wait3A_283 = tpu.memref_squeeze %dma_wait3A_282 : memref<1x125x16xf32, #tpu.memory_space<vmem>> -> memref<125x16xf32, #tpu.memory_space<vmem>>
    %dma_wait3A_284 = arith.constant 0 : i32
    %dma_wait3A_285 = tpu.memref_slice %arg5[%dma_wait3A_278, %dma_wait3A_284] : memref<80x125xi32, #tpu.memory_space<vmem>> -> memref<1x125xi32, #tpu.memory_space<vmem>>
    %dma_wait3A_286 = tpu.memref_squeeze %dma_wait3A_285 : memref<1x125xi32, #tpu.memory_space<vmem>> -> memref<125xi32, #tpu.memory_space<vmem>>
    %dma_wait3A_287 = arith.constant 0 : i32
    %dma_wait3A_288 = arith.constant 0 : i32
    %dma_wait3A_289 = tpu.memref_slice %arg2[%dma_wait3A_287, %dma_wait3A_288] : memref<10240x16xf32, #tpu.memory_space<hbm>> -> memref<10240x16xf32, #tpu.memory_space<hbm>>
    tpu.wait_indirect_dma semaphore(%arg16 : memref<!tpu.dma_semaphore, #tpu.memory_space<semaphore_mem>>) src(%dma_wait3A_289 : memref<10240x16xf32, #tpu.memory_space<hbm>>) dst(%dma_wait3A_283 : memref<125x16xf32, #tpu.memory_space<vmem>>)
    %dma_start3A_290 = arith.constant 6 : i32
    %dma_start3A_291 = arith.constant 76 : i32
    %dma_start3A_292 = arith.constant 0 : i32
    %dma_start3A_293 = arith.constant 0 : i32
    %dma_start3A_294 = tpu.memref_slice %arg7[%dma_start3A_290, %dma_start3A_292, %dma_start3A_293] : memref<10x125x16xf32, #tpu.memory_space<vmem>> -> memref<1x125x16xf32, #tpu.memory_space<vmem>>
    %dma_start3A_295 = tpu.memref_squeeze %dma_start3A_294 : memref<1x125x16xf32, #tpu.memory_space<vmem>> -> memref<125x16xf32, #tpu.memory_space<vmem>>
    %dma_start3A_296 = arith.constant 0 : i32
    %dma_start3A_297 = tpu.memref_slice %arg6[%dma_start3A_291, %dma_start3A_296] : memref<80x125xi32, #tpu.memory_space<vmem>> -> memref<1x125xi32, #tpu.memory_space<vmem>>
    %dma_start3A_298 = tpu.memref_squeeze %dma_start3A_297 : memref<1x125xi32, #tpu.memory_space<vmem>> -> memref<125xi32, #tpu.memory_space<vmem>>
    %dma_start3A_299 = arith.constant 0 : i32
    %dma_start3A_300 = arith.constant 0 : i32
    %dma_start3A_301 = tpu.memref_slice %arg9[%dma_start3A_299, %dma_start3A_300] : memref<10240x16xf32, #tpu.memory_space<vmem_shared>> -> memref<10240x16xf32, #tpu.memory_space<vmem_shared>>
    tpu.enqueue_indirect_dma source(%dma_start3A_295 : memref<125x16xf32, #tpu.memory_space<vmem>>) target(%dma_start3A_301 : memref<10240x16xf32, #tpu.memory_space<vmem_shared>>) offsets(%dma_start3A_298 : memref<125xi32, #tpu.memory_space<vmem>>) semaphore(%arg26 : memref<!tpu.dma_semaphore, #tpu.memory_space<semaphore_mem>>) {add = true}
    %dma_wait3A_302 = arith.constant 0 : i32
    %dma_wait3A_303 = arith.constant 7 : i32
    %dma_wait3A_304 = arith.constant 0 : i32
    %dma_wait3A_305 = arith.constant 0 : i32
    %dma_wait3A_306 = tpu.memref_slice %arg7[%dma_wait3A_303, %dma_wait3A_304, %dma_wait3A_305] : memref<10x125x16xf32, #tpu.memory_space<vmem>> -> memref<1x125x16xf32, #tpu.memory_space<vmem>>
    %dma_wait3A_307 = tpu.memref_squeeze %dma_wait3A_306 : memref<1x125x16xf32, #tpu.memory_space<vmem>> -> memref<125x16xf32, #tpu.memory_space<vmem>>
    %dma_wait3A_308 = arith.constant 0 : i32
    %dma_wait3A_309 = tpu.memref_slice %arg5[%dma_wait3A_302, %dma_wait3A_308] : memref<80x125xi32, #tpu.memory_space<vmem>> -> memref<1x125xi32, #tpu.memory_space<vmem>>
    %dma_wait3A_310 = tpu.memref_squeeze %dma_wait3A_309 : memref<1x125xi32, #tpu.memory_space<vmem>> -> memref<125xi32, #tpu.memory_space<vmem>>
    %dma_wait3A_311 = arith.constant 0 : i32
    %dma_wait3A_312 = arith.constant 0 : i32
    %dma_wait3A_313 = tpu.memref_slice %arg2[%dma_wait3A_311, %dma_wait3A_312] : memref<10240x16xf32, #tpu.memory_space<hbm>> -> memref<10240x16xf32, #tpu.memory_space<hbm>>
    tpu.wait_indirect_dma semaphore(%arg17 : memref<!tpu.dma_semaphore, #tpu.memory_space<semaphore_mem>>) src(%dma_wait3A_313 : memref<10240x16xf32, #tpu.memory_space<hbm>>) dst(%dma_wait3A_307 : memref<125x16xf32, #tpu.memory_space<vmem>>)
    %dma_start3A_314 = arith.constant 7 : i32
    %dma_start3A_315 = arith.constant 77 : i32
    %dma_start3A_316 = arith.constant 0 : i32
    %dma_start3A_317 = arith.constant 0 : i32
    %dma_start3A_318 = tpu.memref_slice %arg7[%dma_start3A_314, %dma_start3A_316, %dma_start3A_317] : memref<10x125x16xf32, #tpu.memory_space<vmem>> -> memref<1x125x16xf32, #tpu.memory_space<vmem>>
    %dma_start3A_319 = tpu.memref_squeeze %dma_start3A_318 : memref<1x125x16xf32, #tpu.memory_space<vmem>> -> memref<125x16xf32, #tpu.memory_space<vmem>>
    %dma_start3A_320 = arith.constant 0 : i32
    %dma_start3A_321 = tpu.memref_slice %arg6[%dma_start3A_315, %dma_start3A_320] : memref<80x125xi32, #tpu.memory_space<vmem>> -> memref<1x125xi32, #tpu.memory_space<vmem>>
    %dma_start3A_322 = tpu.memref_squeeze %dma_start3A_321 : memref<1x125xi32, #tpu.memory_space<vmem>> -> memref<125xi32, #tpu.memory_space<vmem>>
    %dma_start3A_323 = arith.constant 0 : i32
    %dma_start3A_324 = arith.constant 0 : i32
    %dma_start3A_325 = tpu.memref_slice %arg9[%dma_start3A_323, %dma_start3A_324] : memref<10240x16xf32, #tpu.memory_space<vmem_shared>> -> memref<10240x16xf32, #tpu.memory_space<vmem_shared>>
    tpu.enqueue_indirect_dma source(%dma_start3A_319 : memref<125x16xf32, #tpu.memory_space<vmem>>) target(%dma_start3A_325 : memref<10240x16xf32, #tpu.memory_space<vmem_shared>>) offsets(%dma_start3A_322 : memref<125xi32, #tpu.memory_space<vmem>>) semaphore(%arg27 : memref<!tpu.dma_semaphore, #tpu.memory_space<semaphore_mem>>) {add = true}
    %dma_wait3A_326 = arith.constant 0 : i32
    %dma_wait3A_327 = arith.constant 8 : i32
    %dma_wait3A_328 = arith.constant 0 : i32
    %dma_wait3A_329 = arith.constant 0 : i32
    %dma_wait3A_330 = tpu.memref_slice %arg7[%dma_wait3A_327, %dma_wait3A_328, %dma_wait3A_329] : memref<10x125x16xf32, #tpu.memory_space<vmem>> -> memref<1x125x16xf32, #tpu.memory_space<vmem>>
    %dma_wait3A_331 = tpu.memref_squeeze %dma_wait3A_330 : memref<1x125x16xf32, #tpu.memory_space<vmem>> -> memref<125x16xf32, #tpu.memory_space<vmem>>
    %dma_wait3A_332 = arith.constant 0 : i32
    %dma_wait3A_333 = tpu.memref_slice %arg5[%dma_wait3A_326, %dma_wait3A_332] : memref<80x125xi32, #tpu.memory_space<vmem>> -> memref<1x125xi32, #tpu.memory_space<vmem>>
    %dma_wait3A_334 = tpu.memref_squeeze %dma_wait3A_333 : memref<1x125xi32, #tpu.memory_space<vmem>> -> memref<125xi32, #tpu.memory_space<vmem>>
    %dma_wait3A_335 = arith.constant 0 : i32
    %dma_wait3A_336 = arith.constant 0 : i32
    %dma_wait3A_337 = tpu.memref_slice %arg2[%dma_wait3A_335, %dma_wait3A_336] : memref<10240x16xf32, #tpu.memory_space<hbm>> -> memref<10240x16xf32, #tpu.memory_space<hbm>>
    tpu.wait_indirect_dma semaphore(%arg18 : memref<!tpu.dma_semaphore, #tpu.memory_space<semaphore_mem>>) src(%dma_wait3A_337 : memref<10240x16xf32, #tpu.memory_space<hbm>>) dst(%dma_wait3A_331 : memref<125x16xf32, #tpu.memory_space<vmem>>)
    %dma_start3A_338 = arith.constant 8 : i32
    %dma_start3A_339 = arith.constant 78 : i32
    %dma_start3A_340 = arith.constant 0 : i32
    %dma_start3A_341 = arith.constant 0 : i32
    %dma_start3A_342 = tpu.memref_slice %arg7[%dma_start3A_338, %dma_start3A_340, %dma_start3A_341] : memref<10x125x16xf32, #tpu.memory_space<vmem>> -> memref<1x125x16xf32, #tpu.memory_space<vmem>>
    %dma_start3A_343 = tpu.memref_squeeze %dma_start3A_342 : memref<1x125x16xf32, #tpu.memory_space<vmem>> -> memref<125x16xf32, #tpu.memory_space<vmem>>
    %dma_start3A_344 = arith.constant 0 : i32
    %dma_start3A_345 = tpu.memref_slice %arg6[%dma_start3A_339, %dma_start3A_344] : memref<80x125xi32, #tpu.memory_space<vmem>> -> memref<1x125xi32, #tpu.memory_space<vmem>>
    %dma_start3A_346 = tpu.memref_squeeze %dma_start3A_345 : memref<1x125xi32, #tpu.memory_space<vmem>> -> memref<125xi32, #tpu.memory_space<vmem>>
    %dma_start3A_347 = arith.constant 0 : i32
    %dma_start3A_348 = arith.constant 0 : i32
    %dma_start3A_349 = tpu.memref_slice %arg9[%dma_start3A_347, %dma_start3A_348] : memref<10240x16xf32, #tpu.memory_space<vmem_shared>> -> memref<10240x16xf32, #tpu.memory_space<vmem_shared>>
    tpu.enqueue_indirect_dma source(%dma_start3A_343 : memref<125x16xf32, #tpu.memory_space<vmem>>) target(%dma_start3A_349 : memref<10240x16xf32, #tpu.memory_space<vmem_shared>>) offsets(%dma_start3A_346 : memref<125xi32, #tpu.memory_space<vmem>>) semaphore(%arg28 : memref<!tpu.dma_semaphore, #tpu.memory_space<semaphore_mem>>) {add = true}
    %dma_wait3A_350 = arith.constant 0 : i32
    %dma_wait3A_351 = arith.constant 9 : i32
    %dma_wait3A_352 = arith.constant 0 : i32
    %dma_wait3A_353 = arith.constant 0 : i32
    %dma_wait3A_354 = tpu.memref_slice %arg7[%dma_wait3A_351, %dma_wait3A_352, %dma_wait3A_353] : memref<10x125x16xf32, #tpu.memory_space<vmem>> -> memref<1x125x16xf32, #tpu.memory_space<vmem>>
    %dma_wait3A_355 = tpu.memref_squeeze %dma_wait3A_354 : memref<1x125x16xf32, #tpu.memory_space<vmem>> -> memref<125x16xf32, #tpu.memory_space<vmem>>
    %dma_wait3A_356 = arith.constant 0 : i32
    %dma_wait3A_357 = tpu.memref_slice %arg5[%dma_wait3A_350, %dma_wait3A_356] : memref<80x125xi32, #tpu.memory_space<vmem>> -> memref<1x125xi32, #tpu.memory_space<vmem>>
    %dma_wait3A_358 = tpu.memref_squeeze %dma_wait3A_357 : memref<1x125xi32, #tpu.memory_space<vmem>> -> memref<125xi32, #tpu.memory_space<vmem>>
    %dma_wait3A_359 = arith.constant 0 : i32
    %dma_wait3A_360 = arith.constant 0 : i32
    %dma_wait3A_361 = tpu.memref_slice %arg2[%dma_wait3A_359, %dma_wait3A_360] : memref<10240x16xf32, #tpu.memory_space<hbm>> -> memref<10240x16xf32, #tpu.memory_space<hbm>>
    tpu.wait_indirect_dma semaphore(%arg19 : memref<!tpu.dma_semaphore, #tpu.memory_space<semaphore_mem>>) src(%dma_wait3A_361 : memref<10240x16xf32, #tpu.memory_space<hbm>>) dst(%dma_wait3A_355 : memref<125x16xf32, #tpu.memory_space<vmem>>)
    %dma_start3A_362 = arith.constant 9 : i32
    %dma_start3A_363 = arith.constant 79 : i32
    %dma_start3A_364 = arith.constant 0 : i32
    %dma_start3A_365 = arith.constant 0 : i32
    %dma_start3A_366 = tpu.memref_slice %arg7[%dma_start3A_362, %dma_start3A_364, %dma_start3A_365] : memref<10x125x16xf32, #tpu.memory_space<vmem>> -> memref<1x125x16xf32, #tpu.memory_space<vmem>>
    %dma_start3A_367 = tpu.memref_squeeze %dma_start3A_366 : memref<1x125x16xf32, #tpu.memory_space<vmem>> -> memref<125x16xf32, #tpu.memory_space<vmem>>
    %dma_start3A_368 = arith.constant 0 : i32
    %dma_start3A_369 = tpu.memref_slice %arg6[%dma_start3A_363, %dma_start3A_368] : memref<80x125xi32, #tpu.memory_space<vmem>> -> memref<1x125xi32, #tpu.memory_space<vmem>>
    %dma_start3A_370 = tpu.memref_squeeze %dma_start3A_369 : memref<1x125xi32, #tpu.memory_space<vmem>> -> memref<125xi32, #tpu.memory_space<vmem>>
    %dma_start3A_371 = arith.constant 0 : i32
    %dma_start3A_372 = arith.constant 0 : i32
    %dma_start3A_373 = tpu.memref_slice %arg9[%dma_start3A_371, %dma_start3A_372] : memref<10240x16xf32, #tpu.memory_space<vmem_shared>> -> memref<10240x16xf32, #tpu.memory_space<vmem_shared>>
    tpu.enqueue_indirect_dma source(%dma_start3A_367 : memref<125x16xf32, #tpu.memory_space<vmem>>) target(%dma_start3A_373 : memref<10240x16xf32, #tpu.memory_space<vmem_shared>>) offsets(%dma_start3A_370 : memref<125xi32, #tpu.memory_space<vmem>>) semaphore(%arg29 : memref<!tpu.dma_semaphore, #tpu.memory_space<semaphore_mem>>) {add = true}
    %dma_wait3A_374 = arith.constant 0 : i32
    %dma_wait3A_375 = arith.constant 0 : i32
    %dma_wait3A_376 = arith.constant 0 : i32
    %dma_wait3A_377 = arith.constant 0 : i32
    %dma_wait3A_378 = tpu.memref_slice %arg7[%dma_wait3A_374, %dma_wait3A_376, %dma_wait3A_377] : memref<10x125x16xf32, #tpu.memory_space<vmem>> -> memref<1x125x16xf32, #tpu.memory_space<vmem>>
    %dma_wait3A_379 = tpu.memref_squeeze %dma_wait3A_378 : memref<1x125x16xf32, #tpu.memory_space<vmem>> -> memref<125x16xf32, #tpu.memory_space<vmem>>
    %dma_wait3A_380 = arith.constant 0 : i32
    %dma_wait3A_381 = tpu.memref_slice %arg6[%dma_wait3A_375, %dma_wait3A_380] : memref<80x125xi32, #tpu.memory_space<vmem>> -> memref<1x125xi32, #tpu.memory_space<vmem>>
    %dma_wait3A_382 = tpu.memref_squeeze %dma_wait3A_381 : memref<1x125xi32, #tpu.memory_space<vmem>> -> memref<125xi32, #tpu.memory_space<vmem>>
    %dma_wait3A_383 = arith.constant 0 : i32
    %dma_wait3A_384 = arith.constant 0 : i32
    %dma_wait3A_385 = tpu.memref_slice %arg9[%dma_wait3A_383, %dma_wait3A_384] : memref<10240x16xf32, #tpu.memory_space<vmem_shared>> -> memref<10240x16xf32, #tpu.memory_space<vmem_shared>>
    tpu.wait_indirect_dma semaphore(%arg20 : memref<!tpu.dma_semaphore, #tpu.memory_space<semaphore_mem>>) src(%dma_wait3A_379 : memref<125x16xf32, #tpu.memory_space<vmem>>) dst(%dma_wait3A_385 : memref<10240x16xf32, #tpu.memory_space<vmem_shared>>)
    %dma_wait3A_386 = arith.constant 1 : i32
    %dma_wait3A_387 = arith.constant 0 : i32
    %dma_wait3A_388 = arith.constant 0 : i32
    %dma_wait3A_389 = arith.constant 0 : i32
    %dma_wait3A_390 = tpu.memref_slice %arg7[%dma_wait3A_386, %dma_wait3A_388, %dma_wait3A_389] : memref<10x125x16xf32, #tpu.memory_space<vmem>> -> memref<1x125x16xf32, #tpu.memory_space<vmem>>
    %dma_wait3A_391 = tpu.memref_squeeze %dma_wait3A_390 : memref<1x125x16xf32, #tpu.memory_space<vmem>> -> memref<125x16xf32, #tpu.memory_space<vmem>>
    %dma_wait3A_392 = arith.constant 0 : i32
    %dma_wait3A_393 = tpu.memref_slice %arg6[%dma_wait3A_387, %dma_wait3A_392] : memref<80x125xi32, #tpu.memory_space<vmem>> -> memref<1x125xi32, #tpu.memory_space<vmem>>
    %dma_wait3A_394 = tpu.memref_squeeze %dma_wait3A_393 : memref<1x125xi32, #tpu.memory_space<vmem>> -> memref<125xi32, #tpu.memory_space<vmem>>
    %dma_wait3A_395 = arith.constant 0 : i32
    %dma_wait3A_396 = arith.constant 0 : i32
    %dma_wait3A_397 = tpu.memref_slice %arg9[%dma_wait3A_395, %dma_wait3A_396] : memref<10240x16xf32, #tpu.memory_space<vmem_shared>> -> memref<10240x16xf32, #tpu.memory_space<vmem_shared>>
    tpu.wait_indirect_dma semaphore(%arg21 : memref<!tpu.dma_semaphore, #tpu.memory_space<semaphore_mem>>) src(%dma_wait3A_391 : memref<125x16xf32, #tpu.memory_space<vmem>>) dst(%dma_wait3A_397 : memref<10240x16xf32, #tpu.memory_space<vmem_shared>>)
    %dma_wait3A_398 = arith.constant 2 : i32
    %dma_wait3A_399 = arith.constant 0 : i32
    %dma_wait3A_400 = arith.constant 0 : i32
    %dma_wait3A_401 = arith.constant 0 : i32
    %dma_wait3A_402 = tpu.memref_slice %arg7[%dma_wait3A_398, %dma_wait3A_400, %dma_wait3A_401] : memref<10x125x16xf32, #tpu.memory_space<vmem>> -> memref<1x125x16xf32, #tpu.memory_space<vmem>>
    %dma_wait3A_403 = tpu.memref_squeeze %dma_wait3A_402 : memref<1x125x16xf32, #tpu.memory_space<vmem>> -> memref<125x16xf32, #tpu.memory_space<vmem>>
    %dma_wait3A_404 = arith.constant 0 : i32
    %dma_wait3A_405 = tpu.memref_slice %arg6[%dma_wait3A_399, %dma_wait3A_404] : memref<80x125xi32, #tpu.memory_space<vmem>> -> memref<1x125xi32, #tpu.memory_space<vmem>>
    %dma_wait3A_406 = tpu.memref_squeeze %dma_wait3A_405 : memref<1x125xi32, #tpu.memory_space<vmem>> -> memref<125xi32, #tpu.memory_space<vmem>>
    %dma_wait3A_407 = arith.constant 0 : i32
    %dma_wait3A_408 = arith.constant 0 : i32
    %dma_wait3A_409 = tpu.memref_slice %arg9[%dma_wait3A_407, %dma_wait3A_408] : memref<10240x16xf32, #tpu.memory_space<vmem_shared>> -> memref<10240x16xf32, #tpu.memory_space<vmem_shared>>
    tpu.wait_indirect_dma semaphore(%arg22 : memref<!tpu.dma_semaphore, #tpu.memory_space<semaphore_mem>>) src(%dma_wait3A_403 : memref<125x16xf32, #tpu.memory_space<vmem>>) dst(%dma_wait3A_409 : memref<10240x16xf32, #tpu.memory_space<vmem_shared>>)
    %dma_wait3A_410 = arith.constant 3 : i32
    %dma_wait3A_411 = arith.constant 0 : i32
    %dma_wait3A_412 = arith.constant 0 : i32
    %dma_wait3A_413 = arith.constant 0 : i32
    %dma_wait3A_414 = tpu.memref_slice %arg7[%dma_wait3A_410, %dma_wait3A_412, %dma_wait3A_413] : memref<10x125x16xf32, #tpu.memory_space<vmem>> -> memref<1x125x16xf32, #tpu.memory_space<vmem>>
    %dma_wait3A_415 = tpu.memref_squeeze %dma_wait3A_414 : memref<1x125x16xf32, #tpu.memory_space<vmem>> -> memref<125x16xf32, #tpu.memory_space<vmem>>
    %dma_wait3A_416 = arith.constant 0 : i32
    %dma_wait3A_417 = tpu.memref_slice %arg6[%dma_wait3A_411, %dma_wait3A_416] : memref<80x125xi32, #tpu.memory_space<vmem>> -> memref<1x125xi32, #tpu.memory_space<vmem>>
    %dma_wait3A_418 = tpu.memref_squeeze %dma_wait3A_417 : memref<1x125xi32, #tpu.memory_space<vmem>> -> memref<125xi32, #tpu.memory_space<vmem>>
    %dma_wait3A_419 = arith.constant 0 : i32
    %dma_wait3A_420 = arith.constant 0 : i32
    %dma_wait3A_421 = tpu.memref_slice %arg9[%dma_wait3A_419, %dma_wait3A_420] : memref<10240x16xf32, #tpu.memory_space<vmem_shared>> -> memref<10240x16xf32, #tpu.memory_space<vmem_shared>>
    tpu.wait_indirect_dma semaphore(%arg23 : memref<!tpu.dma_semaphore, #tpu.memory_space<semaphore_mem>>) src(%dma_wait3A_415 : memref<125x16xf32, #tpu.memory_space<vmem>>) dst(%dma_wait3A_421 : memref<10240x16xf32, #tpu.memory_space<vmem_shared>>)
    %dma_wait3A_422 = arith.constant 4 : i32
    %dma_wait3A_423 = arith.constant 0 : i32
    %dma_wait3A_424 = arith.constant 0 : i32
    %dma_wait3A_425 = arith.constant 0 : i32
    %dma_wait3A_426 = tpu.memref_slice %arg7[%dma_wait3A_422, %dma_wait3A_424, %dma_wait3A_425] : memref<10x125x16xf32, #tpu.memory_space<vmem>> -> memref<1x125x16xf32, #tpu.memory_space<vmem>>
    %dma_wait3A_427 = tpu.memref_squeeze %dma_wait3A_426 : memref<1x125x16xf32, #tpu.memory_space<vmem>> -> memref<125x16xf32, #tpu.memory_space<vmem>>
    %dma_wait3A_428 = arith.constant 0 : i32
    %dma_wait3A_429 = tpu.memref_slice %arg6[%dma_wait3A_423, %dma_wait3A_428] : memref<80x125xi32, #tpu.memory_space<vmem>> -> memref<1x125xi32, #tpu.memory_space<vmem>>
    %dma_wait3A_430 = tpu.memref_squeeze %dma_wait3A_429 : memref<1x125xi32, #tpu.memory_space<vmem>> -> memref<125xi32, #tpu.memory_space<vmem>>
    %dma_wait3A_431 = arith.constant 0 : i32
    %dma_wait3A_432 = arith.constant 0 : i32
    %dma_wait3A_433 = tpu.memref_slice %arg9[%dma_wait3A_431, %dma_wait3A_432] : memref<10240x16xf32, #tpu.memory_space<vmem_shared>> -> memref<10240x16xf32, #tpu.memory_space<vmem_shared>>
    tpu.wait_indirect_dma semaphore(%arg24 : memref<!tpu.dma_semaphore, #tpu.memory_space<semaphore_mem>>) src(%dma_wait3A_427 : memref<125x16xf32, #tpu.memory_space<vmem>>) dst(%dma_wait3A_433 : memref<10240x16xf32, #tpu.memory_space<vmem_shared>>)
    %dma_wait3A_434 = arith.constant 5 : i32
    %dma_wait3A_435 = arith.constant 0 : i32
    %dma_wait3A_436 = arith.constant 0 : i32
    %dma_wait3A_437 = arith.constant 0 : i32
    %dma_wait3A_438 = tpu.memref_slice %arg7[%dma_wait3A_434, %dma_wait3A_436, %dma_wait3A_437] : memref<10x125x16xf32, #tpu.memory_space<vmem>> -> memref<1x125x16xf32, #tpu.memory_space<vmem>>
    %dma_wait3A_439 = tpu.memref_squeeze %dma_wait3A_438 : memref<1x125x16xf32, #tpu.memory_space<vmem>> -> memref<125x16xf32, #tpu.memory_space<vmem>>
    %dma_wait3A_440 = arith.constant 0 : i32
    %dma_wait3A_441 = tpu.memref_slice %arg6[%dma_wait3A_435, %dma_wait3A_440] : memref<80x125xi32, #tpu.memory_space<vmem>> -> memref<1x125xi32, #tpu.memory_space<vmem>>
    %dma_wait3A_442 = tpu.memref_squeeze %dma_wait3A_441 : memref<1x125xi32, #tpu.memory_space<vmem>> -> memref<125xi32, #tpu.memory_space<vmem>>
    %dma_wait3A_443 = arith.constant 0 : i32
    %dma_wait3A_444 = arith.constant 0 : i32
    %dma_wait3A_445 = tpu.memref_slice %arg9[%dma_wait3A_443, %dma_wait3A_444] : memref<10240x16xf32, #tpu.memory_space<vmem_shared>> -> memref<10240x16xf32, #tpu.memory_space<vmem_shared>>
    tpu.wait_indirect_dma semaphore(%arg25 : memref<!tpu.dma_semaphore, #tpu.memory_space<semaphore_mem>>) src(%dma_wait3A_439 : memref<125x16xf32, #tpu.memory_space<vmem>>) dst(%dma_wait3A_445 : memref<10240x16xf32, #tpu.memory_space<vmem_shared>>)
    %dma_wait3A_446 = arith.constant 6 : i32
    %dma_wait3A_447 = arith.constant 0 : i32
    %dma_wait3A_448 = arith.constant 0 : i32
    %dma_wait3A_449 = arith.constant 0 : i32
    %dma_wait3A_450 = tpu.memref_slice %arg7[%dma_wait3A_446, %dma_wait3A_448, %dma_wait3A_449] : memref<10x125x16xf32, #tpu.memory_space<vmem>> -> memref<1x125x16xf32, #tpu.memory_space<vmem>>
    %dma_wait3A_451 = tpu.memref_squeeze %dma_wait3A_450 : memref<1x125x16xf32, #tpu.memory_space<vmem>> -> memref<125x16xf32, #tpu.memory_space<vmem>>
    %dma_wait3A_452 = arith.constant 0 : i32
    %dma_wait3A_453 = tpu.memref_slice %arg6[%dma_wait3A_447, %dma_wait3A_452] : memref<80x125xi32, #tpu.memory_space<vmem>> -> memref<1x125xi32, #tpu.memory_space<vmem>>
    %dma_wait3A_454 = tpu.memref_squeeze %dma_wait3A_453 : memref<1x125xi32, #tpu.memory_space<vmem>> -> memref<125xi32, #tpu.memory_space<vmem>>
    %dma_wait3A_455 = arith.constant 0 : i32
    %dma_wait3A_456 = arith.constant 0 : i32
    %dma_wait3A_457 = tpu.memref_slice %arg9[%dma_wait3A_455, %dma_wait3A_456] : memref<10240x16xf32, #tpu.memory_space<vmem_shared>> -> memref<10240x16xf32, #tpu.memory_space<vmem_shared>>
    tpu.wait_indirect_dma semaphore(%arg26 : memref<!tpu.dma_semaphore, #tpu.memory_space<semaphore_mem>>) src(%dma_wait3A_451 : memref<125x16xf32, #tpu.memory_space<vmem>>) dst(%dma_wait3A_457 : memref<10240x16xf32, #tpu.memory_space<vmem_shared>>)
    %dma_wait3A_458 = arith.constant 7 : i32
    %dma_wait3A_459 = arith.constant 0 : i32
    %dma_wait3A_460 = arith.constant 0 : i32
    %dma_wait3A_461 = arith.constant 0 : i32
    %dma_wait3A_462 = tpu.memref_slice %arg7[%dma_wait3A_458, %dma_wait3A_460, %dma_wait3A_461] : memref<10x125x16xf32, #tpu.memory_space<vmem>> -> memref<1x125x16xf32, #tpu.memory_space<vmem>>
    %dma_wait3A_463 = tpu.memref_squeeze %dma_wait3A_462 : memref<1x125x16xf32, #tpu.memory_space<vmem>> -> memref<125x16xf32, #tpu.memory_space<vmem>>
    %dma_wait3A_464 = arith.constant 0 : i32
    %dma_wait3A_465 = tpu.memref_slice %arg6[%dma_wait3A_459, %dma_wait3A_464] : memref<80x125xi32, #tpu.memory_space<vmem>> -> memref<1x125xi32, #tpu.memory_space<vmem>>
    %dma_wait3A_466 = tpu.memref_squeeze %dma_wait3A_465 : memref<1x125xi32, #tpu.memory_space<vmem>> -> memref<125xi32, #tpu.memory_space<vmem>>
    %dma_wait3A_467 = arith.constant 0 : i32
    %dma_wait3A_468 = arith.constant 0 : i32
    %dma_wait3A_469 = tpu.memref_slice %arg9[%dma_wait3A_467, %dma_wait3A_468] : memref<10240x16xf32, #tpu.memory_space<vmem_shared>> -> memref<10240x16xf32, #tpu.memory_space<vmem_shared>>
    tpu.wait_indirect_dma semaphore(%arg27 : memref<!tpu.dma_semaphore, #tpu.memory_space<semaphore_mem>>) src(%dma_wait3A_463 : memref<125x16xf32, #tpu.memory_space<vmem>>) dst(%dma_wait3A_469 : memref<10240x16xf32, #tpu.memory_space<vmem_shared>>)
    %dma_wait3A_470 = arith.constant 8 : i32
    %dma_wait3A_471 = arith.constant 0 : i32
    %dma_wait3A_472 = arith.constant 0 : i32
    %dma_wait3A_473 = arith.constant 0 : i32
    %dma_wait3A_474 = tpu.memref_slice %arg7[%dma_wait3A_470, %dma_wait3A_472, %dma_wait3A_473] : memref<10x125x16xf32, #tpu.memory_space<vmem>> -> memref<1x125x16xf32, #tpu.memory_space<vmem>>
    %dma_wait3A_475 = tpu.memref_squeeze %dma_wait3A_474 : memref<1x125x16xf32, #tpu.memory_space<vmem>> -> memref<125x16xf32, #tpu.memory_space<vmem>>
    %dma_wait3A_476 = arith.constant 0 : i32
    %dma_wait3A_477 = tpu.memref_slice %arg6[%dma_wait3A_471, %dma_wait3A_476] : memref<80x125xi32, #tpu.memory_space<vmem>> -> memref<1x125xi32, #tpu.memory_space<vmem>>
    %dma_wait3A_478 = tpu.memref_squeeze %dma_wait3A_477 : memref<1x125xi32, #tpu.memory_space<vmem>> -> memref<125xi32, #tpu.memory_space<vmem>>
    %dma_wait3A_479 = arith.constant 0 : i32
    %dma_wait3A_480 = arith.constant 0 : i32
    %dma_wait3A_481 = tpu.memref_slice %arg9[%dma_wait3A_479, %dma_wait3A_480] : memref<10240x16xf32, #tpu.memory_space<vmem_shared>> -> memref<10240x16xf32, #tpu.memory_space<vmem_shared>>
    tpu.wait_indirect_dma semaphore(%arg28 : memref<!tpu.dma_semaphore, #tpu.memory_space<semaphore_mem>>) src(%dma_wait3A_475 : memref<125x16xf32, #tpu.memory_space<vmem>>) dst(%dma_wait3A_481 : memref<10240x16xf32, #tpu.memory_space<vmem_shared>>)
    %dma_wait3A_482 = arith.constant 9 : i32
    %dma_wait3A_483 = arith.constant 0 : i32
    %dma_wait3A_484 = arith.constant 0 : i32
    %dma_wait3A_485 = arith.constant 0 : i32
    %dma_wait3A_486 = tpu.memref_slice %arg7[%dma_wait3A_482, %dma_wait3A_484, %dma_wait3A_485] : memref<10x125x16xf32, #tpu.memory_space<vmem>> -> memref<1x125x16xf32, #tpu.memory_space<vmem>>
    %dma_wait3A_487 = tpu.memref_squeeze %dma_wait3A_486 : memref<1x125x16xf32, #tpu.memory_space<vmem>> -> memref<125x16xf32, #tpu.memory_space<vmem>>
    %dma_wait3A_488 = arith.constant 0 : i32
    %dma_wait3A_489 = tpu.memref_slice %arg6[%dma_wait3A_483, %dma_wait3A_488] : memref<80x125xi32, #tpu.memory_space<vmem>> -> memref<1x125xi32, #tpu.memory_space<vmem>>
    %dma_wait3A_490 = tpu.memref_squeeze %dma_wait3A_489 : memref<1x125xi32, #tpu.memory_space<vmem>> -> memref<125xi32, #tpu.memory_space<vmem>>
    %dma_wait3A_491 = arith.constant 0 : i32
    %dma_wait3A_492 = arith.constant 0 : i32
    %dma_wait3A_493 = tpu.memref_slice %arg9[%dma_wait3A_491, %dma_wait3A_492] : memref<10240x16xf32, #tpu.memory_space<vmem_shared>> -> memref<10240x16xf32, #tpu.memory_space<vmem_shared>>
    tpu.wait_indirect_dma semaphore(%arg29 : memref<!tpu.dma_semaphore, #tpu.memory_space<semaphore_mem>>) src(%dma_wait3A_487 : memref<125x16xf32, #tpu.memory_space<vmem>>) dst(%dma_wait3A_493 : memref<10240x16xf32, #tpu.memory_space<vmem_shared>>)
    %barrier3A_494 = arith.constant 0 : index
    tpu.barrier barrier_id(%barrier3A_494)
    "tpu.region"() ({
      %run_scoped3A_495 = tpu.sem_alloc : memref<!tpu.dma_semaphore, #tpu.memory_space<semaphore_mem>>
      %dma_start3A_496 = arith.constant 0 : i32
      %dma_start3A_497 = tpu.memref_slice %arg4[%arg0, %mul3A_128, %dma_start3A_496] : memref<2x10240x16xf32, #tpu.memory_space<hbm>> -> memref<1x640x16xf32, #tpu.memory_space<hbm>>
      %dma_start3A_498 = tpu.memref_squeeze %dma_start3A_497 : memref<1x640x16xf32, #tpu.memory_space<hbm>> -> memref<640x16xf32, #tpu.memory_space<hbm>>
      %dma_start3A_499 = arith.constant 0 : i32
      %dma_start3A_500 = tpu.memref_slice %arg9[%mul3A_128, %dma_start3A_499] : memref<10240x16xf32, #tpu.memory_space<vmem_shared>> -> memref<640x16xf32, #tpu.memory_space<vmem_shared>>
      tpu.enqueue_dma source(%dma_start3A_500 : memref<640x16xf32, #tpu.memory_space<vmem_shared>>) target(%dma_start3A_498 : memref<640x16xf32, #tpu.memory_space<hbm>>) target_semaphore(%run_scoped3A_495 : memref<!tpu.dma_semaphore, #tpu.memory_space<semaphore_mem>>)
      %dma_wait3A_501 = arith.constant 0 : i32
      %dma_wait3A_502 = tpu.memref_slice %arg4[%arg0, %mul3A_128, %dma_wait3A_501] : memref<2x10240x16xf32, #tpu.memory_space<hbm>> -> memref<1x640x16xf32, #tpu.memory_space<hbm>>
      %dma_wait3A_503 = tpu.memref_squeeze %dma_wait3A_502 : memref<1x640x16xf32, #tpu.memory_space<hbm>> -> memref<640x16xf32, #tpu.memory_space<hbm>>
      %dma_wait3A_504 = arith.constant 0 : i32
      %dma_wait3A_505 = tpu.memref_slice %arg9[%mul3A_128, %dma_wait3A_504] : memref<10240x16xf32, #tpu.memory_space<vmem_shared>> -> memref<640x16xf32, #tpu.memory_space<vmem_shared>>
      tpu.wait_dma2 semaphore(%run_scoped3A_495 : memref<!tpu.dma_semaphore, #tpu.memory_space<semaphore_mem>>) src(%dma_wait3A_505 : memref<640x16xf32, #tpu.memory_space<vmem_shared>>) dst(%dma_wait3A_503 : memref<640x16xf32, #tpu.memory_space<hbm>>)
      tpu.yield
    }) : () -> ()
    return
  }
}

module attributes {stable_mosaic.version = 14 : i64} {
  func.func @body(%arg0: memref<10000x128xf32, #tpu.memory_space<vmem>>, %arg1: memref<128x16xf32, #tpu.memory_space<vmem>>, %arg2: memref<10000x16xf32, #tpu.memory_space<vmem>>) attributes {dimension_semantics = [], scalar_prefetch = 0 : i64, scratch_operands = 0 : i64, tpu.core_type = #tpu.core_type<tc>} {
    %get3A = arith.constant 0 : index
    %get3A_0 = arith.constant 0 : index
    %get3A_1 = vector.load %arg0[%get3A, %get3A_0] : memref<10000x128xf32, #tpu.memory_space<vmem>>, vector<10000x128xf32>
    %get3A_2 = arith.constant 0 : index
    %get3A_3 = arith.constant 0 : index
    %get3A_4 = vector.load %arg1[%get3A_2, %get3A_3] : memref<128x16xf32, #tpu.memory_space<vmem>>, vector<128x16xf32>
    %dot_general3A = arith.constant dense<0.000000e+00> : vector<10000x16xf32>
    %dot_general3A_5 = tpu.matmul %get3A_1, %get3A_4, %dot_general3A {dimension_numbers = #tpu.dot_dimension_numbers<[1], [0], [0], [1], [0, 0, 1, 1], [], []>, transpose_lhs_hint = false} : vector<10000x128xf32>, vector<128x16xf32>, vector<10000x16xf32> -> vector<10000x16xf32>
    %swap3A = arith.constant 0 : index
    %swap3A_6 = arith.constant 0 : index
    %swap3A_7 = vector.load %arg2[%swap3A, %swap3A_6] : memref<10000x16xf32, #tpu.memory_space<vmem>>, vector<10000x16xf32>
    tpu.vector_store %arg2[%swap3A, %swap3A_6], %dot_general3A_5 {strides = array<i32>} : memref<10000x16xf32, #tpu.memory_space<vmem>>, vector<10000x16xf32>,
    return
  }
}

module attributes {stable_mosaic.version = 14 : i64} {
  func.func @body(%arg0: i32, %arg1: memref<2x10000x16xf32, #tpu.memory_space<vmem>>, %arg2: memref<16x128xf32, #tpu.memory_space<vmem>>, %arg3: memref<1x128xf32, #tpu.memory_space<vmem>>, %arg4: memref<10000x128xf32, #tpu.memory_space<vmem>>) attributes {dimension_semantics = [#tpu.dimension_semantics<arbitrary>], iteration_bounds = array<i64: 1>, scalar_prefetch = 0 : i64, scratch_operands = 0 : i64, tpu.core_type = #tpu.core_type<tc>, window_params = [{transform_indices = @transform_0, window_bounds = array<i64: 2, 10000, 16>}, {pipeline_mode = #tpu.pipeline_mode<synchronous>, transform_indices = @transform_1, window_bounds = array<i64: 16, 128>}, {pipeline_mode = #tpu.pipeline_mode<synchronous>, transform_indices = @transform_2, window_bounds = array<i64: 1, 128>}, {pipeline_mode = #tpu.pipeline_mode<synchronous>, transform_indices = @transform_3, window_bounds = array<i64: 10000, 128>}]} {
    %get3A = arith.constant 0 : index
    %get3A_0 = arith.constant 0 : index
    %get3A_1 = arith.constant 0 : index
    %get3A_2 = vector.load %arg1[%get3A, %get3A_0, %get3A_1] : memref<2x10000x16xf32, #tpu.memory_space<vmem>>, vector<1x10000x16xf32>
    %get3A_3 = vector.shape_cast %get3A_2 : vector<1x10000x16xf32> to vector<10000x16xf32>
    %get3A_4 = arith.constant 1 : index
    %get3A_5 = arith.constant 0 : index
    %get3A_6 = arith.constant 0 : index
    %get3A_7 = vector.load %arg1[%get3A_4, %get3A_5, %get3A_6] : memref<2x10000x16xf32, #tpu.memory_space<vmem>>, vector<1x10000x16xf32>
    %get3A_8 = vector.shape_cast %get3A_7 : vector<1x10000x16xf32> to vector<10000x16xf32>
    %add3A = arith.addf %get3A_3, %get3A_8 : vector<10000x16xf32>
    %get3A_9 = arith.constant 0 : index
    %get3A_10 = arith.constant 0 : index
    %get3A_11 = vector.load %arg2[%get3A_9, %get3A_10] : memref<16x128xf32, #tpu.memory_space<vmem>>, vector<16x128xf32>
    %dot_general3A = arith.constant dense<0.000000e+00> : vector<10000x128xf32>
    %dot_general3A_12 = tpu.matmul %add3A, %get3A_11, %dot_general3A {dimension_numbers = #tpu.dot_dimension_numbers<[1], [0], [0], [1], [0, 0, 1, 1], [], []>, transpose_lhs_hint = false} : vector<10000x16xf32>, vector<16x128xf32>, vector<10000x128xf32> -> vector<10000x128xf32>
    %get3A_13 = arith.constant 0 : index
    %get3A_14 = arith.constant 0 : index
    %get3A_15 = vector.load %arg3[%get3A_13, %get3A_14] : memref<1x128xf32, #tpu.memory_space<vmem>>, vector<1x128xf32>
    %add3A_16 = vector.broadcast %get3A_15 : vector<1x128xf32> to vector<10000x128xf32>
    %add3A_17 = arith.addf %dot_general3A_12, %add3A_16 : vector<10000x128xf32>
    %swap3A = arith.constant 0 : index
    %swap3A_18 = arith.constant 0 : index
    %swap3A_19 = vector.load %arg4[%swap3A, %swap3A_18] : memref<10000x128xf32, #tpu.memory_space<vmem>>, vector<10000x128xf32>
    tpu.vector_store %arg4[%swap3A, %swap3A_18], %add3A_17 {strides = array<i32>} : memref<10000x128xf32, #tpu.memory_space<vmem>>, vector<10000x128xf32>,
    return
  }
  func.func @transform_0(%arg0: i32) -> (i32, i32, i32) {
    %c0_i32 = arith.constant 0 : i32
    %c0_i32_0 = arith.constant 0 : i32
    %c0_i32_1 = arith.constant 0 : i32
    %c0_i32_2 = arith.constant 0 : i32
    return %c0_i32, %c0_i32_0, %c0_i32_1 : i32, i32, i32
  }
  func.func @transform_1(%arg0: i32) -> (i32, i32) {
    %c0_i32 = arith.constant 0 : i32
    %c0_i32_0 = arith.constant 0 : i32
    %c0_i32_1 = arith.constant 0 : i32
    return %c0_i32, %c0_i32_0 : i32, i32
  }
  func.func @transform_2(%arg0: i32) -> (i32, i32) {
    %c0_i32 = arith.constant 0 : i32
    %c0_i32_0 = arith.constant 0 : i32
    %c0_i32_1 = arith.constant 0 : i32
    return %c0_i32, %c0_i32_0 : i32, i32
  }
  func.func @transform_3(%arg0: i32) -> (i32, i32) {
    %c0_i32 = arith.constant 0 : i32
    %c0_i32_0 = arith.constant 0 : i32
    %c0_i32_1 = arith.constant 0 : i32
    return %c0_i32, %c0_i32_0 : i32, i32
  }
}

</mosaic_0001>

<sc_bundles>
// kernel: kernel.10.cloned.1.call-start
scs
__scs_entry_jumppad:
0x0: {  	(pc) =	sbr.rel $0x88, $3  }
0x1: {  	(tag) =	ssettag $0x0;
	lr =	simm.s32 $0x1  }
0x2: {  	[smem:$0x3F9B] =	sst lr;
	_ =	strace $0xD0000000  }
0x3: {  	_ = 	snop  }
0x4: {  	_ = 	snop  }
0x5: {  	_ = 	snop  }
0x6: {  	_ = 	snop  }
0x7: {  	_ = 	snop  }
__scs_overlays_trampoline_lowered:
0x8: {  	[smem:$0x3FAA] =	sst s0  }
0x9: {  	[smem:$0x3FAB] =	sst s1  }
0xa: {  	[smem:$0x3FAC] =	sst s2  }
0xb: {  	[smem:$0x3FAD] =	sst s3  }
0xc: {  	[smem:$0x3FAE] =	sst s4  }
0xd: {  	[smem:$0x3FAF] =	sst s5  }
0xe: {  	[smem:$0x3FB0] =	sst s6  }
0xf: {  	[smem:$0x3FB1] =	sst s7  }
0x10: {  	[smem:$0x3FB2] =	sst s8  }
0x11: {  	[smem:$0x3FB3] =	sst s9;
	s0 =	simm.s32 @!p0 $0x0  }
0x12: {  	s1 =	sld [smem:$0x3F99];
	s0 =	simm.s32 @p0 $0x1  }
0x13: {  	[smem:$0x3FB4] =	sst s0;
	s0 =	simm.s32 @!p1 $0x0  }
0x14: {  	s2 =	sld [smem:$0x3F98];
	s0 =	simm.s32 @p1 $0x1  }
0x15: {  	[smem:$0x3FB5] =	sst s0;
	s0 =	simm.s32 @!p2 $0x0  }
0x16: {  	s3 =	sld [smem:$0x3FDB];
	s0 =	simm.s32 @p2 $0x1  }
0x17: {  	s4 =	simm.s32 $0x1BF5;
	[smem:$0x3FB7] =	sst s0  }
0x18: {  	s0 =	sld [smem:$0x3F9A];
	_ =	swait.ge [sflag:s4], $0x0  }
0x19: {  	s7 =	sld [smem:$0x3F9B]  }
0x1a: {  	s8 =	sadd.s32 $0xFFFFE003, lr  }
0x1b: {  	s9 =	sadd.s32 $0xFFFFFEF7, lr;
	s5 =	simm.s32 $0xFFFFFFFF;
	p2 =	slt.u32 s8, $0xFFFFF086  }
0x1c: {  	p1 =	slt.u32 s9, $0xF7A;
	s5 =	simm.s32 @!p2 $0x0  }
0x1d: {  	s5 =	simm.s32 @p1 $0x1;
	p0 =	seq.s32 s7, s2  }
0x1e: {  	s7 =	smul.u32 @!p0 $0xF7A, s2;
	p2 =	seq.s32 @!p0 s5, $0x0  }
0x1f: {  	s9 =	smul.u32 $0xF7A, s1;
	s8 =	simm.s32 @!p0 $0x1BF5;
	p2 =	por !p2, p0  }
0x20: {  	[sflag:s8] =	ssyncset.s32 @!p0 $0xFFFFF086;
	s6 =	sadd.s32 @!p0 s3, s7;
	s7 =	simm.s32 @!p0 $0x108  }
0x21: {  	s3 =	sadd.s32 s3, s9;
	s6 =	sadd.s32 @!p0 $0x88, s6;
	s7 =	simm.s32 @p2 $0x1082  }
0x22: {  	[simem:s7], [sflag:s8] =	dma.local @!p0 [hbm:s6], $0xF7A  }
0x23: {  	s9 =	sor.u32 $0xD0000000, s2;
	s6 =	simm.s32 $0x108;
	_ =	swait.ge @!p0 [sflag:s8], $0x0  }
0x24: {  	s3 =	sadd.s32 $0x88, s3;
	s6 =	simm.s32 @!p1 $0x1082;
	[sflag:s4] =	ssyncset.s32 $0xFFFFF086  }
0x25: {  	[simem:s6], [sflag:s4] =	dma.local [hbm:s3], $0xF7A  }
0x26: {  	[smem:$0x3F9B] =	sst s1;
	(tag) =	ssettag s2;
	_ =	strace s9  }
0x27: {  	s1 =	sld [smem:$0x3FAB]  }
0x28: {  	s2 =	sld [smem:$0x3FAC]  }
0x29: {  	s4 =	sld [smem:$0x3FAE]  }
0x2a: {  	p0 =	seq.s32 s5, $0x0;
	s5 =	sld [smem:$0x3FAF]  }
0x2b: {  	s6 =	sld [smem:$0x3FB0]  }
0x2c: {  	s7 =	sld [smem:$0x3FB1]  }
0x2d: {  	s3 =	simm.s32 $0x108;
	s8 =	sld [smem:$0x3FB2]  }
0x2e: {  	s3 =	simm.s32 @!p0 $0x1082;
	s9 =	sld [smem:$0x3FB3]  }
0x2f: {  	lr =	sadd.s32 s0, s3;
	s0 =	sld [smem:$0x3FAA]  }
0x30: {  	s3 =	sld [smem:$0x3FAD]  }
0x31: {  	[smem:$0x3FB6] =	sst s10  }
0x32: {  	s10 =	sld [smem:$0x3FB4];
	_ =	sdelay $0x3  }
0x33: {  	p0 =	seq.s32 s10, $0x1;
	s10 =	sld [smem:$0x3FB6];
	_ =	sdelay $0x3  }
0x34: {  	[smem:$0x3FB6] =	sst s10  }
0x35: {  	s10 =	sld [smem:$0x3FB5];
	_ =	sdelay $0x3  }
0x36: {  	p1 =	seq.s32 s10, $0x1;
	s10 =	sld [smem:$0x3FB6];
	_ =	sdelay $0x3  }
0x37: {  	[smem:$0x3FB6] =	sst s10  }
0x38: {  	s10 =	sld [smem:$0x3FB7]  }
0x39: {  	_ = 	snop;
	(pc) =	sbr.ind lr, $3  }
0x3a: {  	_ = 	snop  }
0x3b: {  	_ = 	snop  }
0x3c: {  	p2 =	seq.s32 s10, $0x1;
	s10 =	sld [smem:$0x3FB6]  }
0x3d: {  	_ =	shalt  }
0x3e: {  	_ =	shalt  }
0x3f: {  	_ =	shalt  }
0x40: {  	_ =	shalt  }
0x41: {  	_ =	shalt  }
0x42: {  	_ =	shalt  }
0x43: {  	_ =	shalt  }
0x44: {  	_ =	shalt  }
0x45: {  	_ =	shalt  }
0x46: {  	_ =	shalt  }
0x47: {  	_ =	shalt  }
0x48: {  	_ =	shalt  }
0x49: {  	_ =	shalt  }
0x4a: {  	_ =	shalt  }
0x4b: {  	_ =	shalt  }
0x4c: {  	_ =	shalt  }
0x4d: {  	_ =	shalt  }
0x4e: {  	_ =	shalt  }
0x4f: {  	_ =	shalt  }
0x50: {  	_ =	shalt  }
0x51: {  	_ =	shalt  }
0x52: {  	_ =	shalt  }
0x53: {  	_ =	shalt  }
0x54: {  	_ =	shalt  }
0x55: {  	_ =	shalt  }
0x56: {  	_ =	shalt  }
0x57: {  	_ =	shalt  }
0x58: {  	_ =	shalt  }
0x59: {  	_ =	shalt  }
0x5a: {  	_ =	shalt  }
0x5b: {  	_ =	shalt  }
0x5c: {  	_ =	shalt  }
0x5d: {  	_ =	shalt  }
0x5e: {  	_ =	shalt  }
0x5f: {  	_ =	shalt  }
0x60: {  	_ =	shalt  }
0x61: {  	_ =	shalt  }
0x62: {  	_ =	shalt  }
0x63: {  	_ =	shalt  }
0x64: {  	_ =	shalt  }
0x65: {  	_ =	shalt  }
0x66: {  	_ =	shalt  }
0x67: {  	_ =	shalt  }
0x68: {  	_ =	shalt  }
0x69: {  	_ =	shalt  }
0x6a: {  	_ =	shalt  }
0x6b: {  	_ =	shalt  }
0x6c: {  	_ =	shalt  }
0x6d: {  	_ =	shalt  }
0x6e: {  	_ =	shalt  }
0x6f: {  	_ =	shalt  }
0x70: {  	_ =	shalt  }
0x71: {  	_ =	shalt  }
0x72: {  	_ =	shalt  }
0x73: {  	_ =	shalt  }
0x74: {  	_ =	shalt  }
0x75: {  	_ =	shalt  }
0x76: {  	_ =	shalt  }
0x77: {  	_ =	shalt  }
0x78: {  	_ =	shalt  }
0x79: {  	_ =	shalt  }
0x7a: {  	_ =	shalt  }
0x7b: {  	_ =	shalt  }
0x7c: {  	_ =	shalt  }
0x7d: {  	_ =	shalt  }
0x7e: {  	_ =	shalt  }
0x7f: {  	_ =	shalt  }
0x80: {  	_ =	shalt  }
0x81: {  	_ =	shalt  }
0x82: {  	_ =	shalt  }
0x83: {  	_ =	shalt  }
0x84: {  	_ =	shalt  }
0x85: {  	_ =	shalt  }
0x86: {  	_ =	shalt  }
0x87: {  	_ =	shalt  }
.Lfunc_end0:
.L_simem_size_0:
called_computation.1_lowered:
.L_overlay_start_0:
0x88: {  	s2 =	sld [smem:$0x3FD9]  }
0x89: {  	s3 =	sld [smem:$0x3FFE];
	_ =	sdelay $0x1  }
0x8a: {  	s1 =	srdreg.scid  }
0x8b: {  	s0 =	sand.u32 $0x1, s1  }
0x8c: {  	s17 =	sshll.u32 s0, $0xA;
	s2 =	sadd.s32 s3, s2  }
0x8d: {  	s2 =	sadd.s32 s2, s17  }
0x8e: {  	[smem:$0x3FC2] =	sst s2  }
0x8f: {  	_ = 	snop  }
0x90: {  	s2 =	sld [smem:$0x3FC6];
	(tm) =	ssettm $0x1  }
0x91: {  	s18 =	sld [smem:$0x3FFB];
	_ =	sdelay $0x3  }
0x92: {  	_ =	strace s18  }
0x93: {  	s3 =	sld [smem:$0x3FFC];
	_ =	sdelay $0x3  }
0x94: {  	_ =	strace s3  }
0x95: {  	s3 =	sld [smem:$0x3FFD];
	_ =	sdelay $0x3  }
0x96: {  	_ =	strace s3  }
0x97: {  	_ =	strace $0x8FFFFFFF  }
0x98: {  	s19 =	sld [smem:$0x3FDB];
	_ =	sdelay $0x1  }
0x99: {  	s4 =	simm.s32 $_scs_section_size  }
0x9a: {  	s5 =	simm.s32 $_size__tile_overlayer_lowered;
	s6 =	simm.s32 $_tile_overlayer_lowered  }
0x9b: {  	s22 =	simm.s32 $0x1BFF;
	s21 =	sshll.u32 s6, $0x1;
	s3 =	sadd.s32 s4, s19  }
0x9c: {  	s7 =	simm.s32 $0x0;
	s20 =	sshll.u32 s5, $0x1;
	s5 =	sadd.s32 s21, s3  }
0x9d: {  	[timem:s7], [sflag:s22] =	dma.local [hbm:s5], s20  }
0x9e: {  	_ =	swait.ge [sflag:s22], s20  }
0x9f: {  	s4 =	ssub.s32 $0x0, s20;
	[sflag:s22] =	ssyncset.done $0x0  }
0xa0: {  	[sflag:s22] =	ssyncadd.s32 s4;
	_ =	sdelay $0x1  }
0xa1: {  	s23 =	simm.s32 $0x1B8B  }
0xa2: {  	_ =	swait.ge [sflag:s23], $0x1  }
0xa3: {  	[sflag:s23] =	ssyncset.done $0x0  }
0xa4: {  	s25 =	simm.s32 $0x1B8E;
	s24 =	sld [smem:$0x3FFE];
	[sflag:s23] =	ssyncadd.s32 $0xFFFFFFFF  }
0xa5: {  	s26 =	simm.s32 $execute0_lowered;
	[smem:$0x3FD2] =	sst s25  }
0xa6: {  	s5 =	sshll.u32 s26, $0x1;
	_ =	strace $0x80000049;
	[dreg:$0x1] =	wrdreg $0xFFFFFFFF  }
0xa7: {  	s28 =	simm.s32 $_size_execute0_lowered;
	s3 =	sadd.s32 s3, s5;
	[dreg:$0x0] =	wrdreg $0x0  }
0xa8: {  	s5 =	sshll.u32 s28, $0x1;
	[dreg:$0x2] =	wrdreg s3  }
0xa9: {  	[dreg:$0x3] =	wrdreg s5  }
0xaa: {  	[dreg:$0x4] =	wrdreg $0xC0  }
0xab: {  	_ =	task [dreg:s7], $0x5FFFF  }
0xac: {  	[dreg:$0x1] =	wrdreg $0xFFFFFFFF  }
0xad: {  	[dreg:$0x0] =	wrdreg $0x60  }
0xae: {  	[dreg:$0x2] =	wrdreg s24  }
0xaf: {  	[dreg:$0x3] =	wrdreg s2  }
0xb0: {  	[dreg:$0x4] =	wrdreg $0x9  }
0xb1: {  	_ =	task.clear_ibuf [dreg:s7], $0x5FFFF;
	_ =	strace $0x90000049  }
0xb2: {  	s29 =	simm.s32 $0x9;
	_ =	strace $0x8000004B  }
0xb3: {  	_ =	swait.ge [sflag:s29], $0x1  }
0xb4: {  	[sflag:s29] =	ssyncadd.s32 $0xFFFFFFFF  }
0xb5: {  	_ =	strace $0x9000004B  }
0xb6: {  	_ =	sfence  }
0xb7: {  	s30 =	sld [smem:$0x0];
	_ =	sdelay $0x2  }
0xb8: {  	s31 =	sshll.u32 s1, $0xD;
	s1 =	sshrl.u32 s1, $0x2  }
0xb9: {  	s3 =	sand.u32 $0x4000, s31;
	s1 =	sadd.s32 s1, s30  }
0xba: {  	s0 =	sor.u32 s3, s0;
	s1 =	sshll.u32 s1, $0x11  }
0xbb: {  	s0 =	sor.u32 s1, s0  }
0xbc: {  	s0 =	sadd.s32 $0x8F2B, s0  }
0xbd: {  	[sflag:s0] =	ssyncadd.remote.s32 $0x1  }
0xbe: {  	_ =	sfence.sel $0xFFFF  }
0xbf: {  	[dreg:$0x0] =	wrdreg $0xFFFFFFFF;
	(pc) =	sbr.abs _section_cstart, $3  }
0xc0: {  	[dreg:$0x1] =	wrdreg $0xFFFFFFFF  }
0xc1: {  	_ =	task.clear_ibuf [dreg:s7], $0x2FFFF;
	_ =	strace $0x9FFFFFFF  }
0xc2: {  	(tm) =	ssettm $0x7FFFFFFF  }
0xc3: {  	_ =	shalt  }
tec
execute0_lowered:
.L_overlay_start_1:
0x0: {  	(tag) =	ssettag $0x1  }
0x1: {  	s1 =	srdreg.scid;
	s5 =	rddreg [dreg:$0x0]  }
0x2: {  	s0 =	stileid.u32;
	s2 =	rddreg [dreg:$0x1]  }
0x3: {  	s3 =	simm.s32 $0x0;
	s4 =	sand.u32 $0x1, s1;
	s30 =	sshll.u32 s0, $0x1  }
0x4: {  	s8 =	simm.s32 $0x1;
	s9 =	simm.s32 $0x1400;
	s1 =	sor.u32 s4, s30  }
0x5: {  	s10 =	simm.s32 $0x2800;
	s4 =	ssub.s32 $0x2, s4;
	s6 =	smul.u32 $0x1400, s1  }
0x6: {  	s11 =	simm.s32 $0x0;
	[smem:$0x7FF] =	sst s3;
	s31 =	sshrl.u32 s4, $0x1  }
0x7: {  	s1 =	rddreg [dreg:$0x2];
	s7 =	ssub.s32 s4, s31;
	s6 =	sshrl.u32 s6, $0x3  }
0x8: {  	_ =	strace $0x8000004A;
	s7 =	smax.u32 s7, $0x1;
	s6 =	sadd.s32 s6, s5  }
0x9: {  	s4 =	sadd.s32 $0x6200, s6;
	s5 =	sadd.s32 $0xB200, s6;
	s6 =	sadd.s32 $0x10200, s6  }
.LBB2_1:
0xa: {  	[tilespmem:s3], [sflag:$0x1] =	stream.linear.gather [hbm4b:s4+s3], $0x1400, $0x38;
	[tilespmem:$0x2810] =	vst v63  }
0xb: {  	_ =	swait.ge [sflag:s8], $0x1400  }
0xc: {  	[sflag:s8] =	ssyncset.done $0x0  }
0xd: {  	[sflag:s8] =	ssyncadd.s32 $0xFFFFEC00  }
0xe: {  	[tilespmem:s9], [sflag:$0x1] =	stream.linear.gather [hbm4b:s5+s3], $0x1400, $0x38;
	[tilespmem:$0x2810] =	vst v63  }
0xf: {  	_ =	swait.ge [sflag:s8], $0x1400  }
0x10: {  	[sflag:s8] =	ssyncset.done $0x0  }
0x11: {  	[sflag:s8] =	ssyncadd.s32 $0xFFFFEC00  }
0x12: {  	[tilespmem:s10], [sflag:$0x1] =	stream.linear.gather [hbm4b:s2+s3], $0x10, $0x38;
	[tilespmem:$0x2810] =	vst v63  }
0x13: {  	_ =	swait.ge [sflag:s8], $0x10  }
0x14: {  	[sflag:s8] =	ssyncset.done $0x0  }
0x15: {  	[sflag:s8] =	ssyncadd.s32 $0xFFFFFFF0  }
0x16: {  	s12 =	simm.s32 $0x0;
	v0 =	vld [tilespmem:$0x2800]  }
0x17: {  	v7 =	vld [tilespmem:s12+$0x1400]  }
0x18: {  	v12 =	vld [tilespmem:s12+$0x1410]  }
0x19: {  	v6 =	vld [tilespmem:s12+$0x1420]  }
0x1a: {  	v5 =	vld [tilespmem:s12+$0x1430]  }
0x1b: {  	v4 =	vld [tilespmem:s12+$0x1440]  }
0x1c: {  	v3 =	vld [tilespmem:s12+$0x1450]  }
0x1d: {  	v2 =	vld [tilespmem:s12+$0x1460]  }
0x1e: {  	v1 =	vld [tilespmem:s12+$0x1470]  }
0x1f: {  	v13 =	vld [tilespmem:s12+$0x0]  }
0x20: {  	v14 =	vld [tilespmem:s12+$0x10]  }
0x21: {  	v11 =	vld [tilespmem:s12+$0x20]  }
0x22: {  	v10 =	vld [tilespmem:s12+$0x30]  }
0x23: {  	v9 =	vld [tilespmem:s12+$0x40]  }
0x24: {  	v8 =	vld [tilespmem:s12+$0x50];
	v13 =	vadd.f32 v7, v13  }
0x25: {  	s13 =	simm.s32 $0x200;
	v12 =	vadd.f32 v12, v14;
	v7 =	vld [tilespmem:s12+$0x60]  }
.LBB2_2:
0x26: {  	s14 =	sshra.s32 s13, $0x2;
	p0 =	sne.s32 s13, $0x4E00;
	v13 =	vadd.f32 v13, v0;
	v6 =	vadd.f32 v6, v11;
	v11 =	vld [tilespmem:s12+$0x70]  }
0x27: {  	v14 =	vld [tilespmem:s14+$0x1400];
	v12 =	vadd.f32 v12, v0;
	v5 =	vadd.f32 v5, v10  }
0x28: {  	v15 =	vld [tilespmem:s14+$0x1410];
	v10 =	vmax.f32 v13, $0.0e+00;
	v13 =	vadd.f32 v6, v0;
	v4 =	vadd.f32 v4, v9  }
0x29: {  	v6 =	vld [tilespmem:s14+$0x1420];
	[tilespmem:s12+$0x0] =	vst v10;
	v9 =	vmax.f32 v12, $0.0e+00;
	v10 =	vadd.f32 v5, v0;
	v3 =	vadd.f32 v3, v8  }
0x2a: {  	v5 =	vld [tilespmem:s14+$0x1430];
	[tilespmem:s12+$0x10] =	vst v9;
	v8 =	vmax.f32 v13, $0.0e+00;
	v9 =	vadd.f32 v4, v0;
	v2 =	vadd.f32 v2, v7  }
0x2b: {  	v4 =	vld [tilespmem:s14+$0x1440];
	[tilespmem:s12+$0x20] =	vst v8;
	v7 =	vmax.f32 v10, $0.0e+00;
	v8 =	vadd.f32 v3, v0;
	v1 =	vadd.f32 v1, v11  }
0x2c: {  	v3 =	vld [tilespmem:s14+$0x1450];
	[tilespmem:s12+$0x30] =	vst v7;
	v7 =	vmax.f32 v9, $0.0e+00;
	v9 =	vadd.f32 v2, v0  }
0x2d: {  	v2 =	vld [tilespmem:s14+$0x1460];
	[tilespmem:s12+$0x40] =	vst v7;
	v7 =	vmax.f32 v8, $0.0e+00;
	v8 =	vadd.f32 v1, v0  }
0x2e: {  	v1 =	vld [tilespmem:s14+$0x1470];
	[tilespmem:s12+$0x50] =	vst v7;
	v7 =	vmax.f32 v9, $0.0e+00  }
0x2f: {  	v12 =	vld [tilespmem:s14+$0x0];
	[tilespmem:s12+$0x60] =	vst v7;
	v7 =	vmax.f32 v8, $0.0e+00  }
0x30: {  	v16 =	vld [tilespmem:s14+$0x10];
	[tilespmem:s12+$0x70] =	vst v7;
	s12 =	smov.u32 s14  }
.Ltmp0:
0x31: {  	v11 =	vld [tilespmem:s12+$0x20];
	(pc) =	sbr.rel @p0 .LBB2_2-.Ltmp0, $4  }
0x32: {  	v10 =	vld [tilespmem:s12+$0x30]  }
0x33: {  	v9 =	vld [tilespmem:s12+$0x40]  }
0x34: {  	v13 =	vadd.f32 v14, v12;
	v8 =	vld [tilespmem:s12+$0x50]  }
0x35: {  	s13 =	sadd.s32 $0x200, s13;
	v12 =	vadd.f32 v15, v16;
	v7 =	vld [tilespmem:s12+$0x60]  }
0x36: {  	v13 =	vadd.f32 v13, v0;
	v6 =	vadd.f32 v6, v11;
	v59 =	vld [tilespmem:s12+$0x70]  }
0x37: {  	v12 =	vadd.f32 v12, v0;
	v5 =	vadd.f32 v5, v10  }
0x38: {  	v60 =	vmax.f32 v13, $0.0e+00;
	v6 =	vadd.f32 v6, v0;
	v4 =	vadd.f32 v4, v9  }
0x39: {  	[tilespmem:s12+$0x0] =	vst v60;
	v61 =	vmax.f32 v12, $0.0e+00;
	v5 =	vadd.f32 v5, v0;
	v3 =	vadd.f32 v3, v8  }
0x3a: {  	[tilespmem:s12+$0x10] =	vst v61;
	v6 =	vmax.f32 v6, $0.0e+00;
	v4 =	vadd.f32 v4, v0;
	v2 =	vadd.f32 v2, v7  }
0x3b: {  	[tilespmem:s12+$0x20] =	vst v6;
	v5 =	vmax.f32 v5, $0.0e+00;
	v3 =	vadd.f32 v3, v0;
	v1 =	vadd.f32 v1, v59  }
0x3c: {  	[tilespmem:s12+$0x30] =	vst v5;
	v4 =	vmax.f32 v4, $0.0e+00;
	v2 =	vadd.f32 v2, v0  }
0x3d: {  	[tilespmem:s12+$0x40] =	vst v4;
	v3 =	vmax.f32 v3, $0.0e+00;
	v62 =	vadd.f32 v1, v0  }
0x3e: {  	s11 =	sadd.s32 $0x1, s11;
	[tilespmem:s12+$0x50] =	vst v3;
	v63 =	vmax.f32 v2, $0.0e+00  }
0x3f: {  	p0 =	sne.s32 s11, s7;
	[tilespmem:s12+$0x60] =	vst v63;
	v0 =	vmax.f32 v62, $0.0e+00  }
.Ltmp1:
0x40: {  	[tilespmem:s12+$0x70] =	vst v0;
	(pc) =	sbr.rel @p0 .LBB2_1-.Ltmp1, $4  }
0x41: {  	[hbm4b:s6+s3] =	stream.linear.scatter [tilespmem:s3], [sflag:$0x1], $0x1400, $0x38;
	[tilespmem:$0x2810] =	vst v63  }
0x42: {  	_ =	swait.ge [sflag:s8], $0x1400  }
0x43: {  	[sflag:s8] =	ssyncset.done $0x0  }
0x44: {  	[sflag:s8] =	ssyncadd.s32 $0xFFFFEC00  }
0x45: {  	_ =	sfence.sel $0x180000  }
0x46: {  	[bflag:$0x0] =	sbarrier.arrive $0xFFFF  }
0x47: {  	p0 =	sne.s32 s0, $0x0;
	_ =	strace $0x9000004A  }
0x48: {  	s0 =	sadd.s32 @!p0 $0x100000, s1;
	[bflag:$0x2] =	sbarrier.arrive $0xFFFF  }
0x49: {  	[sflag:s0] =	ssyncadd.tile.s32 @!p0 $0x1;
	_ =	shalt  }
.Lfunc_end2:
_tile_overlayer_lowered:
.L_overlay_start_2:
0x4a: {  	(tag) =	ssettag $0x2  }
0x4b: {  	s0 =	rddreg [dreg:$0x0];
	s2 =	stileid.u32  }
0x4c: {  	s1 =	rddreg [dreg:$0x1];
	p0 =	sne.s32 s2, $0x0  }
0x4d: {  	s3 =	rddreg [dreg:$0x2];
	[bflag:$0x3] =	sbarrier.arrive $0xFFFF;
	s2 =	simm.s32 @!p0 $0x1C01  }
0x4e: {  	[timem:s3], [sflag:s2] =	dma.local @!p0 [hbm:s0], s1  }
0x4f: {  	s0 =	simm.s32 @!p0 $0x1  }
0x50: {  	_ =	swait.ge @!p0 [sflag:s0], s1  }
0x51: {  	s1 =	ssub.s32 @!p0 $0x0, s1;
	[sflag:s0] =	ssyncset.done @!p0 $0x0  }
0x52: {  	[sflag:s0] =	ssyncadd.s32 @!p0 s1  }
0x53: {  	[bflag:$0x3] =	sbarrier.arrive $0xFFFF  }
0x54: {  	_ =	shalt  }

// kernel: kernel.13.cloned.1.call-start
scs
__scs_entry_jumppad:
0x0: {  	(pc) =	sbr.rel $0x88, $3  }
0x1: {  	(tag) =	ssettag $0x0;
	lr =	simm.s32 $0x1  }
0x2: {  	[smem:$0x3F9B] =	sst lr;
	_ =	strace $0xD0000000  }
0x3: {  	_ = 	snop  }
0x4: {  	_ = 	snop  }
0x5: {  	_ = 	snop  }
0x6: {  	_ = 	snop  }
0x7: {  	_ = 	snop  }
__scs_overlays_trampoline_lowered:
0x8: {  	[smem:$0x3FAA] =	sst s0  }
0x9: {  	[smem:$0x3FAB] =	sst s1  }
0xa: {  	[smem:$0x3FAC] =	sst s2  }
0xb: {  	[smem:$0x3FAD] =	sst s3  }
0xc: {  	[smem:$0x3FAE] =	sst s4  }
0xd: {  	[smem:$0x3FAF] =	sst s5  }
0xe: {  	[smem:$0x3FB0] =	sst s6  }
0xf: {  	[smem:$0x3FB1] =	sst s7  }
0x10: {  	[smem:$0x3FB2] =	sst s8  }
0x11: {  	[smem:$0x3FB3] =	sst s9;
	s0 =	simm.s32 @!p0 $0x0  }
0x12: {  	s1 =	sld [smem:$0x3F99];
	s0 =	simm.s32 @p0 $0x1  }
0x13: {  	[smem:$0x3FB4] =	sst s0;
	s0 =	simm.s32 @!p1 $0x0  }
0x14: {  	s2 =	sld [smem:$0x3F98];
	s0 =	simm.s32 @p1 $0x1  }
0x15: {  	[smem:$0x3FB5] =	sst s0;
	s0 =	simm.s32 @!p2 $0x0  }
0x16: {  	s3 =	sld [smem:$0x3FDB];
	s0 =	simm.s32 @p2 $0x1  }
0x17: {  	s4 =	simm.s32 $0x1BF5;
	[smem:$0x3FB7] =	sst s0  }
0x18: {  	s0 =	sld [smem:$0x3F9A];
	_ =	swait.ge [sflag:s4], $0x0  }
0x19: {  	s7 =	sld [smem:$0x3F9B]  }
0x1a: {  	s8 =	sadd.s32 $0xFFFFE003, lr  }
0x1b: {  	s9 =	sadd.s32 $0xFFFFFEF7, lr;
	s5 =	simm.s32 $0xFFFFFFFF;
	p2 =	slt.u32 s8, $0xFFFFF086  }
0x1c: {  	p1 =	slt.u32 s9, $0xF7A;
	s5 =	simm.s32 @!p2 $0x0  }
0x1d: {  	s5 =	simm.s32 @p1 $0x1;
	p0 =	seq.s32 s7, s2  }
0x1e: {  	s7 =	smul.u32 @!p0 $0xF7A, s2;
	p2 =	seq.s32 @!p0 s5, $0x0  }
0x1f: {  	s9 =	smul.u32 $0xF7A, s1;
	s8 =	simm.s32 @!p0 $0x1BF5;
	p2 =	por !p2, p0  }
0x20: {  	[sflag:s8] =	ssyncset.s32 @!p0 $0xFFFFF086;
	s6 =	sadd.s32 @!p0 s3, s7;
	s7 =	simm.s32 @!p0 $0x108  }
0x21: {  	s3 =	sadd.s32 s3, s9;
	s6 =	sadd.s32 @!p0 $0x88, s6;
	s7 =	simm.s32 @p2 $0x1082  }
0x22: {  	[simem:s7], [sflag:s8] =	dma.local @!p0 [hbm:s6], $0xF7A  }
0x23: {  	s9 =	sor.u32 $0xD0000000, s2;
	s6 =	simm.s32 $0x108;
	_ =	swait.ge @!p0 [sflag:s8], $0x0  }
0x24: {  	s3 =	sadd.s32 $0x88, s3;
	s6 =	simm.s32 @!p1 $0x1082;
	[sflag:s4] =	ssyncset.s32 $0xFFFFF086  }
0x25: {  	[simem:s6], [sflag:s4] =	dma.local [hbm:s3], $0xF7A  }
0x26: {  	[smem:$0x3F9B] =	sst s1;
	(tag) =	ssettag s2;
	_ =	strace s9  }
0x27: {  	s1 =	sld [smem:$0x3FAB]  }
0x28: {  	s2 =	sld [smem:$0x3FAC]  }
0x29: {  	s4 =	sld [smem:$0x3FAE]  }
0x2a: {  	p0 =	seq.s32 s5, $0x0;
	s5 =	sld [smem:$0x3FAF]  }
0x2b: {  	s6 =	sld [smem:$0x3FB0]  }
0x2c: {  	s7 =	sld [smem:$0x3FB1]  }
0x2d: {  	s3 =	simm.s32 $0x108;
	s8 =	sld [smem:$0x3FB2]  }
0x2e: {  	s3 =	simm.s32 @!p0 $0x1082;
	s9 =	sld [smem:$0x3FB3]  }
0x2f: {  	lr =	sadd.s32 s0, s3;
	s0 =	sld [smem:$0x3FAA]  }
0x30: {  	s3 =	sld [smem:$0x3FAD]  }
0x31: {  	[smem:$0x3FB6] =	sst s10  }
0x32: {  	s10 =	sld [smem:$0x3FB4];
	_ =	sdelay $0x3  }
0x33: {  	p0 =	seq.s32 s10, $0x1;
	s10 =	sld [smem:$0x3FB6];
	_ =	sdelay $0x3  }
0x34: {  	[smem:$0x3FB6] =	sst s10  }
0x35: {  	s10 =	sld [smem:$0x3FB5];
	_ =	sdelay $0x3  }
0x36: {  	p1 =	seq.s32 s10, $0x1;
	s10 =	sld [smem:$0x3FB6];
	_ =	sdelay $0x3  }
0x37: {  	[smem:$0x3FB6] =	sst s10  }
0x38: {  	s10 =	sld [smem:$0x3FB7]  }
0x39: {  	_ = 	snop;
	(pc) =	sbr.ind lr, $3  }
0x3a: {  	_ = 	snop  }
0x3b: {  	_ = 	snop  }
0x3c: {  	p2 =	seq.s32 s10, $0x1;
	s10 =	sld [smem:$0x3FB6]  }
0x3d: {  	_ =	shalt  }
0x3e: {  	_ =	shalt  }
0x3f: {  	_ =	shalt  }
0x40: {  	_ =	shalt  }
0x41: {  	_ =	shalt  }
0x42: {  	_ =	shalt  }
0x43: {  	_ =	shalt  }
0x44: {  	_ =	shalt  }
0x45: {  	_ =	shalt  }
0x46: {  	_ =	shalt  }
0x47: {  	_ =	shalt  }
0x48: {  	_ =	shalt  }
0x49: {  	_ =	shalt  }
0x4a: {  	_ =	shalt  }
0x4b: {  	_ =	shalt  }
0x4c: {  	_ =	shalt  }
0x4d: {  	_ =	shalt  }
0x4e: {  	_ =	shalt  }
0x4f: {  	_ =	shalt  }
0x50: {  	_ =	shalt  }
0x51: {  	_ =	shalt  }
0x52: {  	_ =	shalt  }
0x53: {  	_ =	shalt  }
0x54: {  	_ =	shalt  }
0x55: {  	_ =	shalt  }
0x56: {  	_ =	shalt  }
0x57: {  	_ =	shalt  }
0x58: {  	_ =	shalt  }
0x59: {  	_ =	shalt  }
0x5a: {  	_ =	shalt  }
0x5b: {  	_ =	shalt  }
0x5c: {  	_ =	shalt  }
0x5d: {  	_ =	shalt  }
0x5e: {  	_ =	shalt  }
0x5f: {  	_ =	shalt  }
0x60: {  	_ =	shalt  }
0x61: {  	_ =	shalt  }
0x62: {  	_ =	shalt  }
0x63: {  	_ =	shalt  }
0x64: {  	_ =	shalt  }
0x65: {  	_ =	shalt  }
0x66: {  	_ =	shalt  }
0x67: {  	_ =	shalt  }
0x68: {  	_ =	shalt  }
0x69: {  	_ =	shalt  }
0x6a: {  	_ =	shalt  }
0x6b: {  	_ =	shalt  }
0x6c: {  	_ =	shalt  }
0x6d: {  	_ =	shalt  }
0x6e: {  	_ =	shalt  }
0x6f: {  	_ =	shalt  }
0x70: {  	_ =	shalt  }
0x71: {  	_ =	shalt  }
0x72: {  	_ =	shalt  }
0x73: {  	_ =	shalt  }
0x74: {  	_ =	shalt  }
0x75: {  	_ =	shalt  }
0x76: {  	_ =	shalt  }
0x77: {  	_ =	shalt  }
0x78: {  	_ =	shalt  }
0x79: {  	_ =	shalt  }
0x7a: {  	_ =	shalt  }
0x7b: {  	_ =	shalt  }
0x7c: {  	_ =	shalt  }
0x7d: {  	_ =	shalt  }
0x7e: {  	_ =	shalt  }
0x7f: {  	_ =	shalt  }
0x80: {  	_ =	shalt  }
0x81: {  	_ =	shalt  }
0x82: {  	_ =	shalt  }
0x83: {  	_ =	shalt  }
0x84: {  	_ =	shalt  }
0x85: {  	_ =	shalt  }
0x86: {  	_ =	shalt  }
0x87: {  	_ =	shalt  }
.Lfunc_end0:
.L_simem_size_0:
called_computation.2_lowered:
.L_overlay_start_0:
0x88: {  	s2 =	sld [smem:$0x3FD9]  }
0x89: {  	s3 =	sld [smem:$0x3FFE];
	_ =	sdelay $0x1  }
0x8a: {  	s1 =	srdreg.scid  }
0x8b: {  	s0 =	sand.u32 $0x1, s1  }
0x8c: {  	s17 =	sshll.u32 s0, $0xA;
	s2 =	sadd.s32 s3, s2  }
0x8d: {  	s2 =	sadd.s32 s2, s17  }
0x8e: {  	[smem:$0x3FC2] =	sst s2  }
0x8f: {  	_ = 	snop  }
0x90: {  	s2 =	sld [smem:$0x3FD0];
	(tm) =	ssettm $0x1  }
0x91: {  	s18 =	sld [smem:$0x3FFB];
	_ =	sdelay $0x3  }
0x92: {  	_ =	strace s18  }
0x93: {  	s3 =	sld [smem:$0x3FFC];
	_ =	sdelay $0x3  }
0x94: {  	_ =	strace s3  }
0x95: {  	s3 =	sld [smem:$0x3FFD];
	_ =	sdelay $0x3  }
0x96: {  	_ =	strace s3  }
0x97: {  	_ =	strace $0x8FFFFFFF  }
0x98: {  	s19 =	sld [smem:$0x3FDB];
	_ =	sdelay $0x1  }
0x99: {  	s4 =	simm.s32 $_scs_section_size  }
0x9a: {  	s5 =	simm.s32 $_size__tile_overlayer_lowered;
	s6 =	simm.s32 $_tile_overlayer_lowered  }
0x9b: {  	s22 =	simm.s32 $0x1BFF;
	s21 =	sshll.u32 s6, $0x1;
	s3 =	sadd.s32 s4, s19  }
0x9c: {  	s7 =	simm.s32 $0x0;
	s20 =	sshll.u32 s5, $0x1;
	s5 =	sadd.s32 s21, s3  }
0x9d: {  	[timem:s7], [sflag:s22] =	dma.local [hbm:s5], s20  }
0x9e: {  	_ =	swait.ge [sflag:s22], s20  }
0x9f: {  	s4 =	ssub.s32 $0x0, s20;
	[sflag:s22] =	ssyncset.done $0x0  }
0xa0: {  	[sflag:s22] =	ssyncadd.s32 s4;
	_ =	sdelay $0x1  }
0xa1: {  	s23 =	simm.s32 $0x1B8B  }
0xa2: {  	_ =	swait.ge [sflag:s23], $0x1  }
0xa3: {  	[sflag:s23] =	ssyncset.done $0x0  }
0xa4: {  	s25 =	simm.s32 $0x1B8E;
	s24 =	sld [smem:$0x3FFE];
	[sflag:s23] =	ssyncadd.s32 $0xFFFFFFFF  }
0xa5: {  	s26 =	simm.s32 $execute0_lowered;
	[smem:$0x3FD2] =	sst s25  }
0xa6: {  	s5 =	sshll.u32 s26, $0x1;
	_ =	strace $0x8000004C;
	[dreg:$0x1] =	wrdreg $0xFFFFFFFF  }
0xa7: {  	s28 =	simm.s32 $_size_execute0_lowered;
	s3 =	sadd.s32 s3, s5;
	[dreg:$0x0] =	wrdreg $0x0  }
0xa8: {  	s5 =	sshll.u32 s28, $0x1;
	[dreg:$0x2] =	wrdreg s3  }
0xa9: {  	[dreg:$0x3] =	wrdreg s5  }
0xaa: {  	[dreg:$0x4] =	wrdreg $0xC0  }
0xab: {  	_ =	task [dreg:s7], $0x5FFFF  }
0xac: {  	[dreg:$0x1] =	wrdreg $0xFFFFFFFF  }
0xad: {  	[dreg:$0x0] =	wrdreg $0x60  }
0xae: {  	[dreg:$0x2] =	wrdreg s24  }
0xaf: {  	[dreg:$0x3] =	wrdreg s2  }
0xb0: {  	[dreg:$0x4] =	wrdreg $0xC6200  }
0xb1: {  	[dreg:$0x5] =	wrdreg $0x9  }
0xb2: {  	_ =	task.clear_ibuf [dreg:s7], $0x6FFFF;
	_ =	strace $0x9000004C  }
0xb3: {  	s29 =	simm.s32 $0x9;
	_ =	strace $0x8000004E  }
0xb4: {  	_ =	swait.ge [sflag:s29], $0x1  }
0xb5: {  	[sflag:s29] =	ssyncadd.s32 $0xFFFFFFFF  }
0xb6: {  	_ =	strace $0x9000004E  }
0xb7: {  	_ =	sfence  }
0xb8: {  	s30 =	sld [smem:$0x0];
	_ =	sdelay $0x2  }
0xb9: {  	s31 =	sshll.u32 s1, $0xD;
	s1 =	sshrl.u32 s1, $0x2  }
0xba: {  	s3 =	sand.u32 $0x4000, s31;
	s1 =	sadd.s32 s1, s30  }
0xbb: {  	s0 =	sor.u32 s3, s0;
	s1 =	sshll.u32 s1, $0x11  }
0xbc: {  	s0 =	sor.u32 s1, s0  }
0xbd: {  	s0 =	sadd.s32 $0x8F2B, s0  }
0xbe: {  	[sflag:s0] =	ssyncadd.remote.s32 $0x1  }
0xbf: {  	_ =	sfence.sel $0xFFFF  }
0xc0: {  	[dreg:$0x0] =	wrdreg $0xFFFFFFFF;
	(pc) =	sbr.abs _section_cstart, $3  }
0xc1: {  	[dreg:$0x1] =	wrdreg $0xFFFFFFFF  }
0xc2: {  	_ =	task.clear_ibuf [dreg:s7], $0x2FFFF;
	_ =	strace $0x9FFFFFFF  }
0xc3: {  	(tm) =	ssettm $0x7FFFFFFF  }
tec
execute0_lowered:
.L_overlay_start_1:
0x0: {  	(tag) =	ssettag $0x1  }
0x1: {  	s0 =	rddreg [dreg:$0x0]  }
0x2: {  	s1 =	rddreg [dreg:$0x1]  }
0x3: {  	s2 =	rddreg [dreg:$0x2]  }
0x4: {  	s3 =	srdreg.scid;
	s4 =	stileid.u32;
	s7 =	simm.s32 $0x0  }
0x5: {  	s21 =	simm.s32 $0x15;
	s12 =	simm.s32 $0x7D;
	s16 =	simm.s32 $0x6770  }
0x6: {  	s29 =	simm.s32 $0x6F40;
	s31 =	simm.s32 $0x7710;
	s11 =	simm.s32 $0x7EE0  }
0x7: {  	s18 =	simm.s32 $0x86B0;
	s20 =	simm.s32 $0x8E80;
	s22 =	simm.s32 $0x9650  }
0x8: {  	s9 =	simm.s32 $0xA;
	s10 =	simm.s32 $0xE;
	s15 =	simm.s32 $0x10  }
0x9: {  	s28 =	simm.s32 $0x13;
	s30 =	simm.s32 $0x14;
	s3 =	sand.u32 $0x1, s3  }
0xa: {  	s5 =	smul.u32 $0x2800, s4;
	s4 =	sshll.u32 s4, $0x1;
	[smem:$0x7FF] =	sst s7  }
0xb: {  	s6 =	smul.u32 $0x28000, s3;
	s4 =	sor.u32 s3, s4;
	s3 =	ssub.s32 $0x2, s3  }
0xc: {  	_ =	strace $0x8000004D;
	s23 =	smul.u32 $0x2800, s4;
	s8 =	sshrl.u32 s3, $0x1  }
0xd: {  	s4 =	sadd.s32 $0x10200, s0;
	s6 =	sadd.s32 s5, s6;
	s24 =	ssub.s32 s3, s8  }
0xe: {  	s3 =	sadd.s32 s5, s2;
	s8 =	simm.s32 $0x9;
	s5 =	simm.s32 $0xB  }
0xf: {  	s7 =	sshrl.u32 s23, $0x3;
	s6 =	sshrl.u32 s6, $0x3;
	s26 =	smax.u32 s24, $0x1  }
0x10: {  	s24 =	simm.s32 $0x57D0;
	[dreg:$0x6] =	wrdreg s3;
	s23 =	simm.s32 $0x11  }
0x11: {  	s7 =	sadd.s32 s1, s7;
	s0 =	sadd.s32 s6, s0;
	[dreg:$0x8] =	wrdreg s26  }
0x12: {  	s26 =	simm.s32 $0x5FA0;
	[dreg:$0x4] =	wrdreg s7;
	s25 =	sadd.s32 $0xA000, s7  }
0x13: {  	s1 =	simm.s32 $0x0;
	s0 =	sadd.s32 $0x1200, s0;
	[dreg:$0x5] =	wrdreg s25  }
0x14: {  	v0 =	vimm.f32 $0.0e+00;
	[dreg:$0x7] =	wrdreg s0;
	s0 =	simm.s32 $0x5000;
	s25 =	simm.s32 $0x12  }
.LBB2_1:
0x15: {  	[dreg:$0x9] =	wrdreg s1  }
0x16: {  	s14 =	simm.s32 $0x0;
	s19 =	rddreg [dreg:$0x4]  }
0x17: {  	[tilespmem:s14], [sflag:$0x15] =	stream.linear.gather [hbm4b:s19+s14], $0x2800, $0x38;
	[tilespmem:$0xEE20] =	vst v63  }
0x18: {  	_ =	swait.ge [sflag:s21], $0x2800  }
0x19: {  	[sflag:s21] =	ssyncset.done $0x0  }
0x1a: {  	s17 =	simm.s32 $0x2800;
	s6 =	rddreg [dreg:$0x5];
	[sflag:s21] =	ssyncadd.s32 $0xFFFFD800  }
0x1b: {  	[tilespmem:s17], [sflag:$0x15] =	stream.linear.gather [hbm4b:s6+s14], $0x2800, $0x38;
	[tilespmem:$0xEE20] =	vst v63  }
0x1c: {  	_ =	swait.ge [sflag:s21], $0x2800  }
0x1d: {  	[sflag:s21] =	ssyncset.done $0x0  }
0x1e: {  	[sflag:s21] =	ssyncadd.s32 $0xFFFFD800  }
0x1f: {  	[tilespmem:s0], [sflag:$0x1] =	stream.indirect.gather [hbm4b:s4+s12], $0x10, s14, s12, $0xb8;
	[tilespmem:$0xEE20] =	vst v63  }
0x20: {  	s7 =	simm.s32 $0x80  }
0x21: {  	[tilespmem:s24], [sflag:$0x2] =	stream.indirect.gather [hbm4b:s4+s12], $0x10, s7, s12, $0xb8;
	[tilespmem:$0xEE20] =	vst v63  }
0x22: {  	s13 =	simm.s32 $0x100  }
0x23: {  	[tilespmem:s26], [sflag:$0x3] =	stream.indirect.gather [hbm4b:s4+s12], $0x10, s13, s12, $0xb8;
	[tilespmem:$0xEE20] =	vst v63  }
0x24: {  	s14 =	simm.s32 $0x180  }
0x25: {  	[tilespmem:s16], [sflag:$0x4] =	stream.indirect.gather [hbm4b:s4+s12], $0x10, s14, s12, $0xb8;
	[tilespmem:$0xEE20] =	vst v63  }
0x26: {  	s16 =	simm.s32 $0x200  }
0x27: {  	[tilespmem:s29], [sflag:$0x5] =	stream.indirect.gather [hbm4b:s4+s12], $0x10, s16, s12, $0xb8;
	[tilespmem:$0xEE20] =	vst v63  }
0x28: {  	s19 =	simm.s32 $0x280  }
0x29: {  	[tilespmem:s31], [sflag:$0x6] =	stream.indirect.gather [hbm4b:s4+s12], $0x10, s19, s12, $0xb8;
	[tilespmem:$0xEE20] =	vst v63  }
0x2a: {  	s24 =	simm.s32 $0x300  }
0x2b: {  	[tilespmem:s11], [sflag:$0x7] =	stream.indirect.gather [hbm4b:s4+s12], $0x10, s24, s12, $0xb8;
	[tilespmem:$0xEE20] =	vst v63  }
0x2c: {  	s26 =	simm.s32 $0x380  }
0x2d: {  	[tilespmem:s18], [sflag:$0x8] =	stream.indirect.gather [hbm4b:s4+s12], $0x10, s26, s12, $0xb8;
	[tilespmem:$0xEE20] =	vst v63  }
0x2e: {  	s17 =	simm.s32 $0x0;
	s29 =	simm.s32 $0x400  }
0x2f: {  	[tilespmem:s20], [sflag:$0x9] =	stream.indirect.gather [hbm4b:s4+s12], $0x10, s29, s12, $0xb8;
	[tilespmem:$0xEE20] =	vst v63  }
0x30: {  	s31 =	simm.s32 $0x480;
	s19 =	simm.s32 $0x200;
	s20 =	simm.s32 $0x9650  }
0x31: {  	[tilespmem:s22], [sflag:$0xA] =	stream.indirect.gather [hbm4b:s4+s12], $0x10, s31, s12, $0xb8;
	[tilespmem:$0xEE20] =	vst v63  }
.LBB2_2:
0x32: {  	p0 =	sne.s32 s19, $0x9E00;
	[tilespmem:s17+$0x9E90] =	vst v0  }
0x33: {  	[tilespmem:s17+$0x9E20] =	vst v0  }
0x34: {  	[tilespmem:s17+$0x9E30] =	vst v0  }
.Ltmp0:
0x35: {  	[tilespmem:s17+$0x9E40] =	vst v0;
	(pc) =	sbr.rel @p0 .LBB2_2-.Ltmp0, $4  }
0x36: {  	[tilespmem:s17+$0x9E50] =	vst v0  }
0x37: {  	[tilespmem:s17+$0x9E60] =	vst v0  }
0x38: {  	[tilespmem:s17+$0x9E70] =	vst v0  }
0x39: {  	[tilespmem:s17+$0x9E80] =	vst v0;
	s17 =	sshra.s32 s19, $0x2;
	s19 =	sadd.s32 $0x200, s19  }
0x3a: {  	[tilespmem:s17+$0x9E90] =	vst v0  }
0x3b: {  	[tilespmem:s17+$0x9E20] =	vst v0  }
0x3c: {  	[tilespmem:s17+$0x9E30] =	vst v0  }
0x3d: {  	[tilespmem:s17+$0x9E40] =	vst v0  }
0x3e: {  	[tilespmem:s17+$0x9E50] =	vst v0  }
0x3f: {  	[tilespmem:s17+$0x9E60] =	vst v0  }
0x40: {  	[tilespmem:s17+$0x9E70] =	vst v0  }
0x41: {  	[tilespmem:s17+$0x9E80] =	vst v0;
	s0 =	simm.s32 $0x9E20  }
0x42: {  	[spmem:s3] =	stream.linear.scatter [tilespmem:s0], [sflag:$0x15], $0x2800, $0x38;
	[tilespmem:$0xEE20] =	vst v63  }
0x43: {  	_ =	swait.ge [sflag:s21], $0x2800  }
0x44: {  	[sflag:s21] =	ssyncset.done $0x0  }
0x45: {  	[sflag:s21] =	ssyncadd.s32 $0xFFFFD800  }
0x46: {  	s21 =	simm.s32 $0x1;
	[bflag:$0x0] =	sbarrier.arrive $0xFFFF  }
0x47: {  	_ =	swait.ge [sflag:s21], $0x7D0  }
0x48: {  	s18 =	simm.s32 $0x2800;
	[sflag:s21] =	ssyncset.done $0x0  }
0x49: {  	s1 =	simm.s32 $0x2;
	s0 =	simm.s32 $0x5000;
	[sflag:s21] =	ssyncadd.s32 $0xFFFFF830  }
0x4a: {  	[spmem:s2] =	stream.indirect.scatter.add.f32 [tilespmem:s0], [sflag:$0xB], $0x10, s18, s12, $0xb8;
	[tilespmem:$0xEE20] =	vst v63  }
0x4b: {  	_ =	swait.ge [sflag:s1], $0x7D0  }
0x4c: {  	s19 =	simm.s32 $0x2880;
	[sflag:s1] =	ssyncset.done $0x0  }
0x4d: {  	s7 =	simm.s32 $0x57D0;
	s22 =	simm.s32 $0x3;
	[sflag:s1] =	ssyncadd.s32 $0xFFFFF830  }
0x4e: {  	[spmem:s2] =	stream.indirect.scatter.add.f32 [tilespmem:s7], [sflag:$0xC], $0x10, s19, s12, $0xb8;
	[tilespmem:$0xEE20] =	vst v63  }
0x4f: {  	_ =	swait.ge [sflag:s22], $0x7D0  }
0x50: {  	s24 =	simm.s32 $0x2900;
	[sflag:s22] =	ssyncset.done $0x0  }
0x51: {  	s26 =	simm.s32 $0x4;
	s1 =	simm.s32 $0x5FA0;
	[sflag:s22] =	ssyncadd.s32 $0xFFFFF830  }
0x52: {  	[spmem:s2] =	stream.indirect.scatter.add.f32 [tilespmem:s1], [sflag:$0xD], $0x10, s24, s12, $0xb8;
	[tilespmem:$0xEE20] =	vst v63  }
0x53: {  	_ =	swait.ge [sflag:s26], $0x7D0  }
0x54: {  	s29 =	simm.s32 $0x2980;
	[sflag:s26] =	ssyncset.done $0x0  }
0x55: {  	s13 =	simm.s32 $0x6770;
	s31 =	simm.s32 $0x5;
	[sflag:s26] =	ssyncadd.s32 $0xFFFFF830  }
0x56: {  	[spmem:s2] =	stream.indirect.scatter.add.f32 [tilespmem:s13], [sflag:$0xE], $0x10, s29, s12, $0xb8;
	[tilespmem:$0xEE20] =	vst v63  }
0x57: {  	_ =	swait.ge [sflag:s31], $0x7D0  }
0x58: {  	s6 =	simm.s32 $0x2A00;
	[sflag:s31] =	ssyncset.done $0x0  }
0x59: {  	s14 =	simm.s32 $0x6F40;
	s11 =	simm.s32 $0x6;
	[sflag:s31] =	ssyncadd.s32 $0xFFFFF830  }
0x5a: {  	[spmem:s2] =	stream.indirect.scatter.add.f32 [tilespmem:s14], [sflag:$0xF], $0x10, s6, s12, $0xb8;
	[tilespmem:$0xEE20] =	vst v63  }
0x5b: {  	_ =	swait.ge [sflag:s11], $0x7D0  }
0x5c: {  	s16 =	simm.s32 $0x2A80;
	[sflag:s11] =	ssyncset.done $0x0  }
0x5d: {  	s18 =	simm.s32 $0x7;
	[sflag:s11] =	ssyncadd.s32 $0xFFFFF830;
	s11 =	simm.s32 $0x7710  }
0x5e: {  	[spmem:s2] =	stream.indirect.scatter.add.f32 [tilespmem:s11], [sflag:$0x10], $0x10, s16, s12, $0xb8;
	[tilespmem:$0xEE20] =	vst v63  }
0x5f: {  	_ =	swait.ge [sflag:s18], $0x7D0  }
0x60: {  	s19 =	simm.s32 $0x2B00;
	[sflag:s18] =	ssyncset.done $0x0  }
0x61: {  	s22 =	simm.s32 $0x8;
	s6 =	simm.s32 $0x7EE0;
	[sflag:s18] =	ssyncadd.s32 $0xFFFFF830  }
0x62: {  	[spmem:s2] =	stream.indirect.scatter.add.f32 [tilespmem:s6], [sflag:$0x11], $0x10, s19, s12, $0xb8;
	[tilespmem:$0xEE20] =	vst v63  }
0x63: {  	_ =	swait.ge [sflag:s22], $0x7D0  }
0x64: {  	[sflag:s22] =	ssyncset.done $0x0  }
0x65: {  	s24 =	simm.s32 $0x2B80;
	s18 =	simm.s32 $0x86B0;
	[sflag:s22] =	ssyncadd.s32 $0xFFFFF830  }
0x66: {  	[spmem:s2] =	stream.indirect.scatter.add.f32 [tilespmem:s18], [sflag:$0x12], $0x10, s24, s12, $0xb8;
	[tilespmem:$0xEE20] =	vst v63  }
0x67: {  	_ =	swait.ge [sflag:s8], $0x7D0  }
0x68: {  	[sflag:s8] =	ssyncset.done $0x0  }
0x69: {  	s26 =	simm.s32 $0x2C00;
	s19 =	simm.s32 $0x8E80;
	[sflag:s8] =	ssyncadd.s32 $0xFFFFF830  }
0x6a: {  	[spmem:s2] =	stream.indirect.scatter.add.f32 [tilespmem:s19], [sflag:$0x13], $0x10, s26, s12, $0xb8;
	[tilespmem:$0xEE20] =	vst v63  }
0x6b: {  	_ =	swait.ge [sflag:s9], $0x7D0  }
0x6c: {  	[sflag:s9] =	ssyncset.done $0x0  }
0x6d: {  	s29 =	simm.s32 $0x2C80;
	[sflag:s9] =	ssyncadd.s32 $0xFFFFF830  }
0x6e: {  	[spmem:s2] =	stream.indirect.scatter.add.f32 [tilespmem:s20], [sflag:$0x14], $0x10, s29, s12, $0xb8;
	[tilespmem:$0xEE20] =	vst v63  }
0x6f: {  	_ =	swait.ge [sflag:s5], $0x7D0  }
0x70: {  	[sflag:s5] =	ssyncset.done $0x0  }
0x71: {  	s3 =	simm.s32 $0xC;
	s31 =	simm.s32 $0x500;
	[sflag:s5] =	ssyncadd.s32 $0xFFFFF830  }
0x72: {  	[tilespmem:s0], [sflag:$0x1] =	stream.indirect.gather [hbm4b:s4+s12], $0x10, s31, s12, $0xb8;
	[tilespmem:$0xEE20] =	vst v63  }
0x73: {  	_ =	swait.ge [sflag:s3], $0x7D0  }
0x74: {  	[sflag:s3] =	ssyncset.done $0x0  }
0x75: {  	s0 =	simm.s32 $0x580;
	[sflag:s3] =	ssyncadd.s32 $0xFFFFF830  }
0x76: {  	[tilespmem:s7], [sflag:$0x2] =	stream.indirect.gather [hbm4b:s4+s12], $0x10, s0, s12, $0xb8;
	[tilespmem:$0xEE20] =	vst v63  }
0x77: {  	s7 =	simm.s32 $0xD  }
0x78: {  	_ =	swait.ge [sflag:s7], $0x7D0  }
0x79: {  	[sflag:s7] =	ssyncset.done $0x0  }
0x7a: {  	s16 =	simm.s32 $0x600;
	[sflag:s7] =	ssyncadd.s32 $0xFFFFF830  }
0x7b: {  	[tilespmem:s1], [sflag:$0x3] =	stream.indirect.gather [hbm4b:s4+s12], $0x10, s16, s12, $0xb8;
	[tilespmem:$0xEE20] =	vst v63  }
0x7c: {  	_ =	swait.ge [sflag:s10], $0x7D0  }
0x7d: {  	[sflag:s10] =	ssyncset.done $0x0  }
0x7e: {  	s20 =	simm.s32 $0x680;
	[sflag:s10] =	ssyncadd.s32 $0xFFFFF830  }
0x7f: {  	[tilespmem:s13], [sflag:$0x4] =	stream.indirect.gather [hbm4b:s4+s12], $0x10, s20, s12, $0xb8;
	[tilespmem:$0xEE20] =	vst v63  }
0x80: {  	s13 =	simm.s32 $0xF  }
0x81: {  	_ =	swait.ge [sflag:s13], $0x7D0  }
0x82: {  	[sflag:s13] =	ssyncset.done $0x0  }
0x83: {  	s22 =	simm.s32 $0x700;
	[sflag:s13] =	ssyncadd.s32 $0xFFFFF830  }
0x84: {  	[tilespmem:s14], [sflag:$0x5] =	stream.indirect.gather [hbm4b:s4+s12], $0x10, s22, s12, $0xb8;
	[tilespmem:$0xEE20] =	vst v63  }
0x85: {  	_ =	swait.ge [sflag:s15], $0x7D0  }
0x86: {  	[sflag:s15] =	ssyncset.done $0x0  }
0x87: {  	s24 =	simm.s32 $0x780;
	[sflag:s15] =	ssyncadd.s32 $0xFFFFF830  }
0x88: {  	[tilespmem:s11], [sflag:$0x6] =	stream.indirect.gather [hbm4b:s4+s12], $0x10, s24, s12, $0xb8;
	[tilespmem:$0xEE20] =	vst v63  }
0x89: {  	_ =	swait.ge [sflag:s23], $0x7D0  }
0x8a: {  	[sflag:s23] =	ssyncset.done $0x0  }
0x8b: {  	s26 =	simm.s32 $0x800;
	[sflag:s23] =	ssyncadd.s32 $0xFFFFF830  }
0x8c: {  	[tilespmem:s6], [sflag:$0x7] =	stream.indirect.gather [hbm4b:s4+s12], $0x10, s26, s12, $0xb8;
	[tilespmem:$0xEE20] =	vst v63  }
0x8d: {  	_ =	swait.ge [sflag:s25], $0x7D0  }
0x8e: {  	[sflag:s25] =	ssyncset.done $0x0  }
0x8f: {  	s29 =	simm.s32 $0x880;
	[sflag:s25] =	ssyncadd.s32 $0xFFFFF830  }
0x90: {  	[tilespmem:s18], [sflag:$0x8] =	stream.indirect.gather [hbm4b:s4+s12], $0x10, s29, s12, $0xb8;
	[tilespmem:$0xEE20] =	vst v63  }
0x91: {  	_ =	swait.ge [sflag:s28], $0x7D0  }
0x92: {  	[sflag:s28] =	ssyncset.done $0x0  }
0x93: {  	s31 =	simm.s32 $0x900;
	[sflag:s28] =	ssyncadd.s32 $0xFFFFF830  }
0x94: {  	[tilespmem:s19], [sflag:$0x9] =	stream.indirect.gather [hbm4b:s4+s12], $0x10, s31, s12, $0xb8;
	[tilespmem:$0xEE20] =	vst v63  }
0x95: {  	_ =	swait.ge [sflag:s30], $0x7D0  }
0x96: {  	s17 =	simm.s32 $0x1400;
	[sflag:s30] =	ssyncset.done $0x0  }
0x97: {  	s22 =	simm.s32 $0x9650;
	s19 =	simm.s32 $0x980;
	[sflag:s30] =	ssyncadd.s32 $0xFFFFF830  }
.LBB2_4:
0x98: {  	[tilespmem:s22], [sflag:$0xA] =	stream.indirect.gather [hbm4b:s4+s12], $0x10, s19, s12, $0xb8;
	[tilespmem:$0xEE20] =	vst v63  }
0x99: {  	s19 =	smov.u32 s17;
	p0 =	sne.s32 s17, $0x7800  }
0x9a: {  	s17 =	sadd.s32 $0x1400, s17;
	s20 =	simm.s32 $0x8E80;
	_ =	swait.ge [sflag:s21], $0x7D0  }
0x9b: {  	s14 =	simm.s32 $0x5000;
	s19 =	sshra.s32 s19, $0x2;
	[sflag:s21] =	ssyncset.done $0x0  }
0x9c: {  	s0 =	simm.s32 $0x2;
	[sflag:s21] =	ssyncadd.s32 $0xFFFFF830;
	s21 =	sadd.s32 $0x2800, s19  }
0x9d: {  	[spmem:s2] =	stream.indirect.scatter.add.f32 [tilespmem:s14], [sflag:$0xB], $0x10, s21, s12, $0xb8;
	[tilespmem:$0xEE20] =	vst v63  }
0x9e: {  	_ =	swait.ge [sflag:s0], $0x7D0  }
0x9f: {  	s26 =	simm.s32 $0x57D0;
	[sflag:s0] =	ssyncset.done $0x0  }
0xa0: {  	s21 =	sadd.s32 $0x2880, s19;
	[sflag:s0] =	ssyncadd.s32 $0xFFFFF830;
	s0 =	simm.s32 $0x3  }
0xa1: {  	[spmem:s2] =	stream.indirect.scatter.add.f32 [tilespmem:s26], [sflag:$0xC], $0x10, s21, s12, $0xb8;
	[tilespmem:$0xEE20] =	vst v63  }
0xa2: {  	_ =	swait.ge [sflag:s0], $0x7D0  }
0xa3: {  	s1 =	simm.s32 $0x5FA0;
	[sflag:s0] =	ssyncset.done $0x0  }
0xa4: {  	s21 =	sadd.s32 $0x2900, s19;
	[sflag:s0] =	ssyncadd.s32 $0xFFFFF830;
	s0 =	simm.s32 $0x4  }
0xa5: {  	[spmem:s2] =	stream.indirect.scatter.add.f32 [tilespmem:s1], [sflag:$0xD], $0x10, s21, s12, $0xb8;
	[tilespmem:$0xEE20] =	vst v63  }
0xa6: {  	_ =	swait.ge [sflag:s0], $0x7D0  }
0xa7: {  	s29 =	simm.s32 $0x6770;
	[sflag:s0] =	ssyncset.done $0x0  }
0xa8: {  	s21 =	sadd.s32 $0x2980, s19;
	[sflag:s0] =	ssyncadd.s32 $0xFFFFF830;
	s0 =	simm.s32 $0x5  }
0xa9: {  	[spmem:s2] =	stream.indirect.scatter.add.f32 [tilespmem:s29], [sflag:$0xE], $0x10, s21, s12, $0xb8;
	[tilespmem:$0xEE20] =	vst v63  }
0xaa: {  	_ =	swait.ge [sflag:s0], $0x7D0  }
0xab: {  	s31 =	simm.s32 $0x6F40;
	[sflag:s0] =	ssyncset.done $0x0  }
0xac: {  	s21 =	sadd.s32 $0x2A00, s19;
	[sflag:s0] =	ssyncadd.s32 $0xFFFFF830;
	s0 =	simm.s32 $0x6  }
0xad: {  	[spmem:s2] =	stream.indirect.scatter.add.f32 [tilespmem:s31], [sflag:$0xF], $0x10, s21, s12, $0xb8;
	[tilespmem:$0xEE20] =	vst v63  }
0xae: {  	_ =	swait.ge [sflag:s0], $0x7D0  }
0xaf: {  	s11 =	simm.s32 $0x7710;
	[sflag:s0] =	ssyncset.done $0x0  }
0xb0: {  	s21 =	sadd.s32 $0x2A80, s19;
	[sflag:s0] =	ssyncadd.s32 $0xFFFFF830;
	s0 =	simm.s32 $0x7  }
0xb1: {  	[spmem:s2] =	stream.indirect.scatter.add.f32 [tilespmem:s11], [sflag:$0x10], $0x10, s21, s12, $0xb8;
	[tilespmem:$0xEE20] =	vst v63  }
0xb2: {  	_ =	swait.ge [sflag:s0], $0x7D0  }
0xb3: {  	s6 =	simm.s32 $0x7EE0;
	[sflag:s0] =	ssyncset.done $0x0  }
0xb4: {  	s21 =	sadd.s32 $0x2B00, s19;
	[sflag:s0] =	ssyncadd.s32 $0xFFFFF830;
	s0 =	simm.s32 $0x8  }
0xb5: {  	[spmem:s2] =	stream.indirect.scatter.add.f32 [tilespmem:s6], [sflag:$0x11], $0x10, s21, s12, $0xb8;
	[tilespmem:$0xEE20] =	vst v63  }
0xb6: {  	_ =	swait.ge [sflag:s0], $0x7D0  }
0xb7: {  	[sflag:s0] =	ssyncset.done $0x0  }
0xb8: {  	s21 =	sadd.s32 $0x2B80, s19;
	[sflag:s0] =	ssyncadd.s32 $0xFFFFF830  }
0xb9: {  	[spmem:s2] =	stream.indirect.scatter.add.f32 [tilespmem:s18], [sflag:$0x12], $0x10, s21, s12, $0xb8;
	[tilespmem:$0xEE20] =	vst v63  }
0xba: {  	_ =	swait.ge [sflag:s8], $0x7D0  }
0xbb: {  	[sflag:s8] =	ssyncset.done $0x0  }
0xbc: {  	s21 =	sadd.s32 $0x2C00, s19;
	[sflag:s8] =	ssyncadd.s32 $0xFFFFF830  }
0xbd: {  	[spmem:s2] =	stream.indirect.scatter.add.f32 [tilespmem:s20], [sflag:$0x13], $0x10, s21, s12, $0xb8;
	[tilespmem:$0xEE20] =	vst v63  }
0xbe: {  	_ =	swait.ge [sflag:s9], $0x7D0  }
0xbf: {  	[sflag:s9] =	ssyncset.done $0x0  }
0xc0: {  	s21 =	sadd.s32 $0x2C80, s19;
	[sflag:s9] =	ssyncadd.s32 $0xFFFFF830  }
0xc1: {  	[spmem:s2] =	stream.indirect.scatter.add.f32 [tilespmem:s22], [sflag:$0x14], $0x10, s21, s12, $0xb8;
	[tilespmem:$0xEE20] =	vst v63  }
0xc2: {  	_ =	swait.ge [sflag:s5], $0x7D0  }
0xc3: {  	[sflag:s5] =	ssyncset.done $0x0  }
0xc4: {  	s0 =	simm.s32 $0x5000;
	s21 =	sadd.s32 $0x500, s19;
	[sflag:s5] =	ssyncadd.s32 $0xFFFFF830  }
0xc5: {  	[tilespmem:s14], [sflag:$0x1] =	stream.indirect.gather [hbm4b:s4+s12], $0x10, s21, s12, $0xb8;
	[tilespmem:$0xEE20] =	vst v63  }
0xc6: {  	_ =	swait.ge [sflag:s3], $0x7D0  }
0xc7: {  	[sflag:s3] =	ssyncset.done $0x0  }
0xc8: {  	s24 =	simm.s32 $0x57D0;
	s21 =	sadd.s32 $0x580, s19;
	[sflag:s3] =	ssyncadd.s32 $0xFFFFF830  }
0xc9: {  	[tilespmem:s26], [sflag:$0x2] =	stream.indirect.gather [hbm4b:s4+s12], $0x10, s21, s12, $0xb8;
	[tilespmem:$0xEE20] =	vst v63  }
0xca: {  	_ =	swait.ge [sflag:s7], $0x7D0  }
0xcb: {  	[sflag:s7] =	ssyncset.done $0x0  }
0xcc: {  	s21 =	sadd.s32 $0x600, s19;
	s26 =	simm.s32 $0x5FA0;
	[sflag:s7] =	ssyncadd.s32 $0xFFFFF830  }
0xcd: {  	[tilespmem:s1], [sflag:$0x3] =	stream.indirect.gather [hbm4b:s4+s12], $0x10, s21, s12, $0xb8;
	[tilespmem:$0xEE20] =	vst v63  }
0xce: {  	_ =	swait.ge [sflag:s10], $0x7D0  }
0xcf: {  	[sflag:s10] =	ssyncset.done $0x0  }
0xd0: {  	s16 =	simm.s32 $0x6770;
	s21 =	sadd.s32 $0x680, s19;
	[sflag:s10] =	ssyncadd.s32 $0xFFFFF830  }
0xd1: {  	[tilespmem:s29], [sflag:$0x4] =	stream.indirect.gather [hbm4b:s4+s12], $0x10, s21, s12, $0xb8;
	[tilespmem:$0xEE20] =	vst v63  }
0xd2: {  	_ =	swait.ge [sflag:s13], $0x7D0  }
0xd3: {  	[sflag:s13] =	ssyncset.done $0x0  }
0xd4: {  	s21 =	sadd.s32 $0x700, s19;
	s29 =	simm.s32 $0x6F40;
	[sflag:s13] =	ssyncadd.s32 $0xFFFFF830  }
0xd5: {  	[tilespmem:s31], [sflag:$0x5] =	stream.indirect.gather [hbm4b:s4+s12], $0x10, s21, s12, $0xb8;
	[tilespmem:$0xEE20] =	vst v63  }
0xd6: {  	_ =	swait.ge [sflag:s15], $0x7D0  }
0xd7: {  	[sflag:s15] =	ssyncset.done $0x0  }
0xd8: {  	s21 =	sadd.s32 $0x780, s19;
	s31 =	simm.s32 $0x7710;
	[sflag:s15] =	ssyncadd.s32 $0xFFFFF830  }
0xd9: {  	[tilespmem:s11], [sflag:$0x6] =	stream.indirect.gather [hbm4b:s4+s12], $0x10, s21, s12, $0xb8;
	[tilespmem:$0xEE20] =	vst v63  }
0xda: {  	_ =	swait.ge [sflag:s23], $0x7D0  }
0xdb: {  	[sflag:s23] =	ssyncset.done $0x0  }
0xdc: {  	s21 =	sadd.s32 $0x800, s19;
	s11 =	simm.s32 $0x7EE0;
	[sflag:s23] =	ssyncadd.s32 $0xFFFFF830  }
0xdd: {  	[tilespmem:s6], [sflag:$0x7] =	stream.indirect.gather [hbm4b:s4+s12], $0x10, s21, s12, $0xb8;
	[tilespmem:$0xEE20] =	vst v63  }
0xde: {  	_ =	swait.ge [sflag:s25], $0x7D0  }
0xdf: {  	[sflag:s25] =	ssyncset.done $0x0  }
0xe0: {  	s21 =	sadd.s32 $0x880, s19;
	[sflag:s25] =	ssyncadd.s32 $0xFFFFF830  }
0xe1: {  	[tilespmem:s18], [sflag:$0x8] =	stream.indirect.gather [hbm4b:s4+s12], $0x10, s21, s12, $0xb8;
	[tilespmem:$0xEE20] =	vst v63  }
0xe2: {  	_ =	swait.ge [sflag:s28], $0x7D0  }
0xe3: {  	[sflag:s28] =	ssyncset.done $0x0  }
0xe4: {  	s21 =	sadd.s32 $0x900, s19;
	[sflag:s28] =	ssyncadd.s32 $0xFFFFF830  }
0xe5: {  	[tilespmem:s20], [sflag:$0x9] =	stream.indirect.gather [hbm4b:s4+s12], $0x10, s21, s12, $0xb8;
	[tilespmem:$0xEE20] =	vst v63  }
.Ltmp1:
0xe6: {  	_ = 	snop;
	(pc) =	sbr.rel @p0 .LBB2_4-.Ltmp1, $4  }
0xe7: {  	s21 =	simm.s32 $0x1;
	s20 =	simm.s32 $0x8E80  }
0xe8: {  	_ =	swait.ge [sflag:s30], $0x7D0  }
0xe9: {  	[sflag:s30] =	ssyncset.done $0x0  }
0xea: {  	s19 =	sadd.s32 $0x980, s19;
	[sflag:s30] =	ssyncadd.s32 $0xFFFFF830  }
0xeb: {  	[tilespmem:s22], [sflag:$0xA] =	stream.indirect.gather [hbm4b:s4+s12], $0x10, s19, s12, $0xb8;
	[tilespmem:$0xEE20] =	vst v63  }
0xec: {  	_ =	swait.ge [sflag:s21], $0x7D0  }
0xed: {  	[sflag:s21] =	ssyncset.done $0x0  }
0xee: {  	s17 =	simm.s32 $0x4B00;
	s1 =	simm.s32 $0x2;
	[sflag:s21] =	ssyncadd.s32 $0xFFFFF830  }
0xef: {  	[spmem:s2] =	stream.indirect.scatter.add.f32 [tilespmem:s0], [sflag:$0xB], $0x10, s17, s12, $0xb8;
	[tilespmem:$0xEE20] =	vst v63  }
0xf0: {  	_ =	swait.ge [sflag:s1], $0x7D0  }
0xf1: {  	[sflag:s1] =	ssyncset.done $0x0  }
0xf2: {  	s14 =	simm.s32 $0x4B80;
	s19 =	simm.s32 $0x3;
	[sflag:s1] =	ssyncadd.s32 $0xFFFFF830  }
0xf3: {  	[spmem:s2] =	stream.indirect.scatter.add.f32 [tilespmem:s24], [sflag:$0xC], $0x10, s14, s12, $0xb8;
	[tilespmem:$0xEE20] =	vst v63  }
0xf4: {  	_ =	swait.ge [sflag:s19], $0x7D0  }
0xf5: {  	[sflag:s19] =	ssyncset.done $0x0  }
0xf6: {  	s21 =	simm.s32 $0x4;
	s14 =	simm.s32 $0x4C00;
	[sflag:s19] =	ssyncadd.s32 $0xFFFFF830  }
0xf7: {  	[spmem:s2] =	stream.indirect.scatter.add.f32 [tilespmem:s26], [sflag:$0xD], $0x10, s14, s12, $0xb8;
	[tilespmem:$0xEE20] =	vst v63  }
0xf8: {  	_ =	swait.ge [sflag:s21], $0x7D0  }
0xf9: {  	[sflag:s21] =	ssyncset.done $0x0  }
0xfa: {  	s6 =	simm.s32 $0x4C80;
	s14 =	simm.s32 $0x5;
	[sflag:s21] =	ssyncadd.s32 $0xFFFFF830  }
0xfb: {  	[spmem:s2] =	stream.indirect.scatter.add.f32 [tilespmem:s16], [sflag:$0xE], $0x10, s6, s12, $0xb8;
	[tilespmem:$0xEE20] =	vst v63  }
0xfc: {  	_ =	swait.ge [sflag:s14], $0x7D0  }
0xfd: {  	[sflag:s14] =	ssyncset.done $0x0  }
0xfe: {  	s17 =	simm.s32 $0x4D00;
	s19 =	simm.s32 $0x6;
	[sflag:s14] =	ssyncadd.s32 $0xFFFFF830  }
0xff: {  	[spmem:s2] =	stream.indirect.scatter.add.f32 [tilespmem:s29], [sflag:$0xF], $0x10, s17, s12, $0xb8;
	[tilespmem:$0xEE20] =	vst v63  }
0x100: {  	_ =	swait.ge [sflag:s19], $0x7D0  }
0x101: {  	[sflag:s19] =	ssyncset.done $0x0  }
0x102: {  	s21 =	simm.s32 $0x4D80;
	s6 =	simm.s32 $0x7;
	[sflag:s19] =	ssyncadd.s32 $0xFFFFF830  }
0x103: {  	[spmem:s2] =	stream.indirect.scatter.add.f32 [tilespmem:s31], [sflag:$0x10], $0x10, s21, s12, $0xb8;
	[tilespmem:$0xEE20] =	vst v63  }
0x104: {  	_ =	swait.ge [sflag:s6], $0x7D0  }
0x105: {  	[sflag:s6] =	ssyncset.done $0x0  }
0x106: {  	s14 =	simm.s32 $0x4E00;
	s17 =	simm.s32 $0x8;
	[sflag:s6] =	ssyncadd.s32 $0xFFFFF830  }
0x107: {  	[spmem:s2] =	stream.indirect.scatter.add.f32 [tilespmem:s11], [sflag:$0x11], $0x10, s14, s12, $0xb8;
	[tilespmem:$0xEE20] =	vst v63  }
0x108: {  	_ =	swait.ge [sflag:s17], $0x7D0  }
0x109: {  	[sflag:s17] =	ssyncset.done $0x0  }
0x10a: {  	s19 =	simm.s32 $0x4E80;
	[sflag:s17] =	ssyncadd.s32 $0xFFFFF830  }
0x10b: {  	[spmem:s2] =	stream.indirect.scatter.add.f32 [tilespmem:s18], [sflag:$0x12], $0x10, s19, s12, $0xb8;
	[tilespmem:$0xEE20] =	vst v63  }
0x10c: {  	_ =	swait.ge [sflag:s8], $0x7D0  }
0x10d: {  	[sflag:s8] =	ssyncset.done $0x0  }
0x10e: {  	s21 =	simm.s32 $0x4F00;
	[sflag:s8] =	ssyncadd.s32 $0xFFFFF830  }
0x10f: {  	[spmem:s2] =	stream.indirect.scatter.add.f32 [tilespmem:s20], [sflag:$0x13], $0x10, s21, s12, $0xb8;
	[tilespmem:$0xEE20] =	vst v63  }
0x110: {  	_ =	swait.ge [sflag:s9], $0x7D0  }
0x111: {  	[sflag:s9] =	ssyncset.done $0x0  }
0x112: {  	s6 =	simm.s32 $0x4F80;
	[sflag:s9] =	ssyncadd.s32 $0xFFFFF830  }
0x113: {  	[spmem:s2] =	stream.indirect.scatter.add.f32 [tilespmem:s22], [sflag:$0x14], $0x10, s6, s12, $0xb8;
	[tilespmem:$0xEE20] =	vst v63  }
0x114: {  	_ =	swait.ge [sflag:s5], $0x7D0  }
0x115: {  	[sflag:s5] =	ssyncset.done $0x0  }
0x116: {  	[sflag:s5] =	ssyncadd.s32 $0xFFFFF830  }
0x117: {  	_ =	swait.ge [sflag:s3], $0x7D0  }
0x118: {  	[sflag:s3] =	ssyncset.done $0x0  }
0x119: {  	[sflag:s3] =	ssyncadd.s32 $0xFFFFF830  }
0x11a: {  	_ =	swait.ge [sflag:s7], $0x7D0  }
0x11b: {  	[sflag:s7] =	ssyncset.done $0x0  }
0x11c: {  	[sflag:s7] =	ssyncadd.s32 $0xFFFFF830  }
0x11d: {  	_ =	swait.ge [sflag:s10], $0x7D0  }
0x11e: {  	[sflag:s10] =	ssyncset.done $0x0  }
0x11f: {  	[sflag:s10] =	ssyncadd.s32 $0xFFFFF830  }
0x120: {  	_ =	swait.ge [sflag:s13], $0x7D0  }
0x121: {  	[sflag:s13] =	ssyncset.done $0x0  }
0x122: {  	[sflag:s13] =	ssyncadd.s32 $0xFFFFF830  }
0x123: {  	_ =	swait.ge [sflag:s15], $0x7D0  }
0x124: {  	[sflag:s15] =	ssyncset.done $0x0  }
0x125: {  	[sflag:s15] =	ssyncadd.s32 $0xFFFFF830  }
0x126: {  	_ =	swait.ge [sflag:s23], $0x7D0  }
0x127: {  	[sflag:s23] =	ssyncset.done $0x0  }
0x128: {  	[sflag:s23] =	ssyncadd.s32 $0xFFFFF830  }
0x129: {  	_ =	swait.ge [sflag:s25], $0x7D0  }
0x12a: {  	[sflag:s25] =	ssyncset.done $0x0  }
0x12b: {  	[sflag:s25] =	ssyncadd.s32 $0xFFFFF830  }
0x12c: {  	_ =	swait.ge [sflag:s28], $0x7D0  }
0x12d: {  	[sflag:s28] =	ssyncset.done $0x0  }
0x12e: {  	[sflag:s28] =	ssyncadd.s32 $0xFFFFF830  }
0x12f: {  	_ =	swait.ge [sflag:s30], $0x7D0  }
0x130: {  	[sflag:s30] =	ssyncset.done $0x0  }
0x131: {  	[sflag:s30] =	ssyncadd.s32 $0xFFFFF830  }
0x132: {  	s7 =	stileid.u32;
	[bflag:$0x0] =	sbarrier.arrive $0xFFFF  }
0x133: {  	s21 =	simm.s32 $0x15;
	s17 =	sshll.u32 s7, $0x6;
	s3 =	rddreg [dreg:$0x6]  }
0x134: {  	s17 =	sor.u32 $0x1C15, s17;
	s14 =	rddreg [dreg:$0x7];
	s13 =	sshrl.u32 s3, $0x3  }
0x135: {  	[hbm:s14], [sflag:s17] =	dma.local [spmem:s13], $0x500  }
0x136: {  	_ =	swait.ge [sflag:s21], $0x500  }
0x137: {  	s17 =	rddreg [dreg:$0x9]  }
0x138: {  	s19 =	rddreg [dreg:$0x8];
	s1 =	sadd.s32 $0x1, s17  }
0x139: {  	p0 =	sne.s32 s1, s19  }
.Ltmp2:
0x13a: {  	_ = 	snop;
	(pc) =	sbr.rel @p0 .LBB2_1-.Ltmp2, $3  }
0x13b: {  	_ =	sdelay $0x1  }
0x13c: {  	[sflag:s21] =	ssyncset.done $0x0  }
0x13d: {  	s20 =	simm.s32 $0x8E80;
	[sflag:s21] =	ssyncadd.s32 $0xFFFFFB00  }
0x13e: {  	_ =	sfence.sel $0x180000  }
0x13f: {  	[bflag:$0x0] =	sbarrier.arrive $0xFFFF  }
0x140: {  	_ =	strace $0x9000004D  }
0x141: {  	s0 =	stileid.u32;
	[bflag:$0x2] =	sbarrier.arrive $0xFFFF  }
0x142: {  	p0 =	sne.s32 s0, $0x0;
	s0 =	rddreg [dreg:$0x3]  }
0x143: {  	s0 =	sadd.s32 @!p0 $0x100000, s0  }
0x144: {  	[sflag:s0] =	ssyncadd.tile.s32 @!p0 $0x1;
	_ =	shalt  }
.Lfunc_end2:
_tile_overlayer_lowered:
.L_overlay_start_2:
0x145: {  	(tag) =	ssettag $0x2  }
0x146: {  	s0 =	rddreg [dreg:$0x0];
	s2 =	stileid.u32  }
0x147: {  	s1 =	rddreg [dreg:$0x1];
	p0 =	sne.s32 s2, $0x0  }
0x148: {  	s3 =	rddreg [dreg:$0x2];
	[bflag:$0x3] =	sbarrier.arrive $0xFFFF;
	s2 =	simm.s32 @!p0 $0x1C15  }
0x149: {  	[timem:s3], [sflag:s2] =	dma.local @!p0 [hbm:s0], s1  }
0x14a: {  	s0 =	simm.s32 @!p0 $0x15  }
0x14b: {  	_ =	swait.ge @!p0 [sflag:s0], s1  }
0x14c: {  	s1 =	ssub.s32 @!p0 $0x0, s1;
	[sflag:s0] =	ssyncset.done @!p0 $0x0  }
0x14d: {  	[sflag:s0] =	ssyncadd.s32 @!p0 s1  }
0x14e: {  	[bflag:$0x3] =	sbarrier.arrive $0xFFFF  }
0x14f: {  	_ =	shalt  }

// kernel: kernel.7.cloned.1.call-start
scs
__scs_entry_jumppad:
0x0: {  	(pc) =	sbr.rel $0x88, $3  }
0x1: {  	(tag) =	ssettag $0x0;
	lr =	simm.s32 $0x1  }
0x2: {  	[smem:$0x3F9B] =	sst lr;
	_ =	strace $0xD0000000  }
0x3: {  	_ = 	snop  }
0x4: {  	_ = 	snop  }
0x5: {  	_ = 	snop  }
0x6: {  	_ = 	snop  }
0x7: {  	_ = 	snop  }
__scs_overlays_trampoline_lowered:
0x8: {  	[smem:$0x3FAA] =	sst s0  }
0x9: {  	[smem:$0x3FAB] =	sst s1  }
0xa: {  	[smem:$0x3FAC] =	sst s2  }
0xb: {  	[smem:$0x3FAD] =	sst s3  }
0xc: {  	[smem:$0x3FAE] =	sst s4  }
0xd: {  	[smem:$0x3FAF] =	sst s5  }
0xe: {  	[smem:$0x3FB0] =	sst s6  }
0xf: {  	[smem:$0x3FB1] =	sst s7  }
0x10: {  	[smem:$0x3FB2] =	sst s8  }
0x11: {  	[smem:$0x3FB3] =	sst s9;
	s0 =	simm.s32 @!p0 $0x0  }
0x12: {  	s1 =	sld [smem:$0x3F99];
	s0 =	simm.s32 @p0 $0x1  }
0x13: {  	[smem:$0x3FB4] =	sst s0;
	s0 =	simm.s32 @!p1 $0x0  }
0x14: {  	s2 =	sld [smem:$0x3F98];
	s0 =	simm.s32 @p1 $0x1  }
0x15: {  	[smem:$0x3FB5] =	sst s0;
	s0 =	simm.s32 @!p2 $0x0  }
0x16: {  	s3 =	sld [smem:$0x3FDB];
	s0 =	simm.s32 @p2 $0x1  }
0x17: {  	s4 =	simm.s32 $0x1BF5;
	[smem:$0x3FB7] =	sst s0  }
0x18: {  	s0 =	sld [smem:$0x3F9A];
	_ =	swait.ge [sflag:s4], $0x0  }
0x19: {  	s7 =	sld [smem:$0x3F9B]  }
0x1a: {  	s8 =	sadd.s32 $0xFFFFE003, lr  }
0x1b: {  	s9 =	sadd.s32 $0xFFFFFEF7, lr;
	s5 =	simm.s32 $0xFFFFFFFF;
	p2 =	slt.u32 s8, $0xFFFFF086  }
0x1c: {  	p1 =	slt.u32 s9, $0xF7A;
	s5 =	simm.s32 @!p2 $0x0  }
0x1d: {  	s5 =	simm.s32 @p1 $0x1;
	p0 =	seq.s32 s7, s2  }
0x1e: {  	s7 =	smul.u32 @!p0 $0xF7A, s2;
	p2 =	seq.s32 @!p0 s5, $0x0  }
0x1f: {  	s9 =	smul.u32 $0xF7A, s1;
	s8 =	simm.s32 @!p0 $0x1BF5;
	p2 =	por !p2, p0  }
0x20: {  	[sflag:s8] =	ssyncset.s32 @!p0 $0xFFFFF086;
	s6 =	sadd.s32 @!p0 s3, s7;
	s7 =	simm.s32 @!p0 $0x108  }
0x21: {  	s3 =	sadd.s32 s3, s9;
	s6 =	sadd.s32 @!p0 $0x88, s6;
	s7 =	simm.s32 @p2 $0x1082  }
0x22: {  	[simem:s7], [sflag:s8] =	dma.local @!p0 [hbm:s6], $0xF7A  }
0x23: {  	s9 =	sor.u32 $0xD0000000, s2;
	s6 =	simm.s32 $0x108;
	_ =	swait.ge @!p0 [sflag:s8], $0x0  }
0x24: {  	s3 =	sadd.s32 $0x88, s3;
	s6 =	simm.s32 @!p1 $0x1082;
	[sflag:s4] =	ssyncset.s32 $0xFFFFF086  }
0x25: {  	[simem:s6], [sflag:s4] =	dma.local [hbm:s3], $0xF7A  }
0x26: {  	[smem:$0x3F9B] =	sst s1;
	(tag) =	ssettag s2;
	_ =	strace s9  }
0x27: {  	s1 =	sld [smem:$0x3FAB]  }
0x28: {  	s2 =	sld [smem:$0x3FAC]  }
0x29: {  	s4 =	sld [smem:$0x3FAE]  }
0x2a: {  	p0 =	seq.s32 s5, $0x0;
	s5 =	sld [smem:$0x3FAF]  }
0x2b: {  	s6 =	sld [smem:$0x3FB0]  }
0x2c: {  	s7 =	sld [smem:$0x3FB1]  }
0x2d: {  	s3 =	simm.s32 $0x108;
	s8 =	sld [smem:$0x3FB2]  }
0x2e: {  	s3 =	simm.s32 @!p0 $0x1082;
	s9 =	sld [smem:$0x3FB3]  }
0x2f: {  	lr =	sadd.s32 s0, s3;
	s0 =	sld [smem:$0x3FAA]  }
0x30: {  	s3 =	sld [smem:$0x3FAD]  }
0x31: {  	[smem:$0x3FB6] =	sst s10  }
0x32: {  	s10 =	sld [smem:$0x3FB4];
	_ =	sdelay $0x3  }
0x33: {  	p0 =	seq.s32 s10, $0x1;
	s10 =	sld [smem:$0x3FB6];
	_ =	sdelay $0x3  }
0x34: {  	[smem:$0x3FB6] =	sst s10  }
0x35: {  	s10 =	sld [smem:$0x3FB5];
	_ =	sdelay $0x3  }
0x36: {  	p1 =	seq.s32 s10, $0x1;
	s10 =	sld [smem:$0x3FB6];
	_ =	sdelay $0x3  }
0x37: {  	[smem:$0x3FB6] =	sst s10  }
0x38: {  	s10 =	sld [smem:$0x3FB7]  }
0x39: {  	_ = 	snop;
	(pc) =	sbr.ind lr, $3  }
0x3a: {  	_ = 	snop  }
0x3b: {  	_ = 	snop  }
0x3c: {  	p2 =	seq.s32 s10, $0x1;
	s10 =	sld [smem:$0x3FB6]  }
0x3d: {  	_ =	shalt  }
0x3e: {  	_ =	shalt  }
0x3f: {  	_ =	shalt  }
0x40: {  	_ =	shalt  }
0x41: {  	_ =	shalt  }
0x42: {  	_ =	shalt  }
0x43: {  	_ =	shalt  }
0x44: {  	_ =	shalt  }
0x45: {  	_ =	shalt  }
0x46: {  	_ =	shalt  }
0x47: {  	_ =	shalt  }
0x48: {  	_ =	shalt  }
0x49: {  	_ =	shalt  }
0x4a: {  	_ =	shalt  }
0x4b: {  	_ =	shalt  }
0x4c: {  	_ =	shalt  }
0x4d: {  	_ =	shalt  }
0x4e: {  	_ =	shalt  }
0x4f: {  	_ =	shalt  }
0x50: {  	_ =	shalt  }
0x51: {  	_ =	shalt  }
0x52: {  	_ =	shalt  }
0x53: {  	_ =	shalt  }
0x54: {  	_ =	shalt  }
0x55: {  	_ =	shalt  }
0x56: {  	_ =	shalt  }
0x57: {  	_ =	shalt  }
0x58: {  	_ =	shalt  }
0x59: {  	_ =	shalt  }
0x5a: {  	_ =	shalt  }
0x5b: {  	_ =	shalt  }
0x5c: {  	_ =	shalt  }
0x5d: {  	_ =	shalt  }
0x5e: {  	_ =	shalt  }
0x5f: {  	_ =	shalt  }
0x60: {  	_ =	shalt  }
0x61: {  	_ =	shalt  }
0x62: {  	_ =	shalt  }
0x63: {  	_ =	shalt  }
0x64: {  	_ =	shalt  }
0x65: {  	_ =	shalt  }
0x66: {  	_ =	shalt  }
0x67: {  	_ =	shalt  }
0x68: {  	_ =	shalt  }
0x69: {  	_ =	shalt  }
0x6a: {  	_ =	shalt  }
0x6b: {  	_ =	shalt  }
0x6c: {  	_ =	shalt  }
0x6d: {  	_ =	shalt  }
0x6e: {  	_ =	shalt  }
0x6f: {  	_ =	shalt  }
0x70: {  	_ =	shalt  }
0x71: {  	_ =	shalt  }
0x72: {  	_ =	shalt  }
0x73: {  	_ =	shalt  }
0x74: {  	_ =	shalt  }
0x75: {  	_ =	shalt  }
0x76: {  	_ =	shalt  }
0x77: {  	_ =	shalt  }
0x78: {  	_ =	shalt  }
0x79: {  	_ =	shalt  }
0x7a: {  	_ =	shalt  }
0x7b: {  	_ =	shalt  }
0x7c: {  	_ =	shalt  }
0x7d: {  	_ =	shalt  }
0x7e: {  	_ =	shalt  }
0x7f: {  	_ =	shalt  }
0x80: {  	_ =	shalt  }
0x81: {  	_ =	shalt  }
0x82: {  	_ =	shalt  }
0x83: {  	_ =	shalt  }
0x84: {  	_ =	shalt  }
0x85: {  	_ =	shalt  }
0x86: {  	_ =	shalt  }
0x87: {  	_ =	shalt  }
.Lfunc_end0:
.L_simem_size_0:
called_computation_lowered:
.L_overlay_start_0:
0x88: {  	s2 =	sld [smem:$0x3FD9]  }
0x89: {  	s3 =	sld [smem:$0x3FFE];
	_ =	sdelay $0x1  }
0x8a: {  	s1 =	srdreg.scid  }
0x8b: {  	s0 =	sand.u32 $0x1, s1  }
0x8c: {  	s17 =	sshll.u32 s0, $0xA;
	s2 =	sadd.s32 s3, s2  }
0x8d: {  	s2 =	sadd.s32 s2, s17  }
0x8e: {  	[smem:$0x3FC2] =	sst s2  }
0x8f: {  	_ = 	snop  }
0x90: {  	s2 =	sld [smem:$0x3FD0];
	(tm) =	ssettm $0x1  }
0x91: {  	s18 =	sld [smem:$0x3FFB];
	_ =	sdelay $0x3  }
0x92: {  	_ =	strace s18  }
0x93: {  	s3 =	sld [smem:$0x3FFC];
	_ =	sdelay $0x3  }
0x94: {  	_ =	strace s3  }
0x95: {  	s3 =	sld [smem:$0x3FFD];
	_ =	sdelay $0x3  }
0x96: {  	_ =	strace s3  }
0x97: {  	_ =	strace $0x8FFFFFFF  }
0x98: {  	s19 =	sld [smem:$0x3FDB];
	_ =	sdelay $0x1  }
0x99: {  	s4 =	simm.s32 $_scs_section_size  }
0x9a: {  	s5 =	simm.s32 $_size__tile_overlayer_lowered;
	s6 =	simm.s32 $_tile_overlayer_lowered  }
0x9b: {  	s22 =	simm.s32 $0x1BFF;
	s21 =	sshll.u32 s6, $0x1;
	s3 =	sadd.s32 s4, s19  }
0x9c: {  	s7 =	simm.s32 $0x0;
	s20 =	sshll.u32 s5, $0x1;
	s5 =	sadd.s32 s21, s3  }
0x9d: {  	[timem:s7], [sflag:s22] =	dma.local [hbm:s5], s20  }
0x9e: {  	_ =	swait.ge [sflag:s22], s20  }
0x9f: {  	s4 =	ssub.s32 $0x0, s20;
	[sflag:s22] =	ssyncset.done $0x0  }
0xa0: {  	[sflag:s22] =	ssyncadd.s32 s4;
	_ =	sdelay $0x1  }
0xa1: {  	s23 =	simm.s32 $0x1B8B  }
0xa2: {  	_ =	swait.ge [sflag:s23], $0x1  }
0xa3: {  	[sflag:s23] =	ssyncset.done $0x0  }
0xa4: {  	s25 =	simm.s32 $0x1B8E;
	s24 =	sld [smem:$0x3FFE];
	[sflag:s23] =	ssyncadd.s32 $0xFFFFFFFF  }
0xa5: {  	s26 =	simm.s32 $execute0_lowered;
	[smem:$0x3FD2] =	sst s25  }
0xa6: {  	s5 =	sshll.u32 s26, $0x1;
	_ =	strace $0x80000046;
	[dreg:$0x1] =	wrdreg $0xFFFFFFFF  }
0xa7: {  	s28 =	simm.s32 $_size_execute0_lowered;
	s3 =	sadd.s32 s3, s5;
	[dreg:$0x0] =	wrdreg $0x0  }
0xa8: {  	s5 =	sshll.u32 s28, $0x1;
	[dreg:$0x2] =	wrdreg s3  }
0xa9: {  	[dreg:$0x3] =	wrdreg s5  }
0xaa: {  	[dreg:$0x4] =	wrdreg $0xC0  }
0xab: {  	_ =	task [dreg:s7], $0x5FFFF  }
0xac: {  	[dreg:$0x1] =	wrdreg $0xFFFFFFFF  }
0xad: {  	[dreg:$0x0] =	wrdreg $0x60  }
0xae: {  	[dreg:$0x2] =	wrdreg s24  }
0xaf: {  	[dreg:$0x3] =	wrdreg s2  }
0xb0: {  	[dreg:$0x4] =	wrdreg $0xC6200  }
0xb1: {  	[dreg:$0x5] =	wrdreg $0x9  }
0xb2: {  	_ =	task.clear_ibuf [dreg:s7], $0x6FFFF;
	_ =	strace $0x90000046  }
0xb3: {  	s29 =	simm.s32 $0x9;
	_ =	strace $0x80000048  }
0xb4: {  	_ =	swait.ge [sflag:s29], $0x1  }
0xb5: {  	[sflag:s29] =	ssyncadd.s32 $0xFFFFFFFF  }
0xb6: {  	_ =	strace $0x90000048  }
0xb7: {  	_ =	sfence  }
0xb8: {  	s30 =	sld [smem:$0x0];
	_ =	sdelay $0x2  }
0xb9: {  	s31 =	sshll.u32 s1, $0xD;
	s1 =	sshrl.u32 s1, $0x2  }
0xba: {  	s3 =	sand.u32 $0x4000, s31;
	s1 =	sadd.s32 s1, s30  }
0xbb: {  	s0 =	sor.u32 s3, s0;
	s1 =	sshll.u32 s1, $0x11  }
0xbc: {  	s0 =	sor.u32 s1, s0  }
0xbd: {  	s0 =	sadd.s32 $0x8F2B, s0  }
0xbe: {  	[sflag:s0] =	ssyncadd.remote.s32 $0x1  }
0xbf: {  	_ =	sfence.sel $0xFFFF  }
0xc0: {  	[dreg:$0x0] =	wrdreg $0xFFFFFFFF;
	(pc) =	sbr.abs _section_cstart, $3  }
0xc1: {  	[dreg:$0x1] =	wrdreg $0xFFFFFFFF  }
0xc2: {  	_ =	task.clear_ibuf [dreg:s7], $0x2FFFF;
	_ =	strace $0x9FFFFFFF  }
0xc3: {  	(tm) =	ssettm $0x7FFFFFFF  }
tec
execute0_lowered:
.L_overlay_start_1:
0x0: {  	(tag) =	ssettag $0x1  }
0x1: {  	s0 =	rddreg [dreg:$0x0]  }
0x2: {  	s1 =	rddreg [dreg:$0x1]  }
0x3: {  	s2 =	rddreg [dreg:$0x2]  }
0x4: {  	s3 =	srdreg.scid;
	s4 =	stileid.u32;
	s7 =	simm.s32 $0x0  }
0x5: {  	s21 =	simm.s32 $0x15;
	s12 =	simm.s32 $0x7D;
	s16 =	simm.s32 $0x6770  }
0x6: {  	s29 =	simm.s32 $0x6F40;
	s31 =	simm.s32 $0x7710;
	s11 =	simm.s32 $0x7EE0  }
0x7: {  	s18 =	simm.s32 $0x86B0;
	s20 =	simm.s32 $0x8E80;
	s22 =	simm.s32 $0x9650  }
0x8: {  	s9 =	simm.s32 $0xA;
	s10 =	simm.s32 $0xE;
	s15 =	simm.s32 $0x10  }
0x9: {  	s28 =	simm.s32 $0x13;
	s30 =	simm.s32 $0x14;
	s3 =	sand.u32 $0x1, s3  }
0xa: {  	s5 =	smul.u32 $0x2800, s4;
	s4 =	sshll.u32 s4, $0x1;
	[smem:$0x7FF] =	sst s7  }
0xb: {  	s6 =	smul.u32 $0x28000, s3;
	s4 =	sor.u32 s3, s4;
	s3 =	ssub.s32 $0x2, s3  }
0xc: {  	_ =	strace $0x80000047;
	s23 =	smul.u32 $0x2800, s4;
	s8 =	sshrl.u32 s3, $0x1  }
0xd: {  	s4 =	sadd.s32 $0x1200, s0;
	s6 =	sadd.s32 s5, s6;
	s24 =	ssub.s32 s3, s8  }
0xe: {  	s3 =	sadd.s32 s5, s2;
	s8 =	simm.s32 $0x9;
	s5 =	simm.s32 $0xB  }
0xf: {  	s7 =	sshrl.u32 s23, $0x3;
	s6 =	sshrl.u32 s6, $0x3;
	s26 =	smax.u32 s24, $0x1  }
0x10: {  	s24 =	simm.s32 $0x57D0;
	[dreg:$0x6] =	wrdreg s3;
	s23 =	simm.s32 $0x11  }
0x11: {  	s7 =	sadd.s32 s1, s7;
	s0 =	sadd.s32 s6, s0;
	[dreg:$0x8] =	wrdreg s26  }
0x12: {  	s26 =	simm.s32 $0x5FA0;
	[dreg:$0x4] =	wrdreg s7;
	s25 =	sadd.s32 $0xA000, s7  }
0x13: {  	s1 =	simm.s32 $0x0;
	s0 =	sadd.s32 $0x6200, s0;
	[dreg:$0x5] =	wrdreg s25  }
0x14: {  	v0 =	vimm.f32 $0.0e+00;
	[dreg:$0x7] =	wrdreg s0;
	s0 =	simm.s32 $0x5000;
	s25 =	simm.s32 $0x12  }
.LBB2_1:
0x15: {  	[dreg:$0x9] =	wrdreg s1  }
0x16: {  	s14 =	simm.s32 $0x0;
	s19 =	rddreg [dreg:$0x4]  }
0x17: {  	[tilespmem:s14], [sflag:$0x15] =	stream.linear.gather [hbm4b:s19+s14], $0x2800, $0x38;
	[tilespmem:$0xEE20] =	vst v63  }
0x18: {  	_ =	swait.ge [sflag:s21], $0x2800  }
0x19: {  	[sflag:s21] =	ssyncset.done $0x0  }
0x1a: {  	s17 =	simm.s32 $0x2800;
	s6 =	rddreg [dreg:$0x5];
	[sflag:s21] =	ssyncadd.s32 $0xFFFFD800  }
0x1b: {  	[tilespmem:s17], [sflag:$0x15] =	stream.linear.gather [hbm4b:s6+s14], $0x2800, $0x38;
	[tilespmem:$0xEE20] =	vst v63  }
0x1c: {  	_ =	swait.ge [sflag:s21], $0x2800  }
0x1d: {  	[sflag:s21] =	ssyncset.done $0x0  }
0x1e: {  	[sflag:s21] =	ssyncadd.s32 $0xFFFFD800  }
0x1f: {  	[tilespmem:s0], [sflag:$0x1] =	stream.indirect.gather [hbm4b:s4+s12], $0x10, s14, s12, $0xb8;
	[tilespmem:$0xEE20] =	vst v63  }
0x20: {  	s7 =	simm.s32 $0x80  }
0x21: {  	[tilespmem:s24], [sflag:$0x2] =	stream.indirect.gather [hbm4b:s4+s12], $0x10, s7, s12, $0xb8;
	[tilespmem:$0xEE20] =	vst v63  }
0x22: {  	s13 =	simm.s32 $0x100  }
0x23: {  	[tilespmem:s26], [sflag:$0x3] =	stream.indirect.gather [hbm4b:s4+s12], $0x10, s13, s12, $0xb8;
	[tilespmem:$0xEE20] =	vst v63  }
0x24: {  	s14 =	simm.s32 $0x180  }
0x25: {  	[tilespmem:s16], [sflag:$0x4] =	stream.indirect.gather [hbm4b:s4+s12], $0x10, s14, s12, $0xb8;
	[tilespmem:$0xEE20] =	vst v63  }
0x26: {  	s16 =	simm.s32 $0x200  }
0x27: {  	[tilespmem:s29], [sflag:$0x5] =	stream.indirect.gather [hbm4b:s4+s12], $0x10, s16, s12, $0xb8;
	[tilespmem:$0xEE20] =	vst v63  }
0x28: {  	s19 =	simm.s32 $0x280  }
0x29: {  	[tilespmem:s31], [sflag:$0x6] =	stream.indirect.gather [hbm4b:s4+s12], $0x10, s19, s12, $0xb8;
	[tilespmem:$0xEE20] =	vst v63  }
0x2a: {  	s24 =	simm.s32 $0x300  }
0x2b: {  	[tilespmem:s11], [sflag:$0x7] =	stream.indirect.gather [hbm4b:s4+s12], $0x10, s24, s12, $0xb8;
	[tilespmem:$0xEE20] =	vst v63  }
0x2c: {  	s26 =	simm.s32 $0x380  }
0x2d: {  	[tilespmem:s18], [sflag:$0x8] =	stream.indirect.gather [hbm4b:s4+s12], $0x10, s26, s12, $0xb8;
	[tilespmem:$0xEE20] =	vst v63  }
0x2e: {  	s17 =	simm.s32 $0x0;
	s29 =	simm.s32 $0x400  }
0x2f: {  	[tilespmem:s20], [sflag:$0x9] =	stream.indirect.gather [hbm4b:s4+s12], $0x10, s29, s12, $0xb8;
	[tilespmem:$0xEE20] =	vst v63  }
0x30: {  	s31 =	simm.s32 $0x480;
	s19 =	simm.s32 $0x200;
	s20 =	simm.s32 $0x9650  }
0x31: {  	[tilespmem:s22], [sflag:$0xA] =	stream.indirect.gather [hbm4b:s4+s12], $0x10, s31, s12, $0xb8;
	[tilespmem:$0xEE20] =	vst v63  }
.LBB2_2:
0x32: {  	p0 =	sne.s32 s19, $0x9E00;
	[tilespmem:s17+$0x9E90] =	vst v0  }
0x33: {  	[tilespmem:s17+$0x9E20] =	vst v0  }
0x34: {  	[tilespmem:s17+$0x9E30] =	vst v0  }
.Ltmp0:
0x35: {  	[tilespmem:s17+$0x9E40] =	vst v0;
	(pc) =	sbr.rel @p0 .LBB2_2-.Ltmp0, $4  }
0x36: {  	[tilespmem:s17+$0x9E50] =	vst v0  }
0x37: {  	[tilespmem:s17+$0x9E60] =	vst v0  }
0x38: {  	[tilespmem:s17+$0x9E70] =	vst v0  }
0x39: {  	[tilespmem:s17+$0x9E80] =	vst v0;
	s17 =	sshra.s32 s19, $0x2;
	s19 =	sadd.s32 $0x200, s19  }
0x3a: {  	[tilespmem:s17+$0x9E90] =	vst v0  }
0x3b: {  	[tilespmem:s17+$0x9E20] =	vst v0  }
0x3c: {  	[tilespmem:s17+$0x9E30] =	vst v0  }
0x3d: {  	[tilespmem:s17+$0x9E40] =	vst v0  }
0x3e: {  	[tilespmem:s17+$0x9E50] =	vst v0  }
0x3f: {  	[tilespmem:s17+$0x9E60] =	vst v0  }
0x40: {  	[tilespmem:s17+$0x9E70] =	vst v0  }
0x41: {  	[tilespmem:s17+$0x9E80] =	vst v0;
	s0 =	simm.s32 $0x9E20  }
0x42: {  	[spmem:s3] =	stream.linear.scatter [tilespmem:s0], [sflag:$0x15], $0x2800, $0x38;
	[tilespmem:$0xEE20] =	vst v63  }
0x43: {  	_ =	swait.ge [sflag:s21], $0x2800  }
0x44: {  	[sflag:s21] =	ssyncset.done $0x0  }
0x45: {  	[sflag:s21] =	ssyncadd.s32 $0xFFFFD800  }
0x46: {  	s21 =	simm.s32 $0x1;
	[bflag:$0x0] =	sbarrier.arrive $0xFFFF  }
0x47: {  	_ =	swait.ge [sflag:s21], $0x7D0  }
0x48: {  	s18 =	simm.s32 $0x2800;
	[sflag:s21] =	ssyncset.done $0x0  }
0x49: {  	s1 =	simm.s32 $0x2;
	s0 =	simm.s32 $0x5000;
	[sflag:s21] =	ssyncadd.s32 $0xFFFFF830  }
0x4a: {  	[spmem:s2] =	stream.indirect.scatter.add.f32 [tilespmem:s0], [sflag:$0xB], $0x10, s18, s12, $0xb8;
	[tilespmem:$0xEE20] =	vst v63  }
0x4b: {  	_ =	swait.ge [sflag:s1], $0x7D0  }
0x4c: {  	s19 =	simm.s32 $0x2880;
	[sflag:s1] =	ssyncset.done $0x0  }
0x4d: {  	s7 =	simm.s32 $0x57D0;
	s22 =	simm.s32 $0x3;
	[sflag:s1] =	ssyncadd.s32 $0xFFFFF830  }
0x4e: {  	[spmem:s2] =	stream.indirect.scatter.add.f32 [tilespmem:s7], [sflag:$0xC], $0x10, s19, s12, $0xb8;
	[tilespmem:$0xEE20] =	vst v63  }
0x4f: {  	_ =	swait.ge [sflag:s22], $0x7D0  }
0x50: {  	s24 =	simm.s32 $0x2900;
	[sflag:s22] =	ssyncset.done $0x0  }
0x51: {  	s26 =	simm.s32 $0x4;
	s1 =	simm.s32 $0x5FA0;
	[sflag:s22] =	ssyncadd.s32 $0xFFFFF830  }
0x52: {  	[spmem:s2] =	stream.indirect.scatter.add.f32 [tilespmem:s1], [sflag:$0xD], $0x10, s24, s12, $0xb8;
	[tilespmem:$0xEE20] =	vst v63  }
0x53: {  	_ =	swait.ge [sflag:s26], $0x7D0  }
0x54: {  	s29 =	simm.s32 $0x2980;
	[sflag:s26] =	ssyncset.done $0x0  }
0x55: {  	s13 =	simm.s32 $0x6770;
	s31 =	simm.s32 $0x5;
	[sflag:s26] =	ssyncadd.s32 $0xFFFFF830  }
0x56: {  	[spmem:s2] =	stream.indirect.scatter.add.f32 [tilespmem:s13], [sflag:$0xE], $0x10, s29, s12, $0xb8;
	[tilespmem:$0xEE20] =	vst v63  }
0x57: {  	_ =	swait.ge [sflag:s31], $0x7D0  }
0x58: {  	s6 =	simm.s32 $0x2A00;
	[sflag:s31] =	ssyncset.done $0x0  }
0x59: {  	s14 =	simm.s32 $0x6F40;
	s11 =	simm.s32 $0x6;
	[sflag:s31] =	ssyncadd.s32 $0xFFFFF830  }
0x5a: {  	[spmem:s2] =	stream.indirect.scatter.add.f32 [tilespmem:s14], [sflag:$0xF], $0x10, s6, s12, $0xb8;
	[tilespmem:$0xEE20] =	vst v63  }
0x5b: {  	_ =	swait.ge [sflag:s11], $0x7D0  }
0x5c: {  	s16 =	simm.s32 $0x2A80;
	[sflag:s11] =	ssyncset.done $0x0  }
0x5d: {  	s18 =	simm.s32 $0x7;
	[sflag:s11] =	ssyncadd.s32 $0xFFFFF830;
	s11 =	simm.s32 $0x7710  }
0x5e: {  	[spmem:s2] =	stream.indirect.scatter.add.f32 [tilespmem:s11], [sflag:$0x10], $0x10, s16, s12, $0xb8;
	[tilespmem:$0xEE20] =	vst v63  }
0x5f: {  	_ =	swait.ge [sflag:s18], $0x7D0  }
0x60: {  	s19 =	simm.s32 $0x2B00;
	[sflag:s18] =	ssyncset.done $0x0  }
0x61: {  	s22 =	simm.s32 $0x8;
	s6 =	simm.s32 $0x7EE0;
	[sflag:s18] =	ssyncadd.s32 $0xFFFFF830  }
0x62: {  	[spmem:s2] =	stream.indirect.scatter.add.f32 [tilespmem:s6], [sflag:$0x11], $0x10, s19, s12, $0xb8;
	[tilespmem:$0xEE20] =	vst v63  }
0x63: {  	_ =	swait.ge [sflag:s22], $0x7D0  }
0x64: {  	[sflag:s22] =	ssyncset.done $0x0  }
0x65: {  	s24 =	simm.s32 $0x2B80;
	s18 =	simm.s32 $0x86B0;
	[sflag:s22] =	ssyncadd.s32 $0xFFFFF830  }
0x66: {  	[spmem:s2] =	stream.indirect.scatter.add.f32 [tilespmem:s18], [sflag:$0x12], $0x10, s24, s12, $0xb8;
	[tilespmem:$0xEE20] =	vst v63  }
0x67: {  	_ =	swait.ge [sflag:s8], $0x7D0  }
0x68: {  	[sflag:s8] =	ssyncset.done $0x0  }
0x69: {  	s26 =	simm.s32 $0x2C00;
	s19 =	simm.s32 $0x8E80;
	[sflag:s8] =	ssyncadd.s32 $0xFFFFF830  }
0x6a: {  	[spmem:s2] =	stream.indirect.scatter.add.f32 [tilespmem:s19], [sflag:$0x13], $0x10, s26, s12, $0xb8;
	[tilespmem:$0xEE20] =	vst v63  }
0x6b: {  	_ =	swait.ge [sflag:s9], $0x7D0  }
0x6c: {  	[sflag:s9] =	ssyncset.done $0x0  }
0x6d: {  	s29 =	simm.s32 $0x2C80;
	[sflag:s9] =	ssyncadd.s32 $0xFFFFF830  }
0x6e: {  	[spmem:s2] =	stream.indirect.scatter.add.f32 [tilespmem:s20], [sflag:$0x14], $0x10, s29, s12, $0xb8;
	[tilespmem:$0xEE20] =	vst v63  }
0x6f: {  	_ =	swait.ge [sflag:s5], $0x7D0  }
0x70: {  	[sflag:s5] =	ssyncset.done $0x0  }
0x71: {  	s3 =	simm.s32 $0xC;
	s31 =	simm.s32 $0x500;
	[sflag:s5] =	ssyncadd.s32 $0xFFFFF830  }
0x72: {  	[tilespmem:s0], [sflag:$0x1] =	stream.indirect.gather [hbm4b:s4+s12], $0x10, s31, s12, $0xb8;
	[tilespmem:$0xEE20] =	vst v63  }
0x73: {  	_ =	swait.ge [sflag:s3], $0x7D0  }
0x74: {  	[sflag:s3] =	ssyncset.done $0x0  }
0x75: {  	s0 =	simm.s32 $0x580;
	[sflag:s3] =	ssyncadd.s32 $0xFFFFF830  }
0x76: {  	[tilespmem:s7], [sflag:$0x2] =	stream.indirect.gather [hbm4b:s4+s12], $0x10, s0, s12, $0xb8;
	[tilespmem:$0xEE20] =	vst v63  }
0x77: {  	s7 =	simm.s32 $0xD  }
0x78: {  	_ =	swait.ge [sflag:s7], $0x7D0  }
0x79: {  	[sflag:s7] =	ssyncset.done $0x0  }
0x7a: {  	s16 =	simm.s32 $0x600;
	[sflag:s7] =	ssyncadd.s32 $0xFFFFF830  }
0x7b: {  	[tilespmem:s1], [sflag:$0x3] =	stream.indirect.gather [hbm4b:s4+s12], $0x10, s16, s12, $0xb8;
	[tilespmem:$0xEE20] =	vst v63  }
0x7c: {  	_ =	swait.ge [sflag:s10], $0x7D0  }
0x7d: {  	[sflag:s10] =	ssyncset.done $0x0  }
0x7e: {  	s20 =	simm.s32 $0x680;
	[sflag:s10] =	ssyncadd.s32 $0xFFFFF830  }
0x7f: {  	[tilespmem:s13], [sflag:$0x4] =	stream.indirect.gather [hbm4b:s4+s12], $0x10, s20, s12, $0xb8;
	[tilespmem:$0xEE20] =	vst v63  }
0x80: {  	s13 =	simm.s32 $0xF  }
0x81: {  	_ =	swait.ge [sflag:s13], $0x7D0  }
0x82: {  	[sflag:s13] =	ssyncset.done $0x0  }
0x83: {  	s22 =	simm.s32 $0x700;
	[sflag:s13] =	ssyncadd.s32 $0xFFFFF830  }
0x84: {  	[tilespmem:s14], [sflag:$0x5] =	stream.indirect.gather [hbm4b:s4+s12], $0x10, s22, s12, $0xb8;
	[tilespmem:$0xEE20] =	vst v63  }
0x85: {  	_ =	swait.ge [sflag:s15], $0x7D0  }
0x86: {  	[sflag:s15] =	ssyncset.done $0x0  }
0x87: {  	s24 =	simm.s32 $0x780;
	[sflag:s15] =	ssyncadd.s32 $0xFFFFF830  }
0x88: {  	[tilespmem:s11], [sflag:$0x6] =	stream.indirect.gather [hbm4b:s4+s12], $0x10, s24, s12, $0xb8;
	[tilespmem:$0xEE20] =	vst v63  }
0x89: {  	_ =	swait.ge [sflag:s23], $0x7D0  }
0x8a: {  	[sflag:s23] =	ssyncset.done $0x0  }
0x8b: {  	s26 =	simm.s32 $0x800;
	[sflag:s23] =	ssyncadd.s32 $0xFFFFF830  }
0x8c: {  	[tilespmem:s6], [sflag:$0x7] =	stream.indirect.gather [hbm4b:s4+s12], $0x10, s26, s12, $0xb8;
	[tilespmem:$0xEE20] =	vst v63  }
0x8d: {  	_ =	swait.ge [sflag:s25], $0x7D0  }
0x8e: {  	[sflag:s25] =	ssyncset.done $0x0  }
0x8f: {  	s29 =	simm.s32 $0x880;
	[sflag:s25] =	ssyncadd.s32 $0xFFFFF830  }
0x90: {  	[tilespmem:s18], [sflag:$0x8] =	stream.indirect.gather [hbm4b:s4+s12], $0x10, s29, s12, $0xb8;
	[tilespmem:$0xEE20] =	vst v63  }
0x91: {  	_ =	swait.ge [sflag:s28], $0x7D0  }
0x92: {  	[sflag:s28] =	ssyncset.done $0x0  }
0x93: {  	s31 =	simm.s32 $0x900;
	[sflag:s28] =	ssyncadd.s32 $0xFFFFF830  }
0x94: {  	[tilespmem:s19], [sflag:$0x9] =	stream.indirect.gather [hbm4b:s4+s12], $0x10, s31, s12, $0xb8;
	[tilespmem:$0xEE20] =	vst v63  }
0x95: {  	_ =	swait.ge [sflag:s30], $0x7D0  }
0x96: {  	s17 =	simm.s32 $0x1400;
	[sflag:s30] =	ssyncset.done $0x0  }
0x97: {  	s22 =	simm.s32 $0x9650;
	s19 =	simm.s32 $0x980;
	[sflag:s30] =	ssyncadd.s32 $0xFFFFF830  }
.LBB2_4:
0x98: {  	[tilespmem:s22], [sflag:$0xA] =	stream.indirect.gather [hbm4b:s4+s12], $0x10, s19, s12, $0xb8;
	[tilespmem:$0xEE20] =	vst v63  }
0x99: {  	s19 =	smov.u32 s17;
	p0 =	sne.s32 s17, $0x7800  }
0x9a: {  	s17 =	sadd.s32 $0x1400, s17;
	s20 =	simm.s32 $0x8E80;
	_ =	swait.ge [sflag:s21], $0x7D0  }
0x9b: {  	s14 =	simm.s32 $0x5000;
	s19 =	sshra.s32 s19, $0x2;
	[sflag:s21] =	ssyncset.done $0x0  }
0x9c: {  	s0 =	simm.s32 $0x2;
	[sflag:s21] =	ssyncadd.s32 $0xFFFFF830;
	s21 =	sadd.s32 $0x2800, s19  }
0x9d: {  	[spmem:s2] =	stream.indirect.scatter.add.f32 [tilespmem:s14], [sflag:$0xB], $0x10, s21, s12, $0xb8;
	[tilespmem:$0xEE20] =	vst v63  }
0x9e: {  	_ =	swait.ge [sflag:s0], $0x7D0  }
0x9f: {  	s26 =	simm.s32 $0x57D0;
	[sflag:s0] =	ssyncset.done $0x0  }
0xa0: {  	s21 =	sadd.s32 $0x2880, s19;
	[sflag:s0] =	ssyncadd.s32 $0xFFFFF830;
	s0 =	simm.s32 $0x3  }
0xa1: {  	[spmem:s2] =	stream.indirect.scatter.add.f32 [tilespmem:s26], [sflag:$0xC], $0x10, s21, s12, $0xb8;
	[tilespmem:$0xEE20] =	vst v63  }
0xa2: {  	_ =	swait.ge [sflag:s0], $0x7D0  }
0xa3: {  	s1 =	simm.s32 $0x5FA0;
	[sflag:s0] =	ssyncset.done $0x0  }
0xa4: {  	s21 =	sadd.s32 $0x2900, s19;
	[sflag:s0] =	ssyncadd.s32 $0xFFFFF830;
	s0 =	simm.s32 $0x4  }
0xa5: {  	[spmem:s2] =	stream.indirect.scatter.add.f32 [tilespmem:s1], [sflag:$0xD], $0x10, s21, s12, $0xb8;
	[tilespmem:$0xEE20] =	vst v63  }
0xa6: {  	_ =	swait.ge [sflag:s0], $0x7D0  }
0xa7: {  	s29 =	simm.s32 $0x6770;
	[sflag:s0] =	ssyncset.done $0x0  }
0xa8: {  	s21 =	sadd.s32 $0x2980, s19;
	[sflag:s0] =	ssyncadd.s32 $0xFFFFF830;
	s0 =	simm.s32 $0x5  }
0xa9: {  	[spmem:s2] =	stream.indirect.scatter.add.f32 [tilespmem:s29], [sflag:$0xE], $0x10, s21, s12, $0xb8;
	[tilespmem:$0xEE20] =	vst v63  }
0xaa: {  	_ =	swait.ge [sflag:s0], $0x7D0  }
0xab: {  	s31 =	simm.s32 $0x6F40;
	[sflag:s0] =	ssyncset.done $0x0  }
0xac: {  	s21 =	sadd.s32 $0x2A00, s19;
	[sflag:s0] =	ssyncadd.s32 $0xFFFFF830;
	s0 =	simm.s32 $0x6  }
0xad: {  	[spmem:s2] =	stream.indirect.scatter.add.f32 [tilespmem:s31], [sflag:$0xF], $0x10, s21, s12, $0xb8;
	[tilespmem:$0xEE20] =	vst v63  }
0xae: {  	_ =	swait.ge [sflag:s0], $0x7D0  }
0xaf: {  	s11 =	simm.s32 $0x7710;
	[sflag:s0] =	ssyncset.done $0x0  }
0xb0: {  	s21 =	sadd.s32 $0x2A80, s19;
	[sflag:s0] =	ssyncadd.s32 $0xFFFFF830;
	s0 =	simm.s32 $0x7  }
0xb1: {  	[spmem:s2] =	stream.indirect.scatter.add.f32 [tilespmem:s11], [sflag:$0x10], $0x10, s21, s12, $0xb8;
	[tilespmem:$0xEE20] =	vst v63  }
0xb2: {  	_ =	swait.ge [sflag:s0], $0x7D0  }
0xb3: {  	s6 =	simm.s32 $0x7EE0;
	[sflag:s0] =	ssyncset.done $0x0  }
0xb4: {  	s21 =	sadd.s32 $0x2B00, s19;
	[sflag:s0] =	ssyncadd.s32 $0xFFFFF830;
	s0 =	simm.s32 $0x8  }
0xb5: {  	[spmem:s2] =	stream.indirect.scatter.add.f32 [tilespmem:s6], [sflag:$0x11], $0x10, s21, s12, $0xb8;
	[tilespmem:$0xEE20] =	vst v63  }
0xb6: {  	_ =	swait.ge [sflag:s0], $0x7D0  }
0xb7: {  	[sflag:s0] =	ssyncset.done $0x0  }
0xb8: {  	s21 =	sadd.s32 $0x2B80, s19;
	[sflag:s0] =	ssyncadd.s32 $0xFFFFF830  }
0xb9: {  	[spmem:s2] =	stream.indirect.scatter.add.f32 [tilespmem:s18], [sflag:$0x12], $0x10, s21, s12, $0xb8;
	[tilespmem:$0xEE20] =	vst v63  }
0xba: {  	_ =	swait.ge [sflag:s8], $0x7D0  }
0xbb: {  	[sflag:s8] =	ssyncset.done $0x0  }
0xbc: {  	s21 =	sadd.s32 $0x2C00, s19;
	[sflag:s8] =	ssyncadd.s32 $0xFFFFF830  }
0xbd: {  	[spmem:s2] =	stream.indirect.scatter.add.f32 [tilespmem:s20], [sflag:$0x13], $0x10, s21, s12, $0xb8;
	[tilespmem:$0xEE20] =	vst v63  }
0xbe: {  	_ =	swait.ge [sflag:s9], $0x7D0  }
0xbf: {  	[sflag:s9] =	ssyncset.done $0x0  }
0xc0: {  	s21 =	sadd.s32 $0x2C80, s19;
	[sflag:s9] =	ssyncadd.s32 $0xFFFFF830  }
0xc1: {  	[spmem:s2] =	stream.indirect.scatter.add.f32 [tilespmem:s22], [sflag:$0x14], $0x10, s21, s12, $0xb8;
	[tilespmem:$0xEE20] =	vst v63  }
0xc2: {  	_ =	swait.ge [sflag:s5], $0x7D0  }
0xc3: {  	[sflag:s5] =	ssyncset.done $0x0  }
0xc4: {  	s0 =	simm.s32 $0x5000;
	s21 =	sadd.s32 $0x500, s19;
	[sflag:s5] =	ssyncadd.s32 $0xFFFFF830  }
0xc5: {  	[tilespmem:s14], [sflag:$0x1] =	stream.indirect.gather [hbm4b:s4+s12], $0x10, s21, s12, $0xb8;
	[tilespmem:$0xEE20] =	vst v63  }
0xc6: {  	_ =	swait.ge [sflag:s3], $0x7D0  }
0xc7: {  	[sflag:s3] =	ssyncset.done $0x0  }
0xc8: {  	s24 =	simm.s32 $0x57D0;
	s21 =	sadd.s32 $0x580, s19;
	[sflag:s3] =	ssyncadd.s32 $0xFFFFF830  }
0xc9: {  	[tilespmem:s26], [sflag:$0x2] =	stream.indirect.gather [hbm4b:s4+s12], $0x10, s21, s12, $0xb8;
	[tilespmem:$0xEE20] =	vst v63  }
0xca: {  	_ =	swait.ge [sflag:s7], $0x7D0  }
0xcb: {  	[sflag:s7] =	ssyncset.done $0x0  }
0xcc: {  	s21 =	sadd.s32 $0x600, s19;
	s26 =	simm.s32 $0x5FA0;
	[sflag:s7] =	ssyncadd.s32 $0xFFFFF830  }
0xcd: {  	[tilespmem:s1], [sflag:$0x3] =	stream.indirect.gather [hbm4b:s4+s12], $0x10, s21, s12, $0xb8;
	[tilespmem:$0xEE20] =	vst v63  }
0xce: {  	_ =	swait.ge [sflag:s10], $0x7D0  }
0xcf: {  	[sflag:s10] =	ssyncset.done $0x0  }
0xd0: {  	s16 =	simm.s32 $0x6770;
	s21 =	sadd.s32 $0x680, s19;
	[sflag:s10] =	ssyncadd.s32 $0xFFFFF830  }
0xd1: {  	[tilespmem:s29], [sflag:$0x4] =	stream.indirect.gather [hbm4b:s4+s12], $0x10, s21, s12, $0xb8;
	[tilespmem:$0xEE20] =	vst v63  }
0xd2: {  	_ =	swait.ge [sflag:s13], $0x7D0  }
0xd3: {  	[sflag:s13] =	ssyncset.done $0x0  }
0xd4: {  	s21 =	sadd.s32 $0x700, s19;
	s29 =	simm.s32 $0x6F40;
	[sflag:s13] =	ssyncadd.s32 $0xFFFFF830  }
0xd5: {  	[tilespmem:s31], [sflag:$0x5] =	stream.indirect.gather [hbm4b:s4+s12], $0x10, s21, s12, $0xb8;
	[tilespmem:$0xEE20] =	vst v63  }
0xd6: {  	_ =	swait.ge [sflag:s15], $0x7D0  }
0xd7: {  	[sflag:s15] =	ssyncset.done $0x0  }
0xd8: {  	s21 =	sadd.s32 $0x780, s19;
	s31 =	simm.s32 $0x7710;
	[sflag:s15] =	ssyncadd.s32 $0xFFFFF830  }
0xd9: {  	[tilespmem:s11], [sflag:$0x6] =	stream.indirect.gather [hbm4b:s4+s12], $0x10, s21, s12, $0xb8;
	[tilespmem:$0xEE20] =	vst v63  }
0xda: {  	_ =	swait.ge [sflag:s23], $0x7D0  }
0xdb: {  	[sflag:s23] =	ssyncset.done $0x0  }
0xdc: {  	s21 =	sadd.s32 $0x800, s19;
	s11 =	simm.s32 $0x7EE0;
	[sflag:s23] =	ssyncadd.s32 $0xFFFFF830  }
0xdd: {  	[tilespmem:s6], [sflag:$0x7] =	stream.indirect.gather [hbm4b:s4+s12], $0x10, s21, s12, $0xb8;
	[tilespmem:$0xEE20] =	vst v63  }
0xde: {  	_ =	swait.ge [sflag:s25], $0x7D0  }
0xdf: {  	[sflag:s25] =	ssyncset.done $0x0  }
0xe0: {  	s21 =	sadd.s32 $0x880, s19;
	[sflag:s25] =	ssyncadd.s32 $0xFFFFF830  }
0xe1: {  	[tilespmem:s18], [sflag:$0x8] =	stream.indirect.gather [hbm4b:s4+s12], $0x10, s21, s12, $0xb8;
	[tilespmem:$0xEE20] =	vst v63  }
0xe2: {  	_ =	swait.ge [sflag:s28], $0x7D0  }
0xe3: {  	[sflag:s28] =	ssyncset.done $0x0  }
0xe4: {  	s21 =	sadd.s32 $0x900, s19;
	[sflag:s28] =	ssyncadd.s32 $0xFFFFF830  }
0xe5: {  	[tilespmem:s20], [sflag:$0x9] =	stream.indirect.gather [hbm4b:s4+s12], $0x10, s21, s12, $0xb8;
	[tilespmem:$0xEE20] =	vst v63  }
.Ltmp1:
0xe6: {  	_ = 	snop;
	(pc) =	sbr.rel @p0 .LBB2_4-.Ltmp1, $4  }
0xe7: {  	s21 =	simm.s32 $0x1;
	s20 =	simm.s32 $0x8E80  }
0xe8: {  	_ =	swait.ge [sflag:s30], $0x7D0  }
0xe9: {  	[sflag:s30] =	ssyncset.done $0x0  }
0xea: {  	s19 =	sadd.s32 $0x980, s19;
	[sflag:s30] =	ssyncadd.s32 $0xFFFFF830  }
0xeb: {  	[tilespmem:s22], [sflag:$0xA] =	stream.indirect.gather [hbm4b:s4+s12], $0x10, s19, s12, $0xb8;
	[tilespmem:$0xEE20] =	vst v63  }
0xec: {  	_ =	swait.ge [sflag:s21], $0x7D0  }
0xed: {  	[sflag:s21] =	ssyncset.done $0x0  }
0xee: {  	s17 =	simm.s32 $0x4B00;
	s1 =	simm.s32 $0x2;
	[sflag:s21] =	ssyncadd.s32 $0xFFFFF830  }
0xef: {  	[spmem:s2] =	stream.indirect.scatter.add.f32 [tilespmem:s0], [sflag:$0xB], $0x10, s17, s12, $0xb8;
	[tilespmem:$0xEE20] =	vst v63  }
0xf0: {  	_ =	swait.ge [sflag:s1], $0x7D0  }
0xf1: {  	[sflag:s1] =	ssyncset.done $0x0  }
0xf2: {  	s14 =	simm.s32 $0x4B80;
	s19 =	simm.s32 $0x3;
	[sflag:s1] =	ssyncadd.s32 $0xFFFFF830  }
0xf3: {  	[spmem:s2] =	stream.indirect.scatter.add.f32 [tilespmem:s24], [sflag:$0xC], $0x10, s14, s12, $0xb8;
	[tilespmem:$0xEE20] =	vst v63  }
0xf4: {  	_ =	swait.ge [sflag:s19], $0x7D0  }
0xf5: {  	[sflag:s19] =	ssyncset.done $0x0  }
0xf6: {  	s21 =	simm.s32 $0x4;
	s14 =	simm.s32 $0x4C00;
	[sflag:s19] =	ssyncadd.s32 $0xFFFFF830  }
0xf7: {  	[spmem:s2] =	stream.indirect.scatter.add.f32 [tilespmem:s26], [sflag:$0xD], $0x10, s14, s12, $0xb8;
	[tilespmem:$0xEE20] =	vst v63  }
0xf8: {  	_ =	swait.ge [sflag:s21], $0x7D0  }
0xf9: {  	[sflag:s21] =	ssyncset.done $0x0  }
0xfa: {  	s6 =	simm.s32 $0x4C80;
	s14 =	simm.s32 $0x5;
	[sflag:s21] =	ssyncadd.s32 $0xFFFFF830  }
0xfb: {  	[spmem:s2] =	stream.indirect.scatter.add.f32 [tilespmem:s16], [sflag:$0xE], $0x10, s6, s12, $0xb8;
	[tilespmem:$0xEE20] =	vst v63  }
0xfc: {  	_ =	swait.ge [sflag:s14], $0x7D0  }
0xfd: {  	[sflag:s14] =	ssyncset.done $0x0  }
0xfe: {  	s17 =	simm.s32 $0x4D00;
	s19 =	simm.s32 $0x6;
	[sflag:s14] =	ssyncadd.s32 $0xFFFFF830  }
0xff: {  	[spmem:s2] =	stream.indirect.scatter.add.f32 [tilespmem:s29], [sflag:$0xF], $0x10, s17, s12, $0xb8;
	[tilespmem:$0xEE20] =	vst v63  }
0x100: {  	_ =	swait.ge [sflag:s19], $0x7D0  }
0x101: {  	[sflag:s19] =	ssyncset.done $0x0  }
0x102: {  	s21 =	simm.s32 $0x4D80;
	s6 =	simm.s32 $0x7;
	[sflag:s19] =	ssyncadd.s32 $0xFFFFF830  }
0x103: {  	[spmem:s2] =	stream.indirect.scatter.add.f32 [tilespmem:s31], [sflag:$0x10], $0x10, s21, s12, $0xb8;
	[tilespmem:$0xEE20] =	vst v63  }
0x104: {  	_ =	swait.ge [sflag:s6], $0x7D0  }
0x105: {  	[sflag:s6] =	ssyncset.done $0x0  }
0x106: {  	s14 =	simm.s32 $0x4E00;
	s17 =	simm.s32 $0x8;
	[sflag:s6] =	ssyncadd.s32 $0xFFFFF830  }
0x107: {  	[spmem:s2] =	stream.indirect.scatter.add.f32 [tilespmem:s11], [sflag:$0x11], $0x10, s14, s12, $0xb8;
	[tilespmem:$0xEE20] =	vst v63  }
0x108: {  	_ =	swait.ge [sflag:s17], $0x7D0  }
0x109: {  	[sflag:s17] =	ssyncset.done $0x0  }
0x10a: {  	s19 =	simm.s32 $0x4E80;
	[sflag:s17] =	ssyncadd.s32 $0xFFFFF830  }
0x10b: {  	[spmem:s2] =	stream.indirect.scatter.add.f32 [tilespmem:s18], [sflag:$0x12], $0x10, s19, s12, $0xb8;
	[tilespmem:$0xEE20] =	vst v63  }
0x10c: {  	_ =	swait.ge [sflag:s8], $0x7D0  }
0x10d: {  	[sflag:s8] =	ssyncset.done $0x0  }
0x10e: {  	s21 =	simm.s32 $0x4F00;
	[sflag:s8] =	ssyncadd.s32 $0xFFFFF830  }
0x10f: {  	[spmem:s2] =	stream.indirect.scatter.add.f32 [tilespmem:s20], [sflag:$0x13], $0x10, s21, s12, $0xb8;
	[tilespmem:$0xEE20] =	vst v63  }
0x110: {  	_ =	swait.ge [sflag:s9], $0x7D0  }
0x111: {  	[sflag:s9] =	ssyncset.done $0x0  }
0x112: {  	s6 =	simm.s32 $0x4F80;
	[sflag:s9] =	ssyncadd.s32 $0xFFFFF830  }
0x113: {  	[spmem:s2] =	stream.indirect.scatter.add.f32 [tilespmem:s22], [sflag:$0x14], $0x10, s6, s12, $0xb8;
	[tilespmem:$0xEE20] =	vst v63  }
0x114: {  	_ =	swait.ge [sflag:s5], $0x7D0  }
0x115: {  	[sflag:s5] =	ssyncset.done $0x0  }
0x116: {  	[sflag:s5] =	ssyncadd.s32 $0xFFFFF830  }
0x117: {  	_ =	swait.ge [sflag:s3], $0x7D0  }
0x118: {  	[sflag:s3] =	ssyncset.done $0x0  }
0x119: {  	[sflag:s3] =	ssyncadd.s32 $0xFFFFF830  }
0x11a: {  	_ =	swait.ge [sflag:s7], $0x7D0  }
0x11b: {  	[sflag:s7] =	ssyncset.done $0x0  }
0x11c: {  	[sflag:s7] =	ssyncadd.s32 $0xFFFFF830  }
0x11d: {  	_ =	swait.ge [sflag:s10], $0x7D0  }
0x11e: {  	[sflag:s10] =	ssyncset.done $0x0  }
0x11f: {  	[sflag:s10] =	ssyncadd.s32 $0xFFFFF830  }
0x120: {  	_ =	swait.ge [sflag:s13], $0x7D0  }
0x121: {  	[sflag:s13] =	ssyncset.done $0x0  }
0x122: {  	[sflag:s13] =	ssyncadd.s32 $0xFFFFF830  }
0x123: {  	_ =	swait.ge [sflag:s15], $0x7D0  }
0x124: {  	[sflag:s15] =	ssyncset.done $0x0  }
0x125: {  	[sflag:s15] =	ssyncadd.s32 $0xFFFFF830  }
0x126: {  	_ =	swait.ge [sflag:s23], $0x7D0  }
0x127: {  	[sflag:s23] =	ssyncset.done $0x0  }
0x128: {  	[sflag:s23] =	ssyncadd.s32 $0xFFFFF830  }
0x129: {  	_ =	swait.ge [sflag:s25], $0x7D0  }
0x12a: {  	[sflag:s25] =	ssyncset.done $0x0  }
0x12b: {  	[sflag:s25] =	ssyncadd.s32 $0xFFFFF830  }
0x12c: {  	_ =	swait.ge [sflag:s28], $0x7D0  }
0x12d: {  	[sflag:s28] =	ssyncset.done $0x0  }
0x12e: {  	[sflag:s28] =	ssyncadd.s32 $0xFFFFF830  }
0x12f: {  	_ =	swait.ge [sflag:s30], $0x7D0  }
0x130: {  	[sflag:s30] =	ssyncset.done $0x0  }
0x131: {  	[sflag:s30] =	ssyncadd.s32 $0xFFFFF830  }
0x132: {  	s7 =	stileid.u32;
	[bflag:$0x0] =	sbarrier.arrive $0xFFFF  }
0x133: {  	s21 =	simm.s32 $0x15;
	s17 =	sshll.u32 s7, $0x6;
	s3 =	rddreg [dreg:$0x6]  }
0x134: {  	s17 =	sor.u32 $0x1C15, s17;
	s14 =	rddreg [dreg:$0x7];
	s13 =	sshrl.u32 s3, $0x3  }
0x135: {  	[hbm:s14], [sflag:s17] =	dma.local [spmem:s13], $0x500  }
0x136: {  	_ =	swait.ge [sflag:s21], $0x500  }
0x137: {  	s17 =	rddreg [dreg:$0x9]  }
0x138: {  	s19 =	rddreg [dreg:$0x8];
	s1 =	sadd.s32 $0x1, s17  }
0x139: {  	p0 =	sne.s32 s1, s19  }
.Ltmp2:
0x13a: {  	_ = 	snop;
	(pc) =	sbr.rel @p0 .LBB2_1-.Ltmp2, $3  }
0x13b: {  	_ =	sdelay $0x1  }
0x13c: {  	[sflag:s21] =	ssyncset.done $0x0  }
0x13d: {  	s20 =	simm.s32 $0x8E80;
	[sflag:s21] =	ssyncadd.s32 $0xFFFFFB00  }
0x13e: {  	_ =	sfence.sel $0x180000  }
0x13f: {  	[bflag:$0x0] =	sbarrier.arrive $0xFFFF  }
0x140: {  	_ =	strace $0x90000047  }
0x141: {  	s0 =	stileid.u32;
	[bflag:$0x2] =	sbarrier.arrive $0xFFFF  }
0x142: {  	p0 =	sne.s32 s0, $0x0;
	s0 =	rddreg [dreg:$0x3]  }
0x143: {  	s0 =	sadd.s32 @!p0 $0x100000, s0  }
0x144: {  	[sflag:s0] =	ssyncadd.tile.s32 @!p0 $0x1;
	_ =	shalt  }
.Lfunc_end2:
_tile_overlayer_lowered:
.L_overlay_start_2:
0x145: {  	(tag) =	ssettag $0x2  }
0x146: {  	s0 =	rddreg [dreg:$0x0];
	s2 =	stileid.u32  }
0x147: {  	s1 =	rddreg [dreg:$0x1];
	p0 =	sne.s32 s2, $0x0  }
0x148: {  	s3 =	rddreg [dreg:$0x2];
	[bflag:$0x3] =	sbarrier.arrive $0xFFFF;
	s2 =	simm.s32 @!p0 $0x1C15  }
0x149: {  	[timem:s3], [sflag:s2] =	dma.local @!p0 [hbm:s0], s1  }
0x14a: {  	s0 =	simm.s32 @!p0 $0x15  }
0x14b: {  	_ =	swait.ge @!p0 [sflag:s0], s1  }
0x14c: {  	s1 =	ssub.s32 @!p0 $0x0, s1;
	[sflag:s0] =	ssyncset.done @!p0 $0x0  }
0x14d: {  	[sflag:s0] =	ssyncadd.s32 @!p0 s1  }
0x14e: {  	[bflag:$0x3] =	sbarrier.arrive $0xFFFF  }
0x14f: {  	_ =	shalt  }

</sc_bundles>
